<compile_context>
chip_gen: v7x
topology: tpu7x:2x2x1
jax: 0.10.2.dev20260603
libtpu: 0.0.44.dev20260713+nightly
codegen_flags: <defaults>
</compile_context>

<pallas_src>
import functools

import jax
import jax.numpy as jnp
from jax import lax
from jax.experimental import pallas as pl
from jax.experimental.pallas import tpu as pltpu
from jax.experimental.pallas import tpu_sc as plsc

HID = 2048
BS = 2048
NE = 16
TOPK = 2
INTER = 448
PAIRS = BS * TOPK
BLK = 64
NB = PAIRS // BLK + NE
NSLOT = NB * BLK
NWORK = 32
SLOT_PER_W = NSLOT // NWORK
GCH = 16
TOK_PER_W = BS // NWORK
NSPLIT = 2
HNB = NB // NSPLIT
HSLOT = NSLOT // NSPLIT
HALF_PER_W = HSLOT // NWORK

@functools.cache
def _sc_mesh():
    return plsc.VectorSubcoreMesh(
        core_axis_name="c", subcore_axis_name="s", num_cores=2,
        num_subcores=16)


_F32 = jnp.float32
_I32 = jnp.int32


def _router_body(x_ref, gw_ref, slots_ref, wts_ref, be_ref, act_ref):
    x = x_ref[...]
    gw = gw_ref[...]
    logits = lax.dot_general(x, gw, (((1,), (1,)), ((), ())),
                             preferred_element_type=_F32)
    m = jnp.max(logits, axis=1, keepdims=True)
    ex = jnp.exp(logits - m)
    rw = ex / jnp.sum(ex, axis=1, keepdims=True)

    ids = lax.broadcasted_iota(_I32, (BS, NE), 1)
    m1 = jnp.max(rw, axis=1, keepdims=True)
    e1 = jnp.min(jnp.where(rw == m1, ids, NE), axis=1, keepdims=True)
    oh1 = (ids == e1)
    v1 = jnp.sum(jnp.where(oh1, rw, 0.0), axis=1, keepdims=True)
    rw2 = jnp.where(oh1, -1.0, rw)
    m2 = jnp.max(rw2, axis=1, keepdims=True)
    e2 = jnp.min(jnp.where(rw2 == m2, ids, NE), axis=1, keepdims=True)
    oh2 = (ids == e2)
    v2 = jnp.sum(jnp.where(oh2, rw, 0.0), axis=1, keepdims=True)
    s = v1 + v2
    w1 = v1 / s
    w2 = v2 / s

    ind = oh1.astype(_F32) + oh2.astype(_F32)
    ri = lax.broadcasted_iota(_I32, (BS, BS), 0)
    ci = lax.broadcasted_iota(_I32, (BS, BS), 1)
    ltri = (ri > ci).astype(_F32)
    rank = lax.dot_general(ltri, ind, (((1,), (0,)), ((), ())),
                           preferred_element_type=_F32)
    counts = jnp.sum(ind, axis=0, keepdims=True)
    pc = jnp.floor((counts + (BLK - 1)) / BLK) * BLK
    e16r = lax.broadcasted_iota(_I32, (NE, NE), 0)
    e16c = lax.broadcasted_iota(_I32, (NE, NE), 1)
    eye16 = (e16r == e16c).astype(_F32)
    sut16 = (e16r < e16c).astype(_F32)
    starts = lax.dot_general(pc, sut16, (((1,), (0,)), ((), ())),
                             preferred_element_type=_F32)
    total = jnp.sum(pc, axis=1, keepdims=True)

    rank1 = jnp.sum(jnp.where(oh1, rank, 0.0), axis=1, keepdims=True)
    rank2 = jnp.sum(jnp.where(oh2, rank, 0.0), axis=1, keepdims=True)
    st1 = jnp.sum(jnp.where(oh1, starts, 0.0), axis=1, keepdims=True)
    st2 = jnp.sum(jnp.where(oh2, starts, 0.0), axis=1, keepdims=True)
    slots_ref[:, 0:1] = (st1 + rank1).astype(_I32)
    slots_ref[:, 1:2] = (st2 + rank2).astype(_I32)
    wts_ref[:, 0:1] = w1
    wts_ref[:, 1:2] = w2

    starts_c = lax.dot_general(eye16, starts, (((1,), (1,)), ((), ())),
                               preferred_element_type=_F32)
    pc_c = lax.dot_general(eye16, pc, (((1,), (1,)), ((), ())),
                           preferred_element_type=_F32)
    bpos = (lax.broadcasted_iota(_I32, (NE, NB), 1) * BLK).astype(_F32)
    inb = jnp.logical_and(bpos >= starts_c, bpos < starts_c + pc_c)
    eids = lax.broadcasted_iota(_I32, (NE, NB), 0).astype(_F32)
    bef = jnp.sum(jnp.where(inb, eids, 0.0), axis=0, keepdims=True)
    bpos_r = (lax.broadcasted_iota(_I32, (1, NB), 1) * BLK).astype(_F32)
    actf = (bpos_r < total).astype(_F32)
    be_ref[...] = (bef * actf + (1.0 - actf) * (NE - 1)).astype(_I32)
    act_ref[...] = actf.astype(_I32)


def _router_dispatch(x, gate_w):
    return pl.pallas_call(
        _router_body,
        out_shape=[
            jax.ShapeDtypeStruct((BS, TOPK), _I32),
            jax.ShapeDtypeStruct((BS, TOPK), _F32),
            jax.ShapeDtypeStruct((1, NB), _I32),
            jax.ShapeDtypeStruct((1, NB), _I32),
        ],
    )(x, gate_w)


@functools.cache
def _build_sc_scatter():
  @functools.partial(
      pl.kernel,
      out_type=[
          jax.ShapeDtypeStruct((NSLOT,), _I32),
          jax.ShapeDtypeStruct((NSLOT,), _F32),
      ],
      mesh=_sc_mesh(),
      scratch_types=[
          pltpu.VMEM((PAIRS,), _I32),
          pltpu.VMEM((PAIRS,), _F32),
          pltpu.VMEM((NSLOT,), _I32),
          pltpu.VMEM((NSLOT,), _F32),
      ],
      compiler_params=pltpu.CompilerParams(needs_layout_passes=False),
  )
  def _sc_scatter(slots_hbm, w_hbm, tok_hbm, ws_hbm, slots_v, w_v, tok_v,
                  ws_v):
    wid = lax.axis_index("s") * 2 + lax.axis_index("c")

    @pl.when(wid == 0)
    def _():
        pltpu.sync_copy(slots_hbm, slots_v)
        pltpu.sync_copy(w_hbm, w_v)
        zi = jnp.zeros((16,), _I32)
        zf = jnp.zeros((16,), _F32)

        def zbody(i, carry):
            tok_v[pl.ds(i * 16, 16)] = zi
            ws_v[pl.ds(i * 16, 16)] = zf
            return carry

        lax.fori_loop(0, NSLOT // 16, zbody, 0)

        def sbody(i, carry):
            sl = slots_v[pl.ds(i * 16, 16)]
            wv = w_v[pl.ds(i * 16, 16)]
            j = lax.iota(_I32, 16) + i * 16
            tok = lax.shift_right_logical(j, 1)
            plsc.store_scatter(tok_v, [sl], tok)
            plsc.store_scatter(ws_v, [sl], wv)
            return carry

        lax.fori_loop(0, PAIRS // 16, sbody, 0)
        pltpu.sync_copy(tok_v, tok_hbm)
        pltpu.sync_copy(ws_v, ws_hbm)

  return _sc_scatter


@functools.cache
def _build_sc_gather(off):
  @functools.partial(
      pl.kernel,
      out_type=jax.ShapeDtypeStruct((HSLOT, HID), _F32),
      mesh=_sc_mesh(),
      scratch_types=[
          pltpu.VMEM((HALF_PER_W,), _I32),
          pltpu.VMEM((GCH, HID), _F32),
          pltpu.VMEM((GCH, HID), _F32),
          pltpu.SemaphoreType.DMA,
          pltpu.SemaphoreType.DMA,
      ],
      compiler_params=pltpu.CompilerParams(needs_layout_passes=False),
  )
  def _sc_gather(tok_hbm, x_hbm, xs_hbm, tok_v, buf0, buf1, sem0, sem1):
    wid = lax.axis_index("s") * 2 + lax.axis_index("c")
    base = wid * HALF_PER_W
    pltpu.sync_copy(tok_hbm.at[pl.ds(off * HSLOT + base, HALF_PER_W)], tok_v)
    bufs = (buf0, buf1)
    sems = (sem0, sem1)
    nch = HALF_PER_W // GCH
    h = pltpu.async_copy(x_hbm.at[tok_v.at[pl.ds(0, GCH)]], bufs[0], sems[0])
    for c in range(nch):
        h.wait()
        if c + 1 < nch:
            h = pltpu.async_copy(
                x_hbm.at[tok_v.at[pl.ds((c + 1) * GCH, GCH)]],
                bufs[(c + 1) % 2], sems[(c + 1) % 2])
        pltpu.sync_copy(bufs[c % 2], xs_hbm.at[pl.ds(base + c * GCH, GCH)])

  return _sc_gather


def _mlp_body(be_ref, act_ref, xs_ref, u_ref, g_ref, d_ref, w_ref, ys_ref):
    b = pl.program_id(0)

    @pl.when(act_ref[b] == 1)
    def _():
        xb = xs_ref[...]
        hg = lax.dot_general(xb, g_ref[...], (((1,), (1,)), ((), ())),
                             preferred_element_type=_F32,
                             precision=lax.Precision.DEFAULT)
        hu = lax.dot_general(xb, u_ref[...], (((1,), (1,)), ((), ())),
                             preferred_element_type=_F32,
                             precision=lax.Precision.DEFAULT)
        hact = (hg * (1.0 / (1.0 + jnp.exp(-hg)))) * hu
        y = lax.dot_general(hact, d_ref[0], (((1,), (0,)), ((), ())),
                            preferred_element_type=_F32,
                            precision=lax.Precision.DEFAULT)
        ys_ref[...] = y * w_ref[...]


def _mlp_body2(be_ref, act_ref, xs_ref, u_ref, g_ref, d_ref, w_ref, ys_in,
               ys_ref):
    _mlp_body(be_ref, act_ref, xs_ref, u_ref, g_ref, d_ref, w_ref, ys_ref)


def _grouped_mlp_part(off, be, act, xs, u, g, d3, ws, ys_in=None):
    gb = off * HNB
    in_specs = [
        pl.BlockSpec((BLK, HID), lambda b, be, act: (b, 0)),
        pl.BlockSpec((INTER, HID), lambda b, be, act: (be[b + gb], 0)),
        pl.BlockSpec((INTER, HID), lambda b, be, act: (be[b + gb], 0)),
        pl.BlockSpec((1, INTER, HID), lambda b, be, act: (be[b + gb], 0, 0)),
        pl.BlockSpec((BLK, 1), lambda b, be, act: (b + gb, 0)),
    ]
    args = [be, act, xs, u, g, d3, ws]
    body = _mlp_body
    aliases = {}
    if ys_in is not None:
        in_specs.append(pl.BlockSpec(memory_space=pl.ANY))
        args.append(ys_in)
        body = _mlp_body2
        aliases = {7: 0}
    grid_spec = pltpu.PrefetchScalarGridSpec(
        num_scalar_prefetch=2,
        grid=(HNB,),
        in_specs=in_specs,
        out_specs=pl.BlockSpec((BLK, HID), lambda b, be, act: (b + gb, 0)),
    )
    return pl.pallas_call(
        body,
        grid_spec=grid_spec,
        out_shape=jax.ShapeDtypeStruct((NSLOT, HID), _F32),
        input_output_aliases=aliases,
        compiler_params=pltpu.CompilerParams(
            dimension_semantics=("arbitrary",)),
    )(*args)


@functools.cache
def _build_sc_combine():
  @functools.partial(
      pl.kernel,
      out_type=jax.ShapeDtypeStruct((BS, HID), _F32),
      mesh=_sc_mesh(),
      scratch_types=[
          pltpu.VMEM((TOPK * TOK_PER_W,), _I32),
          pltpu.VMEM((16, HID), _F32),
          pltpu.VMEM((16, HID), _F32),
          pltpu.VMEM((8, HID), _F32),
          pltpu.SemaphoreType.DMA,
          pltpu.SemaphoreType.DMA,
      ],
      compiler_params=pltpu.CompilerParams(needs_layout_passes=False),
  )
  def _sc_combine(slots_hbm, ys_hbm, out_hbm, sl_v, bufA, bufB, ob, semA,
                  semB):
    wid = lax.axis_index("s") * 2 + lax.axis_index("c")
    t0 = wid * TOK_PER_W
    pltpu.sync_copy(slots_hbm.at[pl.ds(TOPK * t0, TOPK * TOK_PER_W)], sl_v)
    bufs = (bufA, bufB)
    sems = (semA, semB)
    nch = TOK_PER_W // 8
    h = pltpu.async_copy(ys_hbm.at[sl_v.at[pl.ds(0, 16)]], bufs[0], sems[0])
    for c in range(nch):
        h.wait()
        if c + 1 < nch:
            h = pltpu.async_copy(
                ys_hbm.at[sl_v.at[pl.ds((c + 1) * 16, 16)]],
                bufs[(c + 1) % 2], sems[(c + 1) % 2])
        buf = bufs[c % 2]
        for r in range(8):
            def vbody(v, carry, _r=r, _buf=buf):
                a = _buf[2 * _r, pl.ds(v * 16, 16)]
                bq = _buf[2 * _r + 1, pl.ds(v * 16, 16)]
                ob[_r, pl.ds(v * 16, 16)] = a + bq
                return carry

            lax.fori_loop(0, HID // 16, vbody, 0)
        pltpu.sync_copy(ob, out_hbm.at[pl.ds(t0 + c * 8, 8)])

  return _sc_combine


def kernel(hid, gate_w, u, g, d):
    x = hid.reshape(BS, HID)
    slots2, wts2, be2, act2 = _router_dispatch(x, gate_w)
    slots_flat = slots2.reshape(PAIRS)
    w_flat = wts2.reshape(PAIRS)
    be = be2.reshape(NB)
    act = act2.reshape(NB)
    tok, ws = _build_sc_scatter()(slots_flat, w_flat)
    d3 = jnp.transpose(d.reshape(HID, NE, INTER), (1, 2, 0))
    ws2 = ws.reshape(NSLOT, 1)
    xs0 = _build_sc_gather(0)(tok, x)
    xs1 = _build_sc_gather(1)(tok, x)
    ys = _grouped_mlp_part(0, be, act, xs0, u, g, d3, ws2)
    ys = _grouped_mlp_part(1, be, act, xs1, u, g, d3, ws2, ys_in=ys)
    out = _build_sc_combine()(slots_flat, ys)
    return out.reshape(1, BS, HID)

# --- scband reference (transcript-rebuilt; emitter-appended) ---
"""Pipeline reference for scband-test-cudamoe-54305566491400 (READ-ONLY COPY).

The authoritative reference and input builder live on the scoring server;
editing this copy changes nothing except your own understanding.
"""

import jax, jax.numpy as jnp
import numpy as np

HID_DIM = 2048
NUM_EXPERTS = 16
TOP_K = 2
INTER = 448
T_D = 8
MAXNNZ = 512

def setup_inputs(seed: int = 0):
    key = jax.random.key(seed)
    ks = jax.random.split(key, 5)
    hid = jax.random.normal(ks[0], (1, 2048, HID_DIM), dtype=jnp.float32)
    gate_w = jax.random.uniform(ks[1], (NUM_EXPERTS, HID_DIM), dtype=jnp.float32) / 5.0
    u = jax.random.uniform(ks[2], (NUM_EXPERTS * INTER, HID_DIM), dtype=jnp.float32) / 5.0
    g = jax.random.uniform(ks[3], (NUM_EXPERTS * INTER, HID_DIM), dtype=jnp.float32) / 5.0
    d = jax.random.uniform(ks[4], (HID_DIM, NUM_EXPERTS * INTER), dtype=jnp.float32) / 5.0
    return {"hid": hid, "gate_w": gate_w, "u": u, "g": g, "d": d}

def _moe_forward(hid, gate_w, u, g, d):
    b, s, hdim = hid.shape
    x = hid.reshape(-1, hdim)
    bs = x.shape[0]
    # router: softmax -> top-2 -> renormalize -> scatter back to dense [bs, E]
    router_logits = x @ gate_w.T
    rw = jax.nn.softmax(router_logits.astype(jnp.float32), axis=1)
    values, indices = jax.lax.top_k(rw, TOP_K)
    values = values / jnp.sum(values, axis=1, keepdims=True)
    rows = jnp.arange(bs)[:, None]
    sparse_rw = jnp.zeros_like(rw).at[rows, indices].set(values)
    routing_weights = sparse_rw.astype(x.dtype)
    # expert popularity; pick 2*t_d experts: first t_d dense (all tokens), last t_d sparse (top-maxnnz tokens)
    routing_n = jnp.sum((routing_weights != 0).astype(jnp.float32), axis=0)
    mask_c = jax.lax.top_k(routing_n, 2 * T_D)[1]
    sel = sparse_rw[:, mask_c[T_D:]]  # [bs, t_d]
    mask_r = jax.lax.top_k(sel.T, MAXNNZ)[1].T  # [maxnnz, t_d] token indices per sparse expert
    # fused single-MLP weights partitioned into 16 experts of INTER=448
    u3 = u.reshape(NUM_EXPERTS, INTER, hdim)
    g3 = g.reshape(NUM_EXPERTS, INTER, hdim)
    d3 = jnp.transpose(d.reshape(hdim, NUM_EXPERTS, INTER), (1, 2, 0))  # [E, INTER, hdim]
    out = jnp.zeros((bs, hdim), dtype=x.dtype)
    # dense experts: full SDDMM/SPMM equivalent over all tokens
    for i in range(T_D):
        e = mask_c[i]
        h = jax.nn.silu(x @ g3[e].T) * (x @ u3[e].T)
        y = h @ d3[e]
        out = out + routing_weights[:, e][:, None] * y
    # sparse experts: only top-maxnnz tokens per expert, scatter-add back
    for i in range(T_D):
        e = mask_c[T_D + i]
        tok = mask_r[:, i]
        xt = x[tok]
        h = jax.nn.silu(xt @ g3[e].T) * (xt @ u3[e].T)
        y = h @ d3[e]
        w = routing_weights[tok, e][:, None]
        out = out.at[tok].add(w * y)
    return out.reshape(b, s, hdim)

def reference(hid, gate_w, u, g, d):
    return _moe_forward(hid, gate_w, u, g, d)

if __name__ == "__main__":
    import jax
    _d = setup_inputs()
    print(jax.jit(kernel)(*tuple(_d.values())))

</pallas_src>

<mosaic_0001>
#map = affine_map<(d0, d1) -> (0)>
module attributes {stable_mosaic.version = 14 : i64} {
  func.func @_sc_scatter(%arg0: i32, %arg1: i32, %arg2: memref<4096xi32, #tpu.memory_space<hbm>>, %arg3: memref<4096xf32, #tpu.memory_space<hbm>>, %arg4: memref<5120xi32, #tpu.memory_space<hbm>>, %arg5: memref<5120xf32, #tpu.memory_space<hbm>>, %arg6: memref<4096xi32, #tpu.memory_space<vmem>>, %arg7: memref<4096xf32, #tpu.memory_space<vmem>>, %arg8: memref<5120xi32, #tpu.memory_space<vmem>>, %arg9: memref<5120xf32, #tpu.memory_space<vmem>>) attributes {dimension_semantics = [#tpu.dimension_semantics<core_parallel>, #tpu.dimension_semantics<subcore_parallel>], iteration_bounds = array<i64: 2, 16>, scalar_prefetch = 0 : i64, scratch_operands = 4 : i64, tpu.core_type = #tpu.core_type<sc_vector_subcore>, window_params = [{transform_indices = #map}, {transform_indices = #map}, {transform_indices = #map}, {transform_indices = #map}]} {
    %mul3A = arith.constant 2 : i32
    %mul3A_0 = arith.muli %arg1, %mul3A : i32
    %add3A = arith.addi %mul3A_0, %arg0 : i32
    %eq3A = arith.constant 0 : i32
    %eq3A_1 = arith.cmpi eq, %add3A, %eq3A : i32
    %convert_element_type3A = arith.extui %eq3A_1 : i1 to i32
    %cond3A = arith.constant 0 : i32
    %cond3A_2 = arith.cmpi ne, %convert_element_type3A, %cond3A : i32
    scf.if %cond3A_2 {
      "tpu.region"() ({
        %run_scoped3A = tpu.sem_alloc : memref<!tpu.dma_semaphore, #tpu.memory_space<semaphore_mem>>
        tpu.enqueue_dma source(%arg2 : memref<4096xi32, #tpu.memory_space<hbm>>) target(%arg6 : memref<4096xi32, #tpu.memory_space<vmem>>) target_semaphore(%run_scoped3A : memref<!tpu.dma_semaphore, #tpu.memory_space<semaphore_mem>>)
        tpu.wait_dma2 semaphore(%run_scoped3A : memref<!tpu.dma_semaphore, #tpu.memory_space<semaphore_mem>>) src(%arg2 : memref<4096xi32, #tpu.memory_space<hbm>>) dst(%arg6 : memref<4096xi32, #tpu.memory_space<vmem>>)
        tpu.yield
      }) : () -> ()
      "tpu.region"() ({
        %run_scoped3A = tpu.sem_alloc : memref<!tpu.dma_semaphore, #tpu.memory_space<semaphore_mem>>
        tpu.enqueue_dma source(%arg3 : memref<4096xf32, #tpu.memory_space<hbm>>) target(%arg7 : memref<4096xf32, #tpu.memory_space<vmem>>) target_semaphore(%run_scoped3A : memref<!tpu.dma_semaphore, #tpu.memory_space<semaphore_mem>>)
        tpu.wait_dma2 semaphore(%run_scoped3A : memref<!tpu.dma_semaphore, #tpu.memory_space<semaphore_mem>>) src(%arg3 : memref<4096xf32, #tpu.memory_space<hbm>>) dst(%arg7 : memref<4096xf32, #tpu.memory_space<vmem>>)
        tpu.yield
      }) : () -> ()
      %broadcast_in_dim3A = arith.constant 0 : i32
      %broadcast_in_dim3A_3 = vector.broadcast %broadcast_in_dim3A : i32 to vector<16xi32>
      %broadcast_in_dim3A_4 = arith.constant 0.000000e+00 : f32
      %broadcast_in_dim3A_5 = vector.broadcast %broadcast_in_dim3A_4 : f32 to vector<16xf32>
      %scan3A = arith.constant 0 : i32
      %scan3A_6 = arith.constant 0 : i32
      %scan3A_7 = arith.constant 320 : i32
      %scan3A_8 = arith.addi %scan3A_6, %scan3A_7 : i32
      %scan3A_9 = arith.constant 1 : i32
      scf.for %scan3A_17 = %scan3A_6 to %scan3A_8 step %scan3A_9  : i32 {
        %mul3A_18 = arith.constant 16 : i32
        %mul3A_19 = arith.muli %scan3A_17, %mul3A_18 : i32
        %swap3A = arith.index_cast %mul3A_19 : i32 to index
        %swap3A_20 = tpu.vector_load %arg8[%swap3A] {strides = array<i32>} : memref<5120xi32, #tpu.memory_space<vmem>>, vector<16xi32>,
        tpu.vector_store %arg8[%swap3A], %broadcast_in_dim3A_3 {strides = array<i32>} : memref<5120xi32, #tpu.memory_space<vmem>>, vector<16xi32>,
        %mul3A_21 = arith.constant 16 : i32
        %mul3A_22 = arith.muli %scan3A_17, %mul3A_21 : i32
        %swap3A_23 = arith.index_cast %mul3A_22 : i32 to index
        %swap3A_24 = tpu.vector_load %arg9[%swap3A_23] {strides = array<i32>} : memref<5120xf32, #tpu.memory_space<vmem>>, vector<16xf32>,
        tpu.vector_store %arg9[%swap3A_23], %broadcast_in_dim3A_5 {strides = array<i32>} : memref<5120xf32, #tpu.memory_space<vmem>>, vector<16xf32>,
      }
      %scan3A_10 = arith.constant 320 : i32
      %scan3A_11 = arith.constant 0 : i32
      %scan3A_12 = arith.constant 0 : i32
      %scan3A_13 = arith.constant 256 : i32
      %scan3A_14 = arith.addi %scan3A_12, %scan3A_13 : i32
      %scan3A_15 = arith.constant 1 : i32
      scf.for %scan3A_17 = %scan3A_12 to %scan3A_14 step %scan3A_15  : i32 {
        %mul3A_18 = arith.constant 16 : i32
        %mul3A_19 = arith.muli %scan3A_17, %mul3A_18 : i32
        %get3A = arith.index_cast %mul3A_19 : i32 to index
        %get3A_20 = tpu.vector_load %arg6[%get3A] {strides = array<i32>} : memref<4096xi32, #tpu.memory_space<vmem>>, vector<16xi32>,
        %mul3A_21 = arith.constant 16 : i32
        %mul3A_22 = arith.muli %scan3A_17, %mul3A_21 : i32
        %get3A_23 = arith.index_cast %mul3A_22 : i32 to index
        %get3A_24 = tpu.vector_load %arg7[%get3A_23] {strides = array<i32>} : memref<4096xf32, #tpu.memory_space<vmem>>, vector<16xf32>,
        %iota3A = tpu.iota {dimensions = array<i32: 0>} : vector<16xi32>
        %mul3A_25 = arith.constant 16 : i32
        %mul3A_26 = arith.muli %scan3A_17, %mul3A_25 : i32
        %add3A_27 = vector.broadcast %mul3A_26 : i32 to vector<16xi32>
        %add3A_28 = arith.addi %iota3A, %add3A_27 : vector<16xi32>
        %shift_right_logical3A = arith.constant 1 : i32
        %shift_right_logical3A_29 = vector.broadcast %shift_right_logical3A : i32 to vector<16xi32>
        %shift_right_logical3A_30 = arith.shrui %add3A_28, %shift_right_logical3A_29 : vector<16xi32>
        tpu.vector_store_idx %arg8[%get3A_20], %shift_right_logical3A_30 : memref<5120xi32, #tpu.memory_space<vmem>>[vector<16xi32>], vector<16xi32>,
        tpu.vector_store_idx %arg9[%get3A_20], %get3A_24 : memref<5120xf32, #tpu.memory_space<vmem>>[vector<16xi32>], vector<16xf32>,
      }
      %scan3A_16 = arith.constant 256 : i32
      "tpu.region"() ({
        %run_scoped3A = tpu.sem_alloc : memref<!tpu.dma_semaphore, #tpu.memory_space<semaphore_mem>>
        tpu.enqueue_dma source(%arg8 : memref<5120xi32, #tpu.memory_space<vmem>>) target(%arg4 : memref<5120xi32, #tpu.memory_space<hbm>>) target_semaphore(%run_scoped3A : memref<!tpu.dma_semaphore, #tpu.memory_space<semaphore_mem>>)
        tpu.wait_dma2 semaphore(%run_scoped3A : memref<!tpu.dma_semaphore, #tpu.memory_space<semaphore_mem>>) src(%arg8 : memref<5120xi32, #tpu.memory_space<vmem>>) dst(%arg4 : memref<5120xi32, #tpu.memory_space<hbm>>)
        tpu.yield
      }) : () -> ()
      "tpu.region"() ({
        %run_scoped3A = tpu.sem_alloc : memref<!tpu.dma_semaphore, #tpu.memory_space<semaphore_mem>>
        tpu.enqueue_dma source(%arg9 : memref<5120xf32, #tpu.memory_space<vmem>>) target(%arg5 : memref<5120xf32, #tpu.memory_space<hbm>>) target_semaphore(%run_scoped3A : memref<!tpu.dma_semaphore, #tpu.memory_space<semaphore_mem>>)
        tpu.wait_dma2 semaphore(%run_scoped3A : memref<!tpu.dma_semaphore, #tpu.memory_space<semaphore_mem>>) src(%arg9 : memref<5120xf32, #tpu.memory_space<vmem>>) dst(%arg5 : memref<5120xf32, #tpu.memory_space<hbm>>)
        tpu.yield
      }) : () -> ()
    } else {
    }
    return
  }
}

#map = affine_map<(d0, d1) -> (0)>
#map1 = affine_map<(d0, d1) -> (0, 0)>
module attributes {stable_mosaic.version = 14 : i64} {
  func.func @_sc_combine(%arg0: i32, %arg1: i32, %arg2: memref<4096xi32, #tpu.memory_space<hbm>>, %arg3: memref<5120x2048xf32, #tpu.memory_space<hbm>>, %arg4: memref<2048x2048xf32, #tpu.memory_space<hbm>>, %arg5: memref<128xi32, #tpu.memory_space<vmem>>, %arg6: memref<16x2048xf32, #tpu.memory_space<vmem>>, %arg7: memref<16x2048xf32, #tpu.memory_space<vmem>>, %arg8: memref<8x2048xf32, #tpu.memory_space<vmem>>, %arg9: memref<!tpu.dma_semaphore, #tpu.memory_space<semaphore_mem>>, %arg10: memref<!tpu.dma_semaphore, #tpu.memory_space<semaphore_mem>>) attributes {dimension_semantics = [#tpu.dimension_semantics<core_parallel>, #tpu.dimension_semantics<subcore_parallel>], iteration_bounds = array<i64: 2, 16>, scalar_prefetch = 0 : i64, scratch_operands = 6 : i64, tpu.core_type = #tpu.core_type<sc_vector_subcore>, window_params = [{transform_indices = #map}, {transform_indices = #map1}, {transform_indices = #map1}]} {
    %mul3A = arith.constant 2 : i32
    %mul3A_0 = arith.muli %arg1, %mul3A : i32
    %add3A = arith.addi %mul3A_0, %arg0 : i32
    %mul3A_1 = arith.constant 64 : i32
    %mul3A_2 = arith.muli %add3A, %mul3A_1 : i32
    %mul3A_3 = arith.constant 2 : i32
    %mul3A_4 = arith.muli %mul3A_3, %mul3A_2 : i32
    "tpu.region"() ({
      %run_scoped3A = tpu.sem_alloc : memref<!tpu.dma_semaphore, #tpu.memory_space<semaphore_mem>>
      %dma_start3A_482 = tpu.memref_slice %arg2[%mul3A_4] : memref<4096xi32, #tpu.memory_space<hbm>> -> memref<128xi32, #tpu.memory_space<hbm>>
      %dma_start3A_483 = tpu.memref_slice %arg2[%mul3A_4] : memref<4096xi32, #tpu.memory_space<hbm>> -> memref<128xi32, #tpu.memory_space<hbm>>
      tpu.enqueue_dma source(%dma_start3A_483 : memref<128xi32, #tpu.memory_space<hbm>>) target(%arg5 : memref<128xi32, #tpu.memory_space<vmem>>) target_semaphore(%run_scoped3A : memref<!tpu.dma_semaphore, #tpu.memory_space<semaphore_mem>>)
      %dma_wait3A_484 = tpu.memref_slice %arg2[%mul3A_4] : memref<4096xi32, #tpu.memory_space<hbm>> -> memref<128xi32, #tpu.memory_space<hbm>>
      %dma_wait3A_485 = tpu.memref_slice %arg2[%mul3A_4] : memref<4096xi32, #tpu.memory_space<hbm>> -> memref<128xi32, #tpu.memory_space<hbm>>
      tpu.wait_dma2 semaphore(%run_scoped3A : memref<!tpu.dma_semaphore, #tpu.memory_space<semaphore_mem>>) src(%dma_wait3A_485 : memref<128xi32, #tpu.memory_space<hbm>>) dst(%arg5 : memref<128xi32, #tpu.memory_space<vmem>>)
      tpu.yield
    }) : () -> ()
    %dma_start3A = arith.constant 0 : i32
    %dma_start3A_5 = tpu.memref_slice %arg5[%dma_start3A] : memref<128xi32, #tpu.memory_space<vmem>> -> memref<16xi32, #tpu.memory_space<vmem>>
    %dma_start3A_6 = arith.constant 0 : i32
    %dma_start3A_7 = arith.constant 0 : i32
    %dma_start3A_8 = tpu.memref_slice %arg3[%dma_start3A_6, %dma_start3A_7] : memref<5120x2048xf32, #tpu.memory_space<hbm>> -> memref<5120x2048xf32, #tpu.memory_space<hbm>>
    tpu.enqueue_indirect_dma source(%dma_start3A_8 : memref<5120x2048xf32, #tpu.memory_space<hbm>>) target(%arg6 : memref<16x2048xf32, #tpu.memory_space<vmem>>) offsets(%dma_start3A_5 : memref<16xi32, #tpu.memory_space<vmem>>) semaphore(%arg9 : memref<!tpu.dma_semaphore, #tpu.memory_space<semaphore_mem>>)
    %dma_wait3A = arith.constant 0 : i32
    %dma_wait3A_9 = tpu.memref_slice %arg5[%dma_wait3A] : memref<128xi32, #tpu.memory_space<vmem>> -> memref<16xi32, #tpu.memory_space<vmem>>
    %dma_wait3A_10 = arith.constant 0 : i32
    %dma_wait3A_11 = arith.constant 0 : i32
    %dma_wait3A_12 = tpu.memref_slice %arg3[%dma_wait3A_10, %dma_wait3A_11] : memref<5120x2048xf32, #tpu.memory_space<hbm>> -> memref<5120x2048xf32, #tpu.memory_space<hbm>>
    tpu.wait_indirect_dma semaphore(%arg9 : memref<!tpu.dma_semaphore, #tpu.memory_space<semaphore_mem>>) src(%dma_wait3A_12 : memref<5120x2048xf32, #tpu.memory_space<hbm>>) dst(%arg6 : memref<16x2048xf32, #tpu.memory_space<vmem>>)
    %dma_start3A_13 = arith.constant 16 : i32
    %dma_start3A_14 = tpu.memref_slice %arg5[%dma_start3A_13] : memref<128xi32, #tpu.memory_space<vmem>> -> memref<16xi32, #tpu.memory_space<vmem>>
    %dma_start3A_15 = arith.constant 0 : i32
    %dma_start3A_16 = arith.constant 0 : i32
    %dma_start3A_17 = tpu.memref_slice %arg3[%dma_start3A_15, %dma_start3A_16] : memref<5120x2048xf32, #tpu.memory_space<hbm>> -> memref<5120x2048xf32, #tpu.memory_space<hbm>>
    tpu.enqueue_indirect_dma source(%dma_start3A_17 : memref<5120x2048xf32, #tpu.memory_space<hbm>>) target(%arg7 : memref<16x2048xf32, #tpu.memory_space<vmem>>) offsets(%dma_start3A_14 : memref<16xi32, #tpu.memory_space<vmem>>) semaphore(%arg10 : memref<!tpu.dma_semaphore, #tpu.memory_space<semaphore_mem>>)
    %scan3A = arith.constant 0 : i32
    %scan3A_18 = arith.constant 0 : i32
    %scan3A_19 = arith.constant 128 : i32
    %scan3A_20 = arith.addi %scan3A_18, %scan3A_19 : i32
    %scan3A_21 = arith.constant 1 : i32
    scf.for %scan3A_482 = %scan3A_18 to %scan3A_20 step %scan3A_21  : i32 {
      %mul3A_483 = arith.constant 16 : i32
      %mul3A_484 = arith.muli %scan3A_482, %mul3A_483 : i32
      %get3A = arith.constant 0 : i32
      %get3A_485 = arith.index_cast %get3A : i32 to index
      %get3A_486 = arith.index_cast %mul3A_484 : i32 to index
      %get3A_487 = tpu.vector_load %arg6[%get3A_485, %get3A_486] {strides = array<i32>} : memref<16x2048xf32, #tpu.memory_space<vmem>>, vector<16xf32>,
      %mul3A_488 = arith.constant 16 : i32
      %mul3A_489 = arith.muli %scan3A_482, %mul3A_488 : i32
      %get3A_490 = arith.constant 1 : i32
      %get3A_491 = arith.index_cast %get3A_490 : i32 to index
      %get3A_492 = arith.index_cast %mul3A_489 : i32 to index
      %get3A_493 = tpu.vector_load %arg6[%get3A_491, %get3A_492] {strides = array<i32>} : memref<16x2048xf32, #tpu.memory_space<vmem>>, vector<16xf32>,
      %add3A_494 = arith.addf %get3A_487, %get3A_493 : vector<16xf32>
      %mul3A_495 = arith.constant 16 : i32
      %mul3A_496 = arith.muli %scan3A_482, %mul3A_495 : i32
      %swap3A = arith.constant 0 : i32
      %swap3A_497 = arith.index_cast %swap3A : i32 to index
      %swap3A_498 = arith.index_cast %mul3A_496 : i32 to index
      %swap3A_499 = tpu.vector_load %arg8[%swap3A_497, %swap3A_498] {strides = array<i32>} : memref<8x2048xf32, #tpu.memory_space<vmem>>, vector<16xf32>,
      tpu.vector_store %arg8[%swap3A_497, %swap3A_498], %add3A_494 {strides = array<i32>} : memref<8x2048xf32, #tpu.memory_space<vmem>>, vector<16xf32>,
    }
    %scan3A_22 = arith.constant 128 : i32
    %scan3A_23 = arith.constant 0 : i32
    %scan3A_24 = arith.constant 0 : i32
    %scan3A_25 = arith.constant 128 : i32
    %scan3A_26 = arith.addi %scan3A_24, %scan3A_25 : i32
    %scan3A_27 = arith.constant 1 : i32
    scf.for %scan3A_482 = %scan3A_24 to %scan3A_26 step %scan3A_27  : i32 {
      %mul3A_483 = arith.constant 16 : i32
      %mul3A_484 = arith.muli %scan3A_482, %mul3A_483 : i32
      %get3A = arith.constant 2 : i32
      %get3A_485 = arith.index_cast %get3A : i32 to index
      %get3A_486 = arith.index_cast %mul3A_484 : i32 to index
      %get3A_487 = tpu.vector_load %arg6[%get3A_485, %get3A_486] {strides = array<i32>} : memref<16x2048xf32, #tpu.memory_space<vmem>>, vector<16xf32>,
      %mul3A_488 = arith.constant 16 : i32
      %mul3A_489 = arith.muli %scan3A_482, %mul3A_488 : i32
      %get3A_490 = arith.constant 3 : i32
      %get3A_491 = arith.index_cast %get3A_490 : i32 to index
      %get3A_492 = arith.index_cast %mul3A_489 : i32 to index
      %get3A_493 = tpu.vector_load %arg6[%get3A_491, %get3A_492] {strides = array<i32>} : memref<16x2048xf32, #tpu.memory_space<vmem>>, vector<16xf32>,
      %add3A_494 = arith.addf %get3A_487, %get3A_493 : vector<16xf32>
      %mul3A_495 = arith.constant 16 : i32
      %mul3A_496 = arith.muli %scan3A_482, %mul3A_495 : i32
      %swap3A = arith.constant 1 : i32
      %swap3A_497 = arith.index_cast %swap3A : i32 to index
      %swap3A_498 = arith.index_cast %mul3A_496 : i32 to index
      %swap3A_499 = tpu.vector_load %arg8[%swap3A_497, %swap3A_498] {strides = array<i32>} : memref<8x2048xf32, #tpu.memory_space<vmem>>, vector<16xf32>,
      tpu.vector_store %arg8[%swap3A_497, %swap3A_498], %add3A_494 {strides = array<i32>} : memref<8x2048xf32, #tpu.memory_space<vmem>>, vector<16xf32>,
    }
    %scan3A_28 = arith.constant 128 : i32
    %scan3A_29 = arith.constant 0 : i32
    %scan3A_30 = arith.constant 0 : i32
    %scan3A_31 = arith.constant 128 : i32
    %scan3A_32 = arith.addi %scan3A_30, %scan3A_31 : i32
    %scan3A_33 = arith.constant 1 : i32
    scf.for %scan3A_482 = %scan3A_30 to %scan3A_32 step %scan3A_33  : i32 {
      %mul3A_483 = arith.constant 16 : i32
      %mul3A_484 = arith.muli %scan3A_482, %mul3A_483 : i32
      %get3A = arith.constant 4 : i32
      %get3A_485 = arith.index_cast %get3A : i32 to index
      %get3A_486 = arith.index_cast %mul3A_484 : i32 to index
      %get3A_487 = tpu.vector_load %arg6[%get3A_485, %get3A_486] {strides = array<i32>} : memref<16x2048xf32, #tpu.memory_space<vmem>>, vector<16xf32>,
      %mul3A_488 = arith.constant 16 : i32
      %mul3A_489 = arith.muli %scan3A_482, %mul3A_488 : i32
      %get3A_490 = arith.constant 5 : i32
      %get3A_491 = arith.index_cast %get3A_490 : i32 to index
      %get3A_492 = arith.index_cast %mul3A_489 : i32 to index
      %get3A_493 = tpu.vector_load %arg6[%get3A_491, %get3A_492] {strides = array<i32>} : memref<16x2048xf32, #tpu.memory_space<vmem>>, vector<16xf32>,
      %add3A_494 = arith.addf %get3A_487, %get3A_493 : vector<16xf32>
      %mul3A_495 = arith.constant 16 : i32
      %mul3A_496 = arith.muli %scan3A_482, %mul3A_495 : i32
      %swap3A = arith.constant 2 : i32
      %swap3A_497 = arith.index_cast %swap3A : i32 to index
      %swap3A_498 = arith.index_cast %mul3A_496 : i32 to index
      %swap3A_499 = tpu.vector_load %arg8[%swap3A_497, %swap3A_498] {strides = array<i32>} : memref<8x2048xf32, #tpu.memory_space<vmem>>, vector<16xf32>,
      tpu.vector_store %arg8[%swap3A_497, %swap3A_498], %add3A_494 {strides = array<i32>} : memref<8x2048xf32, #tpu.memory_space<vmem>>, vector<16xf32>,
    }
    %scan3A_34 = arith.constant 128 : i32
    %scan3A_35 = arith.constant 0 : i32
    %scan3A_36 = arith.constant 0 : i32
    %scan3A_37 = arith.constant 128 : i32
    %scan3A_38 = arith.addi %scan3A_36, %scan3A_37 : i32
    %scan3A_39 = arith.constant 1 : i32
    scf.for %scan3A_482 = %scan3A_36 to %scan3A_38 step %scan3A_39  : i32 {
      %mul3A_483 = arith.constant 16 : i32
      %mul3A_484 = arith.muli %scan3A_482, %mul3A_483 : i32
      %get3A = arith.constant 6 : i32
      %get3A_485 = arith.index_cast %get3A : i32 to index
      %get3A_486 = arith.index_cast %mul3A_484 : i32 to index
      %get3A_487 = tpu.vector_load %arg6[%get3A_485, %get3A_486] {strides = array<i32>} : memref<16x2048xf32, #tpu.memory_space<vmem>>, vector<16xf32>,
      %mul3A_488 = arith.constant 16 : i32
      %mul3A_489 = arith.muli %scan3A_482, %mul3A_488 : i32
      %get3A_490 = arith.constant 7 : i32
      %get3A_491 = arith.index_cast %get3A_490 : i32 to index
      %get3A_492 = arith.index_cast %mul3A_489 : i32 to index
      %get3A_493 = tpu.vector_load %arg6[%get3A_491, %get3A_492] {strides = array<i32>} : memref<16x2048xf32, #tpu.memory_space<vmem>>, vector<16xf32>,
      %add3A_494 = arith.addf %get3A_487, %get3A_493 : vector<16xf32>
      %mul3A_495 = arith.constant 16 : i32
      %mul3A_496 = arith.muli %scan3A_482, %mul3A_495 : i32
      %swap3A = arith.constant 3 : i32
      %swap3A_497 = arith.index_cast %swap3A : i32 to index
      %swap3A_498 = arith.index_cast %mul3A_496 : i32 to index
      %swap3A_499 = tpu.vector_load %arg8[%swap3A_497, %swap3A_498] {strides = array<i32>} : memref<8x2048xf32, #tpu.memory_space<vmem>>, vector<16xf32>,
      tpu.vector_store %arg8[%swap3A_497, %swap3A_498], %add3A_494 {strides = array<i32>} : memref<8x2048xf32, #tpu.memory_space<vmem>>, vector<16xf32>,
    }
    %scan3A_40 = arith.constant 128 : i32
    %scan3A_41 = arith.constant 0 : i32
    %scan3A_42 = arith.constant 0 : i32
    %scan3A_43 = arith.constant 128 : i32
    %scan3A_44 = arith.addi %scan3A_42, %scan3A_43 : i32
    %scan3A_45 = arith.constant 1 : i32
    scf.for %scan3A_482 = %scan3A_42 to %scan3A_44 step %scan3A_45  : i32 {
      %mul3A_483 = arith.constant 16 : i32
      %mul3A_484 = arith.muli %scan3A_482, %mul3A_483 : i32
      %get3A = arith.constant 8 : i32
      %get3A_485 = arith.index_cast %get3A : i32 to index
      %get3A_486 = arith.index_cast %mul3A_484 : i32 to index
      %get3A_487 = tpu.vector_load %arg6[%get3A_485, %get3A_486] {strides = array<i32>} : memref<16x2048xf32, #tpu.memory_space<vmem>>, vector<16xf32>,
      %mul3A_488 = arith.constant 16 : i32
      %mul3A_489 = arith.muli %scan3A_482, %mul3A_488 : i32
      %get3A_490 = arith.constant 9 : i32
      %get3A_491 = arith.index_cast %get3A_490 : i32 to index
      %get3A_492 = arith.index_cast %mul3A_489 : i32 to index
      %get3A_493 = tpu.vector_load %arg6[%get3A_491, %get3A_492] {strides = array<i32>} : memref<16x2048xf32, #tpu.memory_space<vmem>>, vector<16xf32>,
      %add3A_494 = arith.addf %get3A_487, %get3A_493 : vector<16xf32>
      %mul3A_495 = arith.constant 16 : i32
      %mul3A_496 = arith.muli %scan3A_482, %mul3A_495 : i32
      %swap3A = arith.constant 4 : i32
      %swap3A_497 = arith.index_cast %swap3A : i32 to index
      %swap3A_498 = arith.index_cast %mul3A_496 : i32 to index
      %swap3A_499 = tpu.vector_load %arg8[%swap3A_497, %swap3A_498] {strides = array<i32>} : memref<8x2048xf32, #tpu.memory_space<vmem>>, vector<16xf32>,
      tpu.vector_store %arg8[%swap3A_497, %swap3A_498], %add3A_494 {strides = array<i32>} : memref<8x2048xf32, #tpu.memory_space<vmem>>, vector<16xf32>,
    }
    %scan3A_46 = arith.constant 128 : i32
    %scan3A_47 = arith.constant 0 : i32
    %scan3A_48 = arith.constant 0 : i32
    %scan3A_49 = arith.constant 128 : i32
    %scan3A_50 = arith.addi %scan3A_48, %scan3A_49 : i32
    %scan3A_51 = arith.constant 1 : i32
    scf.for %scan3A_482 = %scan3A_48 to %scan3A_50 step %scan3A_51  : i32 {
      %mul3A_483 = arith.constant 16 : i32
      %mul3A_484 = arith.muli %scan3A_482, %mul3A_483 : i32
      %get3A = arith.constant 10 : i32
      %get3A_485 = arith.index_cast %get3A : i32 to index
      %get3A_486 = arith.index_cast %mul3A_484 : i32 to index
      %get3A_487 = tpu.vector_load %arg6[%get3A_485, %get3A_486] {strides = array<i32>} : memref<16x2048xf32, #tpu.memory_space<vmem>>, vector<16xf32>,
      %mul3A_488 = arith.constant 16 : i32
      %mul3A_489 = arith.muli %scan3A_482, %mul3A_488 : i32
      %get3A_490 = arith.constant 11 : i32
      %get3A_491 = arith.index_cast %get3A_490 : i32 to index
      %get3A_492 = arith.index_cast %mul3A_489 : i32 to index
      %get3A_493 = tpu.vector_load %arg6[%get3A_491, %get3A_492] {strides = array<i32>} : memref<16x2048xf32, #tpu.memory_space<vmem>>, vector<16xf32>,
      %add3A_494 = arith.addf %get3A_487, %get3A_493 : vector<16xf32>
      %mul3A_495 = arith.constant 16 : i32
      %mul3A_496 = arith.muli %scan3A_482, %mul3A_495 : i32
      %swap3A = arith.constant 5 : i32
      %swap3A_497 = arith.index_cast %swap3A : i32 to index
      %swap3A_498 = arith.index_cast %mul3A_496 : i32 to index
      %swap3A_499 = tpu.vector_load %arg8[%swap3A_497, %swap3A_498] {strides = array<i32>} : memref<8x2048xf32, #tpu.memory_space<vmem>>, vector<16xf32>,
      tpu.vector_store %arg8[%swap3A_497, %swap3A_498], %add3A_494 {strides = array<i32>} : memref<8x2048xf32, #tpu.memory_space<vmem>>, vector<16xf32>,
    }
    %scan3A_52 = arith.constant 128 : i32
    %scan3A_53 = arith.constant 0 : i32
    %scan3A_54 = arith.constant 0 : i32
    %scan3A_55 = arith.constant 128 : i32
    %scan3A_56 = arith.addi %scan3A_54, %scan3A_55 : i32
    %scan3A_57 = arith.constant 1 : i32
    scf.for %scan3A_482 = %scan3A_54 to %scan3A_56 step %scan3A_57  : i32 {
      %mul3A_483 = arith.constant 16 : i32
      %mul3A_484 = arith.muli %scan3A_482, %mul3A_483 : i32
      %get3A = arith.constant 12 : i32
      %get3A_485 = arith.index_cast %get3A : i32 to index
      %get3A_486 = arith.index_cast %mul3A_484 : i32 to index
      %get3A_487 = tpu.vector_load %arg6[%get3A_485, %get3A_486] {strides = array<i32>} : memref<16x2048xf32, #tpu.memory_space<vmem>>, vector<16xf32>,
      %mul3A_488 = arith.constant 16 : i32
      %mul3A_489 = arith.muli %scan3A_482, %mul3A_488 : i32
      %get3A_490 = arith.constant 13 : i32
      %get3A_491 = arith.index_cast %get3A_490 : i32 to index
      %get3A_492 = arith.index_cast %mul3A_489 : i32 to index
      %get3A_493 = tpu.vector_load %arg6[%get3A_491, %get3A_492] {strides = array<i32>} : memref<16x2048xf32, #tpu.memory_space<vmem>>, vector<16xf32>,
      %add3A_494 = arith.addf %get3A_487, %get3A_493 : vector<16xf32>
      %mul3A_495 = arith.constant 16 : i32
      %mul3A_496 = arith.muli %scan3A_482, %mul3A_495 : i32
      %swap3A = arith.constant 6 : i32
      %swap3A_497 = arith.index_cast %swap3A : i32 to index
      %swap3A_498 = arith.index_cast %mul3A_496 : i32 to index
      %swap3A_499 = tpu.vector_load %arg8[%swap3A_497, %swap3A_498] {strides = array<i32>} : memref<8x2048xf32, #tpu.memory_space<vmem>>, vector<16xf32>,
      tpu.vector_store %arg8[%swap3A_497, %swap3A_498], %add3A_494 {strides = array<i32>} : memref<8x2048xf32, #tpu.memory_space<vmem>>, vector<16xf32>,
    }
    %scan3A_58 = arith.constant 128 : i32
    %scan3A_59 = arith.constant 0 : i32
    %scan3A_60 = arith.constant 0 : i32
    %scan3A_61 = arith.constant 128 : i32
    %scan3A_62 = arith.addi %scan3A_60, %scan3A_61 : i32
    %scan3A_63 = arith.constant 1 : i32
    scf.for %scan3A_482 = %scan3A_60 to %scan3A_62 step %scan3A_63  : i32 {
      %mul3A_483 = arith.constant 16 : i32
      %mul3A_484 = arith.muli %scan3A_482, %mul3A_483 : i32
      %get3A = arith.constant 14 : i32
      %get3A_485 = arith.index_cast %get3A : i32 to index
      %get3A_486 = arith.index_cast %mul3A_484 : i32 to index
      %get3A_487 = tpu.vector_load %arg6[%get3A_485, %get3A_486] {strides = array<i32>} : memref<16x2048xf32, #tpu.memory_space<vmem>>, vector<16xf32>,
      %mul3A_488 = arith.constant 16 : i32
      %mul3A_489 = arith.muli %scan3A_482, %mul3A_488 : i32
      %get3A_490 = arith.constant 15 : i32
      %get3A_491 = arith.index_cast %get3A_490 : i32 to index
      %get3A_492 = arith.index_cast %mul3A_489 : i32 to index
      %get3A_493 = tpu.vector_load %arg6[%get3A_491, %get3A_492] {strides = array<i32>} : memref<16x2048xf32, #tpu.memory_space<vmem>>, vector<16xf32>,
      %add3A_494 = arith.addf %get3A_487, %get3A_493 : vector<16xf32>
      %mul3A_495 = arith.constant 16 : i32
      %mul3A_496 = arith.muli %scan3A_482, %mul3A_495 : i32
      %swap3A = arith.constant 7 : i32
      %swap3A_497 = arith.index_cast %swap3A : i32 to index
      %swap3A_498 = arith.index_cast %mul3A_496 : i32 to index
      %swap3A_499 = tpu.vector_load %arg8[%swap3A_497, %swap3A_498] {strides = array<i32>} : memref<8x2048xf32, #tpu.memory_space<vmem>>, vector<16xf32>,
      tpu.vector_store %arg8[%swap3A_497, %swap3A_498], %add3A_494 {strides = array<i32>} : memref<8x2048xf32, #tpu.memory_space<vmem>>, vector<16xf32>,
    }
    %scan3A_64 = arith.constant 128 : i32
    %add3A_65 = arith.constant 0 : i32
    %add3A_66 = arith.addi %mul3A_2, %add3A_65 : i32
    "tpu.region"() ({
      %run_scoped3A = tpu.sem_alloc : memref<!tpu.dma_semaphore, #tpu.memory_space<semaphore_mem>>
      %dma_start3A_482 = arith.constant 0 : i32
      %dma_start3A_483 = tpu.memref_slice %arg4[%add3A_66, %dma_start3A_482] : memref<2048x2048xf32, #tpu.memory_space<hbm>> -> memref<8x2048xf32, #tpu.memory_space<hbm>>
      %dma_start3A_484 = arith.constant 0 : i32
      %dma_start3A_485 = tpu.memref_slice %arg4[%add3A_66, %dma_start3A_484] : memref<2048x2048xf32, #tpu.memory_space<hbm>> -> memref<8x2048xf32, #tpu.memory_space<hbm>>
      tpu.enqueue_dma source(%arg8 : memref<8x2048xf32, #tpu.memory_space<vmem>>) target(%dma_start3A_485 : memref<8x2048xf32, #tpu.memory_space<hbm>>) target_semaphore(%run_scoped3A : memref<!tpu.dma_semaphore, #tpu.memory_space<semaphore_mem>>)
      %dma_wait3A_486 = arith.constant 0 : i32
      %dma_wait3A_487 = tpu.memref_slice %arg4[%add3A_66, %dma_wait3A_486] : memref<2048x2048xf32, #tpu.memory_space<hbm>> -> memref<8x2048xf32, #tpu.memory_space<hbm>>
      %dma_wait3A_488 = arith.constant 0 : i32
      %dma_wait3A_489 = tpu.memref_slice %arg4[%add3A_66, %dma_wait3A_488] : memref<2048x2048xf32, #tpu.memory_space<hbm>> -> memref<8x2048xf32, #tpu.memory_space<hbm>>
      tpu.wait_dma2 semaphore(%run_scoped3A : memref<!tpu.dma_semaphore, #tpu.memory_space<semaphore_mem>>) src(%arg8 : memref<8x2048xf32, #tpu.memory_space<vmem>>) dst(%dma_wait3A_489 : memref<8x2048xf32, #tpu.memory_space<hbm>>)
      tpu.yield
    }) : () -> ()
    %dma_wait3A_67 = arith.constant 16 : i32
    %dma_wait3A_68 = tpu.memref_slice %arg5[%dma_wait3A_67] : memref<128xi32, #tpu.memory_space<vmem>> -> memref<16xi32, #tpu.memory_space<vmem>>
    %dma_wait3A_69 = arith.constant 0 : i32
    %dma_wait3A_70 = arith.constant 0 : i32
    %dma_wait3A_71 = tpu.memref_slice %arg3[%dma_wait3A_69, %dma_wait3A_70] : memref<5120x2048xf32, #tpu.memory_space<hbm>> -> memref<5120x2048xf32, #tpu.memory_space<hbm>>
    tpu.wait_indirect_dma semaphore(%arg10 : memref<!tpu.dma_semaphore, #tpu.memory_space<semaphore_mem>>) src(%dma_wait3A_71 : memref<5120x2048xf32, #tpu.memory_space<hbm>>) dst(%arg7 : memref<16x2048xf32, #tpu.memory_space<vmem>>)
    %dma_start3A_72 = arith.constant 32 : i32
    %dma_start3A_73 = tpu.memref_slice %arg5[%dma_start3A_72] : memref<128xi32, #tpu.memory_space<vmem>> -> memref<16xi32, #tpu.memory_space<vmem>>
    %dma_start3A_74 = arith.constant 0 : i32
    %dma_start3A_75 = arith.constant 0 : i32
    %dma_start3A_76 = tpu.memref_slice %arg3[%dma_start3A_74, %dma_start3A_75] : memref<5120x2048xf32, #tpu.memory_space<hbm>> -> memref<5120x2048xf32, #tpu.memory_space<hbm>>
    tpu.enqueue_indirect_dma source(%dma_start3A_76 : memref<5120x2048xf32, #tpu.memory_space<hbm>>) target(%arg6 : memref<16x2048xf32, #tpu.memory_space<vmem>>) offsets(%dma_start3A_73 : memref<16xi32, #tpu.memory_space<vmem>>) semaphore(%arg9 : memref<!tpu.dma_semaphore, #tpu.memory_space<semaphore_mem>>)
    %scan3A_77 = arith.constant 0 : i32
    %scan3A_78 = arith.constant 0 : i32
    %scan3A_79 = arith.constant 128 : i32
    %scan3A_80 = arith.addi %scan3A_78, %scan3A_79 : i32
    %scan3A_81 = arith.constant 1 : i32
    scf.for %scan3A_482 = %scan3A_78 to %scan3A_80 step %scan3A_81  : i32 {
      %mul3A_483 = arith.constant 16 : i32
      %mul3A_484 = arith.muli %scan3A_482, %mul3A_483 : i32
      %get3A = arith.constant 0 : i32
      %get3A_485 = arith.index_cast %get3A : i32 to index
      %get3A_486 = arith.index_cast %mul3A_484 : i32 to index
      %get3A_487 = tpu.vector_load %arg7[%get3A_485, %get3A_486] {strides = array<i32>} : memref<16x2048xf32, #tpu.memory_space<vmem>>, vector<16xf32>,
      %mul3A_488 = arith.constant 16 : i32
      %mul3A_489 = arith.muli %scan3A_482, %mul3A_488 : i32
      %get3A_490 = arith.constant 1 : i32
      %get3A_491 = arith.index_cast %get3A_490 : i32 to index
      %get3A_492 = arith.index_cast %mul3A_489 : i32 to index
      %get3A_493 = tpu.vector_load %arg7[%get3A_491, %get3A_492] {strides = array<i32>} : memref<16x2048xf32, #tpu.memory_space<vmem>>, vector<16xf32>,
      %add3A_494 = arith.addf %get3A_487, %get3A_493 : vector<16xf32>
      %mul3A_495 = arith.constant 16 : i32
      %mul3A_496 = arith.muli %scan3A_482, %mul3A_495 : i32
      %swap3A = arith.constant 0 : i32
      %swap3A_497 = arith.index_cast %swap3A : i32 to index
      %swap3A_498 = arith.index_cast %mul3A_496 : i32 to index
      %swap3A_499 = tpu.vector_load %arg8[%swap3A_497, %swap3A_498] {strides = array<i32>} : memref<8x2048xf32, #tpu.memory_space<vmem>>, vector<16xf32>,
      tpu.vector_store %arg8[%swap3A_497, %swap3A_498], %add3A_494 {strides = array<i32>} : memref<8x2048xf32, #tpu.memory_space<vmem>>, vector<16xf32>,
    }
    %scan3A_82 = arith.constant 128 : i32
    %scan3A_83 = arith.constant 0 : i32
    %scan3A_84 = arith.constant 0 : i32
    %scan3A_85 = arith.constant 128 : i32
    %scan3A_86 = arith.addi %scan3A_84, %scan3A_85 : i32
    %scan3A_87 = arith.constant 1 : i32
    scf.for %scan3A_482 = %scan3A_84 to %scan3A_86 step %scan3A_87  : i32 {
      %mul3A_483 = arith.constant 16 : i32
      %mul3A_484 = arith.muli %scan3A_482, %mul3A_483 : i32
      %get3A = arith.constant 2 : i32
      %get3A_485 = arith.index_cast %get3A : i32 to index
      %get3A_486 = arith.index_cast %mul3A_484 : i32 to index
      %get3A_487 = tpu.vector_load %arg7[%get3A_485, %get3A_486] {strides = array<i32>} : memref<16x2048xf32, #tpu.memory_space<vmem>>, vector<16xf32>,
      %mul3A_488 = arith.constant 16 : i32
      %mul3A_489 = arith.muli %scan3A_482, %mul3A_488 : i32
      %get3A_490 = arith.constant 3 : i32
      %get3A_491 = arith.index_cast %get3A_490 : i32 to index
      %get3A_492 = arith.index_cast %mul3A_489 : i32 to index
      %get3A_493 = tpu.vector_load %arg7[%get3A_491, %get3A_492] {strides = array<i32>} : memref<16x2048xf32, #tpu.memory_space<vmem>>, vector<16xf32>,
      %add3A_494 = arith.addf %get3A_487, %get3A_493 : vector<16xf32>
      %mul3A_495 = arith.constant 16 : i32
      %mul3A_496 = arith.muli %scan3A_482, %mul3A_495 : i32
      %swap3A = arith.constant 1 : i32
      %swap3A_497 = arith.index_cast %swap3A : i32 to index
      %swap3A_498 = arith.index_cast %mul3A_496 : i32 to index
      %swap3A_499 = tpu.vector_load %arg8[%swap3A_497, %swap3A_498] {strides = array<i32>} : memref<8x2048xf32, #tpu.memory_space<vmem>>, vector<16xf32>,
      tpu.vector_store %arg8[%swap3A_497, %swap3A_498], %add3A_494 {strides = array<i32>} : memref<8x2048xf32, #tpu.memory_space<vmem>>, vector<16xf32>,
    }
    %scan3A_88 = arith.constant 128 : i32
    %scan3A_89 = arith.constant 0 : i32
    %scan3A_90 = arith.constant 0 : i32
    %scan3A_91 = arith.constant 128 : i32
    %scan3A_92 = arith.addi %scan3A_90, %scan3A_91 : i32
    %scan3A_93 = arith.constant 1 : i32
    scf.for %scan3A_482 = %scan3A_90 to %scan3A_92 step %scan3A_93  : i32 {
      %mul3A_483 = arith.constant 16 : i32
      %mul3A_484 = arith.muli %scan3A_482, %mul3A_483 : i32
      %get3A = arith.constant 4 : i32
      %get3A_485 = arith.index_cast %get3A : i32 to index
      %get3A_486 = arith.index_cast %mul3A_484 : i32 to index
      %get3A_487 = tpu.vector_load %arg7[%get3A_485, %get3A_486] {strides = array<i32>} : memref<16x2048xf32, #tpu.memory_space<vmem>>, vector<16xf32>,
      %mul3A_488 = arith.constant 16 : i32
      %mul3A_489 = arith.muli %scan3A_482, %mul3A_488 : i32
      %get3A_490 = arith.constant 5 : i32
      %get3A_491 = arith.index_cast %get3A_490 : i32 to index
      %get3A_492 = arith.index_cast %mul3A_489 : i32 to index
      %get3A_493 = tpu.vector_load %arg7[%get3A_491, %get3A_492] {strides = array<i32>} : memref<16x2048xf32, #tpu.memory_space<vmem>>, vector<16xf32>,
      %add3A_494 = arith.addf %get3A_487, %get3A_493 : vector<16xf32>
      %mul3A_495 = arith.constant 16 : i32
      %mul3A_496 = arith.muli %scan3A_482, %mul3A_495 : i32
      %swap3A = arith.constant 2 : i32
      %swap3A_497 = arith.index_cast %swap3A : i32 to index
      %swap3A_498 = arith.index_cast %mul3A_496 : i32 to index
      %swap3A_499 = tpu.vector_load %arg8[%swap3A_497, %swap3A_498] {strides = array<i32>} : memref<8x2048xf32, #tpu.memory_space<vmem>>, vector<16xf32>,
      tpu.vector_store %arg8[%swap3A_497, %swap3A_498], %add3A_494 {strides = array<i32>} : memref<8x2048xf32, #tpu.memory_space<vmem>>, vector<16xf32>,
    }
    %scan3A_94 = arith.constant 128 : i32
    %scan3A_95 = arith.constant 0 : i32
    %scan3A_96 = arith.constant 0 : i32
    %scan3A_97 = arith.constant 128 : i32
    %scan3A_98 = arith.addi %scan3A_96, %scan3A_97 : i32
    %scan3A_99 = arith.constant 1 : i32
    scf.for %scan3A_482 = %scan3A_96 to %scan3A_98 step %scan3A_99  : i32 {
      %mul3A_483 = arith.constant 16 : i32
      %mul3A_484 = arith.muli %scan3A_482, %mul3A_483 : i32
      %get3A = arith.constant 6 : i32
      %get3A_485 = arith.index_cast %get3A : i32 to index
      %get3A_486 = arith.index_cast %mul3A_484 : i32 to index
      %get3A_487 = tpu.vector_load %arg7[%get3A_485, %get3A_486] {strides = array<i32>} : memref<16x2048xf32, #tpu.memory_space<vmem>>, vector<16xf32>,
      %mul3A_488 = arith.constant 16 : i32
      %mul3A_489 = arith.muli %scan3A_482, %mul3A_488 : i32
      %get3A_490 = arith.constant 7 : i32
      %get3A_491 = arith.index_cast %get3A_490 : i32 to index
      %get3A_492 = arith.index_cast %mul3A_489 : i32 to index
      %get3A_493 = tpu.vector_load %arg7[%get3A_491, %get3A_492] {strides = array<i32>} : memref<16x2048xf32, #tpu.memory_space<vmem>>, vector<16xf32>,
      %add3A_494 = arith.addf %get3A_487, %get3A_493 : vector<16xf32>
      %mul3A_495 = arith.constant 16 : i32
      %mul3A_496 = arith.muli %scan3A_482, %mul3A_495 : i32
      %swap3A = arith.constant 3 : i32
      %swap3A_497 = arith.index_cast %swap3A : i32 to index
      %swap3A_498 = arith.index_cast %mul3A_496 : i32 to index
      %swap3A_499 = tpu.vector_load %arg8[%swap3A_497, %swap3A_498] {strides = array<i32>} : memref<8x2048xf32, #tpu.memory_space<vmem>>, vector<16xf32>,
      tpu.vector_store %arg8[%swap3A_497, %swap3A_498], %add3A_494 {strides = array<i32>} : memref<8x2048xf32, #tpu.memory_space<vmem>>, vector<16xf32>,
    }
    %scan3A_100 = arith.constant 128 : i32
    %scan3A_101 = arith.constant 0 : i32
    %scan3A_102 = arith.constant 0 : i32
    %scan3A_103 = arith.constant 128 : i32
    %scan3A_104 = arith.addi %scan3A_102, %scan3A_103 : i32
    %scan3A_105 = arith.constant 1 : i32
    scf.for %scan3A_482 = %scan3A_102 to %scan3A_104 step %scan3A_105  : i32 {
      %mul3A_483 = arith.constant 16 : i32
      %mul3A_484 = arith.muli %scan3A_482, %mul3A_483 : i32
      %get3A = arith.constant 8 : i32
      %get3A_485 = arith.index_cast %get3A : i32 to index
      %get3A_486 = arith.index_cast %mul3A_484 : i32 to index
      %get3A_487 = tpu.vector_load %arg7[%get3A_485, %get3A_486] {strides = array<i32>} : memref<16x2048xf32, #tpu.memory_space<vmem>>, vector<16xf32>,
      %mul3A_488 = arith.constant 16 : i32
      %mul3A_489 = arith.muli %scan3A_482, %mul3A_488 : i32
      %get3A_490 = arith.constant 9 : i32
      %get3A_491 = arith.index_cast %get3A_490 : i32 to index
      %get3A_492 = arith.index_cast %mul3A_489 : i32 to index
      %get3A_493 = tpu.vector_load %arg7[%get3A_491, %get3A_492] {strides = array<i32>} : memref<16x2048xf32, #tpu.memory_space<vmem>>, vector<16xf32>,
      %add3A_494 = arith.addf %get3A_487, %get3A_493 : vector<16xf32>
      %mul3A_495 = arith.constant 16 : i32
      %mul3A_496 = arith.muli %scan3A_482, %mul3A_495 : i32
      %swap3A = arith.constant 4 : i32
      %swap3A_497 = arith.index_cast %swap3A : i32 to index
      %swap3A_498 = arith.index_cast %mul3A_496 : i32 to index
      %swap3A_499 = tpu.vector_load %arg8[%swap3A_497, %swap3A_498] {strides = array<i32>} : memref<8x2048xf32, #tpu.memory_space<vmem>>, vector<16xf32>,
      tpu.vector_store %arg8[%swap3A_497, %swap3A_498], %add3A_494 {strides = array<i32>} : memref<8x2048xf32, #tpu.memory_space<vmem>>, vector<16xf32>,
    }
    %scan3A_106 = arith.constant 128 : i32
    %scan3A_107 = arith.constant 0 : i32
    %scan3A_108 = arith.constant 0 : i32
    %scan3A_109 = arith.constant 128 : i32
    %scan3A_110 = arith.addi %scan3A_108, %scan3A_109 : i32
    %scan3A_111 = arith.constant 1 : i32
    scf.for %scan3A_482 = %scan3A_108 to %scan3A_110 step %scan3A_111  : i32 {
      %mul3A_483 = arith.constant 16 : i32
      %mul3A_484 = arith.muli %scan3A_482, %mul3A_483 : i32
      %get3A = arith.constant 10 : i32
      %get3A_485 = arith.index_cast %get3A : i32 to index
      %get3A_486 = arith.index_cast %mul3A_484 : i32 to index
      %get3A_487 = tpu.vector_load %arg7[%get3A_485, %get3A_486] {strides = array<i32>} : memref<16x2048xf32, #tpu.memory_space<vmem>>, vector<16xf32>,
      %mul3A_488 = arith.constant 16 : i32
      %mul3A_489 = arith.muli %scan3A_482, %mul3A_488 : i32
      %get3A_490 = arith.constant 11 : i32
      %get3A_491 = arith.index_cast %get3A_490 : i32 to index
      %get3A_492 = arith.index_cast %mul3A_489 : i32 to index
      %get3A_493 = tpu.vector_load %arg7[%get3A_491, %get3A_492] {strides = array<i32>} : memref<16x2048xf32, #tpu.memory_space<vmem>>, vector<16xf32>,
      %add3A_494 = arith.addf %get3A_487, %get3A_493 : vector<16xf32>
      %mul3A_495 = arith.constant 16 : i32
      %mul3A_496 = arith.muli %scan3A_482, %mul3A_495 : i32
      %swap3A = arith.constant 5 : i32
      %swap3A_497 = arith.index_cast %swap3A : i32 to index
      %swap3A_498 = arith.index_cast %mul3A_496 : i32 to index
      %swap3A_499 = tpu.vector_load %arg8[%swap3A_497, %swap3A_498] {strides = array<i32>} : memref<8x2048xf32, #tpu.memory_space<vmem>>, vector<16xf32>,
      tpu.vector_store %arg8[%swap3A_497, %swap3A_498], %add3A_494 {strides = array<i32>} : memref<8x2048xf32, #tpu.memory_space<vmem>>, vector<16xf32>,
    }
    %scan3A_112 = arith.constant 128 : i32
    %scan3A_113 = arith.constant 0 : i32
    %scan3A_114 = arith.constant 0 : i32
    %scan3A_115 = arith.constant 128 : i32
    %scan3A_116 = arith.addi %scan3A_114, %scan3A_115 : i32
    %scan3A_117 = arith.constant 1 : i32
    scf.for %scan3A_482 = %scan3A_114 to %scan3A_116 step %scan3A_117  : i32 {
      %mul3A_483 = arith.constant 16 : i32
      %mul3A_484 = arith.muli %scan3A_482, %mul3A_483 : i32
      %get3A = arith.constant 12 : i32
      %get3A_485 = arith.index_cast %get3A : i32 to index
      %get3A_486 = arith.index_cast %mul3A_484 : i32 to index
      %get3A_487 = tpu.vector_load %arg7[%get3A_485, %get3A_486] {strides = array<i32>} : memref<16x2048xf32, #tpu.memory_space<vmem>>, vector<16xf32>,
      %mul3A_488 = arith.constant 16 : i32
      %mul3A_489 = arith.muli %scan3A_482, %mul3A_488 : i32
      %get3A_490 = arith.constant 13 : i32
      %get3A_491 = arith.index_cast %get3A_490 : i32 to index
      %get3A_492 = arith.index_cast %mul3A_489 : i32 to index
      %get3A_493 = tpu.vector_load %arg7[%get3A_491, %get3A_492] {strides = array<i32>} : memref<16x2048xf32, #tpu.memory_space<vmem>>, vector<16xf32>,
      %add3A_494 = arith.addf %get3A_487, %get3A_493 : vector<16xf32>
      %mul3A_495 = arith.constant 16 : i32
      %mul3A_496 = arith.muli %scan3A_482, %mul3A_495 : i32
      %swap3A = arith.constant 6 : i32
      %swap3A_497 = arith.index_cast %swap3A : i32 to index
      %swap3A_498 = arith.index_cast %mul3A_496 : i32 to index
      %swap3A_499 = tpu.vector_load %arg8[%swap3A_497, %swap3A_498] {strides = array<i32>} : memref<8x2048xf32, #tpu.memory_space<vmem>>, vector<16xf32>,
      tpu.vector_store %arg8[%swap3A_497, %swap3A_498], %add3A_494 {strides = array<i32>} : memref<8x2048xf32, #tpu.memory_space<vmem>>, vector<16xf32>,
    }
    %scan3A_118 = arith.constant 128 : i32
    %scan3A_119 = arith.constant 0 : i32
    %scan3A_120 = arith.constant 0 : i32
    %scan3A_121 = arith.constant 128 : i32
    %scan3A_122 = arith.addi %scan3A_120, %scan3A_121 : i32
    %scan3A_123 = arith.constant 1 : i32
    scf.for %scan3A_482 = %scan3A_120 to %scan3A_122 step %scan3A_123  : i32 {
      %mul3A_483 = arith.constant 16 : i32
      %mul3A_484 = arith.muli %scan3A_482, %mul3A_483 : i32
      %get3A = arith.constant 14 : i32
      %get3A_485 = arith.index_cast %get3A : i32 to index
      %get3A_486 = arith.index_cast %mul3A_484 : i32 to index
      %get3A_487 = tpu.vector_load %arg7[%get3A_485, %get3A_486] {strides = array<i32>} : memref<16x2048xf32, #tpu.memory_space<vmem>>, vector<16xf32>,
      %mul3A_488 = arith.constant 16 : i32
      %mul3A_489 = arith.muli %scan3A_482, %mul3A_488 : i32
      %get3A_490 = arith.constant 15 : i32
      %get3A_491 = arith.index_cast %get3A_490 : i32 to index
      %get3A_492 = arith.index_cast %mul3A_489 : i32 to index
      %get3A_493 = tpu.vector_load %arg7[%get3A_491, %get3A_492] {strides = array<i32>} : memref<16x2048xf32, #tpu.memory_space<vmem>>, vector<16xf32>,
      %add3A_494 = arith.addf %get3A_487, %get3A_493 : vector<16xf32>
      %mul3A_495 = arith.constant 16 : i32
      %mul3A_496 = arith.muli %scan3A_482, %mul3A_495 : i32
      %swap3A = arith.constant 7 : i32
      %swap3A_497 = arith.index_cast %swap3A : i32 to index
      %swap3A_498 = arith.index_cast %mul3A_496 : i32 to index
      %swap3A_499 = tpu.vector_load %arg8[%swap3A_497, %swap3A_498] {strides = array<i32>} : memref<8x2048xf32, #tpu.memory_space<vmem>>, vector<16xf32>,
      tpu.vector_store %arg8[%swap3A_497, %swap3A_498], %add3A_494 {strides = array<i32>} : memref<8x2048xf32, #tpu.memory_space<vmem>>, vector<16xf32>,
    }
    %scan3A_124 = arith.constant 128 : i32
    %add3A_125 = arith.constant 8 : i32
    %add3A_126 = arith.addi %mul3A_2, %add3A_125 : i32
    "tpu.region"() ({
      %run_scoped3A = tpu.sem_alloc : memref<!tpu.dma_semaphore, #tpu.memory_space<semaphore_mem>>
      %dma_start3A_482 = arith.constant 0 : i32
      %dma_start3A_483 = tpu.memref_slice %arg4[%add3A_126, %dma_start3A_482] : memref<2048x2048xf32, #tpu.memory_space<hbm>> -> memref<8x2048xf32, #tpu.memory_space<hbm>>
      %dma_start3A_484 = arith.constant 0 : i32
      %dma_start3A_485 = tpu.memref_slice %arg4[%add3A_126, %dma_start3A_484] : memref<2048x2048xf32, #tpu.memory_space<hbm>> -> memref<8x2048xf32, #tpu.memory_space<hbm>>
      tpu.enqueue_dma source(%arg8 : memref<8x2048xf32, #tpu.memory_space<vmem>>) target(%dma_start3A_485 : memref<8x2048xf32, #tpu.memory_space<hbm>>) target_semaphore(%run_scoped3A : memref<!tpu.dma_semaphore, #tpu.memory_space<semaphore_mem>>)
      %dma_wait3A_486 = arith.constant 0 : i32
      %dma_wait3A_487 = tpu.memref_slice %arg4[%add3A_126, %dma_wait3A_486] : memref<2048x2048xf32, #tpu.memory_space<hbm>> -> memref<8x2048xf32, #tpu.memory_space<hbm>>
      %dma_wait3A_488 = arith.constant 0 : i32
      %dma_wait3A_489 = tpu.memref_slice %arg4[%add3A_126, %dma_wait3A_488] : memref<2048x2048xf32, #tpu.memory_space<hbm>> -> memref<8x2048xf32, #tpu.memory_space<hbm>>
      tpu.wait_dma2 semaphore(%run_scoped3A : memref<!tpu.dma_semaphore, #tpu.memory_space<semaphore_mem>>) src(%arg8 : memref<8x2048xf32, #tpu.memory_space<vmem>>) dst(%dma_wait3A_489 : memref<8x2048xf32, #tpu.memory_space<hbm>>)
      tpu.yield
    }) : () -> ()
    %dma_wait3A_127 = arith.constant 32 : i32
    %dma_wait3A_128 = tpu.memref_slice %arg5[%dma_wait3A_127] : memref<128xi32, #tpu.memory_space<vmem>> -> memref<16xi32, #tpu.memory_space<vmem>>
    %dma_wait3A_129 = arith.constant 0 : i32
    %dma_wait3A_130 = arith.constant 0 : i32
    %dma_wait3A_131 = tpu.memref_slice %arg3[%dma_wait3A_129, %dma_wait3A_130] : memref<5120x2048xf32, #tpu.memory_space<hbm>> -> memref<5120x2048xf32, #tpu.memory_space<hbm>>
    tpu.wait_indirect_dma semaphore(%arg9 : memref<!tpu.dma_semaphore, #tpu.memory_space<semaphore_mem>>) src(%dma_wait3A_131 : memref<5120x2048xf32, #tpu.memory_space<hbm>>) dst(%arg6 : memref<16x2048xf32, #tpu.memory_space<vmem>>)
    %dma_start3A_132 = arith.constant 48 : i32
    %dma_start3A_133 = tpu.memref_slice %arg5[%dma_start3A_132] : memref<128xi32, #tpu.memory_space<vmem>> -> memref<16xi32, #tpu.memory_space<vmem>>
    %dma_start3A_134 = arith.constant 0 : i32
    %dma_start3A_135 = arith.constant 0 : i32
    %dma_start3A_136 = tpu.memref_slice %arg3[%dma_start3A_134, %dma_start3A_135] : memref<5120x2048xf32, #tpu.memory_space<hbm>> -> memref<5120x2048xf32, #tpu.memory_space<hbm>>
    tpu.enqueue_indirect_dma source(%dma_start3A_136 : memref<5120x2048xf32, #tpu.memory_space<hbm>>) target(%arg7 : memref<16x2048xf32, #tpu.memory_space<vmem>>) offsets(%dma_start3A_133 : memref<16xi32, #tpu.memory_space<vmem>>) semaphore(%arg10 : memref<!tpu.dma_semaphore, #tpu.memory_space<semaphore_mem>>)
    %scan3A_137 = arith.constant 0 : i32
    %scan3A_138 = arith.constant 0 : i32
    %scan3A_139 = arith.constant 128 : i32
    %scan3A_140 = arith.addi %scan3A_138, %scan3A_139 : i32
    %scan3A_141 = arith.constant 1 : i32
    scf.for %scan3A_482 = %scan3A_138 to %scan3A_140 step %scan3A_141  : i32 {
      %mul3A_483 = arith.constant 16 : i32
      %mul3A_484 = arith.muli %scan3A_482, %mul3A_483 : i32
      %get3A = arith.constant 0 : i32
      %get3A_485 = arith.index_cast %get3A : i32 to index
      %get3A_486 = arith.index_cast %mul3A_484 : i32 to index
      %get3A_487 = tpu.vector_load %arg6[%get3A_485, %get3A_486] {strides = array<i32>} : memref<16x2048xf32, #tpu.memory_space<vmem>>, vector<16xf32>,
      %mul3A_488 = arith.constant 16 : i32
      %mul3A_489 = arith.muli %scan3A_482, %mul3A_488 : i32
      %get3A_490 = arith.constant 1 : i32
      %get3A_491 = arith.index_cast %get3A_490 : i32 to index
      %get3A_492 = arith.index_cast %mul3A_489 : i32 to index
      %get3A_493 = tpu.vector_load %arg6[%get3A_491, %get3A_492] {strides = array<i32>} : memref<16x2048xf32, #tpu.memory_space<vmem>>, vector<16xf32>,
      %add3A_494 = arith.addf %get3A_487, %get3A_493 : vector<16xf32>
      %mul3A_495 = arith.constant 16 : i32
      %mul3A_496 = arith.muli %scan3A_482, %mul3A_495 : i32
      %swap3A = arith.constant 0 : i32
      %swap3A_497 = arith.index_cast %swap3A : i32 to index
      %swap3A_498 = arith.index_cast %mul3A_496 : i32 to index
      %swap3A_499 = tpu.vector_load %arg8[%swap3A_497, %swap3A_498] {strides = array<i32>} : memref<8x2048xf32, #tpu.memory_space<vmem>>, vector<16xf32>,
      tpu.vector_store %arg8[%swap3A_497, %swap3A_498], %add3A_494 {strides = array<i32>} : memref<8x2048xf32, #tpu.memory_space<vmem>>, vector<16xf32>,
    }
    %scan3A_142 = arith.constant 128 : i32
    %scan3A_143 = arith.constant 0 : i32
    %scan3A_144 = arith.constant 0 : i32
    %scan3A_145 = arith.constant 128 : i32
    %scan3A_146 = arith.addi %scan3A_144, %scan3A_145 : i32
    %scan3A_147 = arith.constant 1 : i32
    scf.for %scan3A_482 = %scan3A_144 to %scan3A_146 step %scan3A_147  : i32 {
      %mul3A_483 = arith.constant 16 : i32
      %mul3A_484 = arith.muli %scan3A_482, %mul3A_483 : i32
      %get3A = arith.constant 2 : i32
      %get3A_485 = arith.index_cast %get3A : i32 to index
      %get3A_486 = arith.index_cast %mul3A_484 : i32 to index
      %get3A_487 = tpu.vector_load %arg6[%get3A_485, %get3A_486] {strides = array<i32>} : memref<16x2048xf32, #tpu.memory_space<vmem>>, vector<16xf32>,
      %mul3A_488 = arith.constant 16 : i32
      %mul3A_489 = arith.muli %scan3A_482, %mul3A_488 : i32
      %get3A_490 = arith.constant 3 : i32
      %get3A_491 = arith.index_cast %get3A_490 : i32 to index
      %get3A_492 = arith.index_cast %mul3A_489 : i32 to index
      %get3A_493 = tpu.vector_load %arg6[%get3A_491, %get3A_492] {strides = array<i32>} : memref<16x2048xf32, #tpu.memory_space<vmem>>, vector<16xf32>,
      %add3A_494 = arith.addf %get3A_487, %get3A_493 : vector<16xf32>
      %mul3A_495 = arith.constant 16 : i32
      %mul3A_496 = arith.muli %scan3A_482, %mul3A_495 : i32
      %swap3A = arith.constant 1 : i32
      %swap3A_497 = arith.index_cast %swap3A : i32 to index
      %swap3A_498 = arith.index_cast %mul3A_496 : i32 to index
      %swap3A_499 = tpu.vector_load %arg8[%swap3A_497, %swap3A_498] {strides = array<i32>} : memref<8x2048xf32, #tpu.memory_space<vmem>>, vector<16xf32>,
      tpu.vector_store %arg8[%swap3A_497, %swap3A_498], %add3A_494 {strides = array<i32>} : memref<8x2048xf32, #tpu.memory_space<vmem>>, vector<16xf32>,
    }
    %scan3A_148 = arith.constant 128 : i32
    %scan3A_149 = arith.constant 0 : i32
    %scan3A_150 = arith.constant 0 : i32
    %scan3A_151 = arith.constant 128 : i32
    %scan3A_152 = arith.addi %scan3A_150, %scan3A_151 : i32
    %scan3A_153 = arith.constant 1 : i32
    scf.for %scan3A_482 = %scan3A_150 to %scan3A_152 step %scan3A_153  : i32 {
      %mul3A_483 = arith.constant 16 : i32
      %mul3A_484 = arith.muli %scan3A_482, %mul3A_483 : i32
      %get3A = arith.constant 4 : i32
      %get3A_485 = arith.index_cast %get3A : i32 to index
      %get3A_486 = arith.index_cast %mul3A_484 : i32 to index
      %get3A_487 = tpu.vector_load %arg6[%get3A_485, %get3A_486] {strides = array<i32>} : memref<16x2048xf32, #tpu.memory_space<vmem>>, vector<16xf32>,
      %mul3A_488 = arith.constant 16 : i32
      %mul3A_489 = arith.muli %scan3A_482, %mul3A_488 : i32
      %get3A_490 = arith.constant 5 : i32
      %get3A_491 = arith.index_cast %get3A_490 : i32 to index
      %get3A_492 = arith.index_cast %mul3A_489 : i32 to index
      %get3A_493 = tpu.vector_load %arg6[%get3A_491, %get3A_492] {strides = array<i32>} : memref<16x2048xf32, #tpu.memory_space<vmem>>, vector<16xf32>,
      %add3A_494 = arith.addf %get3A_487, %get3A_493 : vector<16xf32>
      %mul3A_495 = arith.constant 16 : i32
      %mul3A_496 = arith.muli %scan3A_482, %mul3A_495 : i32
      %swap3A = arith.constant 2 : i32
      %swap3A_497 = arith.index_cast %swap3A : i32 to index
      %swap3A_498 = arith.index_cast %mul3A_496 : i32 to index
      %swap3A_499 = tpu.vector_load %arg8[%swap3A_497, %swap3A_498] {strides = array<i32>} : memref<8x2048xf32, #tpu.memory_space<vmem>>, vector<16xf32>,
      tpu.vector_store %arg8[%swap3A_497, %swap3A_498], %add3A_494 {strides = array<i32>} : memref<8x2048xf32, #tpu.memory_space<vmem>>, vector<16xf32>,
    }
    %scan3A_154 = arith.constant 128 : i32
    %scan3A_155 = arith.constant 0 : i32
    %scan3A_156 = arith.constant 0 : i32
    %scan3A_157 = arith.constant 128 : i32
    %scan3A_158 = arith.addi %scan3A_156, %scan3A_157 : i32
    %scan3A_159 = arith.constant 1 : i32
    scf.for %scan3A_482 = %scan3A_156 to %scan3A_158 step %scan3A_159  : i32 {
      %mul3A_483 = arith.constant 16 : i32
      %mul3A_484 = arith.muli %scan3A_482, %mul3A_483 : i32
      %get3A = arith.constant 6 : i32
      %get3A_485 = arith.index_cast %get3A : i32 to index
      %get3A_486 = arith.index_cast %mul3A_484 : i32 to index
      %get3A_487 = tpu.vector_load %arg6[%get3A_485, %get3A_486] {strides = array<i32>} : memref<16x2048xf32, #tpu.memory_space<vmem>>, vector<16xf32>,
      %mul3A_488 = arith.constant 16 : i32
      %mul3A_489 = arith.muli %scan3A_482, %mul3A_488 : i32
      %get3A_490 = arith.constant 7 : i32
      %get3A_491 = arith.index_cast %get3A_490 : i32 to index
      %get3A_492 = arith.index_cast %mul3A_489 : i32 to index
      %get3A_493 = tpu.vector_load %arg6[%get3A_491, %get3A_492] {strides = array<i32>} : memref<16x2048xf32, #tpu.memory_space<vmem>>, vector<16xf32>,
      %add3A_494 = arith.addf %get3A_487, %get3A_493 : vector<16xf32>
      %mul3A_495 = arith.constant 16 : i32
      %mul3A_496 = arith.muli %scan3A_482, %mul3A_495 : i32
      %swap3A = arith.constant 3 : i32
      %swap3A_497 = arith.index_cast %swap3A : i32 to index
      %swap3A_498 = arith.index_cast %mul3A_496 : i32 to index
      %swap3A_499 = tpu.vector_load %arg8[%swap3A_497, %swap3A_498] {strides = array<i32>} : memref<8x2048xf32, #tpu.memory_space<vmem>>, vector<16xf32>,
      tpu.vector_store %arg8[%swap3A_497, %swap3A_498], %add3A_494 {strides = array<i32>} : memref<8x2048xf32, #tpu.memory_space<vmem>>, vector<16xf32>,
    }
    %scan3A_160 = arith.constant 128 : i32
    %scan3A_161 = arith.constant 0 : i32
    %scan3A_162 = arith.constant 0 : i32
    %scan3A_163 = arith.constant 128 : i32
    %scan3A_164 = arith.addi %scan3A_162, %scan3A_163 : i32
    %scan3A_165 = arith.constant 1 : i32
    scf.for %scan3A_482 = %scan3A_162 to %scan3A_164 step %scan3A_165  : i32 {
      %mul3A_483 = arith.constant 16 : i32
      %mul3A_484 = arith.muli %scan3A_482, %mul3A_483 : i32
      %get3A = arith.constant 8 : i32
      %get3A_485 = arith.index_cast %get3A : i32 to index
      %get3A_486 = arith.index_cast %mul3A_484 : i32 to index
      %get3A_487 = tpu.vector_load %arg6[%get3A_485, %get3A_486] {strides = array<i32>} : memref<16x2048xf32, #tpu.memory_space<vmem>>, vector<16xf32>,
      %mul3A_488 = arith.constant 16 : i32
      %mul3A_489 = arith.muli %scan3A_482, %mul3A_488 : i32
      %get3A_490 = arith.constant 9 : i32
      %get3A_491 = arith.index_cast %get3A_490 : i32 to index
      %get3A_492 = arith.index_cast %mul3A_489 : i32 to index
      %get3A_493 = tpu.vector_load %arg6[%get3A_491, %get3A_492] {strides = array<i32>} : memref<16x2048xf32, #tpu.memory_space<vmem>>, vector<16xf32>,
      %add3A_494 = arith.addf %get3A_487, %get3A_493 : vector<16xf32>
      %mul3A_495 = arith.constant 16 : i32
      %mul3A_496 = arith.muli %scan3A_482, %mul3A_495 : i32
      %swap3A = arith.constant 4 : i32
      %swap3A_497 = arith.index_cast %swap3A : i32 to index
      %swap3A_498 = arith.index_cast %mul3A_496 : i32 to index
      %swap3A_499 = tpu.vector_load %arg8[%swap3A_497, %swap3A_498] {strides = array<i32>} : memref<8x2048xf32, #tpu.memory_space<vmem>>, vector<16xf32>,
      tpu.vector_store %arg8[%swap3A_497, %swap3A_498], %add3A_494 {strides = array<i32>} : memref<8x2048xf32, #tpu.memory_space<vmem>>, vector<16xf32>,
    }
    %scan3A_166 = arith.constant 128 : i32
    %scan3A_167 = arith.constant 0 : i32
    %scan3A_168 = arith.constant 0 : i32
    %scan3A_169 = arith.constant 128 : i32
    %scan3A_170 = arith.addi %scan3A_168, %scan3A_169 : i32
    %scan3A_171 = arith.constant 1 : i32
    scf.for %scan3A_482 = %scan3A_168 to %scan3A_170 step %scan3A_171  : i32 {
      %mul3A_483 = arith.constant 16 : i32
      %mul3A_484 = arith.muli %scan3A_482, %mul3A_483 : i32
      %get3A = arith.constant 10 : i32
      %get3A_485 = arith.index_cast %get3A : i32 to index
      %get3A_486 = arith.index_cast %mul3A_484 : i32 to index
      %get3A_487 = tpu.vector_load %arg6[%get3A_485, %get3A_486] {strides = array<i32>} : memref<16x2048xf32, #tpu.memory_space<vmem>>, vector<16xf32>,
      %mul3A_488 = arith.constant 16 : i32
      %mul3A_489 = arith.muli %scan3A_482, %mul3A_488 : i32
      %get3A_490 = arith.constant 11 : i32
      %get3A_491 = arith.index_cast %get3A_490 : i32 to index
      %get3A_492 = arith.index_cast %mul3A_489 : i32 to index
      %get3A_493 = tpu.vector_load %arg6[%get3A_491, %get3A_492] {strides = array<i32>} : memref<16x2048xf32, #tpu.memory_space<vmem>>, vector<16xf32>,
      %add3A_494 = arith.addf %get3A_487, %get3A_493 : vector<16xf32>
      %mul3A_495 = arith.constant 16 : i32
      %mul3A_496 = arith.muli %scan3A_482, %mul3A_495 : i32
      %swap3A = arith.constant 5 : i32
      %swap3A_497 = arith.index_cast %swap3A : i32 to index
      %swap3A_498 = arith.index_cast %mul3A_496 : i32 to index
      %swap3A_499 = tpu.vector_load %arg8[%swap3A_497, %swap3A_498] {strides = array<i32>} : memref<8x2048xf32, #tpu.memory_space<vmem>>, vector<16xf32>,
      tpu.vector_store %arg8[%swap3A_497, %swap3A_498], %add3A_494 {strides = array<i32>} : memref<8x2048xf32, #tpu.memory_space<vmem>>, vector<16xf32>,
    }
    %scan3A_172 = arith.constant 128 : i32
    %scan3A_173 = arith.constant 0 : i32
    %scan3A_174 = arith.constant 0 : i32
    %scan3A_175 = arith.constant 128 : i32
    %scan3A_176 = arith.addi %scan3A_174, %scan3A_175 : i32
    %scan3A_177 = arith.constant 1 : i32
    scf.for %scan3A_482 = %scan3A_174 to %scan3A_176 step %scan3A_177  : i32 {
      %mul3A_483 = arith.constant 16 : i32
      %mul3A_484 = arith.muli %scan3A_482, %mul3A_483 : i32
      %get3A = arith.constant 12 : i32
      %get3A_485 = arith.index_cast %get3A : i32 to index
      %get3A_486 = arith.index_cast %mul3A_484 : i32 to index
      %get3A_487 = tpu.vector_load %arg6[%get3A_485, %get3A_486] {strides = array<i32>} : memref<16x2048xf32, #tpu.memory_space<vmem>>, vector<16xf32>,
      %mul3A_488 = arith.constant 16 : i32
      %mul3A_489 = arith.muli %scan3A_482, %mul3A_488 : i32
      %get3A_490 = arith.constant 13 : i32
      %get3A_491 = arith.index_cast %get3A_490 : i32 to index
      %get3A_492 = arith.index_cast %mul3A_489 : i32 to index
      %get3A_493 = tpu.vector_load %arg6[%get3A_491, %get3A_492] {strides = array<i32>} : memref<16x2048xf32, #tpu.memory_space<vmem>>, vector<16xf32>,
      %add3A_494 = arith.addf %get3A_487, %get3A_493 : vector<16xf32>
      %mul3A_495 = arith.constant 16 : i32
      %mul3A_496 = arith.muli %scan3A_482, %mul3A_495 : i32
      %swap3A = arith.constant 6 : i32
      %swap3A_497 = arith.index_cast %swap3A : i32 to index
      %swap3A_498 = arith.index_cast %mul3A_496 : i32 to index
      %swap3A_499 = tpu.vector_load %arg8[%swap3A_497, %swap3A_498] {strides = array<i32>} : memref<8x2048xf32, #tpu.memory_space<vmem>>, vector<16xf32>,
      tpu.vector_store %arg8[%swap3A_497, %swap3A_498], %add3A_494 {strides = array<i32>} : memref<8x2048xf32, #tpu.memory_space<vmem>>, vector<16xf32>,
    }
    %scan3A_178 = arith.constant 128 : i32
    %scan3A_179 = arith.constant 0 : i32
    %scan3A_180 = arith.constant 0 : i32
    %scan3A_181 = arith.constant 128 : i32
    %scan3A_182 = arith.addi %scan3A_180, %scan3A_181 : i32
    %scan3A_183 = arith.constant 1 : i32
    scf.for %scan3A_482 = %scan3A_180 to %scan3A_182 step %scan3A_183  : i32 {
      %mul3A_483 = arith.constant 16 : i32
      %mul3A_484 = arith.muli %scan3A_482, %mul3A_483 : i32
      %get3A = arith.constant 14 : i32
      %get3A_485 = arith.index_cast %get3A : i32 to index
      %get3A_486 = arith.index_cast %mul3A_484 : i32 to index
      %get3A_487 = tpu.vector_load %arg6[%get3A_485, %get3A_486] {strides = array<i32>} : memref<16x2048xf32, #tpu.memory_space<vmem>>, vector<16xf32>,
      %mul3A_488 = arith.constant 16 : i32
      %mul3A_489 = arith.muli %scan3A_482, %mul3A_488 : i32
      %get3A_490 = arith.constant 15 : i32
      %get3A_491 = arith.index_cast %get3A_490 : i32 to index
      %get3A_492 = arith.index_cast %mul3A_489 : i32 to index
      %get3A_493 = tpu.vector_load %arg6[%get3A_491, %get3A_492] {strides = array<i32>} : memref<16x2048xf32, #tpu.memory_space<vmem>>, vector<16xf32>,
      %add3A_494 = arith.addf %get3A_487, %get3A_493 : vector<16xf32>
      %mul3A_495 = arith.constant 16 : i32
      %mul3A_496 = arith.muli %scan3A_482, %mul3A_495 : i32
      %swap3A = arith.constant 7 : i32
      %swap3A_497 = arith.index_cast %swap3A : i32 to index
      %swap3A_498 = arith.index_cast %mul3A_496 : i32 to index
      %swap3A_499 = tpu.vector_load %arg8[%swap3A_497, %swap3A_498] {strides = array<i32>} : memref<8x2048xf32, #tpu.memory_space<vmem>>, vector<16xf32>,
      tpu.vector_store %arg8[%swap3A_497, %swap3A_498], %add3A_494 {strides = array<i32>} : memref<8x2048xf32, #tpu.memory_space<vmem>>, vector<16xf32>,
    }
    %scan3A_184 = arith.constant 128 : i32
    %add3A_185 = arith.constant 16 : i32
    %add3A_186 = arith.addi %mul3A_2, %add3A_185 : i32
    "tpu.region"() ({
      %run_scoped3A = tpu.sem_alloc : memref<!tpu.dma_semaphore, #tpu.memory_space<semaphore_mem>>
      %dma_start3A_482 = arith.constant 0 : i32
      %dma_start3A_483 = tpu.memref_slice %arg4[%add3A_186, %dma_start3A_482] : memref<2048x2048xf32, #tpu.memory_space<hbm>> -> memref<8x2048xf32, #tpu.memory_space<hbm>>
      %dma_start3A_484 = arith.constant 0 : i32
      %dma_start3A_485 = tpu.memref_slice %arg4[%add3A_186, %dma_start3A_484] : memref<2048x2048xf32, #tpu.memory_space<hbm>> -> memref<8x2048xf32, #tpu.memory_space<hbm>>
      tpu.enqueue_dma source(%arg8 : memref<8x2048xf32, #tpu.memory_space<vmem>>) target(%dma_start3A_485 : memref<8x2048xf32, #tpu.memory_space<hbm>>) target_semaphore(%run_scoped3A : memref<!tpu.dma_semaphore, #tpu.memory_space<semaphore_mem>>)
      %dma_wait3A_486 = arith.constant 0 : i32
      %dma_wait3A_487 = tpu.memref_slice %arg4[%add3A_186, %dma_wait3A_486] : memref<2048x2048xf32, #tpu.memory_space<hbm>> -> memref<8x2048xf32, #tpu.memory_space<hbm>>
      %dma_wait3A_488 = arith.constant 0 : i32
      %dma_wait3A_489 = tpu.memref_slice %arg4[%add3A_186, %dma_wait3A_488] : memref<2048x2048xf32, #tpu.memory_space<hbm>> -> memref<8x2048xf32, #tpu.memory_space<hbm>>
      tpu.wait_dma2 semaphore(%run_scoped3A : memref<!tpu.dma_semaphore, #tpu.memory_space<semaphore_mem>>) src(%arg8 : memref<8x2048xf32, #tpu.memory_space<vmem>>) dst(%dma_wait3A_489 : memref<8x2048xf32, #tpu.memory_space<hbm>>)
      tpu.yield
    }) : () -> ()
    %dma_wait3A_187 = arith.constant 48 : i32
    %dma_wait3A_188 = tpu.memref_slice %arg5[%dma_wait3A_187] : memref<128xi32, #tpu.memory_space<vmem>> -> memref<16xi32, #tpu.memory_space<vmem>>
    %dma_wait3A_189 = arith.constant 0 : i32
    %dma_wait3A_190 = arith.constant 0 : i32
    %dma_wait3A_191 = tpu.memref_slice %arg3[%dma_wait3A_189, %dma_wait3A_190] : memref<5120x2048xf32, #tpu.memory_space<hbm>> -> memref<5120x2048xf32, #tpu.memory_space<hbm>>
    tpu.wait_indirect_dma semaphore(%arg10 : memref<!tpu.dma_semaphore, #tpu.memory_space<semaphore_mem>>) src(%dma_wait3A_191 : memref<5120x2048xf32, #tpu.memory_space<hbm>>) dst(%arg7 : memref<16x2048xf32, #tpu.memory_space<vmem>>)
    %dma_start3A_192 = arith.constant 64 : i32
    %dma_start3A_193 = tpu.memref_slice %arg5[%dma_start3A_192] : memref<128xi32, #tpu.memory_space<vmem>> -> memref<16xi32, #tpu.memory_space<vmem>>
    %dma_start3A_194 = arith.constant 0 : i32
    %dma_start3A_195 = arith.constant 0 : i32
    %dma_start3A_196 = tpu.memref_slice %arg3[%dma_start3A_194, %dma_start3A_195] : memref<5120x2048xf32, #tpu.memory_space<hbm>> -> memref<5120x2048xf32, #tpu.memory_space<hbm>>
    tpu.enqueue_indirect_dma source(%dma_start3A_196 : memref<5120x2048xf32, #tpu.memory_space<hbm>>) target(%arg6 : memref<16x2048xf32, #tpu.memory_space<vmem>>) offsets(%dma_start3A_193 : memref<16xi32, #tpu.memory_space<vmem>>) semaphore(%arg9 : memref<!tpu.dma_semaphore, #tpu.memory_space<semaphore_mem>>)
    %scan3A_197 = arith.constant 0 : i32
    %scan3A_198 = arith.constant 0 : i32
    %scan3A_199 = arith.constant 128 : i32
    %scan3A_200 = arith.addi %scan3A_198, %scan3A_199 : i32
    %scan3A_201 = arith.constant 1 : i32
    scf.for %scan3A_482 = %scan3A_198 to %scan3A_200 step %scan3A_201  : i32 {
      %mul3A_483 = arith.constant 16 : i32
      %mul3A_484 = arith.muli %scan3A_482, %mul3A_483 : i32
      %get3A = arith.constant 0 : i32
      %get3A_485 = arith.index_cast %get3A : i32 to index
      %get3A_486 = arith.index_cast %mul3A_484 : i32 to index
      %get3A_487 = tpu.vector_load %arg7[%get3A_485, %get3A_486] {strides = array<i32>} : memref<16x2048xf32, #tpu.memory_space<vmem>>, vector<16xf32>,
      %mul3A_488 = arith.constant 16 : i32
      %mul3A_489 = arith.muli %scan3A_482, %mul3A_488 : i32
      %get3A_490 = arith.constant 1 : i32
      %get3A_491 = arith.index_cast %get3A_490 : i32 to index
      %get3A_492 = arith.index_cast %mul3A_489 : i32 to index
      %get3A_493 = tpu.vector_load %arg7[%get3A_491, %get3A_492] {strides = array<i32>} : memref<16x2048xf32, #tpu.memory_space<vmem>>, vector<16xf32>,
      %add3A_494 = arith.addf %get3A_487, %get3A_493 : vector<16xf32>
      %mul3A_495 = arith.constant 16 : i32
      %mul3A_496 = arith.muli %scan3A_482, %mul3A_495 : i32
      %swap3A = arith.constant 0 : i32
      %swap3A_497 = arith.index_cast %swap3A : i32 to index
      %swap3A_498 = arith.index_cast %mul3A_496 : i32 to index
      %swap3A_499 = tpu.vector_load %arg8[%swap3A_497, %swap3A_498] {strides = array<i32>} : memref<8x2048xf32, #tpu.memory_space<vmem>>, vector<16xf32>,
      tpu.vector_store %arg8[%swap3A_497, %swap3A_498], %add3A_494 {strides = array<i32>} : memref<8x2048xf32, #tpu.memory_space<vmem>>, vector<16xf32>,
    }
    %scan3A_202 = arith.constant 128 : i32
    %scan3A_203 = arith.constant 0 : i32
    %scan3A_204 = arith.constant 0 : i32
    %scan3A_205 = arith.constant 128 : i32
    %scan3A_206 = arith.addi %scan3A_204, %scan3A_205 : i32
    %scan3A_207 = arith.constant 1 : i32
    scf.for %scan3A_482 = %scan3A_204 to %scan3A_206 step %scan3A_207  : i32 {
      %mul3A_483 = arith.constant 16 : i32
      %mul3A_484 = arith.muli %scan3A_482, %mul3A_483 : i32
      %get3A = arith.constant 2 : i32
      %get3A_485 = arith.index_cast %get3A : i32 to index
      %get3A_486 = arith.index_cast %mul3A_484 : i32 to index
      %get3A_487 = tpu.vector_load %arg7[%get3A_485, %get3A_486] {strides = array<i32>} : memref<16x2048xf32, #tpu.memory_space<vmem>>, vector<16xf32>,
      %mul3A_488 = arith.constant 16 : i32
      %mul3A_489 = arith.muli %scan3A_482, %mul3A_488 : i32
      %get3A_490 = arith.constant 3 : i32
      %get3A_491 = arith.index_cast %get3A_490 : i32 to index
      %get3A_492 = arith.index_cast %mul3A_489 : i32 to index
      %get3A_493 = tpu.vector_load %arg7[%get3A_491, %get3A_492] {strides = array<i32>} : memref<16x2048xf32, #tpu.memory_space<vmem>>, vector<16xf32>,
      %add3A_494 = arith.addf %get3A_487, %get3A_493 : vector<16xf32>
      %mul3A_495 = arith.constant 16 : i32
      %mul3A_496 = arith.muli %scan3A_482, %mul3A_495 : i32
      %swap3A = arith.constant 1 : i32
      %swap3A_497 = arith.index_cast %swap3A : i32 to index
      %swap3A_498 = arith.index_cast %mul3A_496 : i32 to index
      %swap3A_499 = tpu.vector_load %arg8[%swap3A_497, %swap3A_498] {strides = array<i32>} : memref<8x2048xf32, #tpu.memory_space<vmem>>, vector<16xf32>,
      tpu.vector_store %arg8[%swap3A_497, %swap3A_498], %add3A_494 {strides = array<i32>} : memref<8x2048xf32, #tpu.memory_space<vmem>>, vector<16xf32>,
    }
    %scan3A_208 = arith.constant 128 : i32
    %scan3A_209 = arith.constant 0 : i32
    %scan3A_210 = arith.constant 0 : i32
    %scan3A_211 = arith.constant 128 : i32
    %scan3A_212 = arith.addi %scan3A_210, %scan3A_211 : i32
    %scan3A_213 = arith.constant 1 : i32
    scf.for %scan3A_482 = %scan3A_210 to %scan3A_212 step %scan3A_213  : i32 {
      %mul3A_483 = arith.constant 16 : i32
      %mul3A_484 = arith.muli %scan3A_482, %mul3A_483 : i32
      %get3A = arith.constant 4 : i32
      %get3A_485 = arith.index_cast %get3A : i32 to index
      %get3A_486 = arith.index_cast %mul3A_484 : i32 to index
      %get3A_487 = tpu.vector_load %arg7[%get3A_485, %get3A_486] {strides = array<i32>} : memref<16x2048xf32, #tpu.memory_space<vmem>>, vector<16xf32>,
      %mul3A_488 = arith.constant 16 : i32
      %mul3A_489 = arith.muli %scan3A_482, %mul3A_488 : i32
      %get3A_490 = arith.constant 5 : i32
      %get3A_491 = arith.index_cast %get3A_490 : i32 to index
      %get3A_492 = arith.index_cast %mul3A_489 : i32 to index
      %get3A_493 = tpu.vector_load %arg7[%get3A_491, %get3A_492] {strides = array<i32>} : memref<16x2048xf32, #tpu.memory_space<vmem>>, vector<16xf32>,
      %add3A_494 = arith.addf %get3A_487, %get3A_493 : vector<16xf32>
      %mul3A_495 = arith.constant 16 : i32
      %mul3A_496 = arith.muli %scan3A_482, %mul3A_495 : i32
      %swap3A = arith.constant 2 : i32
      %swap3A_497 = arith.index_cast %swap3A : i32 to index
      %swap3A_498 = arith.index_cast %mul3A_496 : i32 to index
      %swap3A_499 = tpu.vector_load %arg8[%swap3A_497, %swap3A_498] {strides = array<i32>} : memref<8x2048xf32, #tpu.memory_space<vmem>>, vector<16xf32>,
      tpu.vector_store %arg8[%swap3A_497, %swap3A_498], %add3A_494 {strides = array<i32>} : memref<8x2048xf32, #tpu.memory_space<vmem>>, vector<16xf32>,
    }
    %scan3A_214 = arith.constant 128 : i32
    %scan3A_215 = arith.constant 0 : i32
    %scan3A_216 = arith.constant 0 : i32
    %scan3A_217 = arith.constant 128 : i32
    %scan3A_218 = arith.addi %scan3A_216, %scan3A_217 : i32
    %scan3A_219 = arith.constant 1 : i32
    scf.for %scan3A_482 = %scan3A_216 to %scan3A_218 step %scan3A_219  : i32 {
      %mul3A_483 = arith.constant 16 : i32
      %mul3A_484 = arith.muli %scan3A_482, %mul3A_483 : i32
      %get3A = arith.constant 6 : i32
      %get3A_485 = arith.index_cast %get3A : i32 to index
      %get3A_486 = arith.index_cast %mul3A_484 : i32 to index
      %get3A_487 = tpu.vector_load %arg7[%get3A_485, %get3A_486] {strides = array<i32>} : memref<16x2048xf32, #tpu.memory_space<vmem>>, vector<16xf32>,
      %mul3A_488 = arith.constant 16 : i32
      %mul3A_489 = arith.muli %scan3A_482, %mul3A_488 : i32
      %get3A_490 = arith.constant 7 : i32
      %get3A_491 = arith.index_cast %get3A_490 : i32 to index
      %get3A_492 = arith.index_cast %mul3A_489 : i32 to index
      %get3A_493 = tpu.vector_load %arg7[%get3A_491, %get3A_492] {strides = array<i32>} : memref<16x2048xf32, #tpu.memory_space<vmem>>, vector<16xf32>,
      %add3A_494 = arith.addf %get3A_487, %get3A_493 : vector<16xf32>
      %mul3A_495 = arith.constant 16 : i32
      %mul3A_496 = arith.muli %scan3A_482, %mul3A_495 : i32
      %swap3A = arith.constant 3 : i32
      %swap3A_497 = arith.index_cast %swap3A : i32 to index
      %swap3A_498 = arith.index_cast %mul3A_496 : i32 to index
      %swap3A_499 = tpu.vector_load %arg8[%swap3A_497, %swap3A_498] {strides = array<i32>} : memref<8x2048xf32, #tpu.memory_space<vmem>>, vector<16xf32>,
      tpu.vector_store %arg8[%swap3A_497, %swap3A_498], %add3A_494 {strides = array<i32>} : memref<8x2048xf32, #tpu.memory_space<vmem>>, vector<16xf32>,
    }
    %scan3A_220 = arith.constant 128 : i32
    %scan3A_221 = arith.constant 0 : i32
    %scan3A_222 = arith.constant 0 : i32
    %scan3A_223 = arith.constant 128 : i32
    %scan3A_224 = arith.addi %scan3A_222, %scan3A_223 : i32
    %scan3A_225 = arith.constant 1 : i32
    scf.for %scan3A_482 = %scan3A_222 to %scan3A_224 step %scan3A_225  : i32 {
      %mul3A_483 = arith.constant 16 : i32
      %mul3A_484 = arith.muli %scan3A_482, %mul3A_483 : i32
      %get3A = arith.constant 8 : i32
      %get3A_485 = arith.index_cast %get3A : i32 to index
      %get3A_486 = arith.index_cast %mul3A_484 : i32 to index
      %get3A_487 = tpu.vector_load %arg7[%get3A_485, %get3A_486] {strides = array<i32>} : memref<16x2048xf32, #tpu.memory_space<vmem>>, vector<16xf32>,
      %mul3A_488 = arith.constant 16 : i32
      %mul3A_489 = arith.muli %scan3A_482, %mul3A_488 : i32
      %get3A_490 = arith.constant 9 : i32
      %get3A_491 = arith.index_cast %get3A_490 : i32 to index
      %get3A_492 = arith.index_cast %mul3A_489 : i32 to index
      %get3A_493 = tpu.vector_load %arg7[%get3A_491, %get3A_492] {strides = array<i32>} : memref<16x2048xf32, #tpu.memory_space<vmem>>, vector<16xf32>,
      %add3A_494 = arith.addf %get3A_487, %get3A_493 : vector<16xf32>
      %mul3A_495 = arith.constant 16 : i32
      %mul3A_496 = arith.muli %scan3A_482, %mul3A_495 : i32
      %swap3A = arith.constant 4 : i32
      %swap3A_497 = arith.index_cast %swap3A : i32 to index
      %swap3A_498 = arith.index_cast %mul3A_496 : i32 to index
      %swap3A_499 = tpu.vector_load %arg8[%swap3A_497, %swap3A_498] {strides = array<i32>} : memref<8x2048xf32, #tpu.memory_space<vmem>>, vector<16xf32>,
      tpu.vector_store %arg8[%swap3A_497, %swap3A_498], %add3A_494 {strides = array<i32>} : memref<8x2048xf32, #tpu.memory_space<vmem>>, vector<16xf32>,
    }
    %scan3A_226 = arith.constant 128 : i32
    %scan3A_227 = arith.constant 0 : i32
    %scan3A_228 = arith.constant 0 : i32
    %scan3A_229 = arith.constant 128 : i32
    %scan3A_230 = arith.addi %scan3A_228, %scan3A_229 : i32
    %scan3A_231 = arith.constant 1 : i32
    scf.for %scan3A_482 = %scan3A_228 to %scan3A_230 step %scan3A_231  : i32 {
      %mul3A_483 = arith.constant 16 : i32
      %mul3A_484 = arith.muli %scan3A_482, %mul3A_483 : i32
      %get3A = arith.constant 10 : i32
      %get3A_485 = arith.index_cast %get3A : i32 to index
      %get3A_486 = arith.index_cast %mul3A_484 : i32 to index
      %get3A_487 = tpu.vector_load %arg7[%get3A_485, %get3A_486] {strides = array<i32>} : memref<16x2048xf32, #tpu.memory_space<vmem>>, vector<16xf32>,
      %mul3A_488 = arith.constant 16 : i32
      %mul3A_489 = arith.muli %scan3A_482, %mul3A_488 : i32
      %get3A_490 = arith.constant 11 : i32
      %get3A_491 = arith.index_cast %get3A_490 : i32 to index
      %get3A_492 = arith.index_cast %mul3A_489 : i32 to index
      %get3A_493 = tpu.vector_load %arg7[%get3A_491, %get3A_492] {strides = array<i32>} : memref<16x2048xf32, #tpu.memory_space<vmem>>, vector<16xf32>,
      %add3A_494 = arith.addf %get3A_487, %get3A_493 : vector<16xf32>
      %mul3A_495 = arith.constant 16 : i32
      %mul3A_496 = arith.muli %scan3A_482, %mul3A_495 : i32
      %swap3A = arith.constant 5 : i32
      %swap3A_497 = arith.index_cast %swap3A : i32 to index
      %swap3A_498 = arith.index_cast %mul3A_496 : i32 to index
      %swap3A_499 = tpu.vector_load %arg8[%swap3A_497, %swap3A_498] {strides = array<i32>} : memref<8x2048xf32, #tpu.memory_space<vmem>>, vector<16xf32>,
      tpu.vector_store %arg8[%swap3A_497, %swap3A_498], %add3A_494 {strides = array<i32>} : memref<8x2048xf32, #tpu.memory_space<vmem>>, vector<16xf32>,
    }
    %scan3A_232 = arith.constant 128 : i32
    %scan3A_233 = arith.constant 0 : i32
    %scan3A_234 = arith.constant 0 : i32
    %scan3A_235 = arith.constant 128 : i32
    %scan3A_236 = arith.addi %scan3A_234, %scan3A_235 : i32
    %scan3A_237 = arith.constant 1 : i32
    scf.for %scan3A_482 = %scan3A_234 to %scan3A_236 step %scan3A_237  : i32 {
      %mul3A_483 = arith.constant 16 : i32
      %mul3A_484 = arith.muli %scan3A_482, %mul3A_483 : i32
      %get3A = arith.constant 12 : i32
      %get3A_485 = arith.index_cast %get3A : i32 to index
      %get3A_486 = arith.index_cast %mul3A_484 : i32 to index
      %get3A_487 = tpu.vector_load %arg7[%get3A_485, %get3A_486] {strides = array<i32>} : memref<16x2048xf32, #tpu.memory_space<vmem>>, vector<16xf32>,
      %mul3A_488 = arith.constant 16 : i32
      %mul3A_489 = arith.muli %scan3A_482, %mul3A_488 : i32
      %get3A_490 = arith.constant 13 : i32
      %get3A_491 = arith.index_cast %get3A_490 : i32 to index
      %get3A_492 = arith.index_cast %mul3A_489 : i32 to index
      %get3A_493 = tpu.vector_load %arg7[%get3A_491, %get3A_492] {strides = array<i32>} : memref<16x2048xf32, #tpu.memory_space<vmem>>, vector<16xf32>,
      %add3A_494 = arith.addf %get3A_487, %get3A_493 : vector<16xf32>
      %mul3A_495 = arith.constant 16 : i32
      %mul3A_496 = arith.muli %scan3A_482, %mul3A_495 : i32
      %swap3A = arith.constant 6 : i32
      %swap3A_497 = arith.index_cast %swap3A : i32 to index
      %swap3A_498 = arith.index_cast %mul3A_496 : i32 to index
      %swap3A_499 = tpu.vector_load %arg8[%swap3A_497, %swap3A_498] {strides = array<i32>} : memref<8x2048xf32, #tpu.memory_space<vmem>>, vector<16xf32>,
      tpu.vector_store %arg8[%swap3A_497, %swap3A_498], %add3A_494 {strides = array<i32>} : memref<8x2048xf32, #tpu.memory_space<vmem>>, vector<16xf32>,
    }
    %scan3A_238 = arith.constant 128 : i32
    %scan3A_239 = arith.constant 0 : i32
    %scan3A_240 = arith.constant 0 : i32
    %scan3A_241 = arith.constant 128 : i32
    %scan3A_242 = arith.addi %scan3A_240, %scan3A_241 : i32
    %scan3A_243 = arith.constant 1 : i32
    scf.for %scan3A_482 = %scan3A_240 to %scan3A_242 step %scan3A_243  : i32 {
      %mul3A_483 = arith.constant 16 : i32
      %mul3A_484 = arith.muli %scan3A_482, %mul3A_483 : i32
      %get3A = arith.constant 14 : i32
      %get3A_485 = arith.index_cast %get3A : i32 to index
      %get3A_486 = arith.index_cast %mul3A_484 : i32 to index
      %get3A_487 = tpu.vector_load %arg7[%get3A_485, %get3A_486] {strides = array<i32>} : memref<16x2048xf32, #tpu.memory_space<vmem>>, vector<16xf32>,
      %mul3A_488 = arith.constant 16 : i32
      %mul3A_489 = arith.muli %scan3A_482, %mul3A_488 : i32
      %get3A_490 = arith.constant 15 : i32
      %get3A_491 = arith.index_cast %get3A_490 : i32 to index
      %get3A_492 = arith.index_cast %mul3A_489 : i32 to index
      %get3A_493 = tpu.vector_load %arg7[%get3A_491, %get3A_492] {strides = array<i32>} : memref<16x2048xf32, #tpu.memory_space<vmem>>, vector<16xf32>,
      %add3A_494 = arith.addf %get3A_487, %get3A_493 : vector<16xf32>
      %mul3A_495 = arith.constant 16 : i32
      %mul3A_496 = arith.muli %scan3A_482, %mul3A_495 : i32
      %swap3A = arith.constant 7 : i32
      %swap3A_497 = arith.index_cast %swap3A : i32 to index
      %swap3A_498 = arith.index_cast %mul3A_496 : i32 to index
      %swap3A_499 = tpu.vector_load %arg8[%swap3A_497, %swap3A_498] {strides = array<i32>} : memref<8x2048xf32, #tpu.memory_space<vmem>>, vector<16xf32>,
      tpu.vector_store %arg8[%swap3A_497, %swap3A_498], %add3A_494 {strides = array<i32>} : memref<8x2048xf32, #tpu.memory_space<vmem>>, vector<16xf32>,
    }
    %scan3A_244 = arith.constant 128 : i32
    %add3A_245 = arith.constant 24 : i32
    %add3A_246 = arith.addi %mul3A_2, %add3A_245 : i32
    "tpu.region"() ({
      %run_scoped3A = tpu.sem_alloc : memref<!tpu.dma_semaphore, #tpu.memory_space<semaphore_mem>>
      %dma_start3A_482 = arith.constant 0 : i32
      %dma_start3A_483 = tpu.memref_slice %arg4[%add3A_246, %dma_start3A_482] : memref<2048x2048xf32, #tpu.memory_space<hbm>> -> memref<8x2048xf32, #tpu.memory_space<hbm>>
      %dma_start3A_484 = arith.constant 0 : i32
      %dma_start3A_485 = tpu.memref_slice %arg4[%add3A_246, %dma_start3A_484] : memref<2048x2048xf32, #tpu.memory_space<hbm>> -> memref<8x2048xf32, #tpu.memory_space<hbm>>
      tpu.enqueue_dma source(%arg8 : memref<8x2048xf32, #tpu.memory_space<vmem>>) target(%dma_start3A_485 : memref<8x2048xf32, #tpu.memory_space<hbm>>) target_semaphore(%run_scoped3A : memref<!tpu.dma_semaphore, #tpu.memory_space<semaphore_mem>>)
      %dma_wait3A_486 = arith.constant 0 : i32
      %dma_wait3A_487 = tpu.memref_slice %arg4[%add3A_246, %dma_wait3A_486] : memref<2048x2048xf32, #tpu.memory_space<hbm>> -> memref<8x2048xf32, #tpu.memory_space<hbm>>
      %dma_wait3A_488 = arith.constant 0 : i32
      %dma_wait3A_489 = tpu.memref_slice %arg4[%add3A_246, %dma_wait3A_488] : memref<2048x2048xf32, #tpu.memory_space<hbm>> -> memref<8x2048xf32, #tpu.memory_space<hbm>>
      tpu.wait_dma2 semaphore(%run_scoped3A : memref<!tpu.dma_semaphore, #tpu.memory_space<semaphore_mem>>) src(%arg8 : memref<8x2048xf32, #tpu.memory_space<vmem>>) dst(%dma_wait3A_489 : memref<8x2048xf32, #tpu.memory_space<hbm>>)
      tpu.yield
    }) : () -> ()
    %dma_wait3A_247 = arith.constant 64 : i32
    %dma_wait3A_248 = tpu.memref_slice %arg5[%dma_wait3A_247] : memref<128xi32, #tpu.memory_space<vmem>> -> memref<16xi32, #tpu.memory_space<vmem>>
    %dma_wait3A_249 = arith.constant 0 : i32
    %dma_wait3A_250 = arith.constant 0 : i32
    %dma_wait3A_251 = tpu.memref_slice %arg3[%dma_wait3A_249, %dma_wait3A_250] : memref<5120x2048xf32, #tpu.memory_space<hbm>> -> memref<5120x2048xf32, #tpu.memory_space<hbm>>
    tpu.wait_indirect_dma semaphore(%arg9 : memref<!tpu.dma_semaphore, #tpu.memory_space<semaphore_mem>>) src(%dma_wait3A_251 : memref<5120x2048xf32, #tpu.memory_space<hbm>>) dst(%arg6 : memref<16x2048xf32, #tpu.memory_space<vmem>>)
    %dma_start3A_252 = arith.constant 80 : i32
    %dma_start3A_253 = tpu.memref_slice %arg5[%dma_start3A_252] : memref<128xi32, #tpu.memory_space<vmem>> -> memref<16xi32, #tpu.memory_space<vmem>>
    %dma_start3A_254 = arith.constant 0 : i32
    %dma_start3A_255 = arith.constant 0 : i32
    %dma_start3A_256 = tpu.memref_slice %arg3[%dma_start3A_254, %dma_start3A_255] : memref<5120x2048xf32, #tpu.memory_space<hbm>> -> memref<5120x2048xf32, #tpu.memory_space<hbm>>
    tpu.enqueue_indirect_dma source(%dma_start3A_256 : memref<5120x2048xf32, #tpu.memory_space<hbm>>) target(%arg7 : memref<16x2048xf32, #tpu.memory_space<vmem>>) offsets(%dma_start3A_253 : memref<16xi32, #tpu.memory_space<vmem>>) semaphore(%arg10 : memref<!tpu.dma_semaphore, #tpu.memory_space<semaphore_mem>>)
    %scan3A_257 = arith.constant 0 : i32
    %scan3A_258 = arith.constant 0 : i32
    %scan3A_259 = arith.constant 128 : i32
    %scan3A_260 = arith.addi %scan3A_258, %scan3A_259 : i32
    %scan3A_261 = arith.constant 1 : i32
    scf.for %scan3A_482 = %scan3A_258 to %scan3A_260 step %scan3A_261  : i32 {
      %mul3A_483 = arith.constant 16 : i32
      %mul3A_484 = arith.muli %scan3A_482, %mul3A_483 : i32
      %get3A = arith.constant 0 : i32
      %get3A_485 = arith.index_cast %get3A : i32 to index
      %get3A_486 = arith.index_cast %mul3A_484 : i32 to index
      %get3A_487 = tpu.vector_load %arg6[%get3A_485, %get3A_486] {strides = array<i32>} : memref<16x2048xf32, #tpu.memory_space<vmem>>, vector<16xf32>,
      %mul3A_488 = arith.constant 16 : i32
      %mul3A_489 = arith.muli %scan3A_482, %mul3A_488 : i32
      %get3A_490 = arith.constant 1 : i32
      %get3A_491 = arith.index_cast %get3A_490 : i32 to index
      %get3A_492 = arith.index_cast %mul3A_489 : i32 to index
      %get3A_493 = tpu.vector_load %arg6[%get3A_491, %get3A_492] {strides = array<i32>} : memref<16x2048xf32, #tpu.memory_space<vmem>>, vector<16xf32>,
      %add3A_494 = arith.addf %get3A_487, %get3A_493 : vector<16xf32>
      %mul3A_495 = arith.constant 16 : i32
      %mul3A_496 = arith.muli %scan3A_482, %mul3A_495 : i32
      %swap3A = arith.constant 0 : i32
      %swap3A_497 = arith.index_cast %swap3A : i32 to index
      %swap3A_498 = arith.index_cast %mul3A_496 : i32 to index
      %swap3A_499 = tpu.vector_load %arg8[%swap3A_497, %swap3A_498] {strides = array<i32>} : memref<8x2048xf32, #tpu.memory_space<vmem>>, vector<16xf32>,
      tpu.vector_store %arg8[%swap3A_497, %swap3A_498], %add3A_494 {strides = array<i32>} : memref<8x2048xf32, #tpu.memory_space<vmem>>, vector<16xf32>,
    }
    %scan3A_262 = arith.constant 128 : i32
    %scan3A_263 = arith.constant 0 : i32
    %scan3A_264 = arith.constant 0 : i32
    %scan3A_265 = arith.constant 128 : i32
    %scan3A_266 = arith.addi %scan3A_264, %scan3A_265 : i32
    %scan3A_267 = arith.constant 1 : i32
    scf.for %scan3A_482 = %scan3A_264 to %scan3A_266 step %scan3A_267  : i32 {
      %mul3A_483 = arith.constant 16 : i32
      %mul3A_484 = arith.muli %scan3A_482, %mul3A_483 : i32
      %get3A = arith.constant 2 : i32
      %get3A_485 = arith.index_cast %get3A : i32 to index
      %get3A_486 = arith.index_cast %mul3A_484 : i32 to index
      %get3A_487 = tpu.vector_load %arg6[%get3A_485, %get3A_486] {strides = array<i32>} : memref<16x2048xf32, #tpu.memory_space<vmem>>, vector<16xf32>,
      %mul3A_488 = arith.constant 16 : i32
      %mul3A_489 = arith.muli %scan3A_482, %mul3A_488 : i32
      %get3A_490 = arith.constant 3 : i32
      %get3A_491 = arith.index_cast %get3A_490 : i32 to index
      %get3A_492 = arith.index_cast %mul3A_489 : i32 to index
      %get3A_493 = tpu.vector_load %arg6[%get3A_491, %get3A_492] {strides = array<i32>} : memref<16x2048xf32, #tpu.memory_space<vmem>>, vector<16xf32>,
      %add3A_494 = arith.addf %get3A_487, %get3A_493 : vector<16xf32>
      %mul3A_495 = arith.constant 16 : i32
      %mul3A_496 = arith.muli %scan3A_482, %mul3A_495 : i32
      %swap3A = arith.constant 1 : i32
      %swap3A_497 = arith.index_cast %swap3A : i32 to index
      %swap3A_498 = arith.index_cast %mul3A_496 : i32 to index
      %swap3A_499 = tpu.vector_load %arg8[%swap3A_497, %swap3A_498] {strides = array<i32>} : memref<8x2048xf32, #tpu.memory_space<vmem>>, vector<16xf32>,
      tpu.vector_store %arg8[%swap3A_497, %swap3A_498], %add3A_494 {strides = array<i32>} : memref<8x2048xf32, #tpu.memory_space<vmem>>, vector<16xf32>,
    }
    %scan3A_268 = arith.constant 128 : i32
    %scan3A_269 = arith.constant 0 : i32
    %scan3A_270 = arith.constant 0 : i32
    %scan3A_271 = arith.constant 128 : i32
    %scan3A_272 = arith.addi %scan3A_270, %scan3A_271 : i32
    %scan3A_273 = arith.constant 1 : i32
    scf.for %scan3A_482 = %scan3A_270 to %scan3A_272 step %scan3A_273  : i32 {
      %mul3A_483 = arith.constant 16 : i32
      %mul3A_484 = arith.muli %scan3A_482, %mul3A_483 : i32
      %get3A = arith.constant 4 : i32
      %get3A_485 = arith.index_cast %get3A : i32 to index
      %get3A_486 = arith.index_cast %mul3A_484 : i32 to index
      %get3A_487 = tpu.vector_load %arg6[%get3A_485, %get3A_486] {strides = array<i32>} : memref<16x2048xf32, #tpu.memory_space<vmem>>, vector<16xf32>,
      %mul3A_488 = arith.constant 16 : i32
      %mul3A_489 = arith.muli %scan3A_482, %mul3A_488 : i32
      %get3A_490 = arith.constant 5 : i32
      %get3A_491 = arith.index_cast %get3A_490 : i32 to index
      %get3A_492 = arith.index_cast %mul3A_489 : i32 to index
      %get3A_493 = tpu.vector_load %arg6[%get3A_491, %get3A_492] {strides = array<i32>} : memref<16x2048xf32, #tpu.memory_space<vmem>>, vector<16xf32>,
      %add3A_494 = arith.addf %get3A_487, %get3A_493 : vector<16xf32>
      %mul3A_495 = arith.constant 16 : i32
      %mul3A_496 = arith.muli %scan3A_482, %mul3A_495 : i32
      %swap3A = arith.constant 2 : i32
      %swap3A_497 = arith.index_cast %swap3A : i32 to index
      %swap3A_498 = arith.index_cast %mul3A_496 : i32 to index
      %swap3A_499 = tpu.vector_load %arg8[%swap3A_497, %swap3A_498] {strides = array<i32>} : memref<8x2048xf32, #tpu.memory_space<vmem>>, vector<16xf32>,
      tpu.vector_store %arg8[%swap3A_497, %swap3A_498], %add3A_494 {strides = array<i32>} : memref<8x2048xf32, #tpu.memory_space<vmem>>, vector<16xf32>,
    }
    %scan3A_274 = arith.constant 128 : i32
    %scan3A_275 = arith.constant 0 : i32
    %scan3A_276 = arith.constant 0 : i32
    %scan3A_277 = arith.constant 128 : i32
    %scan3A_278 = arith.addi %scan3A_276, %scan3A_277 : i32
    %scan3A_279 = arith.constant 1 : i32
    scf.for %scan3A_482 = %scan3A_276 to %scan3A_278 step %scan3A_279  : i32 {
      %mul3A_483 = arith.constant 16 : i32
      %mul3A_484 = arith.muli %scan3A_482, %mul3A_483 : i32
      %get3A = arith.constant 6 : i32
      %get3A_485 = arith.index_cast %get3A : i32 to index
      %get3A_486 = arith.index_cast %mul3A_484 : i32 to index
      %get3A_487 = tpu.vector_load %arg6[%get3A_485, %get3A_486] {strides = array<i32>} : memref<16x2048xf32, #tpu.memory_space<vmem>>, vector<16xf32>,
      %mul3A_488 = arith.constant 16 : i32
      %mul3A_489 = arith.muli %scan3A_482, %mul3A_488 : i32
      %get3A_490 = arith.constant 7 : i32
      %get3A_491 = arith.index_cast %get3A_490 : i32 to index
      %get3A_492 = arith.index_cast %mul3A_489 : i32 to index
      %get3A_493 = tpu.vector_load %arg6[%get3A_491, %get3A_492] {strides = array<i32>} : memref<16x2048xf32, #tpu.memory_space<vmem>>, vector<16xf32>,
      %add3A_494 = arith.addf %get3A_487, %get3A_493 : vector<16xf32>
      %mul3A_495 = arith.constant 16 : i32
      %mul3A_496 = arith.muli %scan3A_482, %mul3A_495 : i32
      %swap3A = arith.constant 3 : i32
      %swap3A_497 = arith.index_cast %swap3A : i32 to index
      %swap3A_498 = arith.index_cast %mul3A_496 : i32 to index
      %swap3A_499 = tpu.vector_load %arg8[%swap3A_497, %swap3A_498] {strides = array<i32>} : memref<8x2048xf32, #tpu.memory_space<vmem>>, vector<16xf32>,
      tpu.vector_store %arg8[%swap3A_497, %swap3A_498], %add3A_494 {strides = array<i32>} : memref<8x2048xf32, #tpu.memory_space<vmem>>, vector<16xf32>,
    }
    %scan3A_280 = arith.constant 128 : i32
    %scan3A_281 = arith.constant 0 : i32
    %scan3A_282 = arith.constant 0 : i32
    %scan3A_283 = arith.constant 128 : i32
    %scan3A_284 = arith.addi %scan3A_282, %scan3A_283 : i32
    %scan3A_285 = arith.constant 1 : i32
    scf.for %scan3A_482 = %scan3A_282 to %scan3A_284 step %scan3A_285  : i32 {
      %mul3A_483 = arith.constant 16 : i32
      %mul3A_484 = arith.muli %scan3A_482, %mul3A_483 : i32
      %get3A = arith.constant 8 : i32
      %get3A_485 = arith.index_cast %get3A : i32 to index
      %get3A_486 = arith.index_cast %mul3A_484 : i32 to index
      %get3A_487 = tpu.vector_load %arg6[%get3A_485, %get3A_486] {strides = array<i32>} : memref<16x2048xf32, #tpu.memory_space<vmem>>, vector<16xf32>,
      %mul3A_488 = arith.constant 16 : i32
      %mul3A_489 = arith.muli %scan3A_482, %mul3A_488 : i32
      %get3A_490 = arith.constant 9 : i32
      %get3A_491 = arith.index_cast %get3A_490 : i32 to index
      %get3A_492 = arith.index_cast %mul3A_489 : i32 to index
      %get3A_493 = tpu.vector_load %arg6[%get3A_491, %get3A_492] {strides = array<i32>} : memref<16x2048xf32, #tpu.memory_space<vmem>>, vector<16xf32>,
      %add3A_494 = arith.addf %get3A_487, %get3A_493 : vector<16xf32>
      %mul3A_495 = arith.constant 16 : i32
      %mul3A_496 = arith.muli %scan3A_482, %mul3A_495 : i32
      %swap3A = arith.constant 4 : i32
      %swap3A_497 = arith.index_cast %swap3A : i32 to index
      %swap3A_498 = arith.index_cast %mul3A_496 : i32 to index
      %swap3A_499 = tpu.vector_load %arg8[%swap3A_497, %swap3A_498] {strides = array<i32>} : memref<8x2048xf32, #tpu.memory_space<vmem>>, vector<16xf32>,
      tpu.vector_store %arg8[%swap3A_497, %swap3A_498], %add3A_494 {strides = array<i32>} : memref<8x2048xf32, #tpu.memory_space<vmem>>, vector<16xf32>,
    }
    %scan3A_286 = arith.constant 128 : i32
    %scan3A_287 = arith.constant 0 : i32
    %scan3A_288 = arith.constant 0 : i32
    %scan3A_289 = arith.constant 128 : i32
    %scan3A_290 = arith.addi %scan3A_288, %scan3A_289 : i32
    %scan3A_291 = arith.constant 1 : i32
    scf.for %scan3A_482 = %scan3A_288 to %scan3A_290 step %scan3A_291  : i32 {
      %mul3A_483 = arith.constant 16 : i32
      %mul3A_484 = arith.muli %scan3A_482, %mul3A_483 : i32
      %get3A = arith.constant 10 : i32
      %get3A_485 = arith.index_cast %get3A : i32 to index
      %get3A_486 = arith.index_cast %mul3A_484 : i32 to index
      %get3A_487 = tpu.vector_load %arg6[%get3A_485, %get3A_486] {strides = array<i32>} : memref<16x2048xf32, #tpu.memory_space<vmem>>, vector<16xf32>,
      %mul3A_488 = arith.constant 16 : i32
      %mul3A_489 = arith.muli %scan3A_482, %mul3A_488 : i32
      %get3A_490 = arith.constant 11 : i32
      %get3A_491 = arith.index_cast %get3A_490 : i32 to index
      %get3A_492 = arith.index_cast %mul3A_489 : i32 to index
      %get3A_493 = tpu.vector_load %arg6[%get3A_491, %get3A_492] {strides = array<i32>} : memref<16x2048xf32, #tpu.memory_space<vmem>>, vector<16xf32>,
      %add3A_494 = arith.addf %get3A_487, %get3A_493 : vector<16xf32>
      %mul3A_495 = arith.constant 16 : i32
      %mul3A_496 = arith.muli %scan3A_482, %mul3A_495 : i32
      %swap3A = arith.constant 5 : i32
      %swap3A_497 = arith.index_cast %swap3A : i32 to index
      %swap3A_498 = arith.index_cast %mul3A_496 : i32 to index
      %swap3A_499 = tpu.vector_load %arg8[%swap3A_497, %swap3A_498] {strides = array<i32>} : memref<8x2048xf32, #tpu.memory_space<vmem>>, vector<16xf32>,
      tpu.vector_store %arg8[%swap3A_497, %swap3A_498], %add3A_494 {strides = array<i32>} : memref<8x2048xf32, #tpu.memory_space<vmem>>, vector<16xf32>,
    }
    %scan3A_292 = arith.constant 128 : i32
    %scan3A_293 = arith.constant 0 : i32
    %scan3A_294 = arith.constant 0 : i32
    %scan3A_295 = arith.constant 128 : i32
    %scan3A_296 = arith.addi %scan3A_294, %scan3A_295 : i32
    %scan3A_297 = arith.constant 1 : i32
    scf.for %scan3A_482 = %scan3A_294 to %scan3A_296 step %scan3A_297  : i32 {
      %mul3A_483 = arith.constant 16 : i32
      %mul3A_484 = arith.muli %scan3A_482, %mul3A_483 : i32
      %get3A = arith.constant 12 : i32
      %get3A_485 = arith.index_cast %get3A : i32 to index
      %get3A_486 = arith.index_cast %mul3A_484 : i32 to index
      %get3A_487 = tpu.vector_load %arg6[%get3A_485, %get3A_486] {strides = array<i32>} : memref<16x2048xf32, #tpu.memory_space<vmem>>, vector<16xf32>,
      %mul3A_488 = arith.constant 16 : i32
      %mul3A_489 = arith.muli %scan3A_482, %mul3A_488 : i32
      %get3A_490 = arith.constant 13 : i32
      %get3A_491 = arith.index_cast %get3A_490 : i32 to index
      %get3A_492 = arith.index_cast %mul3A_489 : i32 to index
      %get3A_493 = tpu.vector_load %arg6[%get3A_491, %get3A_492] {strides = array<i32>} : memref<16x2048xf32, #tpu.memory_space<vmem>>, vector<16xf32>,
      %add3A_494 = arith.addf %get3A_487, %get3A_493 : vector<16xf32>
      %mul3A_495 = arith.constant 16 : i32
      %mul3A_496 = arith.muli %scan3A_482, %mul3A_495 : i32
      %swap3A = arith.constant 6 : i32
      %swap3A_497 = arith.index_cast %swap3A : i32 to index
      %swap3A_498 = arith.index_cast %mul3A_496 : i32 to index
      %swap3A_499 = tpu.vector_load %arg8[%swap3A_497, %swap3A_498] {strides = array<i32>} : memref<8x2048xf32, #tpu.memory_space<vmem>>, vector<16xf32>,
      tpu.vector_store %arg8[%swap3A_497, %swap3A_498], %add3A_494 {strides = array<i32>} : memref<8x2048xf32, #tpu.memory_space<vmem>>, vector<16xf32>,
    }
    %scan3A_298 = arith.constant 128 : i32
    %scan3A_299 = arith.constant 0 : i32
    %scan3A_300 = arith.constant 0 : i32
    %scan3A_301 = arith.constant 128 : i32
    %scan3A_302 = arith.addi %scan3A_300, %scan3A_301 : i32
    %scan3A_303 = arith.constant 1 : i32
    scf.for %scan3A_482 = %scan3A_300 to %scan3A_302 step %scan3A_303  : i32 {
      %mul3A_483 = arith.constant 16 : i32
      %mul3A_484 = arith.muli %scan3A_482, %mul3A_483 : i32
      %get3A = arith.constant 14 : i32
      %get3A_485 = arith.index_cast %get3A : i32 to index
      %get3A_486 = arith.index_cast %mul3A_484 : i32 to index
      %get3A_487 = tpu.vector_load %arg6[%get3A_485, %get3A_486] {strides = array<i32>} : memref<16x2048xf32, #tpu.memory_space<vmem>>, vector<16xf32>,
      %mul3A_488 = arith.constant 16 : i32
      %mul3A_489 = arith.muli %scan3A_482, %mul3A_488 : i32
      %get3A_490 = arith.constant 15 : i32
      %get3A_491 = arith.index_cast %get3A_490 : i32 to index
      %get3A_492 = arith.index_cast %mul3A_489 : i32 to index
      %get3A_493 = tpu.vector_load %arg6[%get3A_491, %get3A_492] {strides = array<i32>} : memref<16x2048xf32, #tpu.memory_space<vmem>>, vector<16xf32>,
      %add3A_494 = arith.addf %get3A_487, %get3A_493 : vector<16xf32>
      %mul3A_495 = arith.constant 16 : i32
      %mul3A_496 = arith.muli %scan3A_482, %mul3A_495 : i32
      %swap3A = arith.constant 7 : i32
      %swap3A_497 = arith.index_cast %swap3A : i32 to index
      %swap3A_498 = arith.index_cast %mul3A_496 : i32 to index
      %swap3A_499 = tpu.vector_load %arg8[%swap3A_497, %swap3A_498] {strides = array<i32>} : memref<8x2048xf32, #tpu.memory_space<vmem>>, vector<16xf32>,
      tpu.vector_store %arg8[%swap3A_497, %swap3A_498], %add3A_494 {strides = array<i32>} : memref<8x2048xf32, #tpu.memory_space<vmem>>, vector<16xf32>,
    }
    %scan3A_304 = arith.constant 128 : i32
    %add3A_305 = arith.constant 32 : i32
    %add3A_306 = arith.addi %mul3A_2, %add3A_305 : i32
    "tpu.region"() ({
      %run_scoped3A = tpu.sem_alloc : memref<!tpu.dma_semaphore, #tpu.memory_space<semaphore_mem>>
      %dma_start3A_482 = arith.constant 0 : i32
      %dma_start3A_483 = tpu.memref_slice %arg4[%add3A_306, %dma_start3A_482] : memref<2048x2048xf32, #tpu.memory_space<hbm>> -> memref<8x2048xf32, #tpu.memory_space<hbm>>
      %dma_start3A_484 = arith.constant 0 : i32
      %dma_start3A_485 = tpu.memref_slice %arg4[%add3A_306, %dma_start3A_484] : memref<2048x2048xf32, #tpu.memory_space<hbm>> -> memref<8x2048xf32, #tpu.memory_space<hbm>>
      tpu.enqueue_dma source(%arg8 : memref<8x2048xf32, #tpu.memory_space<vmem>>) target(%dma_start3A_485 : memref<8x2048xf32, #tpu.memory_space<hbm>>) target_semaphore(%run_scoped3A : memref<!tpu.dma_semaphore, #tpu.memory_space<semaphore_mem>>)
      %dma_wait3A_486 = arith.constant 0 : i32
      %dma_wait3A_487 = tpu.memref_slice %arg4[%add3A_306, %dma_wait3A_486] : memref<2048x2048xf32, #tpu.memory_space<hbm>> -> memref<8x2048xf32, #tpu.memory_space<hbm>>
      %dma_wait3A_488 = arith.constant 0 : i32
      %dma_wait3A_489 = tpu.memref_slice %arg4[%add3A_306, %dma_wait3A_488] : memref<2048x2048xf32, #tpu.memory_space<hbm>> -> memref<8x2048xf32, #tpu.memory_space<hbm>>
      tpu.wait_dma2 semaphore(%run_scoped3A : memref<!tpu.dma_semaphore, #tpu.memory_space<semaphore_mem>>) src(%arg8 : memref<8x2048xf32, #tpu.memory_space<vmem>>) dst(%dma_wait3A_489 : memref<8x2048xf32, #tpu.memory_space<hbm>>)
      tpu.yield
    }) : () -> ()
    %dma_wait3A_307 = arith.constant 80 : i32
    %dma_wait3A_308 = tpu.memref_slice %arg5[%dma_wait3A_307] : memref<128xi32, #tpu.memory_space<vmem>> -> memref<16xi32, #tpu.memory_space<vmem>>
    %dma_wait3A_309 = arith.constant 0 : i32
    %dma_wait3A_310 = arith.constant 0 : i32
    %dma_wait3A_311 = tpu.memref_slice %arg3[%dma_wait3A_309, %dma_wait3A_310] : memref<5120x2048xf32, #tpu.memory_space<hbm>> -> memref<5120x2048xf32, #tpu.memory_space<hbm>>
    tpu.wait_indirect_dma semaphore(%arg10 : memref<!tpu.dma_semaphore, #tpu.memory_space<semaphore_mem>>) src(%dma_wait3A_311 : memref<5120x2048xf32, #tpu.memory_space<hbm>>) dst(%arg7 : memref<16x2048xf32, #tpu.memory_space<vmem>>)
    %dma_start3A_312 = arith.constant 96 : i32
    %dma_start3A_313 = tpu.memref_slice %arg5[%dma_start3A_312] : memref<128xi32, #tpu.memory_space<vmem>> -> memref<16xi32, #tpu.memory_space<vmem>>
    %dma_start3A_314 = arith.constant 0 : i32
    %dma_start3A_315 = arith.constant 0 : i32
    %dma_start3A_316 = tpu.memref_slice %arg3[%dma_start3A_314, %dma_start3A_315] : memref<5120x2048xf32, #tpu.memory_space<hbm>> -> memref<5120x2048xf32, #tpu.memory_space<hbm>>
    tpu.enqueue_indirect_dma source(%dma_start3A_316 : memref<5120x2048xf32, #tpu.memory_space<hbm>>) target(%arg6 : memref<16x2048xf32, #tpu.memory_space<vmem>>) offsets(%dma_start3A_313 : memref<16xi32, #tpu.memory_space<vmem>>) semaphore(%arg9 : memref<!tpu.dma_semaphore, #tpu.memory_space<semaphore_mem>>)
    %scan3A_317 = arith.constant 0 : i32
    %scan3A_318 = arith.constant 0 : i32
    %scan3A_319 = arith.constant 128 : i32
    %scan3A_320 = arith.addi %scan3A_318, %scan3A_319 : i32
    %scan3A_321 = arith.constant 1 : i32
    scf.for %scan3A_482 = %scan3A_318 to %scan3A_320 step %scan3A_321  : i32 {
      %mul3A_483 = arith.constant 16 : i32
      %mul3A_484 = arith.muli %scan3A_482, %mul3A_483 : i32
      %get3A = arith.constant 0 : i32
      %get3A_485 = arith.index_cast %get3A : i32 to index
      %get3A_486 = arith.index_cast %mul3A_484 : i32 to index
      %get3A_487 = tpu.vector_load %arg7[%get3A_485, %get3A_486] {strides = array<i32>} : memref<16x2048xf32, #tpu.memory_space<vmem>>, vector<16xf32>,
      %mul3A_488 = arith.constant 16 : i32
      %mul3A_489 = arith.muli %scan3A_482, %mul3A_488 : i32
      %get3A_490 = arith.constant 1 : i32
      %get3A_491 = arith.index_cast %get3A_490 : i32 to index
      %get3A_492 = arith.index_cast %mul3A_489 : i32 to index
      %get3A_493 = tpu.vector_load %arg7[%get3A_491, %get3A_492] {strides = array<i32>} : memref<16x2048xf32, #tpu.memory_space<vmem>>, vector<16xf32>,
      %add3A_494 = arith.addf %get3A_487, %get3A_493 : vector<16xf32>
      %mul3A_495 = arith.constant 16 : i32
      %mul3A_496 = arith.muli %scan3A_482, %mul3A_495 : i32
      %swap3A = arith.constant 0 : i32
      %swap3A_497 = arith.index_cast %swap3A : i32 to index
      %swap3A_498 = arith.index_cast %mul3A_496 : i32 to index
      %swap3A_499 = tpu.vector_load %arg8[%swap3A_497, %swap3A_498] {strides = array<i32>} : memref<8x2048xf32, #tpu.memory_space<vmem>>, vector<16xf32>,
      tpu.vector_store %arg8[%swap3A_497, %swap3A_498], %add3A_494 {strides = array<i32>} : memref<8x2048xf32, #tpu.memory_space<vmem>>, vector<16xf32>,
    }
    %scan3A_322 = arith.constant 128 : i32
    %scan3A_323 = arith.constant 0 : i32
    %scan3A_324 = arith.constant 0 : i32
    %scan3A_325 = arith.constant 128 : i32
    %scan3A_326 = arith.addi %scan3A_324, %scan3A_325 : i32
    %scan3A_327 = arith.constant 1 : i32
    scf.for %scan3A_482 = %scan3A_324 to %scan3A_326 step %scan3A_327  : i32 {
      %mul3A_483 = arith.constant 16 : i32
      %mul3A_484 = arith.muli %scan3A_482, %mul3A_483 : i32
      %get3A = arith.constant 2 : i32
      %get3A_485 = arith.index_cast %get3A : i32 to index
      %get3A_486 = arith.index_cast %mul3A_484 : i32 to index
      %get3A_487 = tpu.vector_load %arg7[%get3A_485, %get3A_486] {strides = array<i32>} : memref<16x2048xf32, #tpu.memory_space<vmem>>, vector<16xf32>,
      %mul3A_488 = arith.constant 16 : i32
      %mul3A_489 = arith.muli %scan3A_482, %mul3A_488 : i32
      %get3A_490 = arith.constant 3 : i32
      %get3A_491 = arith.index_cast %get3A_490 : i32 to index
      %get3A_492 = arith.index_cast %mul3A_489 : i32 to index
      %get3A_493 = tpu.vector_load %arg7[%get3A_491, %get3A_492] {strides = array<i32>} : memref<16x2048xf32, #tpu.memory_space<vmem>>, vector<16xf32>,
      %add3A_494 = arith.addf %get3A_487, %get3A_493 : vector<16xf32>
      %mul3A_495 = arith.constant 16 : i32
      %mul3A_496 = arith.muli %scan3A_482, %mul3A_495 : i32
      %swap3A = arith.constant 1 : i32
      %swap3A_497 = arith.index_cast %swap3A : i32 to index
      %swap3A_498 = arith.index_cast %mul3A_496 : i32 to index
      %swap3A_499 = tpu.vector_load %arg8[%swap3A_497, %swap3A_498] {strides = array<i32>} : memref<8x2048xf32, #tpu.memory_space<vmem>>, vector<16xf32>,
      tpu.vector_store %arg8[%swap3A_497, %swap3A_498], %add3A_494 {strides = array<i32>} : memref<8x2048xf32, #tpu.memory_space<vmem>>, vector<16xf32>,
    }
    %scan3A_328 = arith.constant 128 : i32
    %scan3A_329 = arith.constant 0 : i32
    %scan3A_330 = arith.constant 0 : i32
    %scan3A_331 = arith.constant 128 : i32
    %scan3A_332 = arith.addi %scan3A_330, %scan3A_331 : i32
    %scan3A_333 = arith.constant 1 : i32
    scf.for %scan3A_482 = %scan3A_330 to %scan3A_332 step %scan3A_333  : i32 {
      %mul3A_483 = arith.constant 16 : i32
      %mul3A_484 = arith.muli %scan3A_482, %mul3A_483 : i32
      %get3A = arith.constant 4 : i32
      %get3A_485 = arith.index_cast %get3A : i32 to index
      %get3A_486 = arith.index_cast %mul3A_484 : i32 to index
      %get3A_487 = tpu.vector_load %arg7[%get3A_485, %get3A_486] {strides = array<i32>} : memref<16x2048xf32, #tpu.memory_space<vmem>>, vector<16xf32>,
      %mul3A_488 = arith.constant 16 : i32
      %mul3A_489 = arith.muli %scan3A_482, %mul3A_488 : i32
      %get3A_490 = arith.constant 5 : i32
      %get3A_491 = arith.index_cast %get3A_490 : i32 to index
      %get3A_492 = arith.index_cast %mul3A_489 : i32 to index
      %get3A_493 = tpu.vector_load %arg7[%get3A_491, %get3A_492] {strides = array<i32>} : memref<16x2048xf32, #tpu.memory_space<vmem>>, vector<16xf32>,
      %add3A_494 = arith.addf %get3A_487, %get3A_493 : vector<16xf32>
      %mul3A_495 = arith.constant 16 : i32
      %mul3A_496 = arith.muli %scan3A_482, %mul3A_495 : i32
      %swap3A = arith.constant 2 : i32
      %swap3A_497 = arith.index_cast %swap3A : i32 to index
      %swap3A_498 = arith.index_cast %mul3A_496 : i32 to index
      %swap3A_499 = tpu.vector_load %arg8[%swap3A_497, %swap3A_498] {strides = array<i32>} : memref<8x2048xf32, #tpu.memory_space<vmem>>, vector<16xf32>,
      tpu.vector_store %arg8[%swap3A_497, %swap3A_498], %add3A_494 {strides = array<i32>} : memref<8x2048xf32, #tpu.memory_space<vmem>>, vector<16xf32>,
    }
    %scan3A_334 = arith.constant 128 : i32
    %scan3A_335 = arith.constant 0 : i32
    %scan3A_336 = arith.constant 0 : i32
    %scan3A_337 = arith.constant 128 : i32
    %scan3A_338 = arith.addi %scan3A_336, %scan3A_337 : i32
    %scan3A_339 = arith.constant 1 : i32
    scf.for %scan3A_482 = %scan3A_336 to %scan3A_338 step %scan3A_339  : i32 {
      %mul3A_483 = arith.constant 16 : i32
      %mul3A_484 = arith.muli %scan3A_482, %mul3A_483 : i32
      %get3A = arith.constant 6 : i32
      %get3A_485 = arith.index_cast %get3A : i32 to index
      %get3A_486 = arith.index_cast %mul3A_484 : i32 to index
      %get3A_487 = tpu.vector_load %arg7[%get3A_485, %get3A_486] {strides = array<i32>} : memref<16x2048xf32, #tpu.memory_space<vmem>>, vector<16xf32>,
      %mul3A_488 = arith.constant 16 : i32
      %mul3A_489 = arith.muli %scan3A_482, %mul3A_488 : i32
      %get3A_490 = arith.constant 7 : i32
      %get3A_491 = arith.index_cast %get3A_490 : i32 to index
      %get3A_492 = arith.index_cast %mul3A_489 : i32 to index
      %get3A_493 = tpu.vector_load %arg7[%get3A_491, %get3A_492] {strides = array<i32>} : memref<16x2048xf32, #tpu.memory_space<vmem>>, vector<16xf32>,
      %add3A_494 = arith.addf %get3A_487, %get3A_493 : vector<16xf32>
      %mul3A_495 = arith.constant 16 : i32
      %mul3A_496 = arith.muli %scan3A_482, %mul3A_495 : i32
      %swap3A = arith.constant 3 : i32
      %swap3A_497 = arith.index_cast %swap3A : i32 to index
      %swap3A_498 = arith.index_cast %mul3A_496 : i32 to index
      %swap3A_499 = tpu.vector_load %arg8[%swap3A_497, %swap3A_498] {strides = array<i32>} : memref<8x2048xf32, #tpu.memory_space<vmem>>, vector<16xf32>,
      tpu.vector_store %arg8[%swap3A_497, %swap3A_498], %add3A_494 {strides = array<i32>} : memref<8x2048xf32, #tpu.memory_space<vmem>>, vector<16xf32>,
    }
    %scan3A_340 = arith.constant 128 : i32
    %scan3A_341 = arith.constant 0 : i32
    %scan3A_342 = arith.constant 0 : i32
    %scan3A_343 = arith.constant 128 : i32
    %scan3A_344 = arith.addi %scan3A_342, %scan3A_343 : i32
    %scan3A_345 = arith.constant 1 : i32
    scf.for %scan3A_482 = %scan3A_342 to %scan3A_344 step %scan3A_345  : i32 {
      %mul3A_483 = arith.constant 16 : i32
      %mul3A_484 = arith.muli %scan3A_482, %mul3A_483 : i32
      %get3A = arith.constant 8 : i32
      %get3A_485 = arith.index_cast %get3A : i32 to index
      %get3A_486 = arith.index_cast %mul3A_484 : i32 to index
      %get3A_487 = tpu.vector_load %arg7[%get3A_485, %get3A_486] {strides = array<i32>} : memref<16x2048xf32, #tpu.memory_space<vmem>>, vector<16xf32>,
      %mul3A_488 = arith.constant 16 : i32
      %mul3A_489 = arith.muli %scan3A_482, %mul3A_488 : i32
      %get3A_490 = arith.constant 9 : i32
      %get3A_491 = arith.index_cast %get3A_490 : i32 to index
      %get3A_492 = arith.index_cast %mul3A_489 : i32 to index
      %get3A_493 = tpu.vector_load %arg7[%get3A_491, %get3A_492] {strides = array<i32>} : memref<16x2048xf32, #tpu.memory_space<vmem>>, vector<16xf32>,
      %add3A_494 = arith.addf %get3A_487, %get3A_493 : vector<16xf32>
      %mul3A_495 = arith.constant 16 : i32
      %mul3A_496 = arith.muli %scan3A_482, %mul3A_495 : i32
      %swap3A = arith.constant 4 : i32
      %swap3A_497 = arith.index_cast %swap3A : i32 to index
      %swap3A_498 = arith.index_cast %mul3A_496 : i32 to index
      %swap3A_499 = tpu.vector_load %arg8[%swap3A_497, %swap3A_498] {strides = array<i32>} : memref<8x2048xf32, #tpu.memory_space<vmem>>, vector<16xf32>,
      tpu.vector_store %arg8[%swap3A_497, %swap3A_498], %add3A_494 {strides = array<i32>} : memref<8x2048xf32, #tpu.memory_space<vmem>>, vector<16xf32>,
    }
    %scan3A_346 = arith.constant 128 : i32
    %scan3A_347 = arith.constant 0 : i32
    %scan3A_348 = arith.constant 0 : i32
    %scan3A_349 = arith.constant 128 : i32
    %scan3A_350 = arith.addi %scan3A_348, %scan3A_349 : i32
    %scan3A_351 = arith.constant 1 : i32
    scf.for %scan3A_482 = %scan3A_348 to %scan3A_350 step %scan3A_351  : i32 {
      %mul3A_483 = arith.constant 16 : i32
      %mul3A_484 = arith.muli %scan3A_482, %mul3A_483 : i32
      %get3A = arith.constant 10 : i32
      %get3A_485 = arith.index_cast %get3A : i32 to index
      %get3A_486 = arith.index_cast %mul3A_484 : i32 to index
      %get3A_487 = tpu.vector_load %arg7[%get3A_485, %get3A_486] {strides = array<i32>} : memref<16x2048xf32, #tpu.memory_space<vmem>>, vector<16xf32>,
      %mul3A_488 = arith.constant 16 : i32
      %mul3A_489 = arith.muli %scan3A_482, %mul3A_488 : i32
      %get3A_490 = arith.constant 11 : i32
      %get3A_491 = arith.index_cast %get3A_490 : i32 to index
      %get3A_492 = arith.index_cast %mul3A_489 : i32 to index
      %get3A_493 = tpu.vector_load %arg7[%get3A_491, %get3A_492] {strides = array<i32>} : memref<16x2048xf32, #tpu.memory_space<vmem>>, vector<16xf32>,
      %add3A_494 = arith.addf %get3A_487, %get3A_493 : vector<16xf32>
      %mul3A_495 = arith.constant 16 : i32
      %mul3A_496 = arith.muli %scan3A_482, %mul3A_495 : i32
      %swap3A = arith.constant 5 : i32
      %swap3A_497 = arith.index_cast %swap3A : i32 to index
      %swap3A_498 = arith.index_cast %mul3A_496 : i32 to index
      %swap3A_499 = tpu.vector_load %arg8[%swap3A_497, %swap3A_498] {strides = array<i32>} : memref<8x2048xf32, #tpu.memory_space<vmem>>, vector<16xf32>,
      tpu.vector_store %arg8[%swap3A_497, %swap3A_498], %add3A_494 {strides = array<i32>} : memref<8x2048xf32, #tpu.memory_space<vmem>>, vector<16xf32>,
    }
    %scan3A_352 = arith.constant 128 : i32
    %scan3A_353 = arith.constant 0 : i32
    %scan3A_354 = arith.constant 0 : i32
    %scan3A_355 = arith.constant 128 : i32
    %scan3A_356 = arith.addi %scan3A_354, %scan3A_355 : i32
    %scan3A_357 = arith.constant 1 : i32
    scf.for %scan3A_482 = %scan3A_354 to %scan3A_356 step %scan3A_357  : i32 {
      %mul3A_483 = arith.constant 16 : i32
      %mul3A_484 = arith.muli %scan3A_482, %mul3A_483 : i32
      %get3A = arith.constant 12 : i32
      %get3A_485 = arith.index_cast %get3A : i32 to index
      %get3A_486 = arith.index_cast %mul3A_484 : i32 to index
      %get3A_487 = tpu.vector_load %arg7[%get3A_485, %get3A_486] {strides = array<i32>} : memref<16x2048xf32, #tpu.memory_space<vmem>>, vector<16xf32>,
      %mul3A_488 = arith.constant 16 : i32
      %mul3A_489 = arith.muli %scan3A_482, %mul3A_488 : i32
      %get3A_490 = arith.constant 13 : i32
      %get3A_491 = arith.index_cast %get3A_490 : i32 to index
      %get3A_492 = arith.index_cast %mul3A_489 : i32 to index
      %get3A_493 = tpu.vector_load %arg7[%get3A_491, %get3A_492] {strides = array<i32>} : memref<16x2048xf32, #tpu.memory_space<vmem>>, vector<16xf32>,
      %add3A_494 = arith.addf %get3A_487, %get3A_493 : vector<16xf32>
      %mul3A_495 = arith.constant 16 : i32
      %mul3A_496 = arith.muli %scan3A_482, %mul3A_495 : i32
      %swap3A = arith.constant 6 : i32
      %swap3A_497 = arith.index_cast %swap3A : i32 to index
      %swap3A_498 = arith.index_cast %mul3A_496 : i32 to index
      %swap3A_499 = tpu.vector_load %arg8[%swap3A_497, %swap3A_498] {strides = array<i32>} : memref<8x2048xf32, #tpu.memory_space<vmem>>, vector<16xf32>,
      tpu.vector_store %arg8[%swap3A_497, %swap3A_498], %add3A_494 {strides = array<i32>} : memref<8x2048xf32, #tpu.memory_space<vmem>>, vector<16xf32>,
    }
    %scan3A_358 = arith.constant 128 : i32
    %scan3A_359 = arith.constant 0 : i32
    %scan3A_360 = arith.constant 0 : i32
    %scan3A_361 = arith.constant 128 : i32
    %scan3A_362 = arith.addi %scan3A_360, %scan3A_361 : i32
    %scan3A_363 = arith.constant 1 : i32
    scf.for %scan3A_482 = %scan3A_360 to %scan3A_362 step %scan3A_363  : i32 {
      %mul3A_483 = arith.constant 16 : i32
      %mul3A_484 = arith.muli %scan3A_482, %mul3A_483 : i32
      %get3A = arith.constant 14 : i32
      %get3A_485 = arith.index_cast %get3A : i32 to index
      %get3A_486 = arith.index_cast %mul3A_484 : i32 to index
      %get3A_487 = tpu.vector_load %arg7[%get3A_485, %get3A_486] {strides = array<i32>} : memref<16x2048xf32, #tpu.memory_space<vmem>>, vector<16xf32>,
      %mul3A_488 = arith.constant 16 : i32
      %mul3A_489 = arith.muli %scan3A_482, %mul3A_488 : i32
      %get3A_490 = arith.constant 15 : i32
      %get3A_491 = arith.index_cast %get3A_490 : i32 to index
      %get3A_492 = arith.index_cast %mul3A_489 : i32 to index
      %get3A_493 = tpu.vector_load %arg7[%get3A_491, %get3A_492] {strides = array<i32>} : memref<16x2048xf32, #tpu.memory_space<vmem>>, vector<16xf32>,
      %add3A_494 = arith.addf %get3A_487, %get3A_493 : vector<16xf32>
      %mul3A_495 = arith.constant 16 : i32
      %mul3A_496 = arith.muli %scan3A_482, %mul3A_495 : i32
      %swap3A = arith.constant 7 : i32
      %swap3A_497 = arith.index_cast %swap3A : i32 to index
      %swap3A_498 = arith.index_cast %mul3A_496 : i32 to index
      %swap3A_499 = tpu.vector_load %arg8[%swap3A_497, %swap3A_498] {strides = array<i32>} : memref<8x2048xf32, #tpu.memory_space<vmem>>, vector<16xf32>,
      tpu.vector_store %arg8[%swap3A_497, %swap3A_498], %add3A_494 {strides = array<i32>} : memref<8x2048xf32, #tpu.memory_space<vmem>>, vector<16xf32>,
    }
    %scan3A_364 = arith.constant 128 : i32
    %add3A_365 = arith.constant 40 : i32
    %add3A_366 = arith.addi %mul3A_2, %add3A_365 : i32
    "tpu.region"() ({
      %run_scoped3A = tpu.sem_alloc : memref<!tpu.dma_semaphore, #tpu.memory_space<semaphore_mem>>
      %dma_start3A_482 = arith.constant 0 : i32
      %dma_start3A_483 = tpu.memref_slice %arg4[%add3A_366, %dma_start3A_482] : memref<2048x2048xf32, #tpu.memory_space<hbm>> -> memref<8x2048xf32, #tpu.memory_space<hbm>>
      %dma_start3A_484 = arith.constant 0 : i32
      %dma_start3A_485 = tpu.memref_slice %arg4[%add3A_366, %dma_start3A_484] : memref<2048x2048xf32, #tpu.memory_space<hbm>> -> memref<8x2048xf32, #tpu.memory_space<hbm>>
      tpu.enqueue_dma source(%arg8 : memref<8x2048xf32, #tpu.memory_space<vmem>>) target(%dma_start3A_485 : memref<8x2048xf32, #tpu.memory_space<hbm>>) target_semaphore(%run_scoped3A : memref<!tpu.dma_semaphore, #tpu.memory_space<semaphore_mem>>)
      %dma_wait3A_486 = arith.constant 0 : i32
      %dma_wait3A_487 = tpu.memref_slice %arg4[%add3A_366, %dma_wait3A_486] : memref<2048x2048xf32, #tpu.memory_space<hbm>> -> memref<8x2048xf32, #tpu.memory_space<hbm>>
      %dma_wait3A_488 = arith.constant 0 : i32
      %dma_wait3A_489 = tpu.memref_slice %arg4[%add3A_366, %dma_wait3A_488] : memref<2048x2048xf32, #tpu.memory_space<hbm>> -> memref<8x2048xf32, #tpu.memory_space<hbm>>
      tpu.wait_dma2 semaphore(%run_scoped3A : memref<!tpu.dma_semaphore, #tpu.memory_space<semaphore_mem>>) src(%arg8 : memref<8x2048xf32, #tpu.memory_space<vmem>>) dst(%dma_wait3A_489 : memref<8x2048xf32, #tpu.memory_space<hbm>>)
      tpu.yield
    }) : () -> ()
    %dma_wait3A_367 = arith.constant 96 : i32
    %dma_wait3A_368 = tpu.memref_slice %arg5[%dma_wait3A_367] : memref<128xi32, #tpu.memory_space<vmem>> -> memref<16xi32, #tpu.memory_space<vmem>>
    %dma_wait3A_369 = arith.constant 0 : i32
    %dma_wait3A_370 = arith.constant 0 : i32
    %dma_wait3A_371 = tpu.memref_slice %arg3[%dma_wait3A_369, %dma_wait3A_370] : memref<5120x2048xf32, #tpu.memory_space<hbm>> -> memref<5120x2048xf32, #tpu.memory_space<hbm>>
    tpu.wait_indirect_dma semaphore(%arg9 : memref<!tpu.dma_semaphore, #tpu.memory_space<semaphore_mem>>) src(%dma_wait3A_371 : memref<5120x2048xf32, #tpu.memory_space<hbm>>) dst(%arg6 : memref<16x2048xf32, #tpu.memory_space<vmem>>)
    %dma_start3A_372 = arith.constant 112 : i32
    %dma_start3A_373 = tpu.memref_slice %arg5[%dma_start3A_372] : memref<128xi32, #tpu.memory_space<vmem>> -> memref<16xi32, #tpu.memory_space<vmem>>
    %dma_start3A_374 = arith.constant 0 : i32
    %dma_start3A_375 = arith.constant 0 : i32
    %dma_start3A_376 = tpu.memref_slice %arg3[%dma_start3A_374, %dma_start3A_375] : memref<5120x2048xf32, #tpu.memory_space<hbm>> -> memref<5120x2048xf32, #tpu.memory_space<hbm>>
    tpu.enqueue_indirect_dma source(%dma_start3A_376 : memref<5120x2048xf32, #tpu.memory_space<hbm>>) target(%arg7 : memref<16x2048xf32, #tpu.memory_space<vmem>>) offsets(%dma_start3A_373 : memref<16xi32, #tpu.memory_space<vmem>>) semaphore(%arg10 : memref<!tpu.dma_semaphore, #tpu.memory_space<semaphore_mem>>)
    %scan3A_377 = arith.constant 0 : i32
    %scan3A_378 = arith.constant 0 : i32
    %scan3A_379 = arith.constant 128 : i32
    %scan3A_380 = arith.addi %scan3A_378, %scan3A_379 : i32
    %scan3A_381 = arith.constant 1 : i32
    scf.for %scan3A_482 = %scan3A_378 to %scan3A_380 step %scan3A_381  : i32 {
      %mul3A_483 = arith.constant 16 : i32
      %mul3A_484 = arith.muli %scan3A_482, %mul3A_483 : i32
      %get3A = arith.constant 0 : i32
      %get3A_485 = arith.index_cast %get3A : i32 to index
      %get3A_486 = arith.index_cast %mul3A_484 : i32 to index
      %get3A_487 = tpu.vector_load %arg6[%get3A_485, %get3A_486] {strides = array<i32>} : memref<16x2048xf32, #tpu.memory_space<vmem>>, vector<16xf32>,
      %mul3A_488 = arith.constant 16 : i32
      %mul3A_489 = arith.muli %scan3A_482, %mul3A_488 : i32
      %get3A_490 = arith.constant 1 : i32
      %get3A_491 = arith.index_cast %get3A_490 : i32 to index
      %get3A_492 = arith.index_cast %mul3A_489 : i32 to index
      %get3A_493 = tpu.vector_load %arg6[%get3A_491, %get3A_492] {strides = array<i32>} : memref<16x2048xf32, #tpu.memory_space<vmem>>, vector<16xf32>,
      %add3A_494 = arith.addf %get3A_487, %get3A_493 : vector<16xf32>
      %mul3A_495 = arith.constant 16 : i32
      %mul3A_496 = arith.muli %scan3A_482, %mul3A_495 : i32
      %swap3A = arith.constant 0 : i32
      %swap3A_497 = arith.index_cast %swap3A : i32 to index
      %swap3A_498 = arith.index_cast %mul3A_496 : i32 to index
      %swap3A_499 = tpu.vector_load %arg8[%swap3A_497, %swap3A_498] {strides = array<i32>} : memref<8x2048xf32, #tpu.memory_space<vmem>>, vector<16xf32>,
      tpu.vector_store %arg8[%swap3A_497, %swap3A_498], %add3A_494 {strides = array<i32>} : memref<8x2048xf32, #tpu.memory_space<vmem>>, vector<16xf32>,
    }
    %scan3A_382 = arith.constant 128 : i32
    %scan3A_383 = arith.constant 0 : i32
    %scan3A_384 = arith.constant 0 : i32
    %scan3A_385 = arith.constant 128 : i32
    %scan3A_386 = arith.addi %scan3A_384, %scan3A_385 : i32
    %scan3A_387 = arith.constant 1 : i32
    scf.for %scan3A_482 = %scan3A_384 to %scan3A_386 step %scan3A_387  : i32 {
      %mul3A_483 = arith.constant 16 : i32
      %mul3A_484 = arith.muli %scan3A_482, %mul3A_483 : i32
      %get3A = arith.constant 2 : i32
      %get3A_485 = arith.index_cast %get3A : i32 to index
      %get3A_486 = arith.index_cast %mul3A_484 : i32 to index
      %get3A_487 = tpu.vector_load %arg6[%get3A_485, %get3A_486] {strides = array<i32>} : memref<16x2048xf32, #tpu.memory_space<vmem>>, vector<16xf32>,
      %mul3A_488 = arith.constant 16 : i32
      %mul3A_489 = arith.muli %scan3A_482, %mul3A_488 : i32
      %get3A_490 = arith.constant 3 : i32
      %get3A_491 = arith.index_cast %get3A_490 : i32 to index
      %get3A_492 = arith.index_cast %mul3A_489 : i32 to index
      %get3A_493 = tpu.vector_load %arg6[%get3A_491, %get3A_492] {strides = array<i32>} : memref<16x2048xf32, #tpu.memory_space<vmem>>, vector<16xf32>,
      %add3A_494 = arith.addf %get3A_487, %get3A_493 : vector<16xf32>
      %mul3A_495 = arith.constant 16 : i32
      %mul3A_496 = arith.muli %scan3A_482, %mul3A_495 : i32
      %swap3A = arith.constant 1 : i32
      %swap3A_497 = arith.index_cast %swap3A : i32 to index
      %swap3A_498 = arith.index_cast %mul3A_496 : i32 to index
      %swap3A_499 = tpu.vector_load %arg8[%swap3A_497, %swap3A_498] {strides = array<i32>} : memref<8x2048xf32, #tpu.memory_space<vmem>>, vector<16xf32>,
      tpu.vector_store %arg8[%swap3A_497, %swap3A_498], %add3A_494 {strides = array<i32>} : memref<8x2048xf32, #tpu.memory_space<vmem>>, vector<16xf32>,
    }
    %scan3A_388 = arith.constant 128 : i32
    %scan3A_389 = arith.constant 0 : i32
    %scan3A_390 = arith.constant 0 : i32
    %scan3A_391 = arith.constant 128 : i32
    %scan3A_392 = arith.addi %scan3A_390, %scan3A_391 : i32
    %scan3A_393 = arith.constant 1 : i32
    scf.for %scan3A_482 = %scan3A_390 to %scan3A_392 step %scan3A_393  : i32 {
      %mul3A_483 = arith.constant 16 : i32
      %mul3A_484 = arith.muli %scan3A_482, %mul3A_483 : i32
      %get3A = arith.constant 4 : i32
      %get3A_485 = arith.index_cast %get3A : i32 to index
      %get3A_486 = arith.index_cast %mul3A_484 : i32 to index
      %get3A_487 = tpu.vector_load %arg6[%get3A_485, %get3A_486] {strides = array<i32>} : memref<16x2048xf32, #tpu.memory_space<vmem>>, vector<16xf32>,
      %mul3A_488 = arith.constant 16 : i32
      %mul3A_489 = arith.muli %scan3A_482, %mul3A_488 : i32
      %get3A_490 = arith.constant 5 : i32
      %get3A_491 = arith.index_cast %get3A_490 : i32 to index
      %get3A_492 = arith.index_cast %mul3A_489 : i32 to index
      %get3A_493 = tpu.vector_load %arg6[%get3A_491, %get3A_492] {strides = array<i32>} : memref<16x2048xf32, #tpu.memory_space<vmem>>, vector<16xf32>,
      %add3A_494 = arith.addf %get3A_487, %get3A_493 : vector<16xf32>
      %mul3A_495 = arith.constant 16 : i32
      %mul3A_496 = arith.muli %scan3A_482, %mul3A_495 : i32
      %swap3A = arith.constant 2 : i32
      %swap3A_497 = arith.index_cast %swap3A : i32 to index
      %swap3A_498 = arith.index_cast %mul3A_496 : i32 to index
      %swap3A_499 = tpu.vector_load %arg8[%swap3A_497, %swap3A_498] {strides = array<i32>} : memref<8x2048xf32, #tpu.memory_space<vmem>>, vector<16xf32>,
      tpu.vector_store %arg8[%swap3A_497, %swap3A_498], %add3A_494 {strides = array<i32>} : memref<8x2048xf32, #tpu.memory_space<vmem>>, vector<16xf32>,
    }
    %scan3A_394 = arith.constant 128 : i32
    %scan3A_395 = arith.constant 0 : i32
    %scan3A_396 = arith.constant 0 : i32
    %scan3A_397 = arith.constant 128 : i32
    %scan3A_398 = arith.addi %scan3A_396, %scan3A_397 : i32
    %scan3A_399 = arith.constant 1 : i32
    scf.for %scan3A_482 = %scan3A_396 to %scan3A_398 step %scan3A_399  : i32 {
      %mul3A_483 = arith.constant 16 : i32
      %mul3A_484 = arith.muli %scan3A_482, %mul3A_483 : i32
      %get3A = arith.constant 6 : i32
      %get3A_485 = arith.index_cast %get3A : i32 to index
      %get3A_486 = arith.index_cast %mul3A_484 : i32 to index
      %get3A_487 = tpu.vector_load %arg6[%get3A_485, %get3A_486] {strides = array<i32>} : memref<16x2048xf32, #tpu.memory_space<vmem>>, vector<16xf32>,
      %mul3A_488 = arith.constant 16 : i32
      %mul3A_489 = arith.muli %scan3A_482, %mul3A_488 : i32
      %get3A_490 = arith.constant 7 : i32
      %get3A_491 = arith.index_cast %get3A_490 : i32 to index
      %get3A_492 = arith.index_cast %mul3A_489 : i32 to index
      %get3A_493 = tpu.vector_load %arg6[%get3A_491, %get3A_492] {strides = array<i32>} : memref<16x2048xf32, #tpu.memory_space<vmem>>, vector<16xf32>,
      %add3A_494 = arith.addf %get3A_487, %get3A_493 : vector<16xf32>
      %mul3A_495 = arith.constant 16 : i32
      %mul3A_496 = arith.muli %scan3A_482, %mul3A_495 : i32
      %swap3A = arith.constant 3 : i32
      %swap3A_497 = arith.index_cast %swap3A : i32 to index
      %swap3A_498 = arith.index_cast %mul3A_496 : i32 to index
      %swap3A_499 = tpu.vector_load %arg8[%swap3A_497, %swap3A_498] {strides = array<i32>} : memref<8x2048xf32, #tpu.memory_space<vmem>>, vector<16xf32>,
      tpu.vector_store %arg8[%swap3A_497, %swap3A_498], %add3A_494 {strides = array<i32>} : memref<8x2048xf32, #tpu.memory_space<vmem>>, vector<16xf32>,
    }
    %scan3A_400 = arith.constant 128 : i32
    %scan3A_401 = arith.constant 0 : i32
    %scan3A_402 = arith.constant 0 : i32
    %scan3A_403 = arith.constant 128 : i32
    %scan3A_404 = arith.addi %scan3A_402, %scan3A_403 : i32
    %scan3A_405 = arith.constant 1 : i32
    scf.for %scan3A_482 = %scan3A_402 to %scan3A_404 step %scan3A_405  : i32 {
      %mul3A_483 = arith.constant 16 : i32
      %mul3A_484 = arith.muli %scan3A_482, %mul3A_483 : i32
      %get3A = arith.constant 8 : i32
      %get3A_485 = arith.index_cast %get3A : i32 to index
      %get3A_486 = arith.index_cast %mul3A_484 : i32 to index
      %get3A_487 = tpu.vector_load %arg6[%get3A_485, %get3A_486] {strides = array<i32>} : memref<16x2048xf32, #tpu.memory_space<vmem>>, vector<16xf32>,
      %mul3A_488 = arith.constant 16 : i32
      %mul3A_489 = arith.muli %scan3A_482, %mul3A_488 : i32
      %get3A_490 = arith.constant 9 : i32
      %get3A_491 = arith.index_cast %get3A_490 : i32 to index
      %get3A_492 = arith.index_cast %mul3A_489 : i32 to index
      %get3A_493 = tpu.vector_load %arg6[%get3A_491, %get3A_492] {strides = array<i32>} : memref<16x2048xf32, #tpu.memory_space<vmem>>, vector<16xf32>,
      %add3A_494 = arith.addf %get3A_487, %get3A_493 : vector<16xf32>
      %mul3A_495 = arith.constant 16 : i32
      %mul3A_496 = arith.muli %scan3A_482, %mul3A_495 : i32
      %swap3A = arith.constant 4 : i32
      %swap3A_497 = arith.index_cast %swap3A : i32 to index
      %swap3A_498 = arith.index_cast %mul3A_496 : i32 to index
      %swap3A_499 = tpu.vector_load %arg8[%swap3A_497, %swap3A_498] {strides = array<i32>} : memref<8x2048xf32, #tpu.memory_space<vmem>>, vector<16xf32>,
      tpu.vector_store %arg8[%swap3A_497, %swap3A_498], %add3A_494 {strides = array<i32>} : memref<8x2048xf32, #tpu.memory_space<vmem>>, vector<16xf32>,
    }
    %scan3A_406 = arith.constant 128 : i32
    %scan3A_407 = arith.constant 0 : i32
    %scan3A_408 = arith.constant 0 : i32
    %scan3A_409 = arith.constant 128 : i32
    %scan3A_410 = arith.addi %scan3A_408, %scan3A_409 : i32
    %scan3A_411 = arith.constant 1 : i32
    scf.for %scan3A_482 = %scan3A_408 to %scan3A_410 step %scan3A_411  : i32 {
      %mul3A_483 = arith.constant 16 : i32
      %mul3A_484 = arith.muli %scan3A_482, %mul3A_483 : i32
      %get3A = arith.constant 10 : i32
      %get3A_485 = arith.index_cast %get3A : i32 to index
      %get3A_486 = arith.index_cast %mul3A_484 : i32 to index
      %get3A_487 = tpu.vector_load %arg6[%get3A_485, %get3A_486] {strides = array<i32>} : memref<16x2048xf32, #tpu.memory_space<vmem>>, vector<16xf32>,
      %mul3A_488 = arith.constant 16 : i32
      %mul3A_489 = arith.muli %scan3A_482, %mul3A_488 : i32
      %get3A_490 = arith.constant 11 : i32
      %get3A_491 = arith.index_cast %get3A_490 : i32 to index
      %get3A_492 = arith.index_cast %mul3A_489 : i32 to index
      %get3A_493 = tpu.vector_load %arg6[%get3A_491, %get3A_492] {strides = array<i32>} : memref<16x2048xf32, #tpu.memory_space<vmem>>, vector<16xf32>,
      %add3A_494 = arith.addf %get3A_487, %get3A_493 : vector<16xf32>
      %mul3A_495 = arith.constant 16 : i32
      %mul3A_496 = arith.muli %scan3A_482, %mul3A_495 : i32
      %swap3A = arith.constant 5 : i32
      %swap3A_497 = arith.index_cast %swap3A : i32 to index
      %swap3A_498 = arith.index_cast %mul3A_496 : i32 to index
      %swap3A_499 = tpu.vector_load %arg8[%swap3A_497, %swap3A_498] {strides = array<i32>} : memref<8x2048xf32, #tpu.memory_space<vmem>>, vector<16xf32>,
      tpu.vector_store %arg8[%swap3A_497, %swap3A_498], %add3A_494 {strides = array<i32>} : memref<8x2048xf32, #tpu.memory_space<vmem>>, vector<16xf32>,
    }
    %scan3A_412 = arith.constant 128 : i32
    %scan3A_413 = arith.constant 0 : i32
    %scan3A_414 = arith.constant 0 : i32
    %scan3A_415 = arith.constant 128 : i32
    %scan3A_416 = arith.addi %scan3A_414, %scan3A_415 : i32
    %scan3A_417 = arith.constant 1 : i32
    scf.for %scan3A_482 = %scan3A_414 to %scan3A_416 step %scan3A_417  : i32 {
      %mul3A_483 = arith.constant 16 : i32
      %mul3A_484 = arith.muli %scan3A_482, %mul3A_483 : i32
      %get3A = arith.constant 12 : i32
      %get3A_485 = arith.index_cast %get3A : i32 to index
      %get3A_486 = arith.index_cast %mul3A_484 : i32 to index
      %get3A_487 = tpu.vector_load %arg6[%get3A_485, %get3A_486] {strides = array<i32>} : memref<16x2048xf32, #tpu.memory_space<vmem>>, vector<16xf32>,
      %mul3A_488 = arith.constant 16 : i32
      %mul3A_489 = arith.muli %scan3A_482, %mul3A_488 : i32
      %get3A_490 = arith.constant 13 : i32
      %get3A_491 = arith.index_cast %get3A_490 : i32 to index
      %get3A_492 = arith.index_cast %mul3A_489 : i32 to index
      %get3A_493 = tpu.vector_load %arg6[%get3A_491, %get3A_492] {strides = array<i32>} : memref<16x2048xf32, #tpu.memory_space<vmem>>, vector<16xf32>,
      %add3A_494 = arith.addf %get3A_487, %get3A_493 : vector<16xf32>
      %mul3A_495 = arith.constant 16 : i32
      %mul3A_496 = arith.muli %scan3A_482, %mul3A_495 : i32
      %swap3A = arith.constant 6 : i32
      %swap3A_497 = arith.index_cast %swap3A : i32 to index
      %swap3A_498 = arith.index_cast %mul3A_496 : i32 to index
      %swap3A_499 = tpu.vector_load %arg8[%swap3A_497, %swap3A_498] {strides = array<i32>} : memref<8x2048xf32, #tpu.memory_space<vmem>>, vector<16xf32>,
      tpu.vector_store %arg8[%swap3A_497, %swap3A_498], %add3A_494 {strides = array<i32>} : memref<8x2048xf32, #tpu.memory_space<vmem>>, vector<16xf32>,
    }
    %scan3A_418 = arith.constant 128 : i32
    %scan3A_419 = arith.constant 0 : i32
    %scan3A_420 = arith.constant 0 : i32
    %scan3A_421 = arith.constant 128 : i32
    %scan3A_422 = arith.addi %scan3A_420, %scan3A_421 : i32
    %scan3A_423 = arith.constant 1 : i32
    scf.for %scan3A_482 = %scan3A_420 to %scan3A_422 step %scan3A_423  : i32 {
      %mul3A_483 = arith.constant 16 : i32
      %mul3A_484 = arith.muli %scan3A_482, %mul3A_483 : i32
      %get3A = arith.constant 14 : i32
      %get3A_485 = arith.index_cast %get3A : i32 to index
      %get3A_486 = arith.index_cast %mul3A_484 : i32 to index
      %get3A_487 = tpu.vector_load %arg6[%get3A_485, %get3A_486] {strides = array<i32>} : memref<16x2048xf32, #tpu.memory_space<vmem>>, vector<16xf32>,
      %mul3A_488 = arith.constant 16 : i32
      %mul3A_489 = arith.muli %scan3A_482, %mul3A_488 : i32
      %get3A_490 = arith.constant 15 : i32
      %get3A_491 = arith.index_cast %get3A_490 : i32 to index
      %get3A_492 = arith.index_cast %mul3A_489 : i32 to index
      %get3A_493 = tpu.vector_load %arg6[%get3A_491, %get3A_492] {strides = array<i32>} : memref<16x2048xf32, #tpu.memory_space<vmem>>, vector<16xf32>,
      %add3A_494 = arith.addf %get3A_487, %get3A_493 : vector<16xf32>
      %mul3A_495 = arith.constant 16 : i32
      %mul3A_496 = arith.muli %scan3A_482, %mul3A_495 : i32
      %swap3A = arith.constant 7 : i32
      %swap3A_497 = arith.index_cast %swap3A : i32 to index
      %swap3A_498 = arith.index_cast %mul3A_496 : i32 to index
      %swap3A_499 = tpu.vector_load %arg8[%swap3A_497, %swap3A_498] {strides = array<i32>} : memref<8x2048xf32, #tpu.memory_space<vmem>>, vector<16xf32>,
      tpu.vector_store %arg8[%swap3A_497, %swap3A_498], %add3A_494 {strides = array<i32>} : memref<8x2048xf32, #tpu.memory_space<vmem>>, vector<16xf32>,
    }
    %scan3A_424 = arith.constant 128 : i32
    %add3A_425 = arith.constant 48 : i32
    %add3A_426 = arith.addi %mul3A_2, %add3A_425 : i32
    "tpu.region"() ({
      %run_scoped3A = tpu.sem_alloc : memref<!tpu.dma_semaphore, #tpu.memory_space<semaphore_mem>>
      %dma_start3A_482 = arith.constant 0 : i32
      %dma_start3A_483 = tpu.memref_slice %arg4[%add3A_426, %dma_start3A_482] : memref<2048x2048xf32, #tpu.memory_space<hbm>> -> memref<8x2048xf32, #tpu.memory_space<hbm>>
      %dma_start3A_484 = arith.constant 0 : i32
      %dma_start3A_485 = tpu.memref_slice %arg4[%add3A_426, %dma_start3A_484] : memref<2048x2048xf32, #tpu.memory_space<hbm>> -> memref<8x2048xf32, #tpu.memory_space<hbm>>
      tpu.enqueue_dma source(%arg8 : memref<8x2048xf32, #tpu.memory_space<vmem>>) target(%dma_start3A_485 : memref<8x2048xf32, #tpu.memory_space<hbm>>) target_semaphore(%run_scoped3A : memref<!tpu.dma_semaphore, #tpu.memory_space<semaphore_mem>>)
      %dma_wait3A_486 = arith.constant 0 : i32
      %dma_wait3A_487 = tpu.memref_slice %arg4[%add3A_426, %dma_wait3A_486] : memref<2048x2048xf32, #tpu.memory_space<hbm>> -> memref<8x2048xf32, #tpu.memory_space<hbm>>
      %dma_wait3A_488 = arith.constant 0 : i32
      %dma_wait3A_489 = tpu.memref_slice %arg4[%add3A_426, %dma_wait3A_488] : memref<2048x2048xf32, #tpu.memory_space<hbm>> -> memref<8x2048xf32, #tpu.memory_space<hbm>>
      tpu.wait_dma2 semaphore(%run_scoped3A : memref<!tpu.dma_semaphore, #tpu.memory_space<semaphore_mem>>) src(%arg8 : memref<8x2048xf32, #tpu.memory_space<vmem>>) dst(%dma_wait3A_489 : memref<8x2048xf32, #tpu.memory_space<hbm>>)
      tpu.yield
    }) : () -> ()
    %dma_wait3A_427 = arith.constant 112 : i32
    %dma_wait3A_428 = tpu.memref_slice %arg5[%dma_wait3A_427] : memref<128xi32, #tpu.memory_space<vmem>> -> memref<16xi32, #tpu.memory_space<vmem>>
    %dma_wait3A_429 = arith.constant 0 : i32
    %dma_wait3A_430 = arith.constant 0 : i32
    %dma_wait3A_431 = tpu.memref_slice %arg3[%dma_wait3A_429, %dma_wait3A_430] : memref<5120x2048xf32, #tpu.memory_space<hbm>> -> memref<5120x2048xf32, #tpu.memory_space<hbm>>
    tpu.wait_indirect_dma semaphore(%arg10 : memref<!tpu.dma_semaphore, #tpu.memory_space<semaphore_mem>>) src(%dma_wait3A_431 : memref<5120x2048xf32, #tpu.memory_space<hbm>>) dst(%arg7 : memref<16x2048xf32, #tpu.memory_space<vmem>>)
    %scan3A_432 = arith.constant 0 : i32
    %scan3A_433 = arith.constant 0 : i32
    %scan3A_434 = arith.constant 128 : i32
    %scan3A_435 = arith.addi %scan3A_433, %scan3A_434 : i32
    %scan3A_436 = arith.constant 1 : i32
    scf.for %scan3A_482 = %scan3A_433 to %scan3A_435 step %scan3A_436  : i32 {
      %mul3A_483 = arith.constant 16 : i32
      %mul3A_484 = arith.muli %scan3A_482, %mul3A_483 : i32
      %get3A = arith.constant 0 : i32
      %get3A_485 = arith.index_cast %get3A : i32 to index
      %get3A_486 = arith.index_cast %mul3A_484 : i32 to index
      %get3A_487 = tpu.vector_load %arg7[%get3A_485, %get3A_486] {strides = array<i32>} : memref<16x2048xf32, #tpu.memory_space<vmem>>, vector<16xf32>,
      %mul3A_488 = arith.constant 16 : i32
      %mul3A_489 = arith.muli %scan3A_482, %mul3A_488 : i32
      %get3A_490 = arith.constant 1 : i32
      %get3A_491 = arith.index_cast %get3A_490 : i32 to index
      %get3A_492 = arith.index_cast %mul3A_489 : i32 to index
      %get3A_493 = tpu.vector_load %arg7[%get3A_491, %get3A_492] {strides = array<i32>} : memref<16x2048xf32, #tpu.memory_space<vmem>>, vector<16xf32>,
      %add3A_494 = arith.addf %get3A_487, %get3A_493 : vector<16xf32>
      %mul3A_495 = arith.constant 16 : i32
      %mul3A_496 = arith.muli %scan3A_482, %mul3A_495 : i32
      %swap3A = arith.constant 0 : i32
      %swap3A_497 = arith.index_cast %swap3A : i32 to index
      %swap3A_498 = arith.index_cast %mul3A_496 : i32 to index
      %swap3A_499 = tpu.vector_load %arg8[%swap3A_497, %swap3A_498] {strides = array<i32>} : memref<8x2048xf32, #tpu.memory_space<vmem>>, vector<16xf32>,
      tpu.vector_store %arg8[%swap3A_497, %swap3A_498], %add3A_494 {strides = array<i32>} : memref<8x2048xf32, #tpu.memory_space<vmem>>, vector<16xf32>,
    }
    %scan3A_437 = arith.constant 128 : i32
    %scan3A_438 = arith.constant 0 : i32
    %scan3A_439 = arith.constant 0 : i32
    %scan3A_440 = arith.constant 128 : i32
    %scan3A_441 = arith.addi %scan3A_439, %scan3A_440 : i32
    %scan3A_442 = arith.constant 1 : i32
    scf.for %scan3A_482 = %scan3A_439 to %scan3A_441 step %scan3A_442  : i32 {
      %mul3A_483 = arith.constant 16 : i32
      %mul3A_484 = arith.muli %scan3A_482, %mul3A_483 : i32
      %get3A = arith.constant 2 : i32
      %get3A_485 = arith.index_cast %get3A : i32 to index
      %get3A_486 = arith.index_cast %mul3A_484 : i32 to index
      %get3A_487 = tpu.vector_load %arg7[%get3A_485, %get3A_486] {strides = array<i32>} : memref<16x2048xf32, #tpu.memory_space<vmem>>, vector<16xf32>,
      %mul3A_488 = arith.constant 16 : i32
      %mul3A_489 = arith.muli %scan3A_482, %mul3A_488 : i32
      %get3A_490 = arith.constant 3 : i32
      %get3A_491 = arith.index_cast %get3A_490 : i32 to index
      %get3A_492 = arith.index_cast %mul3A_489 : i32 to index
      %get3A_493 = tpu.vector_load %arg7[%get3A_491, %get3A_492] {strides = array<i32>} : memref<16x2048xf32, #tpu.memory_space<vmem>>, vector<16xf32>,
      %add3A_494 = arith.addf %get3A_487, %get3A_493 : vector<16xf32>
      %mul3A_495 = arith.constant 16 : i32
      %mul3A_496 = arith.muli %scan3A_482, %mul3A_495 : i32
      %swap3A = arith.constant 1 : i32
      %swap3A_497 = arith.index_cast %swap3A : i32 to index
      %swap3A_498 = arith.index_cast %mul3A_496 : i32 to index
      %swap3A_499 = tpu.vector_load %arg8[%swap3A_497, %swap3A_498] {strides = array<i32>} : memref<8x2048xf32, #tpu.memory_space<vmem>>, vector<16xf32>,
      tpu.vector_store %arg8[%swap3A_497, %swap3A_498], %add3A_494 {strides = array<i32>} : memref<8x2048xf32, #tpu.memory_space<vmem>>, vector<16xf32>,
    }
    %scan3A_443 = arith.constant 128 : i32
    %scan3A_444 = arith.constant 0 : i32
    %scan3A_445 = arith.constant 0 : i32
    %scan3A_446 = arith.constant 128 : i32
    %scan3A_447 = arith.addi %scan3A_445, %scan3A_446 : i32
    %scan3A_448 = arith.constant 1 : i32
    scf.for %scan3A_482 = %scan3A_445 to %scan3A_447 step %scan3A_448  : i32 {
      %mul3A_483 = arith.constant 16 : i32
      %mul3A_484 = arith.muli %scan3A_482, %mul3A_483 : i32
      %get3A = arith.constant 4 : i32
      %get3A_485 = arith.index_cast %get3A : i32 to index
      %get3A_486 = arith.index_cast %mul3A_484 : i32 to index
      %get3A_487 = tpu.vector_load %arg7[%get3A_485, %get3A_486] {strides = array<i32>} : memref<16x2048xf32, #tpu.memory_space<vmem>>, vector<16xf32>,
      %mul3A_488 = arith.constant 16 : i32
      %mul3A_489 = arith.muli %scan3A_482, %mul3A_488 : i32
      %get3A_490 = arith.constant 5 : i32
      %get3A_491 = arith.index_cast %get3A_490 : i32 to index
      %get3A_492 = arith.index_cast %mul3A_489 : i32 to index
      %get3A_493 = tpu.vector_load %arg7[%get3A_491, %get3A_492] {strides = array<i32>} : memref<16x2048xf32, #tpu.memory_space<vmem>>, vector<16xf32>,
      %add3A_494 = arith.addf %get3A_487, %get3A_493 : vector<16xf32>
      %mul3A_495 = arith.constant 16 : i32
      %mul3A_496 = arith.muli %scan3A_482, %mul3A_495 : i32
      %swap3A = arith.constant 2 : i32
      %swap3A_497 = arith.index_cast %swap3A : i32 to index
      %swap3A_498 = arith.index_cast %mul3A_496 : i32 to index
      %swap3A_499 = tpu.vector_load %arg8[%swap3A_497, %swap3A_498] {strides = array<i32>} : memref<8x2048xf32, #tpu.memory_space<vmem>>, vector<16xf32>,
      tpu.vector_store %arg8[%swap3A_497, %swap3A_498], %add3A_494 {strides = array<i32>} : memref<8x2048xf32, #tpu.memory_space<vmem>>, vector<16xf32>,
    }
    %scan3A_449 = arith.constant 128 : i32
    %scan3A_450 = arith.constant 0 : i32
    %scan3A_451 = arith.constant 0 : i32
    %scan3A_452 = arith.constant 128 : i32
    %scan3A_453 = arith.addi %scan3A_451, %scan3A_452 : i32
    %scan3A_454 = arith.constant 1 : i32
    scf.for %scan3A_482 = %scan3A_451 to %scan3A_453 step %scan3A_454  : i32 {
      %mul3A_483 = arith.constant 16 : i32
      %mul3A_484 = arith.muli %scan3A_482, %mul3A_483 : i32
      %get3A = arith.constant 6 : i32
      %get3A_485 = arith.index_cast %get3A : i32 to index
      %get3A_486 = arith.index_cast %mul3A_484 : i32 to index
      %get3A_487 = tpu.vector_load %arg7[%get3A_485, %get3A_486] {strides = array<i32>} : memref<16x2048xf32, #tpu.memory_space<vmem>>, vector<16xf32>,
      %mul3A_488 = arith.constant 16 : i32
      %mul3A_489 = arith.muli %scan3A_482, %mul3A_488 : i32
      %get3A_490 = arith.constant 7 : i32
      %get3A_491 = arith.index_cast %get3A_490 : i32 to index
      %get3A_492 = arith.index_cast %mul3A_489 : i32 to index
      %get3A_493 = tpu.vector_load %arg7[%get3A_491, %get3A_492] {strides = array<i32>} : memref<16x2048xf32, #tpu.memory_space<vmem>>, vector<16xf32>,
      %add3A_494 = arith.addf %get3A_487, %get3A_493 : vector<16xf32>
      %mul3A_495 = arith.constant 16 : i32
      %mul3A_496 = arith.muli %scan3A_482, %mul3A_495 : i32
      %swap3A = arith.constant 3 : i32
      %swap3A_497 = arith.index_cast %swap3A : i32 to index
      %swap3A_498 = arith.index_cast %mul3A_496 : i32 to index
      %swap3A_499 = tpu.vector_load %arg8[%swap3A_497, %swap3A_498] {strides = array<i32>} : memref<8x2048xf32, #tpu.memory_space<vmem>>, vector<16xf32>,
      tpu.vector_store %arg8[%swap3A_497, %swap3A_498], %add3A_494 {strides = array<i32>} : memref<8x2048xf32, #tpu.memory_space<vmem>>, vector<16xf32>,
    }
    %scan3A_455 = arith.constant 128 : i32
    %scan3A_456 = arith.constant 0 : i32
    %scan3A_457 = arith.constant 0 : i32
    %scan3A_458 = arith.constant 128 : i32
    %scan3A_459 = arith.addi %scan3A_457, %scan3A_458 : i32
    %scan3A_460 = arith.constant 1 : i32
    scf.for %scan3A_482 = %scan3A_457 to %scan3A_459 step %scan3A_460  : i32 {
      %mul3A_483 = arith.constant 16 : i32
      %mul3A_484 = arith.muli %scan3A_482, %mul3A_483 : i32
      %get3A = arith.constant 8 : i32
      %get3A_485 = arith.index_cast %get3A : i32 to index
      %get3A_486 = arith.index_cast %mul3A_484 : i32 to index
      %get3A_487 = tpu.vector_load %arg7[%get3A_485, %get3A_486] {strides = array<i32>} : memref<16x2048xf32, #tpu.memory_space<vmem>>, vector<16xf32>,
      %mul3A_488 = arith.constant 16 : i32
      %mul3A_489 = arith.muli %scan3A_482, %mul3A_488 : i32
      %get3A_490 = arith.constant 9 : i32
      %get3A_491 = arith.index_cast %get3A_490 : i32 to index
      %get3A_492 = arith.index_cast %mul3A_489 : i32 to index
      %get3A_493 = tpu.vector_load %arg7[%get3A_491, %get3A_492] {strides = array<i32>} : memref<16x2048xf32, #tpu.memory_space<vmem>>, vector<16xf32>,
      %add3A_494 = arith.addf %get3A_487, %get3A_493 : vector<16xf32>
      %mul3A_495 = arith.constant 16 : i32
      %mul3A_496 = arith.muli %scan3A_482, %mul3A_495 : i32
      %swap3A = arith.constant 4 : i32
      %swap3A_497 = arith.index_cast %swap3A : i32 to index
      %swap3A_498 = arith.index_cast %mul3A_496 : i32 to index
      %swap3A_499 = tpu.vector_load %arg8[%swap3A_497, %swap3A_498] {strides = array<i32>} : memref<8x2048xf32, #tpu.memory_space<vmem>>, vector<16xf32>,
      tpu.vector_store %arg8[%swap3A_497, %swap3A_498], %add3A_494 {strides = array<i32>} : memref<8x2048xf32, #tpu.memory_space<vmem>>, vector<16xf32>,
    }
    %scan3A_461 = arith.constant 128 : i32
    %scan3A_462 = arith.constant 0 : i32
    %scan3A_463 = arith.constant 0 : i32
    %scan3A_464 = arith.constant 128 : i32
    %scan3A_465 = arith.addi %scan3A_463, %scan3A_464 : i32
    %scan3A_466 = arith.constant 1 : i32
    scf.for %scan3A_482 = %scan3A_463 to %scan3A_465 step %scan3A_466  : i32 {
      %mul3A_483 = arith.constant 16 : i32
      %mul3A_484 = arith.muli %scan3A_482, %mul3A_483 : i32
      %get3A = arith.constant 10 : i32
      %get3A_485 = arith.index_cast %get3A : i32 to index
      %get3A_486 = arith.index_cast %mul3A_484 : i32 to index
      %get3A_487 = tpu.vector_load %arg7[%get3A_485, %get3A_486] {strides = array<i32>} : memref<16x2048xf32, #tpu.memory_space<vmem>>, vector<16xf32>,
      %mul3A_488 = arith.constant 16 : i32
      %mul3A_489 = arith.muli %scan3A_482, %mul3A_488 : i32
      %get3A_490 = arith.constant 11 : i32
      %get3A_491 = arith.index_cast %get3A_490 : i32 to index
      %get3A_492 = arith.index_cast %mul3A_489 : i32 to index
      %get3A_493 = tpu.vector_load %arg7[%get3A_491, %get3A_492] {strides = array<i32>} : memref<16x2048xf32, #tpu.memory_space<vmem>>, vector<16xf32>,
      %add3A_494 = arith.addf %get3A_487, %get3A_493 : vector<16xf32>
      %mul3A_495 = arith.constant 16 : i32
      %mul3A_496 = arith.muli %scan3A_482, %mul3A_495 : i32
      %swap3A = arith.constant 5 : i32
      %swap3A_497 = arith.index_cast %swap3A : i32 to index
      %swap3A_498 = arith.index_cast %mul3A_496 : i32 to index
      %swap3A_499 = tpu.vector_load %arg8[%swap3A_497, %swap3A_498] {strides = array<i32>} : memref<8x2048xf32, #tpu.memory_space<vmem>>, vector<16xf32>,
      tpu.vector_store %arg8[%swap3A_497, %swap3A_498], %add3A_494 {strides = array<i32>} : memref<8x2048xf32, #tpu.memory_space<vmem>>, vector<16xf32>,
    }
    %scan3A_467 = arith.constant 128 : i32
    %scan3A_468 = arith.constant 0 : i32
    %scan3A_469 = arith.constant 0 : i32
    %scan3A_470 = arith.constant 128 : i32
    %scan3A_471 = arith.addi %scan3A_469, %scan3A_470 : i32
    %scan3A_472 = arith.constant 1 : i32
    scf.for %scan3A_482 = %scan3A_469 to %scan3A_471 step %scan3A_472  : i32 {
      %mul3A_483 = arith.constant 16 : i32
      %mul3A_484 = arith.muli %scan3A_482, %mul3A_483 : i32
      %get3A = arith.constant 12 : i32
      %get3A_485 = arith.index_cast %get3A : i32 to index
      %get3A_486 = arith.index_cast %mul3A_484 : i32 to index
      %get3A_487 = tpu.vector_load %arg7[%get3A_485, %get3A_486] {strides = array<i32>} : memref<16x2048xf32, #tpu.memory_space<vmem>>, vector<16xf32>,
      %mul3A_488 = arith.constant 16 : i32
      %mul3A_489 = arith.muli %scan3A_482, %mul3A_488 : i32
      %get3A_490 = arith.constant 13 : i32
      %get3A_491 = arith.index_cast %get3A_490 : i32 to index
      %get3A_492 = arith.index_cast %mul3A_489 : i32 to index
      %get3A_493 = tpu.vector_load %arg7[%get3A_491, %get3A_492] {strides = array<i32>} : memref<16x2048xf32, #tpu.memory_space<vmem>>, vector<16xf32>,
      %add3A_494 = arith.addf %get3A_487, %get3A_493 : vector<16xf32>
      %mul3A_495 = arith.constant 16 : i32
      %mul3A_496 = arith.muli %scan3A_482, %mul3A_495 : i32
      %swap3A = arith.constant 6 : i32
      %swap3A_497 = arith.index_cast %swap3A : i32 to index
      %swap3A_498 = arith.index_cast %mul3A_496 : i32 to index
      %swap3A_499 = tpu.vector_load %arg8[%swap3A_497, %swap3A_498] {strides = array<i32>} : memref<8x2048xf32, #tpu.memory_space<vmem>>, vector<16xf32>,
      tpu.vector_store %arg8[%swap3A_497, %swap3A_498], %add3A_494 {strides = array<i32>} : memref<8x2048xf32, #tpu.memory_space<vmem>>, vector<16xf32>,
    }
    %scan3A_473 = arith.constant 128 : i32
    %scan3A_474 = arith.constant 0 : i32
    %scan3A_475 = arith.constant 0 : i32
    %scan3A_476 = arith.constant 128 : i32
    %scan3A_477 = arith.addi %scan3A_475, %scan3A_476 : i32
    %scan3A_478 = arith.constant 1 : i32
    scf.for %scan3A_482 = %scan3A_475 to %scan3A_477 step %scan3A_478  : i32 {
      %mul3A_483 = arith.constant 16 : i32
      %mul3A_484 = arith.muli %scan3A_482, %mul3A_483 : i32
      %get3A = arith.constant 14 : i32
      %get3A_485 = arith.index_cast %get3A : i32 to index
      %get3A_486 = arith.index_cast %mul3A_484 : i32 to index
      %get3A_487 = tpu.vector_load %arg7[%get3A_485, %get3A_486] {strides = array<i32>} : memref<16x2048xf32, #tpu.memory_space<vmem>>, vector<16xf32>,
      %mul3A_488 = arith.constant 16 : i32
      %mul3A_489 = arith.muli %scan3A_482, %mul3A_488 : i32
      %get3A_490 = arith.constant 15 : i32
      %get3A_491 = arith.index_cast %get3A_490 : i32 to index
      %get3A_492 = arith.index_cast %mul3A_489 : i32 to index
      %get3A_493 = tpu.vector_load %arg7[%get3A_491, %get3A_492] {strides = array<i32>} : memref<16x2048xf32, #tpu.memory_space<vmem>>, vector<16xf32>,
      %add3A_494 = arith.addf %get3A_487, %get3A_493 : vector<16xf32>
      %mul3A_495 = arith.constant 16 : i32
      %mul3A_496 = arith.muli %scan3A_482, %mul3A_495 : i32
      %swap3A = arith.constant 7 : i32
      %swap3A_497 = arith.index_cast %swap3A : i32 to index
      %swap3A_498 = arith.index_cast %mul3A_496 : i32 to index
      %swap3A_499 = tpu.vector_load %arg8[%swap3A_497, %swap3A_498] {strides = array<i32>} : memref<8x2048xf32, #tpu.memory_space<vmem>>, vector<16xf32>,
      tpu.vector_store %arg8[%swap3A_497, %swap3A_498], %add3A_494 {strides = array<i32>} : memref<8x2048xf32, #tpu.memory_space<vmem>>, vector<16xf32>,
    }
    %scan3A_479 = arith.constant 128 : i32
    %add3A_480 = arith.constant 56 : i32
    %add3A_481 = arith.addi %mul3A_2, %add3A_480 : i32
    "tpu.region"() ({
      %run_scoped3A = tpu.sem_alloc : memref<!tpu.dma_semaphore, #tpu.memory_space<semaphore_mem>>
      %dma_start3A_482 = arith.constant 0 : i32
      %dma_start3A_483 = tpu.memref_slice %arg4[%add3A_481, %dma_start3A_482] : memref<2048x2048xf32, #tpu.memory_space<hbm>> -> memref<8x2048xf32, #tpu.memory_space<hbm>>
      %dma_start3A_484 = arith.constant 0 : i32
      %dma_start3A_485 = tpu.memref_slice %arg4[%add3A_481, %dma_start3A_484] : memref<2048x2048xf32, #tpu.memory_space<hbm>> -> memref<8x2048xf32, #tpu.memory_space<hbm>>
      tpu.enqueue_dma source(%arg8 : memref<8x2048xf32, #tpu.memory_space<vmem>>) target(%dma_start3A_485 : memref<8x2048xf32, #tpu.memory_space<hbm>>) target_semaphore(%run_scoped3A : memref<!tpu.dma_semaphore, #tpu.memory_space<semaphore_mem>>)
      %dma_wait3A_486 = arith.constant 0 : i32
      %dma_wait3A_487 = tpu.memref_slice %arg4[%add3A_481, %dma_wait3A_486] : memref<2048x2048xf32, #tpu.memory_space<hbm>> -> memref<8x2048xf32, #tpu.memory_space<hbm>>
      %dma_wait3A_488 = arith.constant 0 : i32
      %dma_wait3A_489 = tpu.memref_slice %arg4[%add3A_481, %dma_wait3A_488] : memref<2048x2048xf32, #tpu.memory_space<hbm>> -> memref<8x2048xf32, #tpu.memory_space<hbm>>
      tpu.wait_dma2 semaphore(%run_scoped3A : memref<!tpu.dma_semaphore, #tpu.memory_space<semaphore_mem>>) src(%arg8 : memref<8x2048xf32, #tpu.memory_space<vmem>>) dst(%dma_wait3A_489 : memref<8x2048xf32, #tpu.memory_space<hbm>>)
      tpu.yield
    }) : () -> ()
    return
  }
}

#map = affine_map<(d0, d1) -> (0)>
#map1 = affine_map<(d0, d1) -> (0, 0)>
module attributes {stable_mosaic.version = 14 : i64} {
  func.func @_sc_gather(%arg0: i32, %arg1: i32, %arg2: memref<5120xi32, #tpu.memory_space<hbm>>, %arg3: memref<2048x2048xf32, #tpu.memory_space<hbm>>, %arg4: memref<2560x2048xf32, #tpu.memory_space<hbm>>, %arg5: memref<80xi32, #tpu.memory_space<vmem>>, %arg6: memref<16x2048xf32, #tpu.memory_space<vmem>>, %arg7: memref<16x2048xf32, #tpu.memory_space<vmem>>, %arg8: memref<!tpu.dma_semaphore, #tpu.memory_space<semaphore_mem>>, %arg9: memref<!tpu.dma_semaphore, #tpu.memory_space<semaphore_mem>>) attributes {dimension_semantics = [#tpu.dimension_semantics<core_parallel>, #tpu.dimension_semantics<subcore_parallel>], iteration_bounds = array<i64: 2, 16>, scalar_prefetch = 0 : i64, scratch_operands = 5 : i64, tpu.core_type = #tpu.core_type<sc_vector_subcore>, window_params = [{transform_indices = #map}, {transform_indices = #map1}, {transform_indices = #map1}]} {
    %mul3A = arith.constant 2 : i32
    %mul3A_0 = arith.muli %arg1, %mul3A : i32
    %add3A = arith.addi %mul3A_0, %arg0 : i32
    %mul3A_1 = arith.constant 80 : i32
    %mul3A_2 = arith.muli %add3A, %mul3A_1 : i32
    %add3A_3 = arith.constant 0 : i32
    %add3A_4 = arith.addi %add3A_3, %mul3A_2 : i32
    "tpu.region"() ({
      %run_scoped3A = tpu.sem_alloc : memref<!tpu.dma_semaphore, #tpu.memory_space<semaphore_mem>>
      %dma_start3A_63 = tpu.memref_slice %arg2[%add3A_4] : memref<5120xi32, #tpu.memory_space<hbm>> -> memref<80xi32, #tpu.memory_space<hbm>>
      %dma_start3A_64 = tpu.memref_slice %arg2[%add3A_4] : memref<5120xi32, #tpu.memory_space<hbm>> -> memref<80xi32, #tpu.memory_space<hbm>>
      tpu.enqueue_dma source(%dma_start3A_64 : memref<80xi32, #tpu.memory_space<hbm>>) target(%arg5 : memref<80xi32, #tpu.memory_space<vmem>>) target_semaphore(%run_scoped3A : memref<!tpu.dma_semaphore, #tpu.memory_space<semaphore_mem>>)
      %dma_wait3A_65 = tpu.memref_slice %arg2[%add3A_4] : memref<5120xi32, #tpu.memory_space<hbm>> -> memref<80xi32, #tpu.memory_space<hbm>>
      %dma_wait3A_66 = tpu.memref_slice %arg2[%add3A_4] : memref<5120xi32, #tpu.memory_space<hbm>> -> memref<80xi32, #tpu.memory_space<hbm>>
      tpu.wait_dma2 semaphore(%run_scoped3A : memref<!tpu.dma_semaphore, #tpu.memory_space<semaphore_mem>>) src(%dma_wait3A_66 : memref<80xi32, #tpu.memory_space<hbm>>) dst(%arg5 : memref<80xi32, #tpu.memory_space<vmem>>)
      tpu.yield
    }) : () -> ()
    %dma_start3A = arith.constant 0 : i32
    %dma_start3A_5 = tpu.memref_slice %arg5[%dma_start3A] : memref<80xi32, #tpu.memory_space<vmem>> -> memref<16xi32, #tpu.memory_space<vmem>>
    %dma_start3A_6 = arith.constant 0 : i32
    %dma_start3A_7 = arith.constant 0 : i32
    %dma_start3A_8 = tpu.memref_slice %arg3[%dma_start3A_6, %dma_start3A_7] : memref<2048x2048xf32, #tpu.memory_space<hbm>> -> memref<2048x2048xf32, #tpu.memory_space<hbm>>
    tpu.enqueue_indirect_dma source(%dma_start3A_8 : memref<2048x2048xf32, #tpu.memory_space<hbm>>) target(%arg6 : memref<16x2048xf32, #tpu.memory_space<vmem>>) offsets(%dma_start3A_5 : memref<16xi32, #tpu.memory_space<vmem>>) semaphore(%arg8 : memref<!tpu.dma_semaphore, #tpu.memory_space<semaphore_mem>>)
    %dma_wait3A = arith.constant 0 : i32
    %dma_wait3A_9 = tpu.memref_slice %arg5[%dma_wait3A] : memref<80xi32, #tpu.memory_space<vmem>> -> memref<16xi32, #tpu.memory_space<vmem>>
    %dma_wait3A_10 = arith.constant 0 : i32
    %dma_wait3A_11 = arith.constant 0 : i32
    %dma_wait3A_12 = tpu.memref_slice %arg3[%dma_wait3A_10, %dma_wait3A_11] : memref<2048x2048xf32, #tpu.memory_space<hbm>> -> memref<2048x2048xf32, #tpu.memory_space<hbm>>
    tpu.wait_indirect_dma semaphore(%arg8 : memref<!tpu.dma_semaphore, #tpu.memory_space<semaphore_mem>>) src(%dma_wait3A_12 : memref<2048x2048xf32, #tpu.memory_space<hbm>>) dst(%arg6 : memref<16x2048xf32, #tpu.memory_space<vmem>>)
    %dma_start3A_13 = arith.constant 16 : i32
    %dma_start3A_14 = tpu.memref_slice %arg5[%dma_start3A_13] : memref<80xi32, #tpu.memory_space<vmem>> -> memref<16xi32, #tpu.memory_space<vmem>>
    %dma_start3A_15 = arith.constant 0 : i32
    %dma_start3A_16 = arith.constant 0 : i32
    %dma_start3A_17 = tpu.memref_slice %arg3[%dma_start3A_15, %dma_start3A_16] : memref<2048x2048xf32, #tpu.memory_space<hbm>> -> memref<2048x2048xf32, #tpu.memory_space<hbm>>
    tpu.enqueue_indirect_dma source(%dma_start3A_17 : memref<2048x2048xf32, #tpu.memory_space<hbm>>) target(%arg7 : memref<16x2048xf32, #tpu.memory_space<vmem>>) offsets(%dma_start3A_14 : memref<16xi32, #tpu.memory_space<vmem>>) semaphore(%arg9 : memref<!tpu.dma_semaphore, #tpu.memory_space<semaphore_mem>>)
    %add3A_18 = arith.constant 0 : i32
    %add3A_19 = arith.addi %mul3A_2, %add3A_18 : i32
    "tpu.region"() ({
      %run_scoped3A = tpu.sem_alloc : memref<!tpu.dma_semaphore, #tpu.memory_space<semaphore_mem>>
      %dma_start3A_63 = arith.constant 0 : i32
      %dma_start3A_64 = tpu.memref_slice %arg4[%add3A_19, %dma_start3A_63] : memref<2560x2048xf32, #tpu.memory_space<hbm>> -> memref<16x2048xf32, #tpu.memory_space<hbm>>
      %dma_start3A_65 = arith.constant 0 : i32
      %dma_start3A_66 = tpu.memref_slice %arg4[%add3A_19, %dma_start3A_65] : memref<2560x2048xf32, #tpu.memory_space<hbm>> -> memref<16x2048xf32, #tpu.memory_space<hbm>>
      tpu.enqueue_dma source(%arg6 : memref<16x2048xf32, #tpu.memory_space<vmem>>) target(%dma_start3A_66 : memref<16x2048xf32, #tpu.memory_space<hbm>>) target_semaphore(%run_scoped3A : memref<!tpu.dma_semaphore, #tpu.memory_space<semaphore_mem>>)
      %dma_wait3A_67 = arith.constant 0 : i32
      %dma_wait3A_68 = tpu.memref_slice %arg4[%add3A_19, %dma_wait3A_67] : memref<2560x2048xf32, #tpu.memory_space<hbm>> -> memref<16x2048xf32, #tpu.memory_space<hbm>>
      %dma_wait3A_69 = arith.constant 0 : i32
      %dma_wait3A_70 = tpu.memref_slice %arg4[%add3A_19, %dma_wait3A_69] : memref<2560x2048xf32, #tpu.memory_space<hbm>> -> memref<16x2048xf32, #tpu.memory_space<hbm>>
      tpu.wait_dma2 semaphore(%run_scoped3A : memref<!tpu.dma_semaphore, #tpu.memory_space<semaphore_mem>>) src(%arg6 : memref<16x2048xf32, #tpu.memory_space<vmem>>) dst(%dma_wait3A_70 : memref<16x2048xf32, #tpu.memory_space<hbm>>)
      tpu.yield
    }) : () -> ()
    %dma_wait3A_20 = arith.constant 16 : i32
    %dma_wait3A_21 = tpu.memref_slice %arg5[%dma_wait3A_20] : memref<80xi32, #tpu.memory_space<vmem>> -> memref<16xi32, #tpu.memory_space<vmem>>
    %dma_wait3A_22 = arith.constant 0 : i32
    %dma_wait3A_23 = arith.constant 0 : i32
    %dma_wait3A_24 = tpu.memref_slice %arg3[%dma_wait3A_22, %dma_wait3A_23] : memref<2048x2048xf32, #tpu.memory_space<hbm>> -> memref<2048x2048xf32, #tpu.memory_space<hbm>>
    tpu.wait_indirect_dma semaphore(%arg9 : memref<!tpu.dma_semaphore, #tpu.memory_space<semaphore_mem>>) src(%dma_wait3A_24 : memref<2048x2048xf32, #tpu.memory_space<hbm>>) dst(%arg7 : memref<16x2048xf32, #tpu.memory_space<vmem>>)
    %dma_start3A_25 = arith.constant 32 : i32
    %dma_start3A_26 = tpu.memref_slice %arg5[%dma_start3A_25] : memref<80xi32, #tpu.memory_space<vmem>> -> memref<16xi32, #tpu.memory_space<vmem>>
    %dma_start3A_27 = arith.constant 0 : i32
    %dma_start3A_28 = arith.constant 0 : i32
    %dma_start3A_29 = tpu.memref_slice %arg3[%dma_start3A_27, %dma_start3A_28] : memref<2048x2048xf32, #tpu.memory_space<hbm>> -> memref<2048x2048xf32, #tpu.memory_space<hbm>>
    tpu.enqueue_indirect_dma source(%dma_start3A_29 : memref<2048x2048xf32, #tpu.memory_space<hbm>>) target(%arg6 : memref<16x2048xf32, #tpu.memory_space<vmem>>) offsets(%dma_start3A_26 : memref<16xi32, #tpu.memory_space<vmem>>) semaphore(%arg8 : memref<!tpu.dma_semaphore, #tpu.memory_space<semaphore_mem>>)
    %add3A_30 = arith.constant 16 : i32
    %add3A_31 = arith.addi %mul3A_2, %add3A_30 : i32
    "tpu.region"() ({
      %run_scoped3A = tpu.sem_alloc : memref<!tpu.dma_semaphore, #tpu.memory_space<semaphore_mem>>
      %dma_start3A_63 = arith.constant 0 : i32
      %dma_start3A_64 = tpu.memref_slice %arg4[%add3A_31, %dma_start3A_63] : memref<2560x2048xf32, #tpu.memory_space<hbm>> -> memref<16x2048xf32, #tpu.memory_space<hbm>>
      %dma_start3A_65 = arith.constant 0 : i32
      %dma_start3A_66 = tpu.memref_slice %arg4[%add3A_31, %dma_start3A_65] : memref<2560x2048xf32, #tpu.memory_space<hbm>> -> memref<16x2048xf32, #tpu.memory_space<hbm>>
      tpu.enqueue_dma source(%arg7 : memref<16x2048xf32, #tpu.memory_space<vmem>>) target(%dma_start3A_66 : memref<16x2048xf32, #tpu.memory_space<hbm>>) target_semaphore(%run_scoped3A : memref<!tpu.dma_semaphore, #tpu.memory_space<semaphore_mem>>)
      %dma_wait3A_67 = arith.constant 0 : i32
      %dma_wait3A_68 = tpu.memref_slice %arg4[%add3A_31, %dma_wait3A_67] : memref<2560x2048xf32, #tpu.memory_space<hbm>> -> memref<16x2048xf32, #tpu.memory_space<hbm>>
      %dma_wait3A_69 = arith.constant 0 : i32
      %dma_wait3A_70 = tpu.memref_slice %arg4[%add3A_31, %dma_wait3A_69] : memref<2560x2048xf32, #tpu.memory_space<hbm>> -> memref<16x2048xf32, #tpu.memory_space<hbm>>
      tpu.wait_dma2 semaphore(%run_scoped3A : memref<!tpu.dma_semaphore, #tpu.memory_space<semaphore_mem>>) src(%arg7 : memref<16x2048xf32, #tpu.memory_space<vmem>>) dst(%dma_wait3A_70 : memref<16x2048xf32, #tpu.memory_space<hbm>>)
      tpu.yield
    }) : () -> ()
    %dma_wait3A_32 = arith.constant 32 : i32
    %dma_wait3A_33 = tpu.memref_slice %arg5[%dma_wait3A_32] : memref<80xi32, #tpu.memory_space<vmem>> -> memref<16xi32, #tpu.memory_space<vmem>>
    %dma_wait3A_34 = arith.constant 0 : i32
    %dma_wait3A_35 = arith.constant 0 : i32
    %dma_wait3A_36 = tpu.memref_slice %arg3[%dma_wait3A_34, %dma_wait3A_35] : memref<2048x2048xf32, #tpu.memory_space<hbm>> -> memref<2048x2048xf32, #tpu.memory_space<hbm>>
    tpu.wait_indirect_dma semaphore(%arg8 : memref<!tpu.dma_semaphore, #tpu.memory_space<semaphore_mem>>) src(%dma_wait3A_36 : memref<2048x2048xf32, #tpu.memory_space<hbm>>) dst(%arg6 : memref<16x2048xf32, #tpu.memory_space<vmem>>)
    %dma_start3A_37 = arith.constant 48 : i32
    %dma_start3A_38 = tpu.memref_slice %arg5[%dma_start3A_37] : memref<80xi32, #tpu.memory_space<vmem>> -> memref<16xi32, #tpu.memory_space<vmem>>
    %dma_start3A_39 = arith.constant 0 : i32
    %dma_start3A_40 = arith.constant 0 : i32
    %dma_start3A_41 = tpu.memref_slice %arg3[%dma_start3A_39, %dma_start3A_40] : memref<2048x2048xf32, #tpu.memory_space<hbm>> -> memref<2048x2048xf32, #tpu.memory_space<hbm>>
    tpu.enqueue_indirect_dma source(%dma_start3A_41 : memref<2048x2048xf32, #tpu.memory_space<hbm>>) target(%arg7 : memref<16x2048xf32, #tpu.memory_space<vmem>>) offsets(%dma_start3A_38 : memref<16xi32, #tpu.memory_space<vmem>>) semaphore(%arg9 : memref<!tpu.dma_semaphore, #tpu.memory_space<semaphore_mem>>)
    %add3A_42 = arith.constant 32 : i32
    %add3A_43 = arith.addi %mul3A_2, %add3A_42 : i32
    "tpu.region"() ({
      %run_scoped3A = tpu.sem_alloc : memref<!tpu.dma_semaphore, #tpu.memory_space<semaphore_mem>>
      %dma_start3A_63 = arith.constant 0 : i32
      %dma_start3A_64 = tpu.memref_slice %arg4[%add3A_43, %dma_start3A_63] : memref<2560x2048xf32, #tpu.memory_space<hbm>> -> memref<16x2048xf32, #tpu.memory_space<hbm>>
      %dma_start3A_65 = arith.constant 0 : i32
      %dma_start3A_66 = tpu.memref_slice %arg4[%add3A_43, %dma_start3A_65] : memref<2560x2048xf32, #tpu.memory_space<hbm>> -> memref<16x2048xf32, #tpu.memory_space<hbm>>
      tpu.enqueue_dma source(%arg6 : memref<16x2048xf32, #tpu.memory_space<vmem>>) target(%dma_start3A_66 : memref<16x2048xf32, #tpu.memory_space<hbm>>) target_semaphore(%run_scoped3A : memref<!tpu.dma_semaphore, #tpu.memory_space<semaphore_mem>>)
      %dma_wait3A_67 = arith.constant 0 : i32
      %dma_wait3A_68 = tpu.memref_slice %arg4[%add3A_43, %dma_wait3A_67] : memref<2560x2048xf32, #tpu.memory_space<hbm>> -> memref<16x2048xf32, #tpu.memory_space<hbm>>
      %dma_wait3A_69 = arith.constant 0 : i32
      %dma_wait3A_70 = tpu.memref_slice %arg4[%add3A_43, %dma_wait3A_69] : memref<2560x2048xf32, #tpu.memory_space<hbm>> -> memref<16x2048xf32, #tpu.memory_space<hbm>>
      tpu.wait_dma2 semaphore(%run_scoped3A : memref<!tpu.dma_semaphore, #tpu.memory_space<semaphore_mem>>) src(%arg6 : memref<16x2048xf32, #tpu.memory_space<vmem>>) dst(%dma_wait3A_70 : memref<16x2048xf32, #tpu.memory_space<hbm>>)
      tpu.yield
    }) : () -> ()
    %dma_wait3A_44 = arith.constant 48 : i32
    %dma_wait3A_45 = tpu.memref_slice %arg5[%dma_wait3A_44] : memref<80xi32, #tpu.memory_space<vmem>> -> memref<16xi32, #tpu.memory_space<vmem>>
    %dma_wait3A_46 = arith.constant 0 : i32
    %dma_wait3A_47 = arith.constant 0 : i32
    %dma_wait3A_48 = tpu.memref_slice %arg3[%dma_wait3A_46, %dma_wait3A_47] : memref<2048x2048xf32, #tpu.memory_space<hbm>> -> memref<2048x2048xf32, #tpu.memory_space<hbm>>
    tpu.wait_indirect_dma semaphore(%arg9 : memref<!tpu.dma_semaphore, #tpu.memory_space<semaphore_mem>>) src(%dma_wait3A_48 : memref<2048x2048xf32, #tpu.memory_space<hbm>>) dst(%arg7 : memref<16x2048xf32, #tpu.memory_space<vmem>>)
    %dma_start3A_49 = arith.constant 64 : i32
    %dma_start3A_50 = tpu.memref_slice %arg5[%dma_start3A_49] : memref<80xi32, #tpu.memory_space<vmem>> -> memref<16xi32, #tpu.memory_space<vmem>>
    %dma_start3A_51 = arith.constant 0 : i32
    %dma_start3A_52 = arith.constant 0 : i32
    %dma_start3A_53 = tpu.memref_slice %arg3[%dma_start3A_51, %dma_start3A_52] : memref<2048x2048xf32, #tpu.memory_space<hbm>> -> memref<2048x2048xf32, #tpu.memory_space<hbm>>
    tpu.enqueue_indirect_dma source(%dma_start3A_53 : memref<2048x2048xf32, #tpu.memory_space<hbm>>) target(%arg6 : memref<16x2048xf32, #tpu.memory_space<vmem>>) offsets(%dma_start3A_50 : memref<16xi32, #tpu.memory_space<vmem>>) semaphore(%arg8 : memref<!tpu.dma_semaphore, #tpu.memory_space<semaphore_mem>>)
    %add3A_54 = arith.constant 48 : i32
    %add3A_55 = arith.addi %mul3A_2, %add3A_54 : i32
    "tpu.region"() ({
      %run_scoped3A = tpu.sem_alloc : memref<!tpu.dma_semaphore, #tpu.memory_space<semaphore_mem>>
      %dma_start3A_63 = arith.constant 0 : i32
      %dma_start3A_64 = tpu.memref_slice %arg4[%add3A_55, %dma_start3A_63] : memref<2560x2048xf32, #tpu.memory_space<hbm>> -> memref<16x2048xf32, #tpu.memory_space<hbm>>
      %dma_start3A_65 = arith.constant 0 : i32
      %dma_start3A_66 = tpu.memref_slice %arg4[%add3A_55, %dma_start3A_65] : memref<2560x2048xf32, #tpu.memory_space<hbm>> -> memref<16x2048xf32, #tpu.memory_space<hbm>>
      tpu.enqueue_dma source(%arg7 : memref<16x2048xf32, #tpu.memory_space<vmem>>) target(%dma_start3A_66 : memref<16x2048xf32, #tpu.memory_space<hbm>>) target_semaphore(%run_scoped3A : memref<!tpu.dma_semaphore, #tpu.memory_space<semaphore_mem>>)
      %dma_wait3A_67 = arith.constant 0 : i32
      %dma_wait3A_68 = tpu.memref_slice %arg4[%add3A_55, %dma_wait3A_67] : memref<2560x2048xf32, #tpu.memory_space<hbm>> -> memref<16x2048xf32, #tpu.memory_space<hbm>>
      %dma_wait3A_69 = arith.constant 0 : i32
      %dma_wait3A_70 = tpu.memref_slice %arg4[%add3A_55, %dma_wait3A_69] : memref<2560x2048xf32, #tpu.memory_space<hbm>> -> memref<16x2048xf32, #tpu.memory_space<hbm>>
      tpu.wait_dma2 semaphore(%run_scoped3A : memref<!tpu.dma_semaphore, #tpu.memory_space<semaphore_mem>>) src(%arg7 : memref<16x2048xf32, #tpu.memory_space<vmem>>) dst(%dma_wait3A_70 : memref<16x2048xf32, #tpu.memory_space<hbm>>)
      tpu.yield
    }) : () -> ()
    %dma_wait3A_56 = arith.constant 64 : i32
    %dma_wait3A_57 = tpu.memref_slice %arg5[%dma_wait3A_56] : memref<80xi32, #tpu.memory_space<vmem>> -> memref<16xi32, #tpu.memory_space<vmem>>
    %dma_wait3A_58 = arith.constant 0 : i32
    %dma_wait3A_59 = arith.constant 0 : i32
    %dma_wait3A_60 = tpu.memref_slice %arg3[%dma_wait3A_58, %dma_wait3A_59] : memref<2048x2048xf32, #tpu.memory_space<hbm>> -> memref<2048x2048xf32, #tpu.memory_space<hbm>>
    tpu.wait_indirect_dma semaphore(%arg8 : memref<!tpu.dma_semaphore, #tpu.memory_space<semaphore_mem>>) src(%dma_wait3A_60 : memref<2048x2048xf32, #tpu.memory_space<hbm>>) dst(%arg6 : memref<16x2048xf32, #tpu.memory_space<vmem>>)
    %add3A_61 = arith.constant 64 : i32
    %add3A_62 = arith.addi %mul3A_2, %add3A_61 : i32
    "tpu.region"() ({
      %run_scoped3A = tpu.sem_alloc : memref<!tpu.dma_semaphore, #tpu.memory_space<semaphore_mem>>
      %dma_start3A_63 = arith.constant 0 : i32
      %dma_start3A_64 = tpu.memref_slice %arg4[%add3A_62, %dma_start3A_63] : memref<2560x2048xf32, #tpu.memory_space<hbm>> -> memref<16x2048xf32, #tpu.memory_space<hbm>>
      %dma_start3A_65 = arith.constant 0 : i32
      %dma_start3A_66 = tpu.memref_slice %arg4[%add3A_62, %dma_start3A_65] : memref<2560x2048xf32, #tpu.memory_space<hbm>> -> memref<16x2048xf32, #tpu.memory_space<hbm>>
      tpu.enqueue_dma source(%arg6 : memref<16x2048xf32, #tpu.memory_space<vmem>>) target(%dma_start3A_66 : memref<16x2048xf32, #tpu.memory_space<hbm>>) target_semaphore(%run_scoped3A : memref<!tpu.dma_semaphore, #tpu.memory_space<semaphore_mem>>)
      %dma_wait3A_67 = arith.constant 0 : i32
      %dma_wait3A_68 = tpu.memref_slice %arg4[%add3A_62, %dma_wait3A_67] : memref<2560x2048xf32, #tpu.memory_space<hbm>> -> memref<16x2048xf32, #tpu.memory_space<hbm>>
      %dma_wait3A_69 = arith.constant 0 : i32
      %dma_wait3A_70 = tpu.memref_slice %arg4[%add3A_62, %dma_wait3A_69] : memref<2560x2048xf32, #tpu.memory_space<hbm>> -> memref<16x2048xf32, #tpu.memory_space<hbm>>
      tpu.wait_dma2 semaphore(%run_scoped3A : memref<!tpu.dma_semaphore, #tpu.memory_space<semaphore_mem>>) src(%arg6 : memref<16x2048xf32, #tpu.memory_space<vmem>>) dst(%dma_wait3A_70 : memref<16x2048xf32, #tpu.memory_space<hbm>>)
      tpu.yield
    }) : () -> ()
    return
  }
}

#map = affine_map<(d0, d1) -> (0)>
#map1 = affine_map<(d0, d1) -> (0, 0)>
module attributes {stable_mosaic.version = 14 : i64} {
  func.func @_sc_gather(%arg0: i32, %arg1: i32, %arg2: memref<5120xi32, #tpu.memory_space<hbm>>, %arg3: memref<2048x2048xf32, #tpu.memory_space<hbm>>, %arg4: memref<2560x2048xf32, #tpu.memory_space<hbm>>, %arg5: memref<80xi32, #tpu.memory_space<vmem>>, %arg6: memref<16x2048xf32, #tpu.memory_space<vmem>>, %arg7: memref<16x2048xf32, #tpu.memory_space<vmem>>, %arg8: memref<!tpu.dma_semaphore, #tpu.memory_space<semaphore_mem>>, %arg9: memref<!tpu.dma_semaphore, #tpu.memory_space<semaphore_mem>>) attributes {dimension_semantics = [#tpu.dimension_semantics<core_parallel>, #tpu.dimension_semantics<subcore_parallel>], iteration_bounds = array<i64: 2, 16>, scalar_prefetch = 0 : i64, scratch_operands = 5 : i64, tpu.core_type = #tpu.core_type<sc_vector_subcore>, window_params = [{transform_indices = #map}, {transform_indices = #map1}, {transform_indices = #map1}]} {
    %mul3A = arith.constant 2 : i32
    %mul3A_0 = arith.muli %arg1, %mul3A : i32
    %add3A = arith.addi %mul3A_0, %arg0 : i32
    %mul3A_1 = arith.constant 80 : i32
    %mul3A_2 = arith.muli %add3A, %mul3A_1 : i32
    %add3A_3 = arith.constant 2560 : i32
    %add3A_4 = arith.addi %add3A_3, %mul3A_2 : i32
    "tpu.region"() ({
      %run_scoped3A = tpu.sem_alloc : memref<!tpu.dma_semaphore, #tpu.memory_space<semaphore_mem>>
      %dma_start3A_63 = tpu.memref_slice %arg2[%add3A_4] : memref<5120xi32, #tpu.memory_space<hbm>> -> memref<80xi32, #tpu.memory_space<hbm>>
      %dma_start3A_64 = tpu.memref_slice %arg2[%add3A_4] : memref<5120xi32, #tpu.memory_space<hbm>> -> memref<80xi32, #tpu.memory_space<hbm>>
      tpu.enqueue_dma source(%dma_start3A_64 : memref<80xi32, #tpu.memory_space<hbm>>) target(%arg5 : memref<80xi32, #tpu.memory_space<vmem>>) target_semaphore(%run_scoped3A : memref<!tpu.dma_semaphore, #tpu.memory_space<semaphore_mem>>)
      %dma_wait3A_65 = tpu.memref_slice %arg2[%add3A_4] : memref<5120xi32, #tpu.memory_space<hbm>> -> memref<80xi32, #tpu.memory_space<hbm>>
      %dma_wait3A_66 = tpu.memref_slice %arg2[%add3A_4] : memref<5120xi32, #tpu.memory_space<hbm>> -> memref<80xi32, #tpu.memory_space<hbm>>
      tpu.wait_dma2 semaphore(%run_scoped3A : memref<!tpu.dma_semaphore, #tpu.memory_space<semaphore_mem>>) src(%dma_wait3A_66 : memref<80xi32, #tpu.memory_space<hbm>>) dst(%arg5 : memref<80xi32, #tpu.memory_space<vmem>>)
      tpu.yield
    }) : () -> ()
    %dma_start3A = arith.constant 0 : i32
    %dma_start3A_5 = tpu.memref_slice %arg5[%dma_start3A] : memref<80xi32, #tpu.memory_space<vmem>> -> memref<16xi32, #tpu.memory_space<vmem>>
    %dma_start3A_6 = arith.constant 0 : i32
    %dma_start3A_7 = arith.constant 0 : i32
    %dma_start3A_8 = tpu.memref_slice %arg3[%dma_start3A_6, %dma_start3A_7] : memref<2048x2048xf32, #tpu.memory_space<hbm>> -> memref<2048x2048xf32, #tpu.memory_space<hbm>>
    tpu.enqueue_indirect_dma source(%dma_start3A_8 : memref<2048x2048xf32, #tpu.memory_space<hbm>>) target(%arg6 : memref<16x2048xf32, #tpu.memory_space<vmem>>) offsets(%dma_start3A_5 : memref<16xi32, #tpu.memory_space<vmem>>) semaphore(%arg8 : memref<!tpu.dma_semaphore, #tpu.memory_space<semaphore_mem>>)
    %dma_wait3A = arith.constant 0 : i32
    %dma_wait3A_9 = tpu.memref_slice %arg5[%dma_wait3A] : memref<80xi32, #tpu.memory_space<vmem>> -> memref<16xi32, #tpu.memory_space<vmem>>
    %dma_wait3A_10 = arith.constant 0 : i32
    %dma_wait3A_11 = arith.constant 0 : i32
    %dma_wait3A_12 = tpu.memref_slice %arg3[%dma_wait3A_10, %dma_wait3A_11] : memref<2048x2048xf32, #tpu.memory_space<hbm>> -> memref<2048x2048xf32, #tpu.memory_space<hbm>>
    tpu.wait_indirect_dma semaphore(%arg8 : memref<!tpu.dma_semaphore, #tpu.memory_space<semaphore_mem>>) src(%dma_wait3A_12 : memref<2048x2048xf32, #tpu.memory_space<hbm>>) dst(%arg6 : memref<16x2048xf32, #tpu.memory_space<vmem>>)
    %dma_start3A_13 = arith.constant 16 : i32
    %dma_start3A_14 = tpu.memref_slice %arg5[%dma_start3A_13] : memref<80xi32, #tpu.memory_space<vmem>> -> memref<16xi32, #tpu.memory_space<vmem>>
    %dma_start3A_15 = arith.constant 0 : i32
    %dma_start3A_16 = arith.constant 0 : i32
    %dma_start3A_17 = tpu.memref_slice %arg3[%dma_start3A_15, %dma_start3A_16] : memref<2048x2048xf32, #tpu.memory_space<hbm>> -> memref<2048x2048xf32, #tpu.memory_space<hbm>>
    tpu.enqueue_indirect_dma source(%dma_start3A_17 : memref<2048x2048xf32, #tpu.memory_space<hbm>>) target(%arg7 : memref<16x2048xf32, #tpu.memory_space<vmem>>) offsets(%dma_start3A_14 : memref<16xi32, #tpu.memory_space<vmem>>) semaphore(%arg9 : memref<!tpu.dma_semaphore, #tpu.memory_space<semaphore_mem>>)
    %add3A_18 = arith.constant 0 : i32
    %add3A_19 = arith.addi %mul3A_2, %add3A_18 : i32
    "tpu.region"() ({
      %run_scoped3A = tpu.sem_alloc : memref<!tpu.dma_semaphore, #tpu.memory_space<semaphore_mem>>
      %dma_start3A_63 = arith.constant 0 : i32
      %dma_start3A_64 = tpu.memref_slice %arg4[%add3A_19, %dma_start3A_63] : memref<2560x2048xf32, #tpu.memory_space<hbm>> -> memref<16x2048xf32, #tpu.memory_space<hbm>>
      %dma_start3A_65 = arith.constant 0 : i32
      %dma_start3A_66 = tpu.memref_slice %arg4[%add3A_19, %dma_start3A_65] : memref<2560x2048xf32, #tpu.memory_space<hbm>> -> memref<16x2048xf32, #tpu.memory_space<hbm>>
      tpu.enqueue_dma source(%arg6 : memref<16x2048xf32, #tpu.memory_space<vmem>>) target(%dma_start3A_66 : memref<16x2048xf32, #tpu.memory_space<hbm>>) target_semaphore(%run_scoped3A : memref<!tpu.dma_semaphore, #tpu.memory_space<semaphore_mem>>)
      %dma_wait3A_67 = arith.constant 0 : i32
      %dma_wait3A_68 = tpu.memref_slice %arg4[%add3A_19, %dma_wait3A_67] : memref<2560x2048xf32, #tpu.memory_space<hbm>> -> memref<16x2048xf32, #tpu.memory_space<hbm>>
      %dma_wait3A_69 = arith.constant 0 : i32
      %dma_wait3A_70 = tpu.memref_slice %arg4[%add3A_19, %dma_wait3A_69] : memref<2560x2048xf32, #tpu.memory_space<hbm>> -> memref<16x2048xf32, #tpu.memory_space<hbm>>
      tpu.wait_dma2 semaphore(%run_scoped3A : memref<!tpu.dma_semaphore, #tpu.memory_space<semaphore_mem>>) src(%arg6 : memref<16x2048xf32, #tpu.memory_space<vmem>>) dst(%dma_wait3A_70 : memref<16x2048xf32, #tpu.memory_space<hbm>>)
      tpu.yield
    }) : () -> ()
    %dma_wait3A_20 = arith.constant 16 : i32
    %dma_wait3A_21 = tpu.memref_slice %arg5[%dma_wait3A_20] : memref<80xi32, #tpu.memory_space<vmem>> -> memref<16xi32, #tpu.memory_space<vmem>>
    %dma_wait3A_22 = arith.constant 0 : i32
    %dma_wait3A_23 = arith.constant 0 : i32
    %dma_wait3A_24 = tpu.memref_slice %arg3[%dma_wait3A_22, %dma_wait3A_23] : memref<2048x2048xf32, #tpu.memory_space<hbm>> -> memref<2048x2048xf32, #tpu.memory_space<hbm>>
    tpu.wait_indirect_dma semaphore(%arg9 : memref<!tpu.dma_semaphore, #tpu.memory_space<semaphore_mem>>) src(%dma_wait3A_24 : memref<2048x2048xf32, #tpu.memory_space<hbm>>) dst(%arg7 : memref<16x2048xf32, #tpu.memory_space<vmem>>)
    %dma_start3A_25 = arith.constant 32 : i32
    %dma_start3A_26 = tpu.memref_slice %arg5[%dma_start3A_25] : memref<80xi32, #tpu.memory_space<vmem>> -> memref<16xi32, #tpu.memory_space<vmem>>
    %dma_start3A_27 = arith.constant 0 : i32
    %dma_start3A_28 = arith.constant 0 : i32
    %dma_start3A_29 = tpu.memref_slice %arg3[%dma_start3A_27, %dma_start3A_28] : memref<2048x2048xf32, #tpu.memory_space<hbm>> -> memref<2048x2048xf32, #tpu.memory_space<hbm>>
    tpu.enqueue_indirect_dma source(%dma_start3A_29 : memref<2048x2048xf32, #tpu.memory_space<hbm>>) target(%arg6 : memref<16x2048xf32, #tpu.memory_space<vmem>>) offsets(%dma_start3A_26 : memref<16xi32, #tpu.memory_space<vmem>>) semaphore(%arg8 : memref<!tpu.dma_semaphore, #tpu.memory_space<semaphore_mem>>)
    %add3A_30 = arith.constant 16 : i32
    %add3A_31 = arith.addi %mul3A_2, %add3A_30 : i32
    "tpu.region"() ({
      %run_scoped3A = tpu.sem_alloc : memref<!tpu.dma_semaphore, #tpu.memory_space<semaphore_mem>>
      %dma_start3A_63 = arith.constant 0 : i32
      %dma_start3A_64 = tpu.memref_slice %arg4[%add3A_31, %dma_start3A_63] : memref<2560x2048xf32, #tpu.memory_space<hbm>> -> memref<16x2048xf32, #tpu.memory_space<hbm>>
      %dma_start3A_65 = arith.constant 0 : i32
      %dma_start3A_66 = tpu.memref_slice %arg4[%add3A_31, %dma_start3A_65] : memref<2560x2048xf32, #tpu.memory_space<hbm>> -> memref<16x2048xf32, #tpu.memory_space<hbm>>
      tpu.enqueue_dma source(%arg7 : memref<16x2048xf32, #tpu.memory_space<vmem>>) target(%dma_start3A_66 : memref<16x2048xf32, #tpu.memory_space<hbm>>) target_semaphore(%run_scoped3A : memref<!tpu.dma_semaphore, #tpu.memory_space<semaphore_mem>>)
      %dma_wait3A_67 = arith.constant 0 : i32
      %dma_wait3A_68 = tpu.memref_slice %arg4[%add3A_31, %dma_wait3A_67] : memref<2560x2048xf32, #tpu.memory_space<hbm>> -> memref<16x2048xf32, #tpu.memory_space<hbm>>
      %dma_wait3A_69 = arith.constant 0 : i32
      %dma_wait3A_70 = tpu.memref_slice %arg4[%add3A_31, %dma_wait3A_69] : memref<2560x2048xf32, #tpu.memory_space<hbm>> -> memref<16x2048xf32, #tpu.memory_space<hbm>>
      tpu.wait_dma2 semaphore(%run_scoped3A : memref<!tpu.dma_semaphore, #tpu.memory_space<semaphore_mem>>) src(%arg7 : memref<16x2048xf32, #tpu.memory_space<vmem>>) dst(%dma_wait3A_70 : memref<16x2048xf32, #tpu.memory_space<hbm>>)
      tpu.yield
    }) : () -> ()
    %dma_wait3A_32 = arith.constant 32 : i32
    %dma_wait3A_33 = tpu.memref_slice %arg5[%dma_wait3A_32] : memref<80xi32, #tpu.memory_space<vmem>> -> memref<16xi32, #tpu.memory_space<vmem>>
    %dma_wait3A_34 = arith.constant 0 : i32
    %dma_wait3A_35 = arith.constant 0 : i32
    %dma_wait3A_36 = tpu.memref_slice %arg3[%dma_wait3A_34, %dma_wait3A_35] : memref<2048x2048xf32, #tpu.memory_space<hbm>> -> memref<2048x2048xf32, #tpu.memory_space<hbm>>
    tpu.wait_indirect_dma semaphore(%arg8 : memref<!tpu.dma_semaphore, #tpu.memory_space<semaphore_mem>>) src(%dma_wait3A_36 : memref<2048x2048xf32, #tpu.memory_space<hbm>>) dst(%arg6 : memref<16x2048xf32, #tpu.memory_space<vmem>>)
    %dma_start3A_37 = arith.constant 48 : i32
    %dma_start3A_38 = tpu.memref_slice %arg5[%dma_start3A_37] : memref<80xi32, #tpu.memory_space<vmem>> -> memref<16xi32, #tpu.memory_space<vmem>>
    %dma_start3A_39 = arith.constant 0 : i32
    %dma_start3A_40 = arith.constant 0 : i32
    %dma_start3A_41 = tpu.memref_slice %arg3[%dma_start3A_39, %dma_start3A_40] : memref<2048x2048xf32, #tpu.memory_space<hbm>> -> memref<2048x2048xf32, #tpu.memory_space<hbm>>
    tpu.enqueue_indirect_dma source(%dma_start3A_41 : memref<2048x2048xf32, #tpu.memory_space<hbm>>) target(%arg7 : memref<16x2048xf32, #tpu.memory_space<vmem>>) offsets(%dma_start3A_38 : memref<16xi32, #tpu.memory_space<vmem>>) semaphore(%arg9 : memref<!tpu.dma_semaphore, #tpu.memory_space<semaphore_mem>>)
    %add3A_42 = arith.constant 32 : i32
    %add3A_43 = arith.addi %mul3A_2, %add3A_42 : i32
    "tpu.region"() ({
      %run_scoped3A = tpu.sem_alloc : memref<!tpu.dma_semaphore, #tpu.memory_space<semaphore_mem>>
      %dma_start3A_63 = arith.constant 0 : i32
      %dma_start3A_64 = tpu.memref_slice %arg4[%add3A_43, %dma_start3A_63] : memref<2560x2048xf32, #tpu.memory_space<hbm>> -> memref<16x2048xf32, #tpu.memory_space<hbm>>
      %dma_start3A_65 = arith.constant 0 : i32
      %dma_start3A_66 = tpu.memref_slice %arg4[%add3A_43, %dma_start3A_65] : memref<2560x2048xf32, #tpu.memory_space<hbm>> -> memref<16x2048xf32, #tpu.memory_space<hbm>>
      tpu.enqueue_dma source(%arg6 : memref<16x2048xf32, #tpu.memory_space<vmem>>) target(%dma_start3A_66 : memref<16x2048xf32, #tpu.memory_space<hbm>>) target_semaphore(%run_scoped3A : memref<!tpu.dma_semaphore, #tpu.memory_space<semaphore_mem>>)
      %dma_wait3A_67 = arith.constant 0 : i32
      %dma_wait3A_68 = tpu.memref_slice %arg4[%add3A_43, %dma_wait3A_67] : memref<2560x2048xf32, #tpu.memory_space<hbm>> -> memref<16x2048xf32, #tpu.memory_space<hbm>>
      %dma_wait3A_69 = arith.constant 0 : i32
      %dma_wait3A_70 = tpu.memref_slice %arg4[%add3A_43, %dma_wait3A_69] : memref<2560x2048xf32, #tpu.memory_space<hbm>> -> memref<16x2048xf32, #tpu.memory_space<hbm>>
      tpu.wait_dma2 semaphore(%run_scoped3A : memref<!tpu.dma_semaphore, #tpu.memory_space<semaphore_mem>>) src(%arg6 : memref<16x2048xf32, #tpu.memory_space<vmem>>) dst(%dma_wait3A_70 : memref<16x2048xf32, #tpu.memory_space<hbm>>)
      tpu.yield
    }) : () -> ()
    %dma_wait3A_44 = arith.constant 48 : i32
    %dma_wait3A_45 = tpu.memref_slice %arg5[%dma_wait3A_44] : memref<80xi32, #tpu.memory_space<vmem>> -> memref<16xi32, #tpu.memory_space<vmem>>
    %dma_wait3A_46 = arith.constant 0 : i32
    %dma_wait3A_47 = arith.constant 0 : i32
    %dma_wait3A_48 = tpu.memref_slice %arg3[%dma_wait3A_46, %dma_wait3A_47] : memref<2048x2048xf32, #tpu.memory_space<hbm>> -> memref<2048x2048xf32, #tpu.memory_space<hbm>>
    tpu.wait_indirect_dma semaphore(%arg9 : memref<!tpu.dma_semaphore, #tpu.memory_space<semaphore_mem>>) src(%dma_wait3A_48 : memref<2048x2048xf32, #tpu.memory_space<hbm>>) dst(%arg7 : memref<16x2048xf32, #tpu.memory_space<vmem>>)
    %dma_start3A_49 = arith.constant 64 : i32
    %dma_start3A_50 = tpu.memref_slice %arg5[%dma_start3A_49] : memref<80xi32, #tpu.memory_space<vmem>> -> memref<16xi32, #tpu.memory_space<vmem>>
    %dma_start3A_51 = arith.constant 0 : i32
    %dma_start3A_52 = arith.constant 0 : i32
    %dma_start3A_53 = tpu.memref_slice %arg3[%dma_start3A_51, %dma_start3A_52] : memref<2048x2048xf32, #tpu.memory_space<hbm>> -> memref<2048x2048xf32, #tpu.memory_space<hbm>>
    tpu.enqueue_indirect_dma source(%dma_start3A_53 : memref<2048x2048xf32, #tpu.memory_space<hbm>>) target(%arg6 : memref<16x2048xf32, #tpu.memory_space<vmem>>) offsets(%dma_start3A_50 : memref<16xi32, #tpu.memory_space<vmem>>) semaphore(%arg8 : memref<!tpu.dma_semaphore, #tpu.memory_space<semaphore_mem>>)
    %add3A_54 = arith.constant 48 : i32
    %add3A_55 = arith.addi %mul3A_2, %add3A_54 : i32
    "tpu.region"() ({
      %run_scoped3A = tpu.sem_alloc : memref<!tpu.dma_semaphore, #tpu.memory_space<semaphore_mem>>
      %dma_start3A_63 = arith.constant 0 : i32
      %dma_start3A_64 = tpu.memref_slice %arg4[%add3A_55, %dma_start3A_63] : memref<2560x2048xf32, #tpu.memory_space<hbm>> -> memref<16x2048xf32, #tpu.memory_space<hbm>>
      %dma_start3A_65 = arith.constant 0 : i32
      %dma_start3A_66 = tpu.memref_slice %arg4[%add3A_55, %dma_start3A_65] : memref<2560x2048xf32, #tpu.memory_space<hbm>> -> memref<16x2048xf32, #tpu.memory_space<hbm>>
      tpu.enqueue_dma source(%arg7 : memref<16x2048xf32, #tpu.memory_space<vmem>>) target(%dma_start3A_66 : memref<16x2048xf32, #tpu.memory_space<hbm>>) target_semaphore(%run_scoped3A : memref<!tpu.dma_semaphore, #tpu.memory_space<semaphore_mem>>)
      %dma_wait3A_67 = arith.constant 0 : i32
      %dma_wait3A_68 = tpu.memref_slice %arg4[%add3A_55, %dma_wait3A_67] : memref<2560x2048xf32, #tpu.memory_space<hbm>> -> memref<16x2048xf32, #tpu.memory_space<hbm>>
      %dma_wait3A_69 = arith.constant 0 : i32
      %dma_wait3A_70 = tpu.memref_slice %arg4[%add3A_55, %dma_wait3A_69] : memref<2560x2048xf32, #tpu.memory_space<hbm>> -> memref<16x2048xf32, #tpu.memory_space<hbm>>
      tpu.wait_dma2 semaphore(%run_scoped3A : memref<!tpu.dma_semaphore, #tpu.memory_space<semaphore_mem>>) src(%arg7 : memref<16x2048xf32, #tpu.memory_space<vmem>>) dst(%dma_wait3A_70 : memref<16x2048xf32, #tpu.memory_space<hbm>>)
      tpu.yield
    }) : () -> ()
    %dma_wait3A_56 = arith.constant 64 : i32
    %dma_wait3A_57 = tpu.memref_slice %arg5[%dma_wait3A_56] : memref<80xi32, #tpu.memory_space<vmem>> -> memref<16xi32, #tpu.memory_space<vmem>>
    %dma_wait3A_58 = arith.constant 0 : i32
    %dma_wait3A_59 = arith.constant 0 : i32
    %dma_wait3A_60 = tpu.memref_slice %arg3[%dma_wait3A_58, %dma_wait3A_59] : memref<2048x2048xf32, #tpu.memory_space<hbm>> -> memref<2048x2048xf32, #tpu.memory_space<hbm>>
    tpu.wait_indirect_dma semaphore(%arg8 : memref<!tpu.dma_semaphore, #tpu.memory_space<semaphore_mem>>) src(%dma_wait3A_60 : memref<2048x2048xf32, #tpu.memory_space<hbm>>) dst(%arg6 : memref<16x2048xf32, #tpu.memory_space<vmem>>)
    %add3A_61 = arith.constant 64 : i32
    %add3A_62 = arith.addi %mul3A_2, %add3A_61 : i32
    "tpu.region"() ({
      %run_scoped3A = tpu.sem_alloc : memref<!tpu.dma_semaphore, #tpu.memory_space<semaphore_mem>>
      %dma_start3A_63 = arith.constant 0 : i32
      %dma_start3A_64 = tpu.memref_slice %arg4[%add3A_62, %dma_start3A_63] : memref<2560x2048xf32, #tpu.memory_space<hbm>> -> memref<16x2048xf32, #tpu.memory_space<hbm>>
      %dma_start3A_65 = arith.constant 0 : i32
      %dma_start3A_66 = tpu.memref_slice %arg4[%add3A_62, %dma_start3A_65] : memref<2560x2048xf32, #tpu.memory_space<hbm>> -> memref<16x2048xf32, #tpu.memory_space<hbm>>
      tpu.enqueue_dma source(%arg6 : memref<16x2048xf32, #tpu.memory_space<vmem>>) target(%dma_start3A_66 : memref<16x2048xf32, #tpu.memory_space<hbm>>) target_semaphore(%run_scoped3A : memref<!tpu.dma_semaphore, #tpu.memory_space<semaphore_mem>>)
      %dma_wait3A_67 = arith.constant 0 : i32
      %dma_wait3A_68 = tpu.memref_slice %arg4[%add3A_62, %dma_wait3A_67] : memref<2560x2048xf32, #tpu.memory_space<hbm>> -> memref<16x2048xf32, #tpu.memory_space<hbm>>
      %dma_wait3A_69 = arith.constant 0 : i32
      %dma_wait3A_70 = tpu.memref_slice %arg4[%add3A_62, %dma_wait3A_69] : memref<2560x2048xf32, #tpu.memory_space<hbm>> -> memref<16x2048xf32, #tpu.memory_space<hbm>>
      tpu.wait_dma2 semaphore(%run_scoped3A : memref<!tpu.dma_semaphore, #tpu.memory_space<semaphore_mem>>) src(%arg6 : memref<16x2048xf32, #tpu.memory_space<vmem>>) dst(%dma_wait3A_70 : memref<16x2048xf32, #tpu.memory_space<hbm>>)
      tpu.yield
    }) : () -> ()
    return
  }
}

module attributes {stable_mosaic.version = 14 : i64} {
  func.func @_router_body(%arg0: memref<2048x2048xf32, #tpu.memory_space<vmem>>, %arg1: memref<16x2048xf32, #tpu.memory_space<vmem>>, %arg2: memref<2048x2xi32, #tpu.memory_space<vmem>>, %arg3: memref<2048x2xf32, #tpu.memory_space<vmem>>, %arg4: memref<1x80xi32, #tpu.memory_space<vmem>>, %arg5: memref<1x80xi32, #tpu.memory_space<vmem>>) attributes {dimension_semantics = [], scalar_prefetch = 0 : i64, scratch_operands = 0 : i64, tpu.core_type = #tpu.core_type<tc>} {
    %get3A = arith.constant 0 : index
    %get3A_0 = arith.constant 0 : index
    %get3A_1 = vector.load %arg0[%get3A, %get3A_0] : memref<2048x2048xf32, #tpu.memory_space<vmem>>, vector<2048x2048xf32>
    %get3A_2 = arith.constant 0 : index
    %get3A_3 = arith.constant 0 : index
    %get3A_4 = vector.load %arg1[%get3A_2, %get3A_3] : memref<16x2048xf32, #tpu.memory_space<vmem>>, vector<16x2048xf32>
    %dot_general3A = arith.constant dense<0.000000e+00> : vector<2048x16xf32>
    %dot_general3A_5 = tpu.matmul %get3A_1, %get3A_4, %dot_general3A {dimension_numbers = #tpu.dot_dimension_numbers<[1], [1], [0], [0], [0, 0, 1, 0], [], []>, transpose_lhs_hint = false} : vector<2048x2048xf32>, vector<16x2048xf32>, vector<2048x16xf32> -> vector<2048x16xf32>
    %reduce_max3A = arith.constant dense<0xFF800000> : vector<2048xf32>
    %reduce_max3A_6 = vector.multi_reduction <maximumf>, %dot_general3A_5, %reduce_max3A [1] : vector<2048x16xf32> to vector<2048xf32>
    %broadcast_in_dim3A = vector.shape_cast %reduce_max3A_6 : vector<2048xf32> to vector<2048x1xf32>
    %sub3A = vector.broadcast %broadcast_in_dim3A : vector<2048x1xf32> to vector<2048x16xf32>
    %sub3A_7 = arith.subf %dot_general3A_5, %sub3A : vector<2048x16xf32>
    %exp3A = math.exp %sub3A_7 : vector<2048x16xf32>
    %reduce_sum3A = arith.constant dense<0.000000e+00> : vector<2048xf32>
    %reduce_sum3A_8 = vector.multi_reduction <add>, %exp3A, %reduce_sum3A [1] : vector<2048x16xf32> to vector<2048xf32>
    %broadcast_in_dim3A_9 = vector.shape_cast %reduce_sum3A_8 : vector<2048xf32> to vector<2048x1xf32>
    %div3A = vector.broadcast %broadcast_in_dim3A_9 : vector<2048x1xf32> to vector<2048x16xf32>
    %div3A_10 = arith.divf %exp3A, %div3A : vector<2048x16xf32>
    %iota3A = tpu.iota {dimensions = array<i32: 1>} : vector<2048x16xi32>
    %reduce_max3A_11 = arith.constant dense<0xFF800000> : vector<2048xf32>
    %reduce_max3A_12 = vector.multi_reduction <maximumf>, %div3A_10, %reduce_max3A_11 [1] : vector<2048x16xf32> to vector<2048xf32>
    %broadcast_in_dim3A_13 = vector.shape_cast %reduce_max3A_12 : vector<2048xf32> to vector<2048x1xf32>
    %eq3A = vector.broadcast %broadcast_in_dim3A_13 : vector<2048x1xf32> to vector<2048x16xf32>
    %eq3A_14 = arith.cmpf oeq, %div3A_10, %eq3A : vector<2048x16xf32>
    %jit3A = arith.constant 16 : i32
    %broadcast_in_dim3A_15 = vector.broadcast %jit3A : i32 to vector<2048x16xi32>
    %select_n3A = arith.select %eq3A_14, %iota3A, %broadcast_in_dim3A_15 : vector<2048x16xi1>, vector<2048x16xi32>
    %reduce_min3A = arith.constant dense<2147483647> : vector<2048xi32>
    %reduce_min3A_16 = vector.multi_reduction <minsi>, %select_n3A, %reduce_min3A [1] : vector<2048x16xi32> to vector<2048xi32>
    %broadcast_in_dim3A_17 = vector.shape_cast %reduce_min3A_16 : vector<2048xi32> to vector<2048x1xi32>
    %eq3A_18 = vector.broadcast %broadcast_in_dim3A_17 : vector<2048x1xi32> to vector<2048x16xi32>
    %eq3A_19 = arith.cmpi eq, %iota3A, %eq3A_18 : vector<2048x16xi32>
    %jit3A_20 = arith.constant 0.000000e+00 : f32
    %broadcast_in_dim3A_21 = vector.broadcast %jit3A_20 : f32 to vector<2048x16xf32>
    %select_n3A_22 = arith.select %eq3A_19, %div3A_10, %broadcast_in_dim3A_21 : vector<2048x16xi1>, vector<2048x16xf32>
    %reduce_sum3A_23 = arith.constant dense<0.000000e+00> : vector<2048xf32>
    %reduce_sum3A_24 = vector.multi_reduction <add>, %select_n3A_22, %reduce_sum3A_23 [1] : vector<2048x16xf32> to vector<2048xf32>
    %broadcast_in_dim3A_25 = vector.shape_cast %reduce_sum3A_24 : vector<2048xf32> to vector<2048x1xf32>
    %jit3A_26 = arith.constant -1.000000e+00 : f32
    %broadcast_in_dim3A_27 = vector.broadcast %jit3A_26 : f32 to vector<2048x16xf32>
    %select_n3A_28 = arith.select %eq3A_19, %broadcast_in_dim3A_27, %div3A_10 : vector<2048x16xi1>, vector<2048x16xf32>
    %reduce_max3A_29 = arith.constant dense<0xFF800000> : vector<2048xf32>
    %reduce_max3A_30 = vector.multi_reduction <maximumf>, %select_n3A_28, %reduce_max3A_29 [1] : vector<2048x16xf32> to vector<2048xf32>
    %broadcast_in_dim3A_31 = vector.shape_cast %reduce_max3A_30 : vector<2048xf32> to vector<2048x1xf32>
    %eq3A_32 = vector.broadcast %broadcast_in_dim3A_31 : vector<2048x1xf32> to vector<2048x16xf32>
    %eq3A_33 = arith.cmpf oeq, %select_n3A_28, %eq3A_32 : vector<2048x16xf32>
    %jit3A_34 = arith.constant 16 : i32
    %broadcast_in_dim3A_35 = vector.broadcast %jit3A_34 : i32 to vector<2048x16xi32>
    %select_n3A_36 = arith.select %eq3A_33, %iota3A, %broadcast_in_dim3A_35 : vector<2048x16xi1>, vector<2048x16xi32>
    %reduce_min3A_37 = arith.constant dense<2147483647> : vector<2048xi32>
    %reduce_min3A_38 = vector.multi_reduction <minsi>, %select_n3A_36, %reduce_min3A_37 [1] : vector<2048x16xi32> to vector<2048xi32>
    %broadcast_in_dim3A_39 = vector.shape_cast %reduce_min3A_38 : vector<2048xi32> to vector<2048x1xi32>
    %eq3A_40 = vector.broadcast %broadcast_in_dim3A_39 : vector<2048x1xi32> to vector<2048x16xi32>
    %eq3A_41 = arith.cmpi eq, %iota3A, %eq3A_40 : vector<2048x16xi32>
    %jit3A_42 = arith.constant 0.000000e+00 : f32
    %broadcast_in_dim3A_43 = vector.broadcast %jit3A_42 : f32 to vector<2048x16xf32>
    %select_n3A_44 = arith.select %eq3A_41, %div3A_10, %broadcast_in_dim3A_43 : vector<2048x16xi1>, vector<2048x16xf32>
    %reduce_sum3A_45 = arith.constant dense<0.000000e+00> : vector<2048xf32>
    %reduce_sum3A_46 = vector.multi_reduction <add>, %select_n3A_44, %reduce_sum3A_45 [1] : vector<2048x16xf32> to vector<2048xf32>
    %broadcast_in_dim3A_47 = vector.shape_cast %reduce_sum3A_46 : vector<2048xf32> to vector<2048x1xf32>
    %add3A = arith.addf %broadcast_in_dim3A_25, %broadcast_in_dim3A_47 : vector<2048x1xf32>
    %div3A_48 = arith.divf %broadcast_in_dim3A_25, %add3A : vector<2048x1xf32>
    %div3A_49 = arith.divf %broadcast_in_dim3A_47, %add3A : vector<2048x1xf32>
    %convert_element_type3A = arith.extui %eq3A_19 : vector<2048x16xi1> to vector<2048x16xi32>
    %convert_element_type3A_50 = arith.sitofp %convert_element_type3A : vector<2048x16xi32> to vector<2048x16xf32>
    %convert_element_type3A_51 = arith.extui %eq3A_41 : vector<2048x16xi1> to vector<2048x16xi32>
    %convert_element_type3A_52 = arith.sitofp %convert_element_type3A_51 : vector<2048x16xi32> to vector<2048x16xf32>
    %add3A_53 = arith.addf %convert_element_type3A_50, %convert_element_type3A_52 : vector<2048x16xf32>
    %iota3A_54 = tpu.iota {dimensions = array<i32: 0>} : vector<2048x2048xi32>
    %iota3A_55 = tpu.iota {dimensions = array<i32: 1>} : vector<2048x2048xi32>
    %gt3A = arith.cmpi sgt, %iota3A_54, %iota3A_55 : vector<2048x2048xi32>
    %convert_element_type3A_56 = arith.extui %gt3A : vector<2048x2048xi1> to vector<2048x2048xi32>
    %convert_element_type3A_57 = arith.sitofp %convert_element_type3A_56 : vector<2048x2048xi32> to vector<2048x2048xf32>
    %dot_general3A_58 = arith.constant dense<0.000000e+00> : vector<2048x16xf32>
    %dot_general3A_59 = tpu.matmul %convert_element_type3A_57, %add3A_53, %dot_general3A_58 {dimension_numbers = #tpu.dot_dimension_numbers<[1], [0], [0], [1], [0, 0, 1, 1], [], []>, transpose_lhs_hint = false} : vector<2048x2048xf32>, vector<2048x16xf32>, vector<2048x16xf32> -> vector<2048x16xf32>
    %reduce_sum3A_60 = arith.constant dense<0.000000e+00> : vector<16xf32>
    %reduce_sum3A_61 = vector.multi_reduction <add>, %add3A_53, %reduce_sum3A_60 [0] : vector<2048x16xf32> to vector<16xf32>
    %broadcast_in_dim3A_62 = vector.shape_cast %reduce_sum3A_61 : vector<16xf32> to vector<1x16xf32>
    %add3A_63 = arith.constant 6.300000e+01 : f32
    %add3A_64 = vector.broadcast %add3A_63 : f32 to vector<1x16xf32>
    %add3A_65 = arith.addf %broadcast_in_dim3A_62, %add3A_64 : vector<1x16xf32>
    %div3A_66 = arith.constant 6.400000e+01 : f32
    %div3A_67 = vector.broadcast %div3A_66 : f32 to vector<1x16xf32>
    %div3A_68 = arith.divf %add3A_65, %div3A_67 : vector<1x16xf32>
    %floor3A = math.floor %div3A_68 : vector<1x16xf32>
    %mul3A = arith.constant 6.400000e+01 : f32
    %mul3A_69 = vector.broadcast %mul3A : f32 to vector<1x16xf32>
    %mul3A_70 = arith.mulf %floor3A, %mul3A_69 : vector<1x16xf32>
    %iota3A_71 = tpu.iota {dimensions = array<i32: 0>} : vector<16x16xi32>
    %iota3A_72 = tpu.iota {dimensions = array<i32: 1>} : vector<16x16xi32>
    %eq3A_73 = arith.cmpi eq, %iota3A_71, %iota3A_72 : vector<16x16xi32>
    %convert_element_type3A_74 = arith.extui %eq3A_73 : vector<16x16xi1> to vector<16x16xi32>
    %convert_element_type3A_75 = arith.sitofp %convert_element_type3A_74 : vector<16x16xi32> to vector<16x16xf32>
    %lt3A = arith.cmpi slt, %iota3A_71, %iota3A_72 : vector<16x16xi32>
    %convert_element_type3A_76 = arith.extui %lt3A : vector<16x16xi1> to vector<16x16xi32>
    %convert_element_type3A_77 = arith.sitofp %convert_element_type3A_76 : vector<16x16xi32> to vector<16x16xf32>
    %dot_general3A_78 = arith.constant dense<0.000000e+00> : vector<1x16xf32>
    %dot_general3A_79 = tpu.matmul %mul3A_70, %convert_element_type3A_77, %dot_general3A_78 {dimension_numbers = #tpu.dot_dimension_numbers<[1], [0], [0], [1], [0, 0, 1, 1], [], []>, transpose_lhs_hint = false} : vector<1x16xf32>, vector<16x16xf32>, vector<1x16xf32> -> vector<1x16xf32>
    %reduce_sum3A_80 = arith.constant dense<0.000000e+00> : vector<1xf32>
    %reduce_sum3A_81 = vector.multi_reduction <add>, %mul3A_70, %reduce_sum3A_80 [1] : vector<1x16xf32> to vector<1xf32>
    %broadcast_in_dim3A_82 = vector.shape_cast %reduce_sum3A_81 : vector<1xf32> to vector<1x1xf32>
    %jit3A_83 = arith.constant 0.000000e+00 : f32
    %broadcast_in_dim3A_84 = vector.broadcast %jit3A_83 : f32 to vector<2048x16xf32>
    %select_n3A_85 = arith.select %eq3A_19, %dot_general3A_59, %broadcast_in_dim3A_84 : vector<2048x16xi1>, vector<2048x16xf32>
    %reduce_sum3A_86 = arith.constant dense<0.000000e+00> : vector<2048xf32>
    %reduce_sum3A_87 = vector.multi_reduction <add>, %select_n3A_85, %reduce_sum3A_86 [1] : vector<2048x16xf32> to vector<2048xf32>
    %broadcast_in_dim3A_88 = vector.shape_cast %reduce_sum3A_87 : vector<2048xf32> to vector<2048x1xf32>
    %jit3A_89 = arith.constant 0.000000e+00 : f32
    %broadcast_in_dim3A_90 = vector.broadcast %jit3A_89 : f32 to vector<2048x16xf32>
    %select_n3A_91 = arith.select %eq3A_41, %dot_general3A_59, %broadcast_in_dim3A_90 : vector<2048x16xi1>, vector<2048x16xf32>
    %reduce_sum3A_92 = arith.constant dense<0.000000e+00> : vector<2048xf32>
    %reduce_sum3A_93 = vector.multi_reduction <add>, %select_n3A_91, %reduce_sum3A_92 [1] : vector<2048x16xf32> to vector<2048xf32>
    %broadcast_in_dim3A_94 = vector.shape_cast %reduce_sum3A_93 : vector<2048xf32> to vector<2048x1xf32>
    %jit3A_95 = arith.constant 0.000000e+00 : f32
    %broadcast_in_dim3A_96 = vector.shape_cast %dot_general3A_79 : vector<1x16xf32> to vector<1x16xf32>
    %broadcast_in_dim3A_97 = vector.broadcast %broadcast_in_dim3A_96 : vector<1x16xf32> to vector<2048x16xf32>
    %broadcast_in_dim3A_98 = vector.broadcast %jit3A_95 : f32 to vector<2048x16xf32>
    %select_n3A_99 = arith.select %eq3A_19, %broadcast_in_dim3A_97, %broadcast_in_dim3A_98 : vector<2048x16xi1>, vector<2048x16xf32>
    %reduce_sum3A_100 = arith.constant dense<0.000000e+00> : vector<2048xf32>
    %reduce_sum3A_101 = vector.multi_reduction <add>, %select_n3A_99, %reduce_sum3A_100 [1] : vector<2048x16xf32> to vector<2048xf32>
    %broadcast_in_dim3A_102 = vector.shape_cast %reduce_sum3A_101 : vector<2048xf32> to vector<2048x1xf32>
    %jit3A_103 = arith.constant 0.000000e+00 : f32
    %broadcast_in_dim3A_104 = vector.shape_cast %dot_general3A_79 : vector<1x16xf32> to vector<1x16xf32>
    %broadcast_in_dim3A_105 = vector.broadcast %broadcast_in_dim3A_104 : vector<1x16xf32> to vector<2048x16xf32>
    %broadcast_in_dim3A_106 = vector.broadcast %jit3A_103 : f32 to vector<2048x16xf32>
    %select_n3A_107 = arith.select %eq3A_41, %broadcast_in_dim3A_105, %broadcast_in_dim3A_106 : vector<2048x16xi1>, vector<2048x16xf32>
    %reduce_sum3A_108 = arith.constant dense<0.000000e+00> : vector<2048xf32>
    %reduce_sum3A_109 = vector.multi_reduction <add>, %select_n3A_107, %reduce_sum3A_108 [1] : vector<2048x16xf32> to vector<2048xf32>
    %broadcast_in_dim3A_110 = vector.shape_cast %reduce_sum3A_109 : vector<2048xf32> to vector<2048x1xf32>
    %add3A_111 = arith.addf %broadcast_in_dim3A_102, %broadcast_in_dim3A_88 : vector<2048x1xf32>
    %convert_element_type3A_112 = arith.fptosi %add3A_111 : vector<2048x1xf32> to vector<2048x1xi32>
    %swap3A = arith.constant 0 : index
    %swap3A_113 = arith.constant 0 : index
    %swap3A_114 = vector.load %arg2[%swap3A, %swap3A_113] : memref<2048x2xi32, #tpu.memory_space<vmem>>, vector<2048x1xi32>
    tpu.vector_store %arg2[%swap3A, %swap3A_113], %convert_element_type3A_112 {strides = array<i32>} : memref<2048x2xi32, #tpu.memory_space<vmem>>, vector<2048x1xi32>,
    %add3A_115 = arith.addf %broadcast_in_dim3A_110, %broadcast_in_dim3A_94 : vector<2048x1xf32>
    %convert_element_type3A_116 = arith.fptosi %add3A_115 : vector<2048x1xf32> to vector<2048x1xi32>
    %swap3A_117 = arith.constant 0 : index
    %swap3A_118 = arith.constant 1 : index
    %swap3A_119 = vector.load %arg2[%swap3A_117, %swap3A_118] : memref<2048x2xi32, #tpu.memory_space<vmem>>, vector<2048x1xi32>
    tpu.vector_store %arg2[%swap3A_117, %swap3A_118], %convert_element_type3A_116 {strides = array<i32>} : memref<2048x2xi32, #tpu.memory_space<vmem>>, vector<2048x1xi32>,
    %swap3A_120 = arith.constant 0 : index
    %swap3A_121 = arith.constant 0 : index
    %swap3A_122 = vector.load %arg3[%swap3A_120, %swap3A_121] : memref<2048x2xf32, #tpu.memory_space<vmem>>, vector<2048x1xf32>
    tpu.vector_store %arg3[%swap3A_120, %swap3A_121], %div3A_48 {strides = array<i32>} : memref<2048x2xf32, #tpu.memory_space<vmem>>, vector<2048x1xf32>,
    %swap3A_123 = arith.constant 0 : index
    %swap3A_124 = arith.constant 1 : index
    %swap3A_125 = vector.load %arg3[%swap3A_123, %swap3A_124] : memref<2048x2xf32, #tpu.memory_space<vmem>>, vector<2048x1xf32>
    tpu.vector_store %arg3[%swap3A_123, %swap3A_124], %div3A_49 {strides = array<i32>} : memref<2048x2xf32, #tpu.memory_space<vmem>>, vector<2048x1xf32>,
    %dot_general3A_126 = arith.constant dense<0.000000e+00> : vector<16x1xf32>
    %dot_general3A_127 = tpu.matmul %convert_element_type3A_75, %dot_general3A_79, %dot_general3A_126 {dimension_numbers = #tpu.dot_dimension_numbers<[1], [1], [0], [0], [0, 0, 1, 0], [], []>, transpose_lhs_hint = false} : vector<16x16xf32>, vector<1x16xf32>, vector<16x1xf32> -> vector<16x1xf32>
    %dot_general3A_128 = arith.constant dense<0.000000e+00> : vector<16x1xf32>
    %dot_general3A_129 = tpu.matmul %convert_element_type3A_75, %mul3A_70, %dot_general3A_128 {dimension_numbers = #tpu.dot_dimension_numbers<[1], [1], [0], [0], [0, 0, 1, 0], [], []>, transpose_lhs_hint = false} : vector<16x16xf32>, vector<1x16xf32>, vector<16x1xf32> -> vector<16x1xf32>
    %iota3A_130 = tpu.iota {dimensions = array<i32: 1>} : vector<16x80xi32>
    %mul3A_131 = arith.constant 64 : i32
    %mul3A_132 = vector.broadcast %mul3A_131 : i32 to vector<16x80xi32>
    %mul3A_133 = arith.muli %iota3A_130, %mul3A_132 : vector<16x80xi32>
    %convert_element_type3A_134 = arith.sitofp %mul3A_133 : vector<16x80xi32> to vector<16x80xf32>
    %ge3A = vector.broadcast %dot_general3A_127 : vector<16x1xf32> to vector<16x80xf32>
    %ge3A_135 = arith.cmpf oge, %convert_element_type3A_134, %ge3A : vector<16x80xf32>
    %add3A_136 = arith.addf %dot_general3A_127, %dot_general3A_129 : vector<16x1xf32>
    %lt3A_137 = vector.broadcast %add3A_136 : vector<16x1xf32> to vector<16x80xf32>
    %lt3A_138 = arith.cmpf olt, %convert_element_type3A_134, %lt3A_137 : vector<16x80xf32>
    %and3A = arith.andi %ge3A_135, %lt3A_138 : vector<16x80xi1>
    %iota3A_139 = tpu.iota {dimensions = array<i32: 0>} : vector<16x80xi32>
    %convert_element_type3A_140 = arith.sitofp %iota3A_139 : vector<16x80xi32> to vector<16x80xf32>
    %jit3A_141 = arith.constant 0.000000e+00 : f32
    %broadcast_in_dim3A_142 = vector.broadcast %jit3A_141 : f32 to vector<16x80xf32>
    %select_n3A_143 = arith.select %and3A, %convert_element_type3A_140, %broadcast_in_dim3A_142 : vector<16x80xi1>, vector<16x80xf32>
    %reduce_sum3A_144 = arith.constant dense<0.000000e+00> : vector<80xf32>
    %reduce_sum3A_145 = vector.multi_reduction <add>, %select_n3A_143, %reduce_sum3A_144 [0] : vector<16x80xf32> to vector<80xf32>
    %broadcast_in_dim3A_146 = vector.shape_cast %reduce_sum3A_145 : vector<80xf32> to vector<1x80xf32>
    %iota3A_147 = tpu.iota {dimensions = array<i32: 1>} : vector<1x80xi32>
    %mul3A_148 = arith.constant 64 : i32
    %mul3A_149 = vector.broadcast %mul3A_148 : i32 to vector<1x80xi32>
    %mul3A_150 = arith.muli %iota3A_147, %mul3A_149 : vector<1x80xi32>
    %convert_element_type3A_151 = arith.sitofp %mul3A_150 : vector<1x80xi32> to vector<1x80xf32>
    %lt3A_152 = vector.broadcast %broadcast_in_dim3A_82 : vector<1x1xf32> to vector<1x80xf32>
    %lt3A_153 = arith.cmpf olt, %convert_element_type3A_151, %lt3A_152 : vector<1x80xf32>
    %convert_element_type3A_154 = arith.extui %lt3A_153 : vector<1x80xi1> to vector<1x80xi32>
    %convert_element_type3A_155 = arith.sitofp %convert_element_type3A_154 : vector<1x80xi32> to vector<1x80xf32>
    %mul3A_156 = arith.mulf %broadcast_in_dim3A_146, %convert_element_type3A_155 : vector<1x80xf32>
    %sub3A_157 = arith.constant 1.000000e+00 : f32
    %sub3A_158 = vector.broadcast %sub3A_157 : f32 to vector<1x80xf32>
    %sub3A_159 = arith.subf %sub3A_158, %convert_element_type3A_155 : vector<1x80xf32>
    %mul3A_160 = arith.constant 1.500000e+01 : f32
    %mul3A_161 = vector.broadcast %mul3A_160 : f32 to vector<1x80xf32>
    %mul3A_162 = arith.mulf %sub3A_159, %mul3A_161 : vector<1x80xf32>
    %add3A_163 = arith.addf %mul3A_156, %mul3A_162 : vector<1x80xf32>
    %convert_element_type3A_164 = arith.fptosi %add3A_163 : vector<1x80xf32> to vector<1x80xi32>
    %swap3A_165 = arith.constant 0 : index
    %swap3A_166 = arith.constant 0 : index
    %swap3A_167 = vector.load %arg4[%swap3A_165, %swap3A_166] : memref<1x80xi32, #tpu.memory_space<vmem>>, vector<1x80xi32>
    tpu.vector_store %arg4[%swap3A_165, %swap3A_166], %convert_element_type3A_164 {strides = array<i32>} : memref<1x80xi32, #tpu.memory_space<vmem>>, vector<1x80xi32>,
    %convert_element_type3A_168 = arith.fptosi %convert_element_type3A_155 : vector<1x80xf32> to vector<1x80xi32>
    %swap3A_169 = arith.constant 0 : index
    %swap3A_170 = arith.constant 0 : index
    %swap3A_171 = vector.load %arg5[%swap3A_169, %swap3A_170] : memref<1x80xi32, #tpu.memory_space<vmem>>, vector<1x80xi32>
    tpu.vector_store %arg5[%swap3A_169, %swap3A_170], %convert_element_type3A_168 {strides = array<i32>} : memref<1x80xi32, #tpu.memory_space<vmem>>, vector<1x80xi32>,
    return
  }
}

module attributes {stable_mosaic.version = 14 : i64} {
  func.func @_mlp_body(%arg0: i32, %arg1: memref<80xi32, #tpu.memory_space<smem>>, %arg2: memref<80xi32, #tpu.memory_space<smem>>, %arg3: memref<64x2048xf32, #tpu.memory_space<vmem>>, %arg4: memref<448x2048xf32, #tpu.memory_space<vmem>>, %arg5: memref<448x2048xf32, #tpu.memory_space<vmem>>, %arg6: memref<1x448x2048xf32, #tpu.memory_space<vmem>>, %arg7: memref<64x1xf32, #tpu.memory_space<vmem>>, %arg8: memref<64x2048xf32, #tpu.memory_space<vmem>>) attributes {dimension_semantics = [#tpu.dimension_semantics<arbitrary>], iteration_bounds = array<i64: 40>, scalar_prefetch = 2 : i64, scratch_operands = 0 : i64, tpu.core_type = #tpu.core_type<tc>, window_params = [{transform_indices = @transform_0, window_bounds = array<i64: 64, 2048>}, {transform_indices = @transform_1, window_bounds = array<i64: 448, 2048>}, {transform_indices = @transform_2, window_bounds = array<i64: 448, 2048>}, {transform_indices = @transform_3, window_bounds = array<i64: 1, 448, 2048>}, {transform_indices = @transform_4, window_bounds = array<i64: 64, 1>}, {transform_indices = @transform_5, window_bounds = array<i64: 64, 2048>}]} {
    %get3A = arith.index_cast %arg0 : i32 to index
    %get3A_0 = memref.load %arg2[%get3A] : memref<80xi32, #tpu.memory_space<smem>>
    %eq3A = arith.constant 1 : i32
    %eq3A_1 = arith.cmpi eq, %get3A_0, %eq3A : i32
    %convert_element_type3A = arith.extui %eq3A_1 : i1 to i32
    %cond3A = arith.constant 0 : i32
    %cond3A_2 = arith.cmpi ne, %convert_element_type3A, %cond3A : i32
    scf.if %cond3A_2 {
      %get3A_3 = arith.constant 0 : index
      %get3A_4 = arith.constant 0 : index
      %get3A_5 = vector.load %arg3[%get3A_3, %get3A_4] : memref<64x2048xf32, #tpu.memory_space<vmem>>, vector<64x2048xf32>
      %get3A_6 = arith.constant 0 : index
      %get3A_7 = arith.constant 0 : index
      %get3A_8 = vector.load %arg5[%get3A_6, %get3A_7] : memref<448x2048xf32, #tpu.memory_space<vmem>>, vector<448x2048xf32>
      %dot_general3A = arith.constant dense<0.000000e+00> : vector<64x448xf32>
      %dot_general3A_9 = tpu.matmul %get3A_5, %get3A_8, %dot_general3A {dimension_numbers = #tpu.dot_dimension_numbers<[1], [1], [0], [0], [0, 0, 1, 0], [], []>, transpose_lhs_hint = false} : vector<64x2048xf32>, vector<448x2048xf32>, vector<64x448xf32> -> vector<64x448xf32>
      %get3A_10 = arith.constant 0 : index
      %get3A_11 = arith.constant 0 : index
      %get3A_12 = vector.load %arg4[%get3A_10, %get3A_11] : memref<448x2048xf32, #tpu.memory_space<vmem>>, vector<448x2048xf32>
      %dot_general3A_13 = arith.constant dense<0.000000e+00> : vector<64x448xf32>
      %dot_general3A_14 = tpu.matmul %get3A_5, %get3A_12, %dot_general3A_13 {dimension_numbers = #tpu.dot_dimension_numbers<[1], [1], [0], [0], [0, 0, 1, 0], [], []>, transpose_lhs_hint = false} : vector<64x2048xf32>, vector<448x2048xf32>, vector<64x448xf32> -> vector<64x448xf32>
      %neg3A = arith.constant 0.000000e+00 : f32
      %neg3A_15 = vector.broadcast %neg3A : f32 to vector<64x448xf32>
      %neg3A_16 = arith.subf %neg3A_15, %dot_general3A_9 : vector<64x448xf32>
      %exp3A = math.exp %neg3A_16 : vector<64x448xf32>
      %add3A = arith.constant 1.000000e+00 : f32
      %add3A_17 = vector.broadcast %add3A : f32 to vector<64x448xf32>
      %add3A_18 = arith.addf %add3A_17, %exp3A : vector<64x448xf32>
      %div3A = arith.constant 1.000000e+00 : f32
      %div3A_19 = vector.broadcast %div3A : f32 to vector<64x448xf32>
      %div3A_20 = arith.divf %div3A_19, %add3A_18 : vector<64x448xf32>
      %mul3A = arith.mulf %dot_general3A_9, %div3A_20 : vector<64x448xf32>
      %mul3A_21 = arith.mulf %mul3A, %dot_general3A_14 : vector<64x448xf32>
      %get3A_22 = arith.constant 0 : index
      %get3A_23 = arith.constant 0 : index
      %get3A_24 = arith.constant 0 : index
      %get3A_25 = vector.load %arg6[%get3A_22, %get3A_23, %get3A_24] : memref<1x448x2048xf32, #tpu.memory_space<vmem>>, vector<1x448x2048xf32>
      %get3A_26 = vector.shape_cast %get3A_25 : vector<1x448x2048xf32> to vector<448x2048xf32>
      %dot_general3A_27 = arith.constant dense<0.000000e+00> : vector<64x2048xf32>
      %dot_general3A_28 = tpu.matmul %mul3A_21, %get3A_26, %dot_general3A_27 {dimension_numbers = #tpu.dot_dimension_numbers<[1], [0], [0], [1], [0, 0, 1, 1], [], []>, transpose_lhs_hint = false} : vector<64x448xf32>, vector<448x2048xf32>, vector<64x2048xf32> -> vector<64x2048xf32>
      %get3A_29 = arith.constant 0 : index
      %get3A_30 = arith.constant 0 : index
      %get3A_31 = vector.load %arg7[%get3A_29, %get3A_30] : memref<64x1xf32, #tpu.memory_space<vmem>>, vector<64x1xf32>
      %mul3A_32 = vector.broadcast %get3A_31 : vector<64x1xf32> to vector<64x2048xf32>
      %mul3A_33 = arith.mulf %dot_general3A_28, %mul3A_32 : vector<64x2048xf32>
      %swap3A = arith.constant 0 : index
      %swap3A_34 = arith.constant 0 : index
      %swap3A_35 = vector.load %arg8[%swap3A, %swap3A_34] : memref<64x2048xf32, #tpu.memory_space<vmem>>, vector<64x2048xf32>
      tpu.vector_store %arg8[%swap3A, %swap3A_34], %mul3A_33 {strides = array<i32>} : memref<64x2048xf32, #tpu.memory_space<vmem>>, vector<64x2048xf32>,
    } else {
    }
    return
  }
  func.func @transform_0(%arg0: i32, %arg1: memref<80xi32, #tpu.memory_space<smem>>, %arg2: memref<80xi32, #tpu.memory_space<smem>>) -> (i32, i32) {
    %c0_i32 = arith.constant 0 : i32
    %c0_i32_0 = arith.constant 0 : i32
    return %arg0, %c0_i32 : i32, i32
  }
  func.func @transform_1(%arg0: i32, %arg1: memref<80xi32, #tpu.memory_space<smem>>, %arg2: memref<80xi32, #tpu.memory_space<smem>>) -> (i32, i32) {
    %add3A = arith.constant 0 : i32
    %add3A_0 = arith.addi %arg0, %add3A : i32
    %get3A = arith.index_cast %add3A_0 : i32 to index
    %get3A_1 = memref.load %arg1[%get3A] : memref<80xi32, #tpu.memory_space<smem>>
    %c0_i32 = arith.constant 0 : i32
    %c0_i32_2 = arith.constant 0 : i32
    return %get3A_1, %c0_i32 : i32, i32
  }
  func.func @transform_2(%arg0: i32, %arg1: memref<80xi32, #tpu.memory_space<smem>>, %arg2: memref<80xi32, #tpu.memory_space<smem>>) -> (i32, i32) {
    %add3A = arith.constant 0 : i32
    %add3A_0 = arith.addi %arg0, %add3A : i32
    %get3A = arith.index_cast %add3A_0 : i32 to index
    %get3A_1 = memref.load %arg1[%get3A] : memref<80xi32, #tpu.memory_space<smem>>
    %c0_i32 = arith.constant 0 : i32
    %c0_i32_2 = arith.constant 0 : i32
    return %get3A_1, %c0_i32 : i32, i32
  }
  func.func @transform_3(%arg0: i32, %arg1: memref<80xi32, #tpu.memory_space<smem>>, %arg2: memref<80xi32, #tpu.memory_space<smem>>) -> (i32, i32, i32) {
    %add3A = arith.constant 0 : i32
    %add3A_0 = arith.addi %arg0, %add3A : i32
    %get3A = arith.index_cast %add3A_0 : i32 to index
    %get3A_1 = memref.load %arg1[%get3A] : memref<80xi32, #tpu.memory_space<smem>>
    %c0_i32 = arith.constant 0 : i32
    %c0_i32_2 = arith.constant 0 : i32
    %c0_i32_3 = arith.constant 0 : i32
    return %get3A_1, %c0_i32, %c0_i32_2 : i32, i32, i32
  }
  func.func @transform_4(%arg0: i32, %arg1: memref<80xi32, #tpu.memory_space<smem>>, %arg2: memref<80xi32, #tpu.memory_space<smem>>) -> (i32, i32) {
    %add3A = arith.constant 0 : i32
    %add3A_0 = arith.addi %arg0, %add3A : i32
    %c0_i32 = arith.constant 0 : i32
    %c0_i32_1 = arith.constant 0 : i32
    return %add3A_0, %c0_i32 : i32, i32
  }
  func.func @transform_5(%arg0: i32, %arg1: memref<80xi32, #tpu.memory_space<smem>>, %arg2: memref<80xi32, #tpu.memory_space<smem>>) -> (i32, i32) {
    %add3A = arith.constant 0 : i32
    %add3A_0 = arith.addi %arg0, %add3A : i32
    %c0_i32 = arith.constant 0 : i32
    %c0_i32_1 = arith.constant 0 : i32
    return %add3A_0, %c0_i32 : i32, i32
  }
}

module attributes {stable_mosaic.version = 14 : i64} {
  func.func @_mlp_body2(%arg0: i32, %arg1: memref<80xi32, #tpu.memory_space<smem>>, %arg2: memref<80xi32, #tpu.memory_space<smem>>, %arg3: memref<64x2048xf32, #tpu.memory_space<vmem>>, %arg4: memref<448x2048xf32, #tpu.memory_space<vmem>>, %arg5: memref<448x2048xf32, #tpu.memory_space<vmem>>, %arg6: memref<1x448x2048xf32, #tpu.memory_space<vmem>>, %arg7: memref<64x1xf32, #tpu.memory_space<vmem>>, %arg8: memref<5120x2048xf32, #tpu.memory_space<any>>, %arg9: memref<64x2048xf32, #tpu.memory_space<vmem>>) attributes {dimension_semantics = [#tpu.dimension_semantics<arbitrary>], iteration_bounds = array<i64: 40>, scalar_prefetch = 2 : i64, scratch_operands = 0 : i64, tpu.core_type = #tpu.core_type<tc>, window_params = [{transform_indices = @transform_0, window_bounds = array<i64: 64, 2048>}, {transform_indices = @transform_1, window_bounds = array<i64: 448, 2048>}, {transform_indices = @transform_2, window_bounds = array<i64: 448, 2048>}, {transform_indices = @transform_3, window_bounds = array<i64: 1, 448, 2048>}, {transform_indices = @transform_4, window_bounds = array<i64: 64, 1>}, {}, {transform_indices = @transform_6, window_bounds = array<i64: 64, 2048>}]} {
    %get3A = arith.index_cast %arg0 : i32 to index
    %get3A_0 = memref.load %arg2[%get3A] : memref<80xi32, #tpu.memory_space<smem>>
    %eq3A = arith.constant 1 : i32
    %eq3A_1 = arith.cmpi eq, %get3A_0, %eq3A : i32
    %convert_element_type3A = arith.extui %eq3A_1 : i1 to i32
    %cond3A = arith.constant 0 : i32
    %cond3A_2 = arith.cmpi ne, %convert_element_type3A, %cond3A : i32
    scf.if %cond3A_2 {
      %get3A_3 = arith.constant 0 : index
      %get3A_4 = arith.constant 0 : index
      %get3A_5 = vector.load %arg3[%get3A_3, %get3A_4] : memref<64x2048xf32, #tpu.memory_space<vmem>>, vector<64x2048xf32>
      %get3A_6 = arith.constant 0 : index
      %get3A_7 = arith.constant 0 : index
      %get3A_8 = vector.load %arg5[%get3A_6, %get3A_7] : memref<448x2048xf32, #tpu.memory_space<vmem>>, vector<448x2048xf32>
      %dot_general3A = arith.constant dense<0.000000e+00> : vector<64x448xf32>
      %dot_general3A_9 = tpu.matmul %get3A_5, %get3A_8, %dot_general3A {dimension_numbers = #tpu.dot_dimension_numbers<[1], [1], [0], [0], [0, 0, 1, 0], [], []>, transpose_lhs_hint = false} : vector<64x2048xf32>, vector<448x2048xf32>, vector<64x448xf32> -> vector<64x448xf32>
      %get3A_10 = arith.constant 0 : index
      %get3A_11 = arith.constant 0 : index
      %get3A_12 = vector.load %arg4[%get3A_10, %get3A_11] : memref<448x2048xf32, #tpu.memory_space<vmem>>, vector<448x2048xf32>
      %dot_general3A_13 = arith.constant dense<0.000000e+00> : vector<64x448xf32>
      %dot_general3A_14 = tpu.matmul %get3A_5, %get3A_12, %dot_general3A_13 {dimension_numbers = #tpu.dot_dimension_numbers<[1], [1], [0], [0], [0, 0, 1, 0], [], []>, transpose_lhs_hint = false} : vector<64x2048xf32>, vector<448x2048xf32>, vector<64x448xf32> -> vector<64x448xf32>
      %neg3A = arith.constant 0.000000e+00 : f32
      %neg3A_15 = vector.broadcast %neg3A : f32 to vector<64x448xf32>
      %neg3A_16 = arith.subf %neg3A_15, %dot_general3A_9 : vector<64x448xf32>
      %exp3A = math.exp %neg3A_16 : vector<64x448xf32>
      %add3A = arith.constant 1.000000e+00 : f32
      %add3A_17 = vector.broadcast %add3A : f32 to vector<64x448xf32>
      %add3A_18 = arith.addf %add3A_17, %exp3A : vector<64x448xf32>
      %div3A = arith.constant 1.000000e+00 : f32
      %div3A_19 = vector.broadcast %div3A : f32 to vector<64x448xf32>
      %div3A_20 = arith.divf %div3A_19, %add3A_18 : vector<64x448xf32>
      %mul3A = arith.mulf %dot_general3A_9, %div3A_20 : vector<64x448xf32>
      %mul3A_21 = arith.mulf %mul3A, %dot_general3A_14 : vector<64x448xf32>
      %get3A_22 = arith.constant 0 : index
      %get3A_23 = arith.constant 0 : index
      %get3A_24 = arith.constant 0 : index
      %get3A_25 = vector.load %arg6[%get3A_22, %get3A_23, %get3A_24] : memref<1x448x2048xf32, #tpu.memory_space<vmem>>, vector<1x448x2048xf32>
      %get3A_26 = vector.shape_cast %get3A_25 : vector<1x448x2048xf32> to vector<448x2048xf32>
      %dot_general3A_27 = arith.constant dense<0.000000e+00> : vector<64x2048xf32>
      %dot_general3A_28 = tpu.matmul %mul3A_21, %get3A_26, %dot_general3A_27 {dimension_numbers = #tpu.dot_dimension_numbers<[1], [0], [0], [1], [0, 0, 1, 1], [], []>, transpose_lhs_hint = false} : vector<64x448xf32>, vector<448x2048xf32>, vector<64x2048xf32> -> vector<64x2048xf32>
      %get3A_29 = arith.constant 0 : index
      %get3A_30 = arith.constant 0 : index
      %get3A_31 = vector.load %arg7[%get3A_29, %get3A_30] : memref<64x1xf32, #tpu.memory_space<vmem>>, vector<64x1xf32>
      %mul3A_32 = vector.broadcast %get3A_31 : vector<64x1xf32> to vector<64x2048xf32>
      %mul3A_33 = arith.mulf %dot_general3A_28, %mul3A_32 : vector<64x2048xf32>
      %swap3A = arith.constant 0 : index
      %swap3A_34 = arith.constant 0 : index
      %swap3A_35 = vector.load %arg9[%swap3A, %swap3A_34] : memref<64x2048xf32, #tpu.memory_space<vmem>>, vector<64x2048xf32>
      tpu.vector_store %arg9[%swap3A, %swap3A_34], %mul3A_33 {strides = array<i32>} : memref<64x2048xf32, #tpu.memory_space<vmem>>, vector<64x2048xf32>,
    } else {
    }
    return
  }
  func.func @transform_0(%arg0: i32, %arg1: memref<80xi32, #tpu.memory_space<smem>>, %arg2: memref<80xi32, #tpu.memory_space<smem>>) -> (i32, i32) {
    %c0_i32 = arith.constant 0 : i32
    %c0_i32_0 = arith.constant 0 : i32
    return %arg0, %c0_i32 : i32, i32
  }
  func.func @transform_1(%arg0: i32, %arg1: memref<80xi32, #tpu.memory_space<smem>>, %arg2: memref<80xi32, #tpu.memory_space<smem>>) -> (i32, i32) {
    %add3A = arith.constant 40 : i32
    %add3A_0 = arith.addi %arg0, %add3A : i32
    %get3A = arith.index_cast %add3A_0 : i32 to index
    %get3A_1 = memref.load %arg1[%get3A] : memref<80xi32, #tpu.memory_space<smem>>
    %c0_i32 = arith.constant 0 : i32
    %c0_i32_2 = arith.constant 0 : i32
    return %get3A_1, %c0_i32 : i32, i32
  }
  func.func @transform_2(%arg0: i32, %arg1: memref<80xi32, #tpu.memory_space<smem>>, %arg2: memref<80xi32, #tpu.memory_space<smem>>) -> (i32, i32) {
    %add3A = arith.constant 40 : i32
    %add3A_0 = arith.addi %arg0, %add3A : i32
    %get3A = arith.index_cast %add3A_0 : i32 to index
    %get3A_1 = memref.load %arg1[%get3A] : memref<80xi32, #tpu.memory_space<smem>>
    %c0_i32 = arith.constant 0 : i32
    %c0_i32_2 = arith.constant 0 : i32
    return %get3A_1, %c0_i32 : i32, i32
  }
  func.func @transform_3(%arg0: i32, %arg1: memref<80xi32, #tpu.memory_space<smem>>, %arg2: memref<80xi32, #tpu.memory_space<smem>>) -> (i32, i32, i32) {
    %add3A = arith.constant 40 : i32
    %add3A_0 = arith.addi %arg0, %add3A : i32
    %get3A = arith.index_cast %add3A_0 : i32 to index
    %get3A_1 = memref.load %arg1[%get3A] : memref<80xi32, #tpu.memory_space<smem>>
    %c0_i32 = arith.constant 0 : i32
    %c0_i32_2 = arith.constant 0 : i32
    %c0_i32_3 = arith.constant 0 : i32
    return %get3A_1, %c0_i32, %c0_i32_2 : i32, i32, i32
  }
  func.func @transform_4(%arg0: i32, %arg1: memref<80xi32, #tpu.memory_space<smem>>, %arg2: memref<80xi32, #tpu.memory_space<smem>>) -> (i32, i32) {
    %add3A = arith.constant 40 : i32
    %add3A_0 = arith.addi %arg0, %add3A : i32
    %c0_i32 = arith.constant 0 : i32
    %c0_i32_1 = arith.constant 0 : i32
    return %add3A_0, %c0_i32 : i32, i32
  }
  func.func @transform_6(%arg0: i32, %arg1: memref<80xi32, #tpu.memory_space<smem>>, %arg2: memref<80xi32, #tpu.memory_space<smem>>) -> (i32, i32) {
    %add3A = arith.constant 40 : i32
    %add3A_0 = arith.addi %arg0, %add3A : i32
    %c0_i32 = arith.constant 0 : i32
    %c0_i32_1 = arith.constant 0 : i32
    return %add3A_0, %c0_i32 : i32, i32
  }
}

</mosaic_0001>

<sc_bundles>
// kernel: kernel.12.cloned.1.call-start
scs
__scs_entry_jumppad:
0x0: {  	(pc) =	sbr.rel $0x88, $3  }
0x1: {  	(tag) =	ssettag $0x0;
	lr =	simm.s32 $0x1  }
0x2: {  	[smem:$0x3F9C] =	sst lr;
	_ =	strace $0xD0000000  }
0x3: {  	_ = 	snop  }
0x4: {  	_ = 	snop  }
0x5: {  	_ = 	snop  }
0x6: {  	_ = 	snop  }
0x7: {  	_ = 	snop  }
__scs_overlays_trampoline_lowered:
0x8: {  	[smem:$0x3FAB] =	sst s0  }
0x9: {  	[smem:$0x3FAC] =	sst s1  }
0xa: {  	[smem:$0x3FAD] =	sst s2  }
0xb: {  	[smem:$0x3FAE] =	sst s3  }
0xc: {  	[smem:$0x3FAF] =	sst s4  }
0xd: {  	[smem:$0x3FB0] =	sst s5  }
0xe: {  	[smem:$0x3FB1] =	sst s6  }
0xf: {  	[smem:$0x3FB2] =	sst s7  }
0x10: {  	[smem:$0x3FB3] =	sst s8  }
0x11: {  	[smem:$0x3FB4] =	sst s9;
	s0 =	simm.s32 @!p0 $0x0  }
0x12: {  	s1 =	sld [smem:$0x3F9A];
	s0 =	simm.s32 @p0 $0x1  }
0x13: {  	[smem:$0x3FB5] =	sst s0;
	s0 =	simm.s32 @!p1 $0x0  }
0x14: {  	s2 =	sld [smem:$0x3F99];
	s0 =	simm.s32 @p1 $0x1  }
0x15: {  	[smem:$0x3FB6] =	sst s0;
	s0 =	simm.s32 @!p2 $0x0  }
0x16: {  	s3 =	sld [smem:$0x3FDB];
	s0 =	simm.s32 @p2 $0x1  }
0x17: {  	s4 =	simm.s32 $0x1BF5;
	[smem:$0x3FB8] =	sst s0  }
0x18: {  	s0 =	sld [smem:$0x3F9B];
	_ =	swait.ge [sflag:s4], $0x0  }
0x19: {  	s7 =	sld [smem:$0x3F9C]  }
0x1a: {  	s8 =	sadd.s32 $0xFFFFE003, lr  }
0x1b: {  	s9 =	sadd.s32 $0xFFFFFEF7, lr;
	s5 =	simm.s32 $0xFFFFFFFF;
	p2 =	slt.u32 s8, $0xFFFFF086  }
0x1c: {  	p1 =	slt.u32 s9, $0xF7A;
	s5 =	simm.s32 @!p2 $0x0  }
0x1d: {  	s5 =	simm.s32 @p1 $0x1;
	p0 =	seq.s32 s7, s2  }
0x1e: {  	s7 =	smul.u32 @!p0 $0xF7A, s2;
	p2 =	seq.s32 @!p0 s5, $0x0  }
0x1f: {  	s9 =	smul.u32 $0xF7A, s1;
	s8 =	simm.s32 @!p0 $0x1BF5;
	p2 =	por !p2, p0  }
0x20: {  	[sflag:s8] =	ssyncset.s32 @!p0 $0xFFFFF086;
	s6 =	sadd.s32 @!p0 s3, s7;
	s7 =	simm.s32 @!p0 $0x108  }
0x21: {  	s3 =	sadd.s32 s3, s9;
	s6 =	sadd.s32 @!p0 $0x88, s6;
	s7 =	simm.s32 @p2 $0x1082  }
0x22: {  	[simem:s7], [sflag:s8] =	dma.local @!p0 [hbm:s6], $0xF7A  }
0x23: {  	s9 =	sor.u32 $0xD0000000, s2;
	s6 =	simm.s32 $0x108;
	_ =	swait.ge @!p0 [sflag:s8], $0x0  }
0x24: {  	s3 =	sadd.s32 $0x88, s3;
	s6 =	simm.s32 @!p1 $0x1082;
	[sflag:s4] =	ssyncset.s32 $0xFFFFF086  }
0x25: {  	[simem:s6], [sflag:s4] =	dma.local [hbm:s3], $0xF7A  }
0x26: {  	[smem:$0x3F9C] =	sst s1;
	(tag) =	ssettag s2;
	_ =	strace s9  }
0x27: {  	s1 =	sld [smem:$0x3FAC]  }
0x28: {  	s2 =	sld [smem:$0x3FAD]  }
0x29: {  	s4 =	sld [smem:$0x3FAF]  }
0x2a: {  	p0 =	seq.s32 s5, $0x0;
	s5 =	sld [smem:$0x3FB0]  }
0x2b: {  	s6 =	sld [smem:$0x3FB1]  }
0x2c: {  	s7 =	sld [smem:$0x3FB2]  }
0x2d: {  	s3 =	simm.s32 $0x108;
	s8 =	sld [smem:$0x3FB3]  }
0x2e: {  	s3 =	simm.s32 @!p0 $0x1082;
	s9 =	sld [smem:$0x3FB4]  }
0x2f: {  	lr =	sadd.s32 s0, s3;
	s0 =	sld [smem:$0x3FAB]  }
0x30: {  	s3 =	sld [smem:$0x3FAE]  }
0x31: {  	[smem:$0x3FB7] =	sst s10  }
0x32: {  	s10 =	sld [smem:$0x3FB5];
	_ =	sdelay $0x3  }
0x33: {  	p0 =	seq.s32 s10, $0x1;
	s10 =	sld [smem:$0x3FB7];
	_ =	sdelay $0x3  }
0x34: {  	[smem:$0x3FB7] =	sst s10  }
0x35: {  	s10 =	sld [smem:$0x3FB6];
	_ =	sdelay $0x3  }
0x36: {  	p1 =	seq.s32 s10, $0x1;
	s10 =	sld [smem:$0x3FB7];
	_ =	sdelay $0x3  }
0x37: {  	[smem:$0x3FB7] =	sst s10  }
0x38: {  	s10 =	sld [smem:$0x3FB8]  }
0x39: {  	_ = 	snop;
	(pc) =	sbr.ind lr, $3  }
0x3a: {  	_ = 	snop  }
0x3b: {  	_ = 	snop  }
0x3c: {  	p2 =	seq.s32 s10, $0x1;
	s10 =	sld [smem:$0x3FB7]  }
0x3d: {  	_ =	shalt  }
0x3e: {  	_ =	shalt  }
0x3f: {  	_ =	shalt  }
0x40: {  	_ =	shalt  }
0x41: {  	_ =	shalt  }
0x42: {  	_ =	shalt  }
0x43: {  	_ =	shalt  }
0x44: {  	_ =	shalt  }
0x45: {  	_ =	shalt  }
0x46: {  	_ =	shalt  }
0x47: {  	_ =	shalt  }
0x48: {  	_ =	shalt  }
0x49: {  	_ =	shalt  }
0x4a: {  	_ =	shalt  }
0x4b: {  	_ =	shalt  }
0x4c: {  	_ =	shalt  }
0x4d: {  	_ =	shalt  }
0x4e: {  	_ =	shalt  }
0x4f: {  	_ =	shalt  }
0x50: {  	_ =	shalt  }
0x51: {  	_ =	shalt  }
0x52: {  	_ =	shalt  }
0x53: {  	_ =	shalt  }
0x54: {  	_ =	shalt  }
0x55: {  	_ =	shalt  }
0x56: {  	_ =	shalt  }
0x57: {  	_ =	shalt  }
0x58: {  	_ =	shalt  }
0x59: {  	_ =	shalt  }
0x5a: {  	_ =	shalt  }
0x5b: {  	_ =	shalt  }
0x5c: {  	_ =	shalt  }
0x5d: {  	_ =	shalt  }
0x5e: {  	_ =	shalt  }
0x5f: {  	_ =	shalt  }
0x60: {  	_ =	shalt  }
0x61: {  	_ =	shalt  }
0x62: {  	_ =	shalt  }
0x63: {  	_ =	shalt  }
0x64: {  	_ =	shalt  }
0x65: {  	_ =	shalt  }
0x66: {  	_ =	shalt  }
0x67: {  	_ =	shalt  }
0x68: {  	_ =	shalt  }
0x69: {  	_ =	shalt  }
0x6a: {  	_ =	shalt  }
0x6b: {  	_ =	shalt  }
0x6c: {  	_ =	shalt  }
0x6d: {  	_ =	shalt  }
0x6e: {  	_ =	shalt  }
0x6f: {  	_ =	shalt  }
0x70: {  	_ =	shalt  }
0x71: {  	_ =	shalt  }
0x72: {  	_ =	shalt  }
0x73: {  	_ =	shalt  }
0x74: {  	_ =	shalt  }
0x75: {  	_ =	shalt  }
0x76: {  	_ =	shalt  }
0x77: {  	_ =	shalt  }
0x78: {  	_ =	shalt  }
0x79: {  	_ =	shalt  }
0x7a: {  	_ =	shalt  }
0x7b: {  	_ =	shalt  }
0x7c: {  	_ =	shalt  }
0x7d: {  	_ =	shalt  }
0x7e: {  	_ =	shalt  }
0x7f: {  	_ =	shalt  }
0x80: {  	_ =	shalt  }
0x81: {  	_ =	shalt  }
0x82: {  	_ =	shalt  }
0x83: {  	_ =	shalt  }
0x84: {  	_ =	shalt  }
0x85: {  	_ =	shalt  }
0x86: {  	_ =	shalt  }
0x87: {  	_ =	shalt  }
.Lfunc_end0:
.L_simem_size_0:
called_computation.1_lowered:
.L_overlay_start_0:
0x88: {  	s2 =	sld [smem:$0x3FD9]  }
0x89: {  	s3 =	sld [smem:$0x3FFE];
	_ =	sdelay $0x1  }
0x8a: {  	s1 =	srdreg.scid  }
0x8b: {  	s0 =	sand.u32 $0x1, s1  }
0x8c: {  	s17 =	sshll.u32 s0, $0xA;
	s2 =	sadd.s32 s3, s2  }
0x8d: {  	s2 =	sadd.s32 s2, s17  }
0x8e: {  	[smem:$0x3FC3] =	sst s2  }
0x8f: {  	_ = 	snop  }
0x90: {  	s2 =	sld [smem:$0x3FC9]  }
0x91: {  	s18 =	sld [smem:$0x3FD0];
	(tm) =	ssettm $0x1  }
0x92: {  	s4 =	sld [smem:$0x3FFB];
	_ =	sdelay $0x3  }
0x93: {  	_ =	strace s4  }
0x94: {  	s4 =	sld [smem:$0x3FFC];
	_ =	sdelay $0x3  }
0x95: {  	_ =	strace s4  }
0x96: {  	s4 =	sld [smem:$0x3FFD];
	_ =	sdelay $0x3  }
0x97: {  	_ =	strace s4  }
0x98: {  	_ =	strace $0x8FFFFFFF  }
0x99: {  	s19 =	sld [smem:$0x3FDB];
	_ =	sdelay $0x1  }
0x9a: {  	s5 =	simm.s32 $_scs_section_size  }
0x9b: {  	s6 =	simm.s32 $_size__tile_overlayer_lowered;
	s7 =	simm.s32 $_tile_overlayer_lowered  }
0x9c: {  	s22 =	simm.s32 $0x1BFF;
	s21 =	sshll.u32 s7, $0x1;
	s4 =	sadd.s32 s5, s19  }
0x9d: {  	s8 =	simm.s32 $0x0;
	s20 =	sshll.u32 s6, $0x1;
	s6 =	sadd.s32 s21, s4  }
0x9e: {  	[timem:s8], [sflag:s22] =	dma.local [hbm:s6], s20  }
0x9f: {  	_ =	swait.ge [sflag:s22], s20  }
0xa0: {  	s5 =	ssub.s32 $0x0, s20;
	[sflag:s22] =	ssyncset.done $0x0  }
0xa1: {  	[sflag:s22] =	ssyncadd.s32 s5;
	_ =	sdelay $0x1  }
0xa2: {  	s23 =	simm.s32 $0x1B8B  }
0xa3: {  	_ =	swait.ge [sflag:s23], $0x1  }
0xa4: {  	[sflag:s23] =	ssyncset.done $0x0  }
0xa5: {  	s25 =	simm.s32 $0x1B8E;
	s24 =	sld [smem:$0x3FFE];
	[sflag:s23] =	ssyncadd.s32 $0xFFFFFFFF  }
0xa6: {  	s26 =	simm.s32 $execute0_lowered;
	[smem:$0x3FD2] =	sst s25  }
0xa7: {  	s6 =	sshll.u32 s26, $0x1;
	_ =	strace $0x80000049;
	[dreg:$0x1] =	wrdreg $0xFFFFFFFF  }
0xa8: {  	s28 =	simm.s32 $_size_execute0_lowered;
	s4 =	sadd.s32 s4, s6;
	[dreg:$0x0] =	wrdreg $0x0  }
0xa9: {  	s6 =	sshll.u32 s28, $0x1;
	[dreg:$0x2] =	wrdreg s4  }
0xaa: {  	[dreg:$0x3] =	wrdreg s6  }
0xab: {  	[dreg:$0x4] =	wrdreg $0xC0  }
0xac: {  	_ =	task [dreg:s8], $0x5FFFF  }
0xad: {  	[dreg:$0x1] =	wrdreg $0xFFFFFFFF  }
0xae: {  	[dreg:$0x0] =	wrdreg $0x60  }
0xaf: {  	[dreg:$0x2] =	wrdreg s18  }
0xb0: {  	[dreg:$0x3] =	wrdreg s2  }
0xb1: {  	[dreg:$0x4] =	wrdreg s24  }
0xb2: {  	[dreg:$0x5] =	wrdreg $0x9  }
0xb3: {  	_ =	task.clear_ibuf [dreg:s8], $0x6FFFF;
	_ =	strace $0x90000049  }
0xb4: {  	s29 =	simm.s32 $0x9;
	_ =	strace $0x8000004B  }
0xb5: {  	_ =	swait.ge [sflag:s29], $0x1  }
0xb6: {  	[sflag:s29] =	ssyncadd.s32 $0xFFFFFFFF  }
0xb7: {  	_ =	strace $0x9000004B  }
0xb8: {  	_ =	sfence  }
0xb9: {  	s30 =	sld [smem:$0x0];
	_ =	sdelay $0x2  }
0xba: {  	s31 =	sshll.u32 s1, $0xD;
	s1 =	sshrl.u32 s1, $0x2  }
0xbb: {  	s3 =	sand.u32 $0x4000, s31;
	s1 =	sadd.s32 s1, s30  }
0xbc: {  	s0 =	sor.u32 s3, s0;
	s1 =	sshll.u32 s1, $0x11  }
0xbd: {  	s0 =	sor.u32 s1, s0  }
0xbe: {  	s0 =	sadd.s32 $0x8F2B, s0  }
0xbf: {  	[sflag:s0] =	ssyncadd.remote.s32 $0x1  }
0xc0: {  	_ =	sfence.sel $0xFFFF  }
0xc1: {  	[dreg:$0x0] =	wrdreg $0xFFFFFFFF;
	(pc) =	sbr.abs _section_cstart, $3  }
0xc2: {  	[dreg:$0x1] =	wrdreg $0xFFFFFFFF  }
0xc3: {  	_ =	task.clear_ibuf [dreg:s8], $0x2FFFF;
	_ =	strace $0x9FFFFFFF  }
0xc4: {  	(tm) =	ssettm $0x7FFFFFFF  }
0xc5: {  	_ =	shalt  }
tec
execute0_lowered:
.L_overlay_start_1:
0x0: {  	(tag) =	ssettag $0x1  }
0x1: {  	s0 =	rddreg [dreg:$0x0]  }
0x2: {  	s14 =	rddreg [dreg:$0x1]  }
0x3: {  	s1 =	rddreg [dreg:$0x2]  }
0x4: {  	s4 =	srdreg.scid;
	s5 =	stileid.u32  }
0x5: {  	s3 =	simm.s32 $0x0;
	s12 =	simm.s32 $0x3;
	s30 =	simm.s32 $0x1  }
0x6: {  	s13 =	simm.s32 $0x8080;
	s15 =	simm.s32 $0x9080;
	s16 =	simm.s32 $0x9880  }
0x7: {  	s17 =	simm.s32 $0xA080;
	s18 =	simm.s32 $0xA880;
	s19 =	simm.s32 $0xB080  }
0x8: {  	s20 =	simm.s32 $0xB880;
	s21 =	simm.s32 $0xC080;
	s22 =	simm.s32 $0xC880  }
0x9: {  	s23 =	simm.s32 $0xD080;
	s28 =	simm.s32 $0xF080;
	s29 =	simm.s32 $0xF880  }
0xa: {  	s2 =	simm.s32 $0x2;
	s4 =	sand.u32 $0x1, s4;
	s5 =	sshll.u32 s5, $0x1  }
0xb: {  	[smem:$0x7FF] =	sst s3;
	s1 =	sadd.s32 $0x2400, s1;
	s5 =	sor.u32 s4, s5  }
0xc: {  	s9 =	sadd.s32 $0x600, s14;
	s4 =	ssub.s32 $0x2, s4;
	s6 =	smul.u32 $0xA, s5  }
0xd: {  	s10 =	sadd.s32 $0x700, s14;
	s7 =	smul.u32 $0x28000, s5;
	s8 =	sshrl.u32 s4, $0x1  }
0xe: {  	_ =	strace $0x8000004A;
	s5 =	smul.u32 $0x5000, s5;
	s11 =	ssub.s32 s4, s8  }
0xf: {  	s4 =	sadd.s32 $0x100, s14;
	s8 =	sadd.s32 $0x500, s14;
	s0 =	sadd.s32 s0, s6  }
0x10: {  	s24 =	sshrl.u32 s7, $0x3;
	s25 =	sadd.s32 s1, s5;
	s5 =	sadd.s32 $0x200, s14  }
0x11: {  	s6 =	sadd.s32 $0x300, s14;
	[dreg:$0x4] =	wrdreg s0;
	s0 =	sadd.s32 s1, s24  }
0x12: {  	s7 =	sadd.s32 $0x400, s14;
	[dreg:$0x5] =	wrdreg s25;
	s1 =	sadd.s32 $0x1000, s0  }
0x13: {  	s11 =	smax.u32 s11, $0x1;
	s26 =	sadd.s32 $0x2000, s0;
	[dreg:$0x6] =	wrdreg s1  }
0x14: {  	v2 =	vlaneseq.u32;
	s24 =	simm.s32 $0xD880;
	s31 =	sadd.s32 $0x3000, s0;
	[dreg:$0x7] =	wrdreg s26  }
0x15: {  	vm0 =	vmmov $0xffff;
	v1 =	vshrl.u32 v2, $0x3;
	s25 =	simm.s32 $0xE080;
	s0 =	sadd.s32 $0x4000, s0;
	[dreg:$0x8] =	wrdreg s31  }
0x16: {  	v0 =	vand.u32 $0x7, v2;
	v2 =	vor.u32 $0x8, v2;
	v1 =	vmul.u32 $0x8, v1;
	[dreg:$0x9] =	wrdreg s0;
	s1 =	simm.s32 $0x80;
	s26 =	simm.s32 $0xE880  }
.LBB2_1:
0x17: {  	s0 =	rddreg [dreg:$0x4]  }
0x18: {  	[tilespmem:s3], [sflag:$0x3] =	stream.linear.gather [hbm4b:s0+s3], $0x50, $0x38;
	[tilespmem:$0x10080] =	vst v63  }
0x19: {  	_ =	swait.ge [sflag:s12], $0x50  }
0x1a: {  	[sflag:s12] =	ssyncset.done $0x0  }
0x1b: {  	[sflag:s12] =	ssyncadd.s32 $0xFFFFFFB0  }
0x1c: {  	v3 =	vld [tilespmem:$0x0];
	_ =	sdelay $0x4  }
0x1d: {  	v4 =	vshll.u32 v3, $0x4  }
0x1e: {  	v3 =	vand.u32 $0x7, v3;
	v4 =	vand.u32 $0xFFFFFF80, v4  }
0x1f: {  	v3 =	vor.u32 v3, v4  }
0x20: {  	v4 =	vperm.xlane v3, v0;
	_ =	sdelay $0x1  }
0x21: {  	v4 =	vadd.s32 v1, v4;
	_ =	sdelay $0x4  }
0x22: {  	[tilespmem:s1], [sflag:$0x1] =	stream.indirect_vreg.gather [hbm4b:s14+s3], $0x80, v4, vm0, $0xb8;
	[tilespmem:$0x10080] =	vst v63  }
0x23: {  	s31 =	simm.s32 $0x880  }
0x24: {  	[tilespmem:s31], [sflag:$0x1] =	stream.indirect_vreg.gather [hbm4b:s4+s3], $0x80, v4, vm0, $0xb8;
	[tilespmem:$0x10080] =	vst v63  }
0x25: {  	s31 =	simm.s32 $0x1080  }
0x26: {  	[tilespmem:s31], [sflag:$0x1] =	stream.indirect_vreg.gather [hbm4b:s5+s3], $0x80, v4, vm0, $0xb8;
	[tilespmem:$0x10080] =	vst v63  }
0x27: {  	s31 =	simm.s32 $0x1880  }
0x28: {  	[tilespmem:s31], [sflag:$0x1] =	stream.indirect_vreg.gather [hbm4b:s6+s3], $0x80, v4, vm0, $0xb8;
	[tilespmem:$0x10080] =	vst v63  }
0x29: {  	s31 =	simm.s32 $0x2080  }
0x2a: {  	[tilespmem:s31], [sflag:$0x1] =	stream.indirect_vreg.gather [hbm4b:s7+s3], $0x80, v4, vm0, $0xb8;
	[tilespmem:$0x10080] =	vst v63  }
0x2b: {  	s0 =	simm.s32 $0x2880;
	v3 =	vperm.xlane v3, v2  }
0x2c: {  	[tilespmem:s0], [sflag:$0x1] =	stream.indirect_vreg.gather [hbm4b:s8+s3], $0x80, v4, vm0, $0xb8;
	[tilespmem:$0x10080] =	vst v63  }
0x2d: {  	v3 =	vadd.s32 v1, v3;
	s0 =	simm.s32 $0x3080  }
0x2e: {  	[tilespmem:s0], [sflag:$0x1] =	stream.indirect_vreg.gather [hbm4b:s9+s3], $0x80, v4, vm0, $0xb8;
	[tilespmem:$0x10080] =	vst v63  }
0x2f: {  	s0 =	simm.s32 $0x3880  }
0x30: {  	[tilespmem:s0], [sflag:$0x1] =	stream.indirect_vreg.gather [hbm4b:s10+s3], $0x80, v4, vm0, $0xb8;
	[tilespmem:$0x10080] =	vst v63  }
0x31: {  	s0 =	simm.s32 $0x4080  }
0x32: {  	[tilespmem:s0], [sflag:$0x1] =	stream.indirect_vreg.gather [hbm4b:s14+s3], $0x80, v3, vm0, $0xb8;
	[tilespmem:$0x10080] =	vst v63  }
0x33: {  	s0 =	simm.s32 $0x4880  }
0x34: {  	[tilespmem:s0], [sflag:$0x1] =	stream.indirect_vreg.gather [hbm4b:s4+s3], $0x80, v3, vm0, $0xb8;
	[tilespmem:$0x10080] =	vst v63  }
0x35: {  	s0 =	simm.s32 $0x5080  }
0x36: {  	[tilespmem:s0], [sflag:$0x1] =	stream.indirect_vreg.gather [hbm4b:s5+s3], $0x80, v3, vm0, $0xb8;
	[tilespmem:$0x10080] =	vst v63  }
0x37: {  	s0 =	simm.s32 $0x5880  }
0x38: {  	[tilespmem:s0], [sflag:$0x1] =	stream.indirect_vreg.gather [hbm4b:s6+s3], $0x80, v3, vm0, $0xb8;
	[tilespmem:$0x10080] =	vst v63  }
0x39: {  	s0 =	simm.s32 $0x6080  }
0x3a: {  	[tilespmem:s0], [sflag:$0x1] =	stream.indirect_vreg.gather [hbm4b:s7+s3], $0x80, v3, vm0, $0xb8;
	[tilespmem:$0x10080] =	vst v63  }
0x3b: {  	s0 =	simm.s32 $0x6880  }
0x3c: {  	[tilespmem:s0], [sflag:$0x1] =	stream.indirect_vreg.gather [hbm4b:s8+s3], $0x80, v3, vm0, $0xb8;
	[tilespmem:$0x10080] =	vst v63  }
0x3d: {  	s0 =	simm.s32 $0x7080  }
0x3e: {  	[tilespmem:s0], [sflag:$0x1] =	stream.indirect_vreg.gather [hbm4b:s9+s3], $0x80, v3, vm0, $0xb8;
	[tilespmem:$0x10080] =	vst v63  }
0x3f: {  	s0 =	simm.s32 $0x7880  }
0x40: {  	[tilespmem:s0], [sflag:$0x1] =	stream.indirect_vreg.gather [hbm4b:s10+s3], $0x80, v3, vm0, $0xb8;
	[tilespmem:$0x10080] =	vst v63  }
0x41: {  	_ =	swait.ge [sflag:s30], $0x8000  }
0x42: {  	[sflag:s30] =	ssyncset.done $0x0  }
0x43: {  	[sflag:s30] =	ssyncadd.s32 $0xFFFF8000  }
0x44: {  	v3 =	vld [tilespmem:$0x10];
	_ =	sdelay $0x4  }
0x45: {  	v60 =	vshll.u32 v3, $0x4  }
0x46: {  	v3 =	vand.u32 $0x7, v3;
	v4 =	vand.u32 $0xFFFFFF80, v60  }
0x47: {  	v3 =	vor.u32 v3, v4  }
0x48: {  	v4 =	vperm.xlane v3, v0;
	_ =	sdelay $0x1  }
0x49: {  	v4 =	vadd.s32 v1, v4;
	_ =	sdelay $0x4  }
0x4a: {  	[tilespmem:s13], [sflag:$0x2] =	stream.indirect_vreg.gather [hbm4b:s14+s3], $0x80, v4, vm0, $0xb8;
	[tilespmem:$0x10080] =	vst v63  }
0x4b: {  	s0 =	simm.s32 $0x8880  }
0x4c: {  	[tilespmem:s0], [sflag:$0x2] =	stream.indirect_vreg.gather [hbm4b:s4+s3], $0x80, v4, vm0, $0xb8;
	[tilespmem:$0x10080] =	vst v63  }
0x4d: {  	_ = 	snop  }
0x4e: {  	[tilespmem:s15], [sflag:$0x2] =	stream.indirect_vreg.gather [hbm4b:s5+s3], $0x80, v4, vm0, $0xb8;
	[tilespmem:$0x10080] =	vst v63  }
0x4f: {  	_ = 	snop  }
0x50: {  	[tilespmem:s16], [sflag:$0x2] =	stream.indirect_vreg.gather [hbm4b:s6+s3], $0x80, v4, vm0, $0xb8;
	[tilespmem:$0x10080] =	vst v63  }
0x51: {  	_ = 	snop  }
0x52: {  	[tilespmem:s17], [sflag:$0x2] =	stream.indirect_vreg.gather [hbm4b:s7+s3], $0x80, v4, vm0, $0xb8;
	[tilespmem:$0x10080] =	vst v63  }
0x53: {  	v3 =	vperm.xlane v3, v2  }
0x54: {  	[tilespmem:s18], [sflag:$0x2] =	stream.indirect_vreg.gather [hbm4b:s8+s3], $0x80, v4, vm0, $0xb8;
	[tilespmem:$0x10080] =	vst v63  }
0x55: {  	v3 =	vadd.s32 v1, v3  }
0x56: {  	[tilespmem:s19], [sflag:$0x2] =	stream.indirect_vreg.gather [hbm4b:s9+s3], $0x80, v4, vm0, $0xb8;
	[tilespmem:$0x10080] =	vst v63  }
0x57: {  	_ = 	snop  }
0x58: {  	[tilespmem:s20], [sflag:$0x2] =	stream.indirect_vreg.gather [hbm4b:s10+s3], $0x80, v4, vm0, $0xb8;
	[tilespmem:$0x10080] =	vst v63  }
0x59: {  	_ = 	snop  }
0x5a: {  	[tilespmem:s21], [sflag:$0x2] =	stream.indirect_vreg.gather [hbm4b:s14+s3], $0x80, v3, vm0, $0xb8;
	[tilespmem:$0x10080] =	vst v63  }
0x5b: {  	_ = 	snop  }
0x5c: {  	[tilespmem:s22], [sflag:$0x2] =	stream.indirect_vreg.gather [hbm4b:s4+s3], $0x80, v3, vm0, $0xb8;
	[tilespmem:$0x10080] =	vst v63  }
0x5d: {  	_ = 	snop  }
0x5e: {  	[tilespmem:s23], [sflag:$0x2] =	stream.indirect_vreg.gather [hbm4b:s5+s3], $0x80, v3, vm0, $0xb8;
	[tilespmem:$0x10080] =	vst v63  }
0x5f: {  	_ = 	snop  }
0x60: {  	[tilespmem:s24], [sflag:$0x2] =	stream.indirect_vreg.gather [hbm4b:s6+s3], $0x80, v3, vm0, $0xb8;
	[tilespmem:$0x10080] =	vst v63  }
0x61: {  	_ = 	snop  }
0x62: {  	[tilespmem:s25], [sflag:$0x2] =	stream.indirect_vreg.gather [hbm4b:s7+s3], $0x80, v3, vm0, $0xb8;
	[tilespmem:$0x10080] =	vst v63  }
0x63: {  	_ = 	snop  }
0x64: {  	[tilespmem:s26], [sflag:$0x2] =	stream.indirect_vreg.gather [hbm4b:s8+s3], $0x80, v3, vm0, $0xb8;
	[tilespmem:$0x10080] =	vst v63  }
0x65: {  	_ = 	snop  }
0x66: {  	[tilespmem:s28], [sflag:$0x2] =	stream.indirect_vreg.gather [hbm4b:s9+s3], $0x80, v3, vm0, $0xb8;
	[tilespmem:$0x10080] =	vst v63  }
0x67: {  	_ = 	snop  }
0x68: {  	[tilespmem:s29], [sflag:$0x2] =	stream.indirect_vreg.gather [hbm4b:s10+s3], $0x80, v3, vm0, $0xb8;
	[tilespmem:$0x10080] =	vst v63  }
0x69: {  	s0 =	rddreg [dreg:$0x5]  }
0x6a: {  	[hbm4b:s0+s3] =	stream.linear.scatter [tilespmem:s1], [sflag:$0x3], $0x8000, $0x38;
	[tilespmem:$0x10080] =	vst v63  }
0x6b: {  	_ =	swait.ge [sflag:s12], $0x8000  }
0x6c: {  	[sflag:s12] =	ssyncset.done $0x0  }
0x6d: {  	[sflag:s12] =	ssyncadd.s32 $0xFFFF8000  }
0x6e: {  	_ =	swait.ge [sflag:s2], $0x8000  }
0x6f: {  	[sflag:s2] =	ssyncset.done $0x0  }
0x70: {  	[sflag:s2] =	ssyncadd.s32 $0xFFFF8000  }
0x71: {  	v3 =	vld [tilespmem:$0x20];
	_ =	sdelay $0x4  }
0x72: {  	v61 =	vshll.u32 v3, $0x4  }
0x73: {  	v3 =	vand.u32 $0x7, v3;
	v4 =	vand.u32 $0xFFFFFF80, v61  }
0x74: {  	v3 =	vor.u32 v3, v4  }
0x75: {  	v4 =	vperm.xlane v3, v0;
	_ =	sdelay $0x1  }
0x76: {  	v4 =	vadd.s32 v1, v4;
	_ =	sdelay $0x4  }
0x77: {  	[tilespmem:s1], [sflag:$0x1] =	stream.indirect_vreg.gather [hbm4b:s14+s3], $0x80, v4, vm0, $0xb8;
	[tilespmem:$0x10080] =	vst v63  }
0x78: {  	s0 =	simm.s32 $0x880  }
0x79: {  	[tilespmem:s0], [sflag:$0x1] =	stream.indirect_vreg.gather [hbm4b:s4+s3], $0x80, v4, vm0, $0xb8;
	[tilespmem:$0x10080] =	vst v63  }
0x7a: {  	s0 =	simm.s32 $0x1080  }
0x7b: {  	[tilespmem:s0], [sflag:$0x1] =	stream.indirect_vreg.gather [hbm4b:s5+s3], $0x80, v4, vm0, $0xb8;
	[tilespmem:$0x10080] =	vst v63  }
0x7c: {  	s0 =	simm.s32 $0x1880  }
0x7d: {  	[tilespmem:s0], [sflag:$0x1] =	stream.indirect_vreg.gather [hbm4b:s6+s3], $0x80, v4, vm0, $0xb8;
	[tilespmem:$0x10080] =	vst v63  }
0x7e: {  	s31 =	simm.s32 $0x2080  }
0x7f: {  	[tilespmem:s31], [sflag:$0x1] =	stream.indirect_vreg.gather [hbm4b:s7+s3], $0x80, v4, vm0, $0xb8;
	[tilespmem:$0x10080] =	vst v63  }
0x80: {  	v3 =	vperm.xlane v3, v2;
	s31 =	simm.s32 $0x2880  }
0x81: {  	[tilespmem:s31], [sflag:$0x1] =	stream.indirect_vreg.gather [hbm4b:s8+s3], $0x80, v4, vm0, $0xb8;
	[tilespmem:$0x10080] =	vst v63  }
0x82: {  	v3 =	vadd.s32 v1, v3;
	s31 =	simm.s32 $0x3080  }
0x83: {  	[tilespmem:s31], [sflag:$0x1] =	stream.indirect_vreg.gather [hbm4b:s9+s3], $0x80, v4, vm0, $0xb8;
	[tilespmem:$0x10080] =	vst v63  }
0x84: {  	s31 =	simm.s32 $0x3880  }
0x85: {  	[tilespmem:s31], [sflag:$0x1] =	stream.indirect_vreg.gather [hbm4b:s10+s3], $0x80, v4, vm0, $0xb8;
	[tilespmem:$0x10080] =	vst v63  }
0x86: {  	s31 =	simm.s32 $0x4080  }
0x87: {  	[tilespmem:s31], [sflag:$0x1] =	stream.indirect_vreg.gather [hbm4b:s14+s3], $0x80, v3, vm0, $0xb8;
	[tilespmem:$0x10080] =	vst v63  }
0x88: {  	s31 =	simm.s32 $0x4880  }
0x89: {  	[tilespmem:s31], [sflag:$0x1] =	stream.indirect_vreg.gather [hbm4b:s4+s3], $0x80, v3, vm0, $0xb8;
	[tilespmem:$0x10080] =	vst v63  }
0x8a: {  	s31 =	simm.s32 $0x5080  }
0x8b: {  	[tilespmem:s31], [sflag:$0x1] =	stream.indirect_vreg.gather [hbm4b:s5+s3], $0x80, v3, vm0, $0xb8;
	[tilespmem:$0x10080] =	vst v63  }
0x8c: {  	s31 =	simm.s32 $0x5880  }
0x8d: {  	[tilespmem:s31], [sflag:$0x1] =	stream.indirect_vreg.gather [hbm4b:s6+s3], $0x80, v3, vm0, $0xb8;
	[tilespmem:$0x10080] =	vst v63  }
0x8e: {  	s31 =	simm.s32 $0x6080  }
0x8f: {  	[tilespmem:s31], [sflag:$0x1] =	stream.indirect_vreg.gather [hbm4b:s7+s3], $0x80, v3, vm0, $0xb8;
	[tilespmem:$0x10080] =	vst v63  }
0x90: {  	s31 =	simm.s32 $0x6880  }
0x91: {  	[tilespmem:s31], [sflag:$0x1] =	stream.indirect_vreg.gather [hbm4b:s8+s3], $0x80, v3, vm0, $0xb8;
	[tilespmem:$0x10080] =	vst v63  }
0x92: {  	s31 =	simm.s32 $0x7080  }
0x93: {  	[tilespmem:s31], [sflag:$0x1] =	stream.indirect_vreg.gather [hbm4b:s9+s3], $0x80, v3, vm0, $0xb8;
	[tilespmem:$0x10080] =	vst v63  }
0x94: {  	s31 =	simm.s32 $0x7880  }
0x95: {  	[tilespmem:s31], [sflag:$0x1] =	stream.indirect_vreg.gather [hbm4b:s10+s3], $0x80, v3, vm0, $0xb8;
	[tilespmem:$0x10080] =	vst v63  }
0x96: {  	s0 =	rddreg [dreg:$0x6]  }
0x97: {  	[hbm4b:s0+s3] =	stream.linear.scatter [tilespmem:s13], [sflag:$0x3], $0x8000, $0x38;
	[tilespmem:$0x10080] =	vst v63  }
0x98: {  	_ =	swait.ge [sflag:s12], $0x8000  }
0x99: {  	[sflag:s12] =	ssyncset.done $0x0  }
0x9a: {  	[sflag:s12] =	ssyncadd.s32 $0xFFFF8000  }
0x9b: {  	_ =	swait.ge [sflag:s30], $0x8000  }
0x9c: {  	[sflag:s30] =	ssyncset.done $0x0  }
0x9d: {  	[sflag:s30] =	ssyncadd.s32 $0xFFFF8000  }
0x9e: {  	v3 =	vld [tilespmem:$0x30];
	_ =	sdelay $0x4  }
0x9f: {  	v62 =	vshll.u32 v3, $0x4  }
0xa0: {  	v3 =	vand.u32 $0x7, v3;
	v4 =	vand.u32 $0xFFFFFF80, v62  }
0xa1: {  	v3 =	vor.u32 v3, v4  }
0xa2: {  	v4 =	vperm.xlane v3, v0;
	_ =	sdelay $0x1  }
0xa3: {  	v4 =	vadd.s32 v1, v4;
	_ =	sdelay $0x4  }
0xa4: {  	[tilespmem:s13], [sflag:$0x2] =	stream.indirect_vreg.gather [hbm4b:s14+s3], $0x80, v4, vm0, $0xb8;
	[tilespmem:$0x10080] =	vst v63  }
0xa5: {  	s0 =	simm.s32 $0x8880  }
0xa6: {  	[tilespmem:s0], [sflag:$0x2] =	stream.indirect_vreg.gather [hbm4b:s4+s3], $0x80, v4, vm0, $0xb8;
	[tilespmem:$0x10080] =	vst v63  }
0xa7: {  	_ = 	snop  }
0xa8: {  	[tilespmem:s15], [sflag:$0x2] =	stream.indirect_vreg.gather [hbm4b:s5+s3], $0x80, v4, vm0, $0xb8;
	[tilespmem:$0x10080] =	vst v63  }
0xa9: {  	_ = 	snop  }
0xaa: {  	[tilespmem:s16], [sflag:$0x2] =	stream.indirect_vreg.gather [hbm4b:s6+s3], $0x80, v4, vm0, $0xb8;
	[tilespmem:$0x10080] =	vst v63  }
0xab: {  	_ = 	snop  }
0xac: {  	[tilespmem:s17], [sflag:$0x2] =	stream.indirect_vreg.gather [hbm4b:s7+s3], $0x80, v4, vm0, $0xb8;
	[tilespmem:$0x10080] =	vst v63  }
0xad: {  	v3 =	vperm.xlane v3, v2  }
0xae: {  	[tilespmem:s18], [sflag:$0x2] =	stream.indirect_vreg.gather [hbm4b:s8+s3], $0x80, v4, vm0, $0xb8;
	[tilespmem:$0x10080] =	vst v63  }
0xaf: {  	v3 =	vadd.s32 v1, v3  }
0xb0: {  	[tilespmem:s19], [sflag:$0x2] =	stream.indirect_vreg.gather [hbm4b:s9+s3], $0x80, v4, vm0, $0xb8;
	[tilespmem:$0x10080] =	vst v63  }
0xb1: {  	_ = 	snop  }
0xb2: {  	[tilespmem:s20], [sflag:$0x2] =	stream.indirect_vreg.gather [hbm4b:s10+s3], $0x80, v4, vm0, $0xb8;
	[tilespmem:$0x10080] =	vst v63  }
0xb3: {  	_ = 	snop  }
0xb4: {  	[tilespmem:s21], [sflag:$0x2] =	stream.indirect_vreg.gather [hbm4b:s14+s3], $0x80, v3, vm0, $0xb8;
	[tilespmem:$0x10080] =	vst v63  }
0xb5: {  	_ = 	snop  }
0xb6: {  	[tilespmem:s22], [sflag:$0x2] =	stream.indirect_vreg.gather [hbm4b:s4+s3], $0x80, v3, vm0, $0xb8;
	[tilespmem:$0x10080] =	vst v63  }
0xb7: {  	_ = 	snop  }
0xb8: {  	[tilespmem:s23], [sflag:$0x2] =	stream.indirect_vreg.gather [hbm4b:s5+s3], $0x80, v3, vm0, $0xb8;
	[tilespmem:$0x10080] =	vst v63  }
0xb9: {  	_ = 	snop  }
0xba: {  	[tilespmem:s24], [sflag:$0x2] =	stream.indirect_vreg.gather [hbm4b:s6+s3], $0x80, v3, vm0, $0xb8;
	[tilespmem:$0x10080] =	vst v63  }
0xbb: {  	_ = 	snop  }
0xbc: {  	[tilespmem:s25], [sflag:$0x2] =	stream.indirect_vreg.gather [hbm4b:s7+s3], $0x80, v3, vm0, $0xb8;
	[tilespmem:$0x10080] =	vst v63  }
0xbd: {  	_ = 	snop  }
0xbe: {  	[tilespmem:s26], [sflag:$0x2] =	stream.indirect_vreg.gather [hbm4b:s8+s3], $0x80, v3, vm0, $0xb8;
	[tilespmem:$0x10080] =	vst v63  }
0xbf: {  	_ = 	snop  }
0xc0: {  	[tilespmem:s28], [sflag:$0x2] =	stream.indirect_vreg.gather [hbm4b:s9+s3], $0x80, v3, vm0, $0xb8;
	[tilespmem:$0x10080] =	vst v63  }
0xc1: {  	_ = 	snop  }
0xc2: {  	[tilespmem:s29], [sflag:$0x2] =	stream.indirect_vreg.gather [hbm4b:s10+s3], $0x80, v3, vm0, $0xb8;
	[tilespmem:$0x10080] =	vst v63  }
0xc3: {  	s0 =	rddreg [dreg:$0x7]  }
0xc4: {  	[hbm4b:s0+s3] =	stream.linear.scatter [tilespmem:s1], [sflag:$0x3], $0x8000, $0x38;
	[tilespmem:$0x10080] =	vst v63  }
0xc5: {  	_ =	swait.ge [sflag:s12], $0x8000  }
0xc6: {  	[sflag:s12] =	ssyncset.done $0x0  }
0xc7: {  	[sflag:s12] =	ssyncadd.s32 $0xFFFF8000  }
0xc8: {  	_ =	swait.ge [sflag:s2], $0x8000  }
0xc9: {  	[sflag:s2] =	ssyncset.done $0x0  }
0xca: {  	[sflag:s2] =	ssyncadd.s32 $0xFFFF8000  }
0xcb: {  	v3 =	vld [tilespmem:$0x40];
	_ =	sdelay $0x4  }
0xcc: {  	v63 =	vshll.u32 v3, $0x4  }
0xcd: {  	v3 =	vand.u32 $0x7, v3;
	v4 =	vand.u32 $0xFFFFFF80, v63  }
0xce: {  	v3 =	vor.u32 v3, v4  }
0xcf: {  	v4 =	vperm.xlane v3, v0;
	_ =	sdelay $0x1  }
0xd0: {  	v4 =	vadd.s32 v1, v4;
	_ =	sdelay $0x4  }
0xd1: {  	[tilespmem:s1], [sflag:$0x1] =	stream.indirect_vreg.gather [hbm4b:s14+s3], $0x80, v4, vm0, $0xb8;
	[tilespmem:$0x10080] =	vst v63  }
0xd2: {  	s0 =	simm.s32 $0x880  }
0xd3: {  	[tilespmem:s0], [sflag:$0x1] =	stream.indirect_vreg.gather [hbm4b:s4+s3], $0x80, v4, vm0, $0xb8;
	[tilespmem:$0x10080] =	vst v63  }
0xd4: {  	s0 =	simm.s32 $0x1080  }
0xd5: {  	[tilespmem:s0], [sflag:$0x1] =	stream.indirect_vreg.gather [hbm4b:s5+s3], $0x80, v4, vm0, $0xb8;
	[tilespmem:$0x10080] =	vst v63  }
0xd6: {  	s0 =	simm.s32 $0x1880  }
0xd7: {  	[tilespmem:s0], [sflag:$0x1] =	stream.indirect_vreg.gather [hbm4b:s6+s3], $0x80, v4, vm0, $0xb8;
	[tilespmem:$0x10080] =	vst v63  }
0xd8: {  	s0 =	simm.s32 $0x2080  }
0xd9: {  	[tilespmem:s0], [sflag:$0x1] =	stream.indirect_vreg.gather [hbm4b:s7+s3], $0x80, v4, vm0, $0xb8;
	[tilespmem:$0x10080] =	vst v63  }
0xda: {  	v3 =	vperm.xlane v3, v2;
	s0 =	simm.s32 $0x2880  }
0xdb: {  	[tilespmem:s0], [sflag:$0x1] =	stream.indirect_vreg.gather [hbm4b:s8+s3], $0x80, v4, vm0, $0xb8;
	[tilespmem:$0x10080] =	vst v63  }
0xdc: {  	v3 =	vadd.s32 v1, v3;
	s0 =	simm.s32 $0x3080  }
0xdd: {  	[tilespmem:s0], [sflag:$0x1] =	stream.indirect_vreg.gather [hbm4b:s9+s3], $0x80, v4, vm0, $0xb8;
	[tilespmem:$0x10080] =	vst v63  }
0xde: {  	s0 =	simm.s32 $0x3880  }
0xdf: {  	[tilespmem:s0], [sflag:$0x1] =	stream.indirect_vreg.gather [hbm4b:s10+s3], $0x80, v4, vm0, $0xb8;
	[tilespmem:$0x10080] =	vst v63  }
0xe0: {  	s0 =	simm.s32 $0x4080  }
0xe1: {  	[tilespmem:s0], [sflag:$0x1] =	stream.indirect_vreg.gather [hbm4b:s14+s3], $0x80, v3, vm0, $0xb8;
	[tilespmem:$0x10080] =	vst v63  }
0xe2: {  	s0 =	simm.s32 $0x4880  }
0xe3: {  	[tilespmem:s0], [sflag:$0x1] =	stream.indirect_vreg.gather [hbm4b:s4+s3], $0x80, v3, vm0, $0xb8;
	[tilespmem:$0x10080] =	vst v63  }
0xe4: {  	s0 =	simm.s32 $0x5080  }
0xe5: {  	[tilespmem:s0], [sflag:$0x1] =	stream.indirect_vreg.gather [hbm4b:s5+s3], $0x80, v3, vm0, $0xb8;
	[tilespmem:$0x10080] =	vst v63  }
0xe6: {  	s0 =	simm.s32 $0x5880  }
0xe7: {  	[tilespmem:s0], [sflag:$0x1] =	stream.indirect_vreg.gather [hbm4b:s6+s3], $0x80, v3, vm0, $0xb8;
	[tilespmem:$0x10080] =	vst v63  }
0xe8: {  	s0 =	simm.s32 $0x6080  }
0xe9: {  	[tilespmem:s0], [sflag:$0x1] =	stream.indirect_vreg.gather [hbm4b:s7+s3], $0x80, v3, vm0, $0xb8;
	[tilespmem:$0x10080] =	vst v63  }
0xea: {  	s0 =	simm.s32 $0x6880  }
0xeb: {  	[tilespmem:s0], [sflag:$0x1] =	stream.indirect_vreg.gather [hbm4b:s8+s3], $0x80, v3, vm0, $0xb8;
	[tilespmem:$0x10080] =	vst v63  }
0xec: {  	s0 =	simm.s32 $0x7080  }
0xed: {  	[tilespmem:s0], [sflag:$0x1] =	stream.indirect_vreg.gather [hbm4b:s9+s3], $0x80, v3, vm0, $0xb8;
	[tilespmem:$0x10080] =	vst v63  }
0xee: {  	s31 =	simm.s32 $0x7880  }
0xef: {  	[tilespmem:s31], [sflag:$0x1] =	stream.indirect_vreg.gather [hbm4b:s10+s3], $0x80, v3, vm0, $0xb8;
	[tilespmem:$0x10080] =	vst v63  }
0xf0: {  	s0 =	rddreg [dreg:$0x8]  }
0xf1: {  	[hbm4b:s0+s3] =	stream.linear.scatter [tilespmem:s13], [sflag:$0x3], $0x8000, $0x38;
	[tilespmem:$0x10080] =	vst v63  }
0xf2: {  	_ =	swait.ge [sflag:s12], $0x8000  }
0xf3: {  	[sflag:s12] =	ssyncset.done $0x0  }
0xf4: {  	[sflag:s12] =	ssyncadd.s32 $0xFFFF8000  }
0xf5: {  	_ =	swait.ge [sflag:s30], $0x8000  }
0xf6: {  	p0 =	sne.s32 s11, $0x1;
	[sflag:s30] =	ssyncset.done $0x0  }
.Ltmp0:
0xf7: {  	s31 =	rddreg [dreg:$0x9];
	[sflag:s30] =	ssyncadd.s32 $0xFFFF8000;
	(pc) =	sbr.rel @p0 .LBB2_1-.Ltmp0, $4  }
0xf8: {  	[hbm4b:s31+s3] =	stream.linear.scatter [tilespmem:s1], [sflag:$0x3], $0x8000, $0x38;
	[tilespmem:$0x10080] =	vst v63  }
0xf9: {  	_ =	swait.ge [sflag:s12], $0x8000  }
0xfa: {  	[sflag:s12] =	ssyncset.done $0x0  }
0xfb: {  	s11 =	sadd.s32 $0xFFFFFFFF, s11;
	[sflag:s12] =	ssyncadd.s32 $0xFFFF8000  }
0xfc: {  	_ =	sfence.sel $0x180000  }
0xfd: {  	[bflag:$0x0] =	sbarrier.arrive $0xFFFF  }
0xfe: {  	_ =	strace $0x9000004A  }
0xff: {  	s0 =	stileid.u32;
	[bflag:$0x2] =	sbarrier.arrive $0xFFFF  }
0x100: {  	p0 =	sne.s32 s0, $0x0;
	s0 =	rddreg [dreg:$0x3]  }
0x101: {  	s0 =	sadd.s32 @!p0 $0x100000, s0  }
0x102: {  	[sflag:s0] =	ssyncadd.tile.s32 @!p0 $0x1;
	_ =	shalt  }
.Lfunc_end2:
_tile_overlayer_lowered:
.L_overlay_start_2:
0x103: {  	(tag) =	ssettag $0x2  }
0x104: {  	s0 =	rddreg [dreg:$0x0];
	s2 =	stileid.u32  }
0x105: {  	s1 =	rddreg [dreg:$0x1];
	p0 =	sne.s32 s2, $0x0  }
0x106: {  	s3 =	rddreg [dreg:$0x2];
	[bflag:$0x3] =	sbarrier.arrive $0xFFFF;
	s2 =	simm.s32 @!p0 $0x1C03  }
0x107: {  	[timem:s3], [sflag:s2] =	dma.local @!p0 [hbm:s0], s1  }
0x108: {  	s0 =	simm.s32 @!p0 $0x3  }
0x109: {  	_ =	swait.ge @!p0 [sflag:s0], s1  }
0x10a: {  	s1 =	ssub.s32 @!p0 $0x0, s1;
	[sflag:s0] =	ssyncset.done @!p0 $0x0  }
0x10b: {  	[sflag:s0] =	ssyncadd.s32 @!p0 s1  }
0x10c: {  	[bflag:$0x3] =	sbarrier.arrive $0xFFFF  }
0x10d: {  	_ =	shalt  }

// kernel: kernel.15.cloned.1.call-start
scs
__scs_entry_jumppad:
0x0: {  	(pc) =	sbr.rel $0x88, $3  }
0x1: {  	(tag) =	ssettag $0x0;
	lr =	simm.s32 $0x1  }
0x2: {  	[smem:$0x3F9C] =	sst lr;
	_ =	strace $0xD0000000  }
0x3: {  	_ = 	snop  }
0x4: {  	_ = 	snop  }
0x5: {  	_ = 	snop  }
0x6: {  	_ = 	snop  }
0x7: {  	_ = 	snop  }
__scs_overlays_trampoline_lowered:
0x8: {  	[smem:$0x3FAB] =	sst s0  }
0x9: {  	[smem:$0x3FAC] =	sst s1  }
0xa: {  	[smem:$0x3FAD] =	sst s2  }
0xb: {  	[smem:$0x3FAE] =	sst s3  }
0xc: {  	[smem:$0x3FAF] =	sst s4  }
0xd: {  	[smem:$0x3FB0] =	sst s5  }
0xe: {  	[smem:$0x3FB1] =	sst s6  }
0xf: {  	[smem:$0x3FB2] =	sst s7  }
0x10: {  	[smem:$0x3FB3] =	sst s8  }
0x11: {  	[smem:$0x3FB4] =	sst s9;
	s0 =	simm.s32 @!p0 $0x0  }
0x12: {  	s1 =	sld [smem:$0x3F9A];
	s0 =	simm.s32 @p0 $0x1  }
0x13: {  	[smem:$0x3FB5] =	sst s0;
	s0 =	simm.s32 @!p1 $0x0  }
0x14: {  	s2 =	sld [smem:$0x3F99];
	s0 =	simm.s32 @p1 $0x1  }
0x15: {  	[smem:$0x3FB6] =	sst s0;
	s0 =	simm.s32 @!p2 $0x0  }
0x16: {  	s3 =	sld [smem:$0x3FDB];
	s0 =	simm.s32 @p2 $0x1  }
0x17: {  	s4 =	simm.s32 $0x1BF5;
	[smem:$0x3FB8] =	sst s0  }
0x18: {  	s0 =	sld [smem:$0x3F9B];
	_ =	swait.ge [sflag:s4], $0x0  }
0x19: {  	s7 =	sld [smem:$0x3F9C]  }
0x1a: {  	s8 =	sadd.s32 $0xFFFFE003, lr  }
0x1b: {  	s9 =	sadd.s32 $0xFFFFFEF7, lr;
	s5 =	simm.s32 $0xFFFFFFFF;
	p2 =	slt.u32 s8, $0xFFFFF086  }
0x1c: {  	p1 =	slt.u32 s9, $0xF7A;
	s5 =	simm.s32 @!p2 $0x0  }
0x1d: {  	s5 =	simm.s32 @p1 $0x1;
	p0 =	seq.s32 s7, s2  }
0x1e: {  	s7 =	smul.u32 @!p0 $0xF7A, s2;
	p2 =	seq.s32 @!p0 s5, $0x0  }
0x1f: {  	s9 =	smul.u32 $0xF7A, s1;
	s8 =	simm.s32 @!p0 $0x1BF5;
	p2 =	por !p2, p0  }
0x20: {  	[sflag:s8] =	ssyncset.s32 @!p0 $0xFFFFF086;
	s6 =	sadd.s32 @!p0 s3, s7;
	s7 =	simm.s32 @!p0 $0x108  }
0x21: {  	s3 =	sadd.s32 s3, s9;
	s6 =	sadd.s32 @!p0 $0x88, s6;
	s7 =	simm.s32 @p2 $0x1082  }
0x22: {  	[simem:s7], [sflag:s8] =	dma.local @!p0 [hbm:s6], $0xF7A  }
0x23: {  	s9 =	sor.u32 $0xD0000000, s2;
	s6 =	simm.s32 $0x108;
	_ =	swait.ge @!p0 [sflag:s8], $0x0  }
0x24: {  	s3 =	sadd.s32 $0x88, s3;
	s6 =	simm.s32 @!p1 $0x1082;
	[sflag:s4] =	ssyncset.s32 $0xFFFFF086  }
0x25: {  	[simem:s6], [sflag:s4] =	dma.local [hbm:s3], $0xF7A  }
0x26: {  	[smem:$0x3F9C] =	sst s1;
	(tag) =	ssettag s2;
	_ =	strace s9  }
0x27: {  	s1 =	sld [smem:$0x3FAC]  }
0x28: {  	s2 =	sld [smem:$0x3FAD]  }
0x29: {  	s4 =	sld [smem:$0x3FAF]  }
0x2a: {  	p0 =	seq.s32 s5, $0x0;
	s5 =	sld [smem:$0x3FB0]  }
0x2b: {  	s6 =	sld [smem:$0x3FB1]  }
0x2c: {  	s7 =	sld [smem:$0x3FB2]  }
0x2d: {  	s3 =	simm.s32 $0x108;
	s8 =	sld [smem:$0x3FB3]  }
0x2e: {  	s3 =	simm.s32 @!p0 $0x1082;
	s9 =	sld [smem:$0x3FB4]  }
0x2f: {  	lr =	sadd.s32 s0, s3;
	s0 =	sld [smem:$0x3FAB]  }
0x30: {  	s3 =	sld [smem:$0x3FAE]  }
0x31: {  	[smem:$0x3FB7] =	sst s10  }
0x32: {  	s10 =	sld [smem:$0x3FB5];
	_ =	sdelay $0x3  }
0x33: {  	p0 =	seq.s32 s10, $0x1;
	s10 =	sld [smem:$0x3FB7];
	_ =	sdelay $0x3  }
0x34: {  	[smem:$0x3FB7] =	sst s10  }
0x35: {  	s10 =	sld [smem:$0x3FB6];
	_ =	sdelay $0x3  }
0x36: {  	p1 =	seq.s32 s10, $0x1;
	s10 =	sld [smem:$0x3FB7];
	_ =	sdelay $0x3  }
0x37: {  	[smem:$0x3FB7] =	sst s10  }
0x38: {  	s10 =	sld [smem:$0x3FB8]  }
0x39: {  	_ = 	snop;
	(pc) =	sbr.ind lr, $3  }
0x3a: {  	_ = 	snop  }
0x3b: {  	_ = 	snop  }
0x3c: {  	p2 =	seq.s32 s10, $0x1;
	s10 =	sld [smem:$0x3FB7]  }
0x3d: {  	_ =	shalt  }
0x3e: {  	_ =	shalt  }
0x3f: {  	_ =	shalt  }
0x40: {  	_ =	shalt  }
0x41: {  	_ =	shalt  }
0x42: {  	_ =	shalt  }
0x43: {  	_ =	shalt  }
0x44: {  	_ =	shalt  }
0x45: {  	_ =	shalt  }
0x46: {  	_ =	shalt  }
0x47: {  	_ =	shalt  }
0x48: {  	_ =	shalt  }
0x49: {  	_ =	shalt  }
0x4a: {  	_ =	shalt  }
0x4b: {  	_ =	shalt  }
0x4c: {  	_ =	shalt  }
0x4d: {  	_ =	shalt  }
0x4e: {  	_ =	shalt  }
0x4f: {  	_ =	shalt  }
0x50: {  	_ =	shalt  }
0x51: {  	_ =	shalt  }
0x52: {  	_ =	shalt  }
0x53: {  	_ =	shalt  }
0x54: {  	_ =	shalt  }
0x55: {  	_ =	shalt  }
0x56: {  	_ =	shalt  }
0x57: {  	_ =	shalt  }
0x58: {  	_ =	shalt  }
0x59: {  	_ =	shalt  }
0x5a: {  	_ =	shalt  }
0x5b: {  	_ =	shalt  }
0x5c: {  	_ =	shalt  }
0x5d: {  	_ =	shalt  }
0x5e: {  	_ =	shalt  }
0x5f: {  	_ =	shalt  }
0x60: {  	_ =	shalt  }
0x61: {  	_ =	shalt  }
0x62: {  	_ =	shalt  }
0x63: {  	_ =	shalt  }
0x64: {  	_ =	shalt  }
0x65: {  	_ =	shalt  }
0x66: {  	_ =	shalt  }
0x67: {  	_ =	shalt  }
0x68: {  	_ =	shalt  }
0x69: {  	_ =	shalt  }
0x6a: {  	_ =	shalt  }
0x6b: {  	_ =	shalt  }
0x6c: {  	_ =	shalt  }
0x6d: {  	_ =	shalt  }
0x6e: {  	_ =	shalt  }
0x6f: {  	_ =	shalt  }
0x70: {  	_ =	shalt  }
0x71: {  	_ =	shalt  }
0x72: {  	_ =	shalt  }
0x73: {  	_ =	shalt  }
0x74: {  	_ =	shalt  }
0x75: {  	_ =	shalt  }
0x76: {  	_ =	shalt  }
0x77: {  	_ =	shalt  }
0x78: {  	_ =	shalt  }
0x79: {  	_ =	shalt  }
0x7a: {  	_ =	shalt  }
0x7b: {  	_ =	shalt  }
0x7c: {  	_ =	shalt  }
0x7d: {  	_ =	shalt  }
0x7e: {  	_ =	shalt  }
0x7f: {  	_ =	shalt  }
0x80: {  	_ =	shalt  }
0x81: {  	_ =	shalt  }
0x82: {  	_ =	shalt  }
0x83: {  	_ =	shalt  }
0x84: {  	_ =	shalt  }
0x85: {  	_ =	shalt  }
0x86: {  	_ =	shalt  }
0x87: {  	_ =	shalt  }
.Lfunc_end0:
.L_simem_size_0:
called_computation.2_lowered:
.L_overlay_start_0:
0x88: {  	s2 =	sld [smem:$0x3FD9]  }
0x89: {  	s3 =	sld [smem:$0x3FFE];
	_ =	sdelay $0x1  }
0x8a: {  	s1 =	srdreg.scid  }
0x8b: {  	s0 =	sand.u32 $0x1, s1  }
0x8c: {  	s17 =	sshll.u32 s0, $0xA;
	s2 =	sadd.s32 s3, s2  }
0x8d: {  	s2 =	sadd.s32 s2, s17  }
0x8e: {  	[smem:$0x3FC3] =	sst s2  }
0x8f: {  	_ = 	snop  }
0x90: {  	s18 =	sld [smem:$0x3FC9]  }
0x91: {  	s4 =	sld [smem:$0x3FD0];
	(tm) =	ssettm $0x1  }
0x92: {  	s19 =	sld [smem:$0x3FFB];
	_ =	sdelay $0x3  }
0x93: {  	_ =	strace s19  }
0x94: {  	s2 =	sld [smem:$0x3FFC];
	_ =	sdelay $0x3  }
0x95: {  	_ =	strace s2  }
0x96: {  	s2 =	sld [smem:$0x3FFD];
	_ =	sdelay $0x3  }
0x97: {  	_ =	strace s2  }
0x98: {  	_ =	strace $0x8FFFFFFF  }
0x99: {  	s20 =	sld [smem:$0x3FDB];
	_ =	sdelay $0x1  }
0x9a: {  	s5 =	simm.s32 $_scs_section_size  }
0x9b: {  	s6 =	simm.s32 $_size__tile_overlayer_lowered;
	s7 =	simm.s32 $_tile_overlayer_lowered  }
0x9c: {  	s8 =	simm.s32 $0x1BFF;
	s21 =	sshll.u32 s7, $0x1;
	s5 =	sadd.s32 s5, s20  }
0x9d: {  	s22 =	simm.s32 $0x0;
	s6 =	sshll.u32 s6, $0x1;
	s7 =	sadd.s32 s21, s5  }
0x9e: {  	[timem:s22], [sflag:s8] =	dma.local [hbm:s7], s6  }
0x9f: {  	_ =	swait.ge [sflag:s8], s6  }
0xa0: {  	s6 =	ssub.s32 $0x0, s6;
	[sflag:s8] =	ssyncset.done $0x0  }
0xa1: {  	[sflag:s8] =	ssyncadd.s32 s6;
	_ =	sdelay $0x1  }
0xa2: {  	s23 =	simm.s32 $0x1B8B  }
0xa3: {  	_ =	swait.ge [sflag:s23], $0x1  }
0xa4: {  	[sflag:s23] =	ssyncset.done $0x0  }
0xa5: {  	[sflag:s23] =	ssyncadd.s32 $0xFFFFFFFF  }
0xa6: {  	s6 =	sld [smem:$0x0]  }
0xa7: {  	s7 =	sand.u32 $0xFFFFFFFE, s1  }
0xa8: {  	p0 =	sne.s32 s1, s7  }
0xa9: {  	s7 =	sshll.u32 @p0 s7, $0xE  }
0xaa: {  	s7 =	sadd.s32 @p0 $0x11B8D, s7;
	s8 =	sshll.u32 @p0 s6, $0x11  }
0xab: {  	s7 =	sor.u32 @p0 s8, s7  }
0xac: {  	[sflag:s7] =	ssyncadd.remote.s32 @p0 $0x1;
	_ =	sdelay $0x1  }
0xad: {  	s7 =	simm.s32 @p0 $0x1B8D  }
0xae: {  	_ =	swait.eq @p0 [sflag:s7], $0x1  }
0xaf: {  	[sflag:s7] =	ssyncadd.s32 @p0 $0xFFFFFFFF  }
0xb0: {  	s8 =	sshll.u32 @!p0 s1, $0xE  }
0xb1: {  	s8 =	sor.u32 @!p0 $0x4000, s8;
	s7 =	simm.s32 @!p0 $0x1B8D  }
0xb2: {  	s6 =	sshll.u32 @!p0 s6, $0x11;
	s8 =	sadd.s32 @!p0 $0x11B8D, s8;
	_ =	swait.eq @!p0 [sflag:s7], $0x1  }
0xb3: {  	s6 =	sor.u32 @!p0 s6, s8;
	[sflag:s7] =	ssyncadd.s32 @!p0 $0xFFFFFFFF  }
0xb4: {  	s25 =	simm.s32 $0x1B8E;
	s24 =	sld [smem:$0x3FFE];
	[sflag:s6] =	ssyncadd.remote.s32 @!p0 $0x1  }
0xb5: {  	s26 =	simm.s32 $execute0_lowered;
	[smem:$0x3FD2] =	sst s25  }
0xb6: {  	s7 =	sshll.u32 s26, $0x1;
	_ =	strace $0x8000004C;
	[dreg:$0x1] =	wrdreg $0xFFFFFFFF  }
0xb7: {  	s28 =	simm.s32 $_size_execute0_lowered;
	s5 =	sadd.s32 s5, s7;
	[dreg:$0x0] =	wrdreg $0x0  }
0xb8: {  	s7 =	sshll.u32 s28, $0x1;
	[dreg:$0x2] =	wrdreg s5  }
0xb9: {  	[dreg:$0x3] =	wrdreg s7  }
0xba: {  	[dreg:$0x4] =	wrdreg $0xC0  }
0xbb: {  	_ =	task [dreg:s22], $0x5FFFF  }
0xbc: {  	[dreg:$0x1] =	wrdreg $0xFFFFFFFF  }
0xbd: {  	[dreg:$0x0] =	wrdreg $0x60  }
0xbe: {  	[dreg:$0x2] =	wrdreg s4  }
0xbf: {  	[dreg:$0x3] =	wrdreg s18  }
0xc0: {  	[dreg:$0x4] =	wrdreg s24  }
0xc1: {  	[dreg:$0x5] =	wrdreg $0xA  }
0xc2: {  	_ =	task.clear_ibuf [dreg:s22], $0x6FFFF;
	_ =	strace $0x9000004C  }
0xc3: {  	s29 =	simm.s32 $0xA;
	_ =	strace $0x8000004E  }
0xc4: {  	_ =	swait.ge [sflag:s29], $0x1  }
0xc5: {  	[sflag:s29] =	ssyncadd.s32 $0xFFFFFFFF  }
0xc6: {  	_ =	strace $0x9000004E  }
0xc7: {  	_ =	sfence  }
0xc8: {  	s30 =	sld [smem:$0x0];
	_ =	sdelay $0x2  }
0xc9: {  	s31 =	sshll.u32 s1, $0xD;
	s1 =	sshrl.u32 s1, $0x2  }
0xca: {  	s4 =	sand.u32 $0x4000, s31;
	s1 =	sadd.s32 s1, s30  }
0xcb: {  	s0 =	sor.u32 s4, s0;
	s1 =	sshll.u32 s1, $0x11  }
0xcc: {  	s0 =	sor.u32 s1, s0  }
0xcd: {  	s0 =	sadd.s32 $0x8F2B, s0  }
0xce: {  	[sflag:s0] =	ssyncadd.remote.s32 $0x1  }
0xcf: {  	_ =	sfence.sel $0xFFFF  }
0xd0: {  	[dreg:$0x0] =	wrdreg $0xFFFFFFFF;
	(pc) =	sbr.abs _section_cstart, $3  }
0xd1: {  	[dreg:$0x1] =	wrdreg $0xFFFFFFFF  }
0xd2: {  	_ =	task.clear_ibuf [dreg:s22], $0x2FFFF;
	_ =	strace $0x9FFFFFFF  }
0xd3: {  	(tm) =	ssettm $0x7FFFFFFF  }
tec
execute0_lowered:
.L_overlay_start_1:
0x0: {  	(tag) =	ssettag $0x1  }
0x1: {  	s0 =	rddreg [dreg:$0x0];
	s1 =	srdreg.scid  }
0x2: {  	s3 =	stileid.u32;
	s14 =	rddreg [dreg:$0x1]  }
0x3: {  	s4 =	rddreg [dreg:$0x2];
	s12 =	simm.s32 $0x3;
	s30 =	simm.s32 $0x1  }
0x4: {  	s13 =	simm.s32 $0x8080;
	s15 =	simm.s32 $0x9080;
	s16 =	simm.s32 $0x9880  }
0x5: {  	s17 =	simm.s32 $0xA080;
	s18 =	simm.s32 $0xA880;
	s19 =	simm.s32 $0xB080  }
0x6: {  	s20 =	simm.s32 $0xB880;
	s21 =	simm.s32 $0xC080;
	s22 =	simm.s32 $0xC880  }
0x7: {  	s28 =	simm.s32 $0xF080;
	s29 =	simm.s32 $0xF880;
	s2 =	simm.s32 $0x2  }
0x8: {  	s1 =	sand.u32 $0x1, s1;
	s3 =	sshll.u32 s3, $0x1;
	s7 =	sadd.s32 $0xA2400, s4  }
0x9: {  	s4 =	sadd.s32 $0x100, s14;
	s10 =	sadd.s32 $0x700, s14;
	s5 =	sor.u32 s1, s3  }
0xa: {  	s3 =	simm.s32 $0x0;
	s1 =	ssub.s32 $0x2, s1;
	s6 =	smul.u32 $0x50, s5  }
0xb: {  	[smem:$0x7FF] =	sst s3;
	s24 =	smul.u32 $0x28000, s5;
	s25 =	sshrl.u32 s1, $0x1  }
0xc: {  	s5 =	smul.u32 $0x5000, s5;
	_ =	strace $0x8000004D;
	s1 =	ssub.s32 s1, s25  }
0xd: {  	s25 =	simm.s32 $0xE080;
	s23 =	sshrl.u32 s6, $0x3;
	s26 =	sshrl.u32 s24, $0x3  }
0xe: {  	s31 =	sadd.s32 s7, s5;
	s5 =	sadd.s32 $0x200, s14;
	s0 =	sadd.s32 s0, s23  }
0xf: {  	s6 =	sadd.s32 $0x300, s14;
	s11 =	smax.u32 s1, $0x1;
	s0 =	sadd.s32 $0x140, s0  }
0x10: {  	s24 =	simm.s32 $0xD880;
	[dreg:$0x4] =	wrdreg s0;
	s0 =	sadd.s32 s7, s26  }
0x11: {  	[dreg:$0x5] =	wrdreg s31;
	s23 =	simm.s32 $0xD080;
	s7 =	sadd.s32 $0x1000, s0  }
0x12: {  	s26 =	simm.s32 $0xE880;
	s8 =	sadd.s32 $0x2000, s0;
	[dreg:$0x6] =	wrdreg s7  }
0x13: {  	v2 =	vlaneseq.u32;
	s9 =	sadd.s32 $0x3000, s0;
	s0 =	sadd.s32 $0x4000, s0;
	[dreg:$0x7] =	wrdreg s8  }
0x14: {  	vm0 =	vmmov $0xffff;
	v1 =	vshrl.u32 v2, $0x3;
	s7 =	sadd.s32 $0x400, s14;
	s8 =	sadd.s32 $0x500, s14;
	[dreg:$0x8] =	wrdreg s9  }
0x15: {  	v0 =	vand.u32 $0x7, v2;
	v2 =	vor.u32 $0x8, v2;
	v1 =	vmul.u32 $0x8, v1;
	s9 =	sadd.s32 $0x600, s14;
	[dreg:$0x9] =	wrdreg s0;
	s0 =	simm.s32 $0x80  }
.LBB2_1:
0x16: {  	s1 =	rddreg [dreg:$0x4]  }
0x17: {  	[tilespmem:s3], [sflag:$0x3] =	stream.linear.gather [hbm4b:s1+s3], $0x50, $0x38;
	[tilespmem:$0x10080] =	vst v63  }
0x18: {  	_ =	swait.ge [sflag:s12], $0x50  }
0x19: {  	[sflag:s12] =	ssyncset.done $0x0  }
0x1a: {  	[sflag:s12] =	ssyncadd.s32 $0xFFFFFFB0  }
0x1b: {  	v3 =	vld [tilespmem:$0x0];
	_ =	sdelay $0x4  }
0x1c: {  	v4 =	vshll.u32 v3, $0x4  }
0x1d: {  	v3 =	vand.u32 $0x7, v3;
	v4 =	vand.u32 $0xFFFFFF80, v4  }
0x1e: {  	v3 =	vor.u32 v3, v4  }
0x1f: {  	v4 =	vperm.xlane v3, v0;
	_ =	sdelay $0x1  }
0x20: {  	v4 =	vadd.s32 v1, v4;
	_ =	sdelay $0x4  }
0x21: {  	[tilespmem:s0], [sflag:$0x1] =	stream.indirect_vreg.gather [hbm4b:s14+s3], $0x80, v4, vm0, $0xb8;
	[tilespmem:$0x10080] =	vst v63  }
0x22: {  	s31 =	simm.s32 $0x880  }
0x23: {  	[tilespmem:s31], [sflag:$0x1] =	stream.indirect_vreg.gather [hbm4b:s4+s3], $0x80, v4, vm0, $0xb8;
	[tilespmem:$0x10080] =	vst v63  }
0x24: {  	s31 =	simm.s32 $0x1080  }
0x25: {  	[tilespmem:s31], [sflag:$0x1] =	stream.indirect_vreg.gather [hbm4b:s5+s3], $0x80, v4, vm0, $0xb8;
	[tilespmem:$0x10080] =	vst v63  }
0x26: {  	s31 =	simm.s32 $0x1880  }
0x27: {  	[tilespmem:s31], [sflag:$0x1] =	stream.indirect_vreg.gather [hbm4b:s6+s3], $0x80, v4, vm0, $0xb8;
	[tilespmem:$0x10080] =	vst v63  }
0x28: {  	s31 =	simm.s32 $0x2080  }
0x29: {  	[tilespmem:s31], [sflag:$0x1] =	stream.indirect_vreg.gather [hbm4b:s7+s3], $0x80, v4, vm0, $0xb8;
	[tilespmem:$0x10080] =	vst v63  }
0x2a: {  	s1 =	simm.s32 $0x2880;
	v3 =	vperm.xlane v3, v2  }
0x2b: {  	[tilespmem:s1], [sflag:$0x1] =	stream.indirect_vreg.gather [hbm4b:s8+s3], $0x80, v4, vm0, $0xb8;
	[tilespmem:$0x10080] =	vst v63  }
0x2c: {  	v3 =	vadd.s32 v1, v3;
	s1 =	simm.s32 $0x3080  }
0x2d: {  	[tilespmem:s1], [sflag:$0x1] =	stream.indirect_vreg.gather [hbm4b:s9+s3], $0x80, v4, vm0, $0xb8;
	[tilespmem:$0x10080] =	vst v63  }
0x2e: {  	s1 =	simm.s32 $0x3880  }
0x2f: {  	[tilespmem:s1], [sflag:$0x1] =	stream.indirect_vreg.gather [hbm4b:s10+s3], $0x80, v4, vm0, $0xb8;
	[tilespmem:$0x10080] =	vst v63  }
0x30: {  	s1 =	simm.s32 $0x4080  }
0x31: {  	[tilespmem:s1], [sflag:$0x1] =	stream.indirect_vreg.gather [hbm4b:s14+s3], $0x80, v3, vm0, $0xb8;
	[tilespmem:$0x10080] =	vst v63  }
0x32: {  	s1 =	simm.s32 $0x4880  }
0x33: {  	[tilespmem:s1], [sflag:$0x1] =	stream.indirect_vreg.gather [hbm4b:s4+s3], $0x80, v3, vm0, $0xb8;
	[tilespmem:$0x10080] =	vst v63  }
0x34: {  	s1 =	simm.s32 $0x5080  }
0x35: {  	[tilespmem:s1], [sflag:$0x1] =	stream.indirect_vreg.gather [hbm4b:s5+s3], $0x80, v3, vm0, $0xb8;
	[tilespmem:$0x10080] =	vst v63  }
0x36: {  	s1 =	simm.s32 $0x5880  }
0x37: {  	[tilespmem:s1], [sflag:$0x1] =	stream.indirect_vreg.gather [hbm4b:s6+s3], $0x80, v3, vm0, $0xb8;
	[tilespmem:$0x10080] =	vst v63  }
0x38: {  	s1 =	simm.s32 $0x6080  }
0x39: {  	[tilespmem:s1], [sflag:$0x1] =	stream.indirect_vreg.gather [hbm4b:s7+s3], $0x80, v3, vm0, $0xb8;
	[tilespmem:$0x10080] =	vst v63  }
0x3a: {  	s1 =	simm.s32 $0x6880  }
0x3b: {  	[tilespmem:s1], [sflag:$0x1] =	stream.indirect_vreg.gather [hbm4b:s8+s3], $0x80, v3, vm0, $0xb8;
	[tilespmem:$0x10080] =	vst v63  }
0x3c: {  	s1 =	simm.s32 $0x7080  }
0x3d: {  	[tilespmem:s1], [sflag:$0x1] =	stream.indirect_vreg.gather [hbm4b:s9+s3], $0x80, v3, vm0, $0xb8;
	[tilespmem:$0x10080] =	vst v63  }
0x3e: {  	s1 =	simm.s32 $0x7880  }
0x3f: {  	[tilespmem:s1], [sflag:$0x1] =	stream.indirect_vreg.gather [hbm4b:s10+s3], $0x80, v3, vm0, $0xb8;
	[tilespmem:$0x10080] =	vst v63  }
0x40: {  	_ =	swait.ge [sflag:s30], $0x8000  }
0x41: {  	[sflag:s30] =	ssyncset.done $0x0  }
0x42: {  	[sflag:s30] =	ssyncadd.s32 $0xFFFF8000  }
0x43: {  	v3 =	vld [tilespmem:$0x10];
	_ =	sdelay $0x4  }
0x44: {  	v60 =	vshll.u32 v3, $0x4  }
0x45: {  	v3 =	vand.u32 $0x7, v3;
	v4 =	vand.u32 $0xFFFFFF80, v60  }
0x46: {  	v3 =	vor.u32 v3, v4  }
0x47: {  	v4 =	vperm.xlane v3, v0;
	_ =	sdelay $0x1  }
0x48: {  	v4 =	vadd.s32 v1, v4;
	_ =	sdelay $0x4  }
0x49: {  	[tilespmem:s13], [sflag:$0x2] =	stream.indirect_vreg.gather [hbm4b:s14+s3], $0x80, v4, vm0, $0xb8;
	[tilespmem:$0x10080] =	vst v63  }
0x4a: {  	s1 =	simm.s32 $0x8880  }
0x4b: {  	[tilespmem:s1], [sflag:$0x2] =	stream.indirect_vreg.gather [hbm4b:s4+s3], $0x80, v4, vm0, $0xb8;
	[tilespmem:$0x10080] =	vst v63  }
0x4c: {  	_ = 	snop  }
0x4d: {  	[tilespmem:s15], [sflag:$0x2] =	stream.indirect_vreg.gather [hbm4b:s5+s3], $0x80, v4, vm0, $0xb8;
	[tilespmem:$0x10080] =	vst v63  }
0x4e: {  	_ = 	snop  }
0x4f: {  	[tilespmem:s16], [sflag:$0x2] =	stream.indirect_vreg.gather [hbm4b:s6+s3], $0x80, v4, vm0, $0xb8;
	[tilespmem:$0x10080] =	vst v63  }
0x50: {  	_ = 	snop  }
0x51: {  	[tilespmem:s17], [sflag:$0x2] =	stream.indirect_vreg.gather [hbm4b:s7+s3], $0x80, v4, vm0, $0xb8;
	[tilespmem:$0x10080] =	vst v63  }
0x52: {  	v3 =	vperm.xlane v3, v2  }
0x53: {  	[tilespmem:s18], [sflag:$0x2] =	stream.indirect_vreg.gather [hbm4b:s8+s3], $0x80, v4, vm0, $0xb8;
	[tilespmem:$0x10080] =	vst v63  }
0x54: {  	v3 =	vadd.s32 v1, v3  }
0x55: {  	[tilespmem:s19], [sflag:$0x2] =	stream.indirect_vreg.gather [hbm4b:s9+s3], $0x80, v4, vm0, $0xb8;
	[tilespmem:$0x10080] =	vst v63  }
0x56: {  	_ = 	snop  }
0x57: {  	[tilespmem:s20], [sflag:$0x2] =	stream.indirect_vreg.gather [hbm4b:s10+s3], $0x80, v4, vm0, $0xb8;
	[tilespmem:$0x10080] =	vst v63  }
0x58: {  	_ = 	snop  }
0x59: {  	[tilespmem:s21], [sflag:$0x2] =	stream.indirect_vreg.gather [hbm4b:s14+s3], $0x80, v3, vm0, $0xb8;
	[tilespmem:$0x10080] =	vst v63  }
0x5a: {  	_ = 	snop  }
0x5b: {  	[tilespmem:s22], [sflag:$0x2] =	stream.indirect_vreg.gather [hbm4b:s4+s3], $0x80, v3, vm0, $0xb8;
	[tilespmem:$0x10080] =	vst v63  }
0x5c: {  	_ = 	snop  }
0x5d: {  	[tilespmem:s23], [sflag:$0x2] =	stream.indirect_vreg.gather [hbm4b:s5+s3], $0x80, v3, vm0, $0xb8;
	[tilespmem:$0x10080] =	vst v63  }
0x5e: {  	_ = 	snop  }
0x5f: {  	[tilespmem:s24], [sflag:$0x2] =	stream.indirect_vreg.gather [hbm4b:s6+s3], $0x80, v3, vm0, $0xb8;
	[tilespmem:$0x10080] =	vst v63  }
0x60: {  	_ = 	snop  }
0x61: {  	[tilespmem:s25], [sflag:$0x2] =	stream.indirect_vreg.gather [hbm4b:s7+s3], $0x80, v3, vm0, $0xb8;
	[tilespmem:$0x10080] =	vst v63  }
0x62: {  	_ = 	snop  }
0x63: {  	[tilespmem:s26], [sflag:$0x2] =	stream.indirect_vreg.gather [hbm4b:s8+s3], $0x80, v3, vm0, $0xb8;
	[tilespmem:$0x10080] =	vst v63  }
0x64: {  	_ = 	snop  }
0x65: {  	[tilespmem:s28], [sflag:$0x2] =	stream.indirect_vreg.gather [hbm4b:s9+s3], $0x80, v3, vm0, $0xb8;
	[tilespmem:$0x10080] =	vst v63  }
0x66: {  	_ = 	snop  }
0x67: {  	[tilespmem:s29], [sflag:$0x2] =	stream.indirect_vreg.gather [hbm4b:s10+s3], $0x80, v3, vm0, $0xb8;
	[tilespmem:$0x10080] =	vst v63  }
0x68: {  	s1 =	rddreg [dreg:$0x5]  }
0x69: {  	[hbm4b:s1+s3] =	stream.linear.scatter [tilespmem:s0], [sflag:$0x3], $0x8000, $0x38;
	[tilespmem:$0x10080] =	vst v63  }
0x6a: {  	_ =	swait.ge [sflag:s12], $0x8000  }
0x6b: {  	[sflag:s12] =	ssyncset.done $0x0  }
0x6c: {  	[sflag:s12] =	ssyncadd.s32 $0xFFFF8000  }
0x6d: {  	_ =	swait.ge [sflag:s2], $0x8000  }
0x6e: {  	[sflag:s2] =	ssyncset.done $0x0  }
0x6f: {  	[sflag:s2] =	ssyncadd.s32 $0xFFFF8000  }
0x70: {  	v3 =	vld [tilespmem:$0x20];
	_ =	sdelay $0x4  }
0x71: {  	v61 =	vshll.u32 v3, $0x4  }
0x72: {  	v3 =	vand.u32 $0x7, v3;
	v4 =	vand.u32 $0xFFFFFF80, v61  }
0x73: {  	v3 =	vor.u32 v3, v4  }
0x74: {  	v4 =	vperm.xlane v3, v0;
	_ =	sdelay $0x1  }
0x75: {  	v4 =	vadd.s32 v1, v4;
	_ =	sdelay $0x4  }
0x76: {  	[tilespmem:s0], [sflag:$0x1] =	stream.indirect_vreg.gather [hbm4b:s14+s3], $0x80, v4, vm0, $0xb8;
	[tilespmem:$0x10080] =	vst v63  }
0x77: {  	s1 =	simm.s32 $0x880  }
0x78: {  	[tilespmem:s1], [sflag:$0x1] =	stream.indirect_vreg.gather [hbm4b:s4+s3], $0x80, v4, vm0, $0xb8;
	[tilespmem:$0x10080] =	vst v63  }
0x79: {  	s1 =	simm.s32 $0x1080  }
0x7a: {  	[tilespmem:s1], [sflag:$0x1] =	stream.indirect_vreg.gather [hbm4b:s5+s3], $0x80, v4, vm0, $0xb8;
	[tilespmem:$0x10080] =	vst v63  }
0x7b: {  	s1 =	simm.s32 $0x1880  }
0x7c: {  	[tilespmem:s1], [sflag:$0x1] =	stream.indirect_vreg.gather [hbm4b:s6+s3], $0x80, v4, vm0, $0xb8;
	[tilespmem:$0x10080] =	vst v63  }
0x7d: {  	s31 =	simm.s32 $0x2080  }
0x7e: {  	[tilespmem:s31], [sflag:$0x1] =	stream.indirect_vreg.gather [hbm4b:s7+s3], $0x80, v4, vm0, $0xb8;
	[tilespmem:$0x10080] =	vst v63  }
0x7f: {  	v3 =	vperm.xlane v3, v2;
	s31 =	simm.s32 $0x2880  }
0x80: {  	[tilespmem:s31], [sflag:$0x1] =	stream.indirect_vreg.gather [hbm4b:s8+s3], $0x80, v4, vm0, $0xb8;
	[tilespmem:$0x10080] =	vst v63  }
0x81: {  	v3 =	vadd.s32 v1, v3;
	s31 =	simm.s32 $0x3080  }
0x82: {  	[tilespmem:s31], [sflag:$0x1] =	stream.indirect_vreg.gather [hbm4b:s9+s3], $0x80, v4, vm0, $0xb8;
	[tilespmem:$0x10080] =	vst v63  }
0x83: {  	s31 =	simm.s32 $0x3880  }
0x84: {  	[tilespmem:s31], [sflag:$0x1] =	stream.indirect_vreg.gather [hbm4b:s10+s3], $0x80, v4, vm0, $0xb8;
	[tilespmem:$0x10080] =	vst v63  }
0x85: {  	s31 =	simm.s32 $0x4080  }
0x86: {  	[tilespmem:s31], [sflag:$0x1] =	stream.indirect_vreg.gather [hbm4b:s14+s3], $0x80, v3, vm0, $0xb8;
	[tilespmem:$0x10080] =	vst v63  }
0x87: {  	s31 =	simm.s32 $0x4880  }
0x88: {  	[tilespmem:s31], [sflag:$0x1] =	stream.indirect_vreg.gather [hbm4b:s4+s3], $0x80, v3, vm0, $0xb8;
	[tilespmem:$0x10080] =	vst v63  }
0x89: {  	s31 =	simm.s32 $0x5080  }
0x8a: {  	[tilespmem:s31], [sflag:$0x1] =	stream.indirect_vreg.gather [hbm4b:s5+s3], $0x80, v3, vm0, $0xb8;
	[tilespmem:$0x10080] =	vst v63  }
0x8b: {  	s31 =	simm.s32 $0x5880  }
0x8c: {  	[tilespmem:s31], [sflag:$0x1] =	stream.indirect_vreg.gather [hbm4b:s6+s3], $0x80, v3, vm0, $0xb8;
	[tilespmem:$0x10080] =	vst v63  }
0x8d: {  	s31 =	simm.s32 $0x6080  }
0x8e: {  	[tilespmem:s31], [sflag:$0x1] =	stream.indirect_vreg.gather [hbm4b:s7+s3], $0x80, v3, vm0, $0xb8;
	[tilespmem:$0x10080] =	vst v63  }
0x8f: {  	s31 =	simm.s32 $0x6880  }
0x90: {  	[tilespmem:s31], [sflag:$0x1] =	stream.indirect_vreg.gather [hbm4b:s8+s3], $0x80, v3, vm0, $0xb8;
	[tilespmem:$0x10080] =	vst v63  }
0x91: {  	s31 =	simm.s32 $0x7080  }
0x92: {  	[tilespmem:s31], [sflag:$0x1] =	stream.indirect_vreg.gather [hbm4b:s9+s3], $0x80, v3, vm0, $0xb8;
	[tilespmem:$0x10080] =	vst v63  }
0x93: {  	s31 =	simm.s32 $0x7880  }
0x94: {  	[tilespmem:s31], [sflag:$0x1] =	stream.indirect_vreg.gather [hbm4b:s10+s3], $0x80, v3, vm0, $0xb8;
	[tilespmem:$0x10080] =	vst v63  }
0x95: {  	s1 =	rddreg [dreg:$0x6]  }
0x96: {  	[hbm4b:s1+s3] =	stream.linear.scatter [tilespmem:s13], [sflag:$0x3], $0x8000, $0x38;
	[tilespmem:$0x10080] =	vst v63  }
0x97: {  	_ =	swait.ge [sflag:s12], $0x8000  }
0x98: {  	[sflag:s12] =	ssyncset.done $0x0  }
0x99: {  	[sflag:s12] =	ssyncadd.s32 $0xFFFF8000  }
0x9a: {  	_ =	swait.ge [sflag:s30], $0x8000  }
0x9b: {  	[sflag:s30] =	ssyncset.done $0x0  }
0x9c: {  	[sflag:s30] =	ssyncadd.s32 $0xFFFF8000  }
0x9d: {  	v3 =	vld [tilespmem:$0x30];
	_ =	sdelay $0x4  }
0x9e: {  	v62 =	vshll.u32 v3, $0x4  }
0x9f: {  	v3 =	vand.u32 $0x7, v3;
	v4 =	vand.u32 $0xFFFFFF80, v62  }
0xa0: {  	v3 =	vor.u32 v3, v4  }
0xa1: {  	v4 =	vperm.xlane v3, v0;
	_ =	sdelay $0x1  }
0xa2: {  	v4 =	vadd.s32 v1, v4;
	_ =	sdelay $0x4  }
0xa3: {  	[tilespmem:s13], [sflag:$0x2] =	stream.indirect_vreg.gather [hbm4b:s14+s3], $0x80, v4, vm0, $0xb8;
	[tilespmem:$0x10080] =	vst v63  }
0xa4: {  	s1 =	simm.s32 $0x8880  }
0xa5: {  	[tilespmem:s1], [sflag:$0x2] =	stream.indirect_vreg.gather [hbm4b:s4+s3], $0x80, v4, vm0, $0xb8;
	[tilespmem:$0x10080] =	vst v63  }
0xa6: {  	_ = 	snop  }
0xa7: {  	[tilespmem:s15], [sflag:$0x2] =	stream.indirect_vreg.gather [hbm4b:s5+s3], $0x80, v4, vm0, $0xb8;
	[tilespmem:$0x10080] =	vst v63  }
0xa8: {  	_ = 	snop  }
0xa9: {  	[tilespmem:s16], [sflag:$0x2] =	stream.indirect_vreg.gather [hbm4b:s6+s3], $0x80, v4, vm0, $0xb8;
	[tilespmem:$0x10080] =	vst v63  }
0xaa: {  	_ = 	snop  }
0xab: {  	[tilespmem:s17], [sflag:$0x2] =	stream.indirect_vreg.gather [hbm4b:s7+s3], $0x80, v4, vm0, $0xb8;
	[tilespmem:$0x10080] =	vst v63  }
0xac: {  	v3 =	vperm.xlane v3, v2  }
0xad: {  	[tilespmem:s18], [sflag:$0x2] =	stream.indirect_vreg.gather [hbm4b:s8+s3], $0x80, v4, vm0, $0xb8;
	[tilespmem:$0x10080] =	vst v63  }
0xae: {  	v3 =	vadd.s32 v1, v3  }
0xaf: {  	[tilespmem:s19], [sflag:$0x2] =	stream.indirect_vreg.gather [hbm4b:s9+s3], $0x80, v4, vm0, $0xb8;
	[tilespmem:$0x10080] =	vst v63  }
0xb0: {  	_ = 	snop  }
0xb1: {  	[tilespmem:s20], [sflag:$0x2] =	stream.indirect_vreg.gather [hbm4b:s10+s3], $0x80, v4, vm0, $0xb8;
	[tilespmem:$0x10080] =	vst v63  }
0xb2: {  	_ = 	snop  }
0xb3: {  	[tilespmem:s21], [sflag:$0x2] =	stream.indirect_vreg.gather [hbm4b:s14+s3], $0x80, v3, vm0, $0xb8;
	[tilespmem:$0x10080] =	vst v63  }
0xb4: {  	_ = 	snop  }
0xb5: {  	[tilespmem:s22], [sflag:$0x2] =	stream.indirect_vreg.gather [hbm4b:s4+s3], $0x80, v3, vm0, $0xb8;
	[tilespmem:$0x10080] =	vst v63  }
0xb6: {  	_ = 	snop  }
0xb7: {  	[tilespmem:s23], [sflag:$0x2] =	stream.indirect_vreg.gather [hbm4b:s5+s3], $0x80, v3, vm0, $0xb8;
	[tilespmem:$0x10080] =	vst v63  }
0xb8: {  	_ = 	snop  }
0xb9: {  	[tilespmem:s24], [sflag:$0x2] =	stream.indirect_vreg.gather [hbm4b:s6+s3], $0x80, v3, vm0, $0xb8;
	[tilespmem:$0x10080] =	vst v63  }
0xba: {  	_ = 	snop  }
0xbb: {  	[tilespmem:s25], [sflag:$0x2] =	stream.indirect_vreg.gather [hbm4b:s7+s3], $0x80, v3, vm0, $0xb8;
	[tilespmem:$0x10080] =	vst v63  }
0xbc: {  	_ = 	snop  }
0xbd: {  	[tilespmem:s26], [sflag:$0x2] =	stream.indirect_vreg.gather [hbm4b:s8+s3], $0x80, v3, vm0, $0xb8;
	[tilespmem:$0x10080] =	vst v63  }
0xbe: {  	_ = 	snop  }
0xbf: {  	[tilespmem:s28], [sflag:$0x2] =	stream.indirect_vreg.gather [hbm4b:s9+s3], $0x80, v3, vm0, $0xb8;
	[tilespmem:$0x10080] =	vst v63  }
0xc0: {  	_ = 	snop  }
0xc1: {  	[tilespmem:s29], [sflag:$0x2] =	stream.indirect_vreg.gather [hbm4b:s10+s3], $0x80, v3, vm0, $0xb8;
	[tilespmem:$0x10080] =	vst v63  }
0xc2: {  	s1 =	rddreg [dreg:$0x7]  }
0xc3: {  	[hbm4b:s1+s3] =	stream.linear.scatter [tilespmem:s0], [sflag:$0x3], $0x8000, $0x38;
	[tilespmem:$0x10080] =	vst v63  }
0xc4: {  	_ =	swait.ge [sflag:s12], $0x8000  }
0xc5: {  	[sflag:s12] =	ssyncset.done $0x0  }
0xc6: {  	[sflag:s12] =	ssyncadd.s32 $0xFFFF8000  }
0xc7: {  	_ =	swait.ge [sflag:s2], $0x8000  }
0xc8: {  	[sflag:s2] =	ssyncset.done $0x0  }
0xc9: {  	[sflag:s2] =	ssyncadd.s32 $0xFFFF8000  }
0xca: {  	v3 =	vld [tilespmem:$0x40];
	_ =	sdelay $0x4  }
0xcb: {  	v63 =	vshll.u32 v3, $0x4  }
0xcc: {  	v3 =	vand.u32 $0x7, v3;
	v4 =	vand.u32 $0xFFFFFF80, v63  }
0xcd: {  	v3 =	vor.u32 v3, v4  }
0xce: {  	v4 =	vperm.xlane v3, v0;
	_ =	sdelay $0x1  }
0xcf: {  	v4 =	vadd.s32 v1, v4;
	_ =	sdelay $0x4  }
0xd0: {  	[tilespmem:s0], [sflag:$0x1] =	stream.indirect_vreg.gather [hbm4b:s14+s3], $0x80, v4, vm0, $0xb8;
	[tilespmem:$0x10080] =	vst v63  }
0xd1: {  	s1 =	simm.s32 $0x880  }
0xd2: {  	[tilespmem:s1], [sflag:$0x1] =	stream.indirect_vreg.gather [hbm4b:s4+s3], $0x80, v4, vm0, $0xb8;
	[tilespmem:$0x10080] =	vst v63  }
0xd3: {  	s1 =	simm.s32 $0x1080  }
0xd4: {  	[tilespmem:s1], [sflag:$0x1] =	stream.indirect_vreg.gather [hbm4b:s5+s3], $0x80, v4, vm0, $0xb8;
	[tilespmem:$0x10080] =	vst v63  }
0xd5: {  	s1 =	simm.s32 $0x1880  }
0xd6: {  	[tilespmem:s1], [sflag:$0x1] =	stream.indirect_vreg.gather [hbm4b:s6+s3], $0x80, v4, vm0, $0xb8;
	[tilespmem:$0x10080] =	vst v63  }
0xd7: {  	s1 =	simm.s32 $0x2080  }
0xd8: {  	[tilespmem:s1], [sflag:$0x1] =	stream.indirect_vreg.gather [hbm4b:s7+s3], $0x80, v4, vm0, $0xb8;
	[tilespmem:$0x10080] =	vst v63  }
0xd9: {  	v3 =	vperm.xlane v3, v2;
	s1 =	simm.s32 $0x2880  }
0xda: {  	[tilespmem:s1], [sflag:$0x1] =	stream.indirect_vreg.gather [hbm4b:s8+s3], $0x80, v4, vm0, $0xb8;
	[tilespmem:$0x10080] =	vst v63  }
0xdb: {  	v3 =	vadd.s32 v1, v3;
	s1 =	simm.s32 $0x3080  }
0xdc: {  	[tilespmem:s1], [sflag:$0x1] =	stream.indirect_vreg.gather [hbm4b:s9+s3], $0x80, v4, vm0, $0xb8;
	[tilespmem:$0x10080] =	vst v63  }
0xdd: {  	s1 =	simm.s32 $0x3880  }
0xde: {  	[tilespmem:s1], [sflag:$0x1] =	stream.indirect_vreg.gather [hbm4b:s10+s3], $0x80, v4, vm0, $0xb8;
	[tilespmem:$0x10080] =	vst v63  }
0xdf: {  	s1 =	simm.s32 $0x4080  }
0xe0: {  	[tilespmem:s1], [sflag:$0x1] =	stream.indirect_vreg.gather [hbm4b:s14+s3], $0x80, v3, vm0, $0xb8;
	[tilespmem:$0x10080] =	vst v63  }
0xe1: {  	s1 =	simm.s32 $0x4880  }
0xe2: {  	[tilespmem:s1], [sflag:$0x1] =	stream.indirect_vreg.gather [hbm4b:s4+s3], $0x80, v3, vm0, $0xb8;
	[tilespmem:$0x10080] =	vst v63  }
0xe3: {  	s1 =	simm.s32 $0x5080  }
0xe4: {  	[tilespmem:s1], [sflag:$0x1] =	stream.indirect_vreg.gather [hbm4b:s5+s3], $0x80, v3, vm0, $0xb8;
	[tilespmem:$0x10080] =	vst v63  }
0xe5: {  	s1 =	simm.s32 $0x5880  }
0xe6: {  	[tilespmem:s1], [sflag:$0x1] =	stream.indirect_vreg.gather [hbm4b:s6+s3], $0x80, v3, vm0, $0xb8;
	[tilespmem:$0x10080] =	vst v63  }
0xe7: {  	s1 =	simm.s32 $0x6080  }
0xe8: {  	[tilespmem:s1], [sflag:$0x1] =	stream.indirect_vreg.gather [hbm4b:s7+s3], $0x80, v3, vm0, $0xb8;
	[tilespmem:$0x10080] =	vst v63  }
0xe9: {  	s1 =	simm.s32 $0x6880  }
0xea: {  	[tilespmem:s1], [sflag:$0x1] =	stream.indirect_vreg.gather [hbm4b:s8+s3], $0x80, v3, vm0, $0xb8;
	[tilespmem:$0x10080] =	vst v63  }
0xeb: {  	s1 =	simm.s32 $0x7080  }
0xec: {  	[tilespmem:s1], [sflag:$0x1] =	stream.indirect_vreg.gather [hbm4b:s9+s3], $0x80, v3, vm0, $0xb8;
	[tilespmem:$0x10080] =	vst v63  }
0xed: {  	s31 =	simm.s32 $0x7880  }
0xee: {  	[tilespmem:s31], [sflag:$0x1] =	stream.indirect_vreg.gather [hbm4b:s10+s3], $0x80, v3, vm0, $0xb8;
	[tilespmem:$0x10080] =	vst v63  }
0xef: {  	s1 =	rddreg [dreg:$0x8]  }
0xf0: {  	[hbm4b:s1+s3] =	stream.linear.scatter [tilespmem:s13], [sflag:$0x3], $0x8000, $0x38;
	[tilespmem:$0x10080] =	vst v63  }
0xf1: {  	_ =	swait.ge [sflag:s12], $0x8000  }
0xf2: {  	[sflag:s12] =	ssyncset.done $0x0  }
0xf3: {  	[sflag:s12] =	ssyncadd.s32 $0xFFFF8000  }
0xf4: {  	_ =	swait.ge [sflag:s30], $0x8000  }
0xf5: {  	p0 =	sne.s32 s11, $0x1;
	[sflag:s30] =	ssyncset.done $0x0  }
.Ltmp0:
0xf6: {  	s31 =	rddreg [dreg:$0x9];
	[sflag:s30] =	ssyncadd.s32 $0xFFFF8000;
	(pc) =	sbr.rel @p0 .LBB2_1-.Ltmp0, $4  }
0xf7: {  	[hbm4b:s31+s3] =	stream.linear.scatter [tilespmem:s0], [sflag:$0x3], $0x8000, $0x38;
	[tilespmem:$0x10080] =	vst v63  }
0xf8: {  	_ =	swait.ge [sflag:s12], $0x8000  }
0xf9: {  	[sflag:s12] =	ssyncset.done $0x0  }
0xfa: {  	s11 =	sadd.s32 $0xFFFFFFFF, s11;
	[sflag:s12] =	ssyncadd.s32 $0xFFFF8000  }
0xfb: {  	_ =	sfence.sel $0x180000  }
0xfc: {  	[bflag:$0x0] =	sbarrier.arrive $0xFFFF  }
0xfd: {  	_ =	strace $0x9000004D  }
0xfe: {  	s0 =	stileid.u32;
	[bflag:$0x2] =	sbarrier.arrive $0xFFFF  }
0xff: {  	p0 =	sne.s32 s0, $0x0;
	s0 =	rddreg [dreg:$0x3]  }
0x100: {  	s0 =	sadd.s32 @!p0 $0x100000, s0  }
0x101: {  	[sflag:s0] =	ssyncadd.tile.s32 @!p0 $0x1;
	_ =	shalt  }
.Lfunc_end2:
_tile_overlayer_lowered:
.L_overlay_start_2:
0x102: {  	(tag) =	ssettag $0x2  }
0x103: {  	s0 =	rddreg [dreg:$0x0];
	s2 =	stileid.u32  }
0x104: {  	s1 =	rddreg [dreg:$0x1];
	p0 =	sne.s32 s2, $0x0  }
0x105: {  	s3 =	rddreg [dreg:$0x2];
	[bflag:$0x3] =	sbarrier.arrive $0xFFFF;
	s2 =	simm.s32 @!p0 $0x1C03  }
0x106: {  	[timem:s3], [sflag:s2] =	dma.local @!p0 [hbm:s0], s1  }
0x107: {  	s0 =	simm.s32 @!p0 $0x3  }
0x108: {  	_ =	swait.ge @!p0 [sflag:s0], s1  }
0x109: {  	s1 =	ssub.s32 @!p0 $0x0, s1;
	[sflag:s0] =	ssyncset.done @!p0 $0x0  }
0x10a: {  	[sflag:s0] =	ssyncadd.s32 @!p0 s1  }
0x10b: {  	[bflag:$0x3] =	sbarrier.arrive $0xFFFF  }
0x10c: {  	_ =	shalt  }

// kernel: kernel.18.cloned.1.call-start
scs
__scs_entry_jumppad:
0x0: {  	(pc) =	sbr.rel $0x88, $3  }
0x1: {  	(tag) =	ssettag $0x0;
	lr =	simm.s32 $0x1  }
0x2: {  	[smem:$0x3F9C] =	sst lr;
	_ =	strace $0xD0000000  }
0x3: {  	_ = 	snop  }
0x4: {  	_ = 	snop  }
0x5: {  	_ = 	snop  }
0x6: {  	_ = 	snop  }
0x7: {  	_ = 	snop  }
__scs_overlays_trampoline_lowered:
0x8: {  	[smem:$0x3FAB] =	sst s0  }
0x9: {  	[smem:$0x3FAC] =	sst s1  }
0xa: {  	[smem:$0x3FAD] =	sst s2  }
0xb: {  	[smem:$0x3FAE] =	sst s3  }
0xc: {  	[smem:$0x3FAF] =	sst s4  }
0xd: {  	[smem:$0x3FB0] =	sst s5  }
0xe: {  	[smem:$0x3FB1] =	sst s6  }
0xf: {  	[smem:$0x3FB2] =	sst s7  }
0x10: {  	[smem:$0x3FB3] =	sst s8  }
0x11: {  	[smem:$0x3FB4] =	sst s9;
	s0 =	simm.s32 @!p0 $0x0  }
0x12: {  	s1 =	sld [smem:$0x3F9A];
	s0 =	simm.s32 @p0 $0x1  }
0x13: {  	[smem:$0x3FB5] =	sst s0;
	s0 =	simm.s32 @!p1 $0x0  }
0x14: {  	s2 =	sld [smem:$0x3F99];
	s0 =	simm.s32 @p1 $0x1  }
0x15: {  	[smem:$0x3FB6] =	sst s0;
	s0 =	simm.s32 @!p2 $0x0  }
0x16: {  	s3 =	sld [smem:$0x3FDB];
	s0 =	simm.s32 @p2 $0x1  }
0x17: {  	s4 =	simm.s32 $0x1BF5;
	[smem:$0x3FB8] =	sst s0  }
0x18: {  	s0 =	sld [smem:$0x3F9B];
	_ =	swait.ge [sflag:s4], $0x0  }
0x19: {  	s7 =	sld [smem:$0x3F9C]  }
0x1a: {  	s8 =	sadd.s32 $0xFFFFE003, lr  }
0x1b: {  	s9 =	sadd.s32 $0xFFFFFEF7, lr;
	s5 =	simm.s32 $0xFFFFFFFF;
	p2 =	slt.u32 s8, $0xFFFFF086  }
0x1c: {  	p1 =	slt.u32 s9, $0xF7A;
	s5 =	simm.s32 @!p2 $0x0  }
0x1d: {  	s5 =	simm.s32 @p1 $0x1;
	p0 =	seq.s32 s7, s2  }
0x1e: {  	s7 =	smul.u32 @!p0 $0xF7A, s2;
	p2 =	seq.s32 @!p0 s5, $0x0  }
0x1f: {  	s9 =	smul.u32 $0xF7A, s1;
	s8 =	simm.s32 @!p0 $0x1BF5;
	p2 =	por !p2, p0  }
0x20: {  	[sflag:s8] =	ssyncset.s32 @!p0 $0xFFFFF086;
	s6 =	sadd.s32 @!p0 s3, s7;
	s7 =	simm.s32 @!p0 $0x108  }
0x21: {  	s3 =	sadd.s32 s3, s9;
	s6 =	sadd.s32 @!p0 $0x88, s6;
	s7 =	simm.s32 @p2 $0x1082  }
0x22: {  	[simem:s7], [sflag:s8] =	dma.local @!p0 [hbm:s6], $0xF7A  }
0x23: {  	s9 =	sor.u32 $0xD0000000, s2;
	s6 =	simm.s32 $0x108;
	_ =	swait.ge @!p0 [sflag:s8], $0x0  }
0x24: {  	s3 =	sadd.s32 $0x88, s3;
	s6 =	simm.s32 @!p1 $0x1082;
	[sflag:s4] =	ssyncset.s32 $0xFFFFF086  }
0x25: {  	[simem:s6], [sflag:s4] =	dma.local [hbm:s3], $0xF7A  }
0x26: {  	[smem:$0x3F9C] =	sst s1;
	(tag) =	ssettag s2;
	_ =	strace s9  }
0x27: {  	s1 =	sld [smem:$0x3FAC]  }
0x28: {  	s2 =	sld [smem:$0x3FAD]  }
0x29: {  	s4 =	sld [smem:$0x3FAF]  }
0x2a: {  	p0 =	seq.s32 s5, $0x0;
	s5 =	sld [smem:$0x3FB0]  }
0x2b: {  	s6 =	sld [smem:$0x3FB1]  }
0x2c: {  	s7 =	sld [smem:$0x3FB2]  }
0x2d: {  	s3 =	simm.s32 $0x108;
	s8 =	sld [smem:$0x3FB3]  }
0x2e: {  	s3 =	simm.s32 @!p0 $0x1082;
	s9 =	sld [smem:$0x3FB4]  }
0x2f: {  	lr =	sadd.s32 s0, s3;
	s0 =	sld [smem:$0x3FAB]  }
0x30: {  	s3 =	sld [smem:$0x3FAE]  }
0x31: {  	[smem:$0x3FB7] =	sst s10  }
0x32: {  	s10 =	sld [smem:$0x3FB5];
	_ =	sdelay $0x3  }
0x33: {  	p0 =	seq.s32 s10, $0x1;
	s10 =	sld [smem:$0x3FB7];
	_ =	sdelay $0x3  }
0x34: {  	[smem:$0x3FB7] =	sst s10  }
0x35: {  	s10 =	sld [smem:$0x3FB6];
	_ =	sdelay $0x3  }
0x36: {  	p1 =	seq.s32 s10, $0x1;
	s10 =	sld [smem:$0x3FB7];
	_ =	sdelay $0x3  }
0x37: {  	[smem:$0x3FB7] =	sst s10  }
0x38: {  	s10 =	sld [smem:$0x3FB8]  }
0x39: {  	_ = 	snop;
	(pc) =	sbr.ind lr, $3  }
0x3a: {  	_ = 	snop  }
0x3b: {  	_ = 	snop  }
0x3c: {  	p2 =	seq.s32 s10, $0x1;
	s10 =	sld [smem:$0x3FB7]  }
0x3d: {  	_ =	shalt  }
0x3e: {  	_ =	shalt  }
0x3f: {  	_ =	shalt  }
0x40: {  	_ =	shalt  }
0x41: {  	_ =	shalt  }
0x42: {  	_ =	shalt  }
0x43: {  	_ =	shalt  }
0x44: {  	_ =	shalt  }
0x45: {  	_ =	shalt  }
0x46: {  	_ =	shalt  }
0x47: {  	_ =	shalt  }
0x48: {  	_ =	shalt  }
0x49: {  	_ =	shalt  }
0x4a: {  	_ =	shalt  }
0x4b: {  	_ =	shalt  }
0x4c: {  	_ =	shalt  }
0x4d: {  	_ =	shalt  }
0x4e: {  	_ =	shalt  }
0x4f: {  	_ =	shalt  }
0x50: {  	_ =	shalt  }
0x51: {  	_ =	shalt  }
0x52: {  	_ =	shalt  }
0x53: {  	_ =	shalt  }
0x54: {  	_ =	shalt  }
0x55: {  	_ =	shalt  }
0x56: {  	_ =	shalt  }
0x57: {  	_ =	shalt  }
0x58: {  	_ =	shalt  }
0x59: {  	_ =	shalt  }
0x5a: {  	_ =	shalt  }
0x5b: {  	_ =	shalt  }
0x5c: {  	_ =	shalt  }
0x5d: {  	_ =	shalt  }
0x5e: {  	_ =	shalt  }
0x5f: {  	_ =	shalt  }
0x60: {  	_ =	shalt  }
0x61: {  	_ =	shalt  }
0x62: {  	_ =	shalt  }
0x63: {  	_ =	shalt  }
0x64: {  	_ =	shalt  }
0x65: {  	_ =	shalt  }
0x66: {  	_ =	shalt  }
0x67: {  	_ =	shalt  }
0x68: {  	_ =	shalt  }
0x69: {  	_ =	shalt  }
0x6a: {  	_ =	shalt  }
0x6b: {  	_ =	shalt  }
0x6c: {  	_ =	shalt  }
0x6d: {  	_ =	shalt  }
0x6e: {  	_ =	shalt  }
0x6f: {  	_ =	shalt  }
0x70: {  	_ =	shalt  }
0x71: {  	_ =	shalt  }
0x72: {  	_ =	shalt  }
0x73: {  	_ =	shalt  }
0x74: {  	_ =	shalt  }
0x75: {  	_ =	shalt  }
0x76: {  	_ =	shalt  }
0x77: {  	_ =	shalt  }
0x78: {  	_ =	shalt  }
0x79: {  	_ =	shalt  }
0x7a: {  	_ =	shalt  }
0x7b: {  	_ =	shalt  }
0x7c: {  	_ =	shalt  }
0x7d: {  	_ =	shalt  }
0x7e: {  	_ =	shalt  }
0x7f: {  	_ =	shalt  }
0x80: {  	_ =	shalt  }
0x81: {  	_ =	shalt  }
0x82: {  	_ =	shalt  }
0x83: {  	_ =	shalt  }
0x84: {  	_ =	shalt  }
0x85: {  	_ =	shalt  }
0x86: {  	_ =	shalt  }
0x87: {  	_ =	shalt  }
.Lfunc_end0:
.L_simem_size_0:
called_computation.3_lowered:
.L_overlay_start_0:
0x88: {  	s2 =	sld [smem:$0x3FD9]  }
0x89: {  	s3 =	sld [smem:$0x3FFE];
	_ =	sdelay $0x1  }
0x8a: {  	s1 =	srdreg.scid  }
0x8b: {  	s0 =	sand.u32 $0x1, s1  }
0x8c: {  	s17 =	sshll.u32 s0, $0xA;
	s2 =	sadd.s32 s3, s2  }
0x8d: {  	s2 =	sadd.s32 s2, s17  }
0x8e: {  	[smem:$0x3FC3] =	sst s2  }
0x8f: {  	_ = 	snop  }
0x90: {  	s2 =	sld [smem:$0x3FD0];
	(tm) =	ssettm $0x1  }
0x91: {  	s18 =	sld [smem:$0x3FFB];
	_ =	sdelay $0x3  }
0x92: {  	_ =	strace s18  }
0x93: {  	s3 =	sld [smem:$0x3FFC];
	_ =	sdelay $0x3  }
0x94: {  	_ =	strace s3  }
0x95: {  	s3 =	sld [smem:$0x3FFD];
	_ =	sdelay $0x3  }
0x96: {  	_ =	strace s3  }
0x97: {  	_ =	strace $0x8FFFFFFF  }
0x98: {  	s19 =	sld [smem:$0x3FDB];
	_ =	sdelay $0x1  }
0x99: {  	s4 =	simm.s32 $_scs_section_size  }
0x9a: {  	s5 =	simm.s32 $_size__tile_overlayer_lowered;
	s6 =	simm.s32 $_tile_overlayer_lowered  }
0x9b: {  	s22 =	simm.s32 $0x1BFF;
	s21 =	sshll.u32 s6, $0x1;
	s3 =	sadd.s32 s4, s19  }
0x9c: {  	s7 =	simm.s32 $0x0;
	s20 =	sshll.u32 s5, $0x1;
	s5 =	sadd.s32 s21, s3  }
0x9d: {  	[timem:s7], [sflag:s22] =	dma.local [hbm:s5], s20  }
0x9e: {  	_ =	swait.ge [sflag:s22], s20  }
0x9f: {  	s4 =	ssub.s32 $0x0, s20;
	[sflag:s22] =	ssyncset.done $0x0  }
0xa0: {  	[sflag:s22] =	ssyncadd.s32 s4;
	_ =	sdelay $0x1  }
0xa1: {  	s23 =	simm.s32 $0x1B8B  }
0xa2: {  	_ =	swait.ge [sflag:s23], $0x1  }
0xa3: {  	[sflag:s23] =	ssyncset.done $0x0  }
0xa4: {  	s25 =	simm.s32 $0x1B8E;
	s24 =	sld [smem:$0x3FFE];
	[sflag:s23] =	ssyncadd.s32 $0xFFFFFFFF  }
0xa5: {  	s26 =	simm.s32 $execute0_lowered;
	[smem:$0x3FD2] =	sst s25  }
0xa6: {  	s5 =	sshll.u32 s26, $0x1;
	_ =	strace $0x8000004F;
	[dreg:$0x1] =	wrdreg $0xFFFFFFFF  }
0xa7: {  	s28 =	simm.s32 $_size_execute0_lowered;
	s3 =	sadd.s32 s3, s5;
	[dreg:$0x0] =	wrdreg $0x0  }
0xa8: {  	s5 =	sshll.u32 s28, $0x1;
	[dreg:$0x2] =	wrdreg s3  }
0xa9: {  	[dreg:$0x3] =	wrdreg s5  }
0xaa: {  	[dreg:$0x4] =	wrdreg $0xC0  }
0xab: {  	_ =	task [dreg:s7], $0x5FFFF  }
0xac: {  	[dreg:$0x1] =	wrdreg $0xFFFFFFFF  }
0xad: {  	[dreg:$0x0] =	wrdreg $0x60  }
0xae: {  	[dreg:$0x2] =	wrdreg s24  }
0xaf: {  	[dreg:$0x3] =	wrdreg s2  }
0xb0: {  	[dreg:$0x4] =	wrdreg $0x9  }
0xb1: {  	_ =	task.clear_ibuf [dreg:s7], $0x5FFFF;
	_ =	strace $0x9000004F  }
0xb2: {  	s29 =	simm.s32 $0x9;
	_ =	strace $0x80000051  }
0xb3: {  	_ =	swait.ge [sflag:s29], $0x1  }
0xb4: {  	[sflag:s29] =	ssyncadd.s32 $0xFFFFFFFF  }
0xb5: {  	_ =	strace $0x90000051  }
0xb6: {  	_ =	sfence  }
0xb7: {  	s30 =	sld [smem:$0x0];
	_ =	sdelay $0x2  }
0xb8: {  	s31 =	sshll.u32 s1, $0xD;
	s1 =	sshrl.u32 s1, $0x2  }
0xb9: {  	s3 =	sand.u32 $0x4000, s31;
	s1 =	sadd.s32 s1, s30  }
0xba: {  	s0 =	sor.u32 s3, s0;
	s1 =	sshll.u32 s1, $0x11  }
0xbb: {  	s0 =	sor.u32 s1, s0  }
0xbc: {  	s0 =	sadd.s32 $0x8F2B, s0  }
0xbd: {  	[sflag:s0] =	ssyncadd.remote.s32 $0x1  }
0xbe: {  	_ =	sfence.sel $0xFFFF  }
0xbf: {  	[dreg:$0x0] =	wrdreg $0xFFFFFFFF;
	(pc) =	sbr.abs _section_cstart, $3  }
0xc0: {  	[dreg:$0x1] =	wrdreg $0xFFFFFFFF  }
0xc1: {  	_ =	task.clear_ibuf [dreg:s7], $0x2FFFF;
	_ =	strace $0x9FFFFFFF  }
0xc2: {  	(tm) =	ssettm $0x7FFFFFFF  }
0xc3: {  	_ =	shalt  }
tec
execute0_lowered:
.L_overlay_start_1:
0x0: {  	(tag) =	ssettag $0x1  }
0x1: {  	s0 =	rddreg [dreg:$0x0]  }
0x2: {  	s1 =	rddreg [dreg:$0x1]  }
0x3: {  	s3 =	srdreg.scid;
	s5 =	stileid.u32;
	s2 =	simm.s32 $0x0  }
0x4: {  	s17 =	simm.s32 $0x1;
	s28 =	simm.s32 $0xC880;
	s29 =	simm.s32 $0xD080  }
0x5: {  	s30 =	simm.s32 $0xD880;
	s31 =	simm.s32 $0xE080;
	s13 =	simm.s32 $0x10080  }
0x6: {  	s14 =	simm.s32 $0x2;
	s15 =	simm.s32 $0x0;
	s4 =	sand.u32 $0x1, s3  }
0x7: {  	s19 =	sshll.u32 s5, $0x1;
	[smem:$0x7FF] =	sst s2;
	s5 =	sadd.s32 $0x302600, s0  }
0x8: {  	s10 =	sadd.s32 $0x302A00, s0;
	s11 =	sadd.s32 $0x302B00, s0;
	s8 =	sor.u32 s4, s19  }
0x9: {  	_ =	strace $0x80000050;
	s3 =	sshll.u32 s8, $0x4;
	s8 =	sshll.u32 s8, $0xE  }
0xa: {  	s6 =	ssub.s32 $0x2, s4;
	s9 =	sadd.s32 s3, s0;
	s20 =	sadd.s32 s1, s8  }
0xb: {  	s4 =	sadd.s32 $0x302500, s0;
	s9 =	sadd.s32 $0x1C00, s9;
	[dreg:$0x4] =	wrdreg s20  }
0xc: {  	s7 =	sshrl.u32 s6, $0x1;
	s1 =	sadd.s32 $0x800, s20;
	[dreg:$0x3] =	wrdreg s9  }
0xd: {  	s3 =	sadd.s32 $0x302400, s0;
	s21 =	sadd.s32 $0x1000, s20;
	[dreg:$0x5] =	wrdreg s1  }
0xe: {  	s12 =	ssub.s32 s6, s7;
	s22 =	sadd.s32 $0x1800, s20;
	[dreg:$0x6] =	wrdreg s21  }
0xf: {  	s6 =	sadd.s32 $0x302700, s0;
	s23 =	sadd.s32 $0x2000, s20;
	[dreg:$0x7] =	wrdreg s22  }
0x10: {  	s7 =	sadd.s32 $0x302800, s0;
	s24 =	sadd.s32 $0x2800, s20;
	[dreg:$0x8] =	wrdreg s23  }
0x11: {  	s8 =	simm.s32 $0xF880;
	s25 =	sadd.s32 $0x3000, s20;
	[dreg:$0x9] =	wrdreg s24  }
0x12: {  	s26 =	smax.u32 s12, $0x1;
	s9 =	sadd.s32 $0x302900, s0;
	[dreg:$0xa] =	wrdreg s25  }
0x13: {  	v2 =	vlaneseq.u32;
	s0 =	sadd.s32 $0x3800, s20;
	[dreg:$0xc] =	wrdreg s26;
	s21 =	simm.s32 $0x3  }
0x14: {  	vm0 =	vmmov $0xffff;
	v1 =	vshrl.u32 v2, $0x3;
	s24 =	simm.s32 $0x80;
	s25 =	simm.s32 $0x880;
	s26 =	simm.s32 $0xC080  }
0x15: {  	v0 =	vand.u32 $0x7, v2;
	v2 =	vor.u32 $0x8, v2;
	v1 =	vmul.u32 $0x8, v1;
	s1 =	simm.s32 $0xF080;
	[dreg:$0xb] =	wrdreg s0;
	s0 =	simm.s32 $0xE880  }
.LBB2_1:
0x16: {  	s12 =	rddreg [dreg:$0x3]  }
0x17: {  	[tilespmem:s2], [sflag:$0x3] =	stream.linear.gather [hbm4b:s12+s2], $0x80, $0x38;
	[tilespmem:$0x14080] =	vst v63  }
0x18: {  	_ =	swait.ge [sflag:s21], $0x80  }
0x19: {  	[sflag:s21] =	ssyncset.done $0x0  }
0x1a: {  	[sflag:s21] =	ssyncadd.s32 $0xFFFFFF80  }
0x1b: {  	v3 =	vld [tilespmem:$0x0];
	_ =	sdelay $0x4  }
0x1c: {  	v4 =	vshll.u32 v3, $0x4  }
0x1d: {  	v3 =	vand.u32 $0x7, v3;
	v4 =	vand.u32 $0xFFFFFF80, v4  }
0x1e: {  	v3 =	vor.u32 v3, v4  }
0x1f: {  	v4 =	vperm.xlane v3, v0;
	_ =	sdelay $0x1  }
0x20: {  	v4 =	vadd.s32 v1, v4;
	_ =	sdelay $0x4  }
0x21: {  	[tilespmem:s24], [sflag:$0x1] =	stream.indirect_vreg.gather [hbm4b:s3+s2], $0x80, v4, vm0, $0xb8;
	[tilespmem:$0x14080] =	vst v63  }
0x22: {  	_ = 	snop  }
0x23: {  	[tilespmem:s25], [sflag:$0x1] =	stream.indirect_vreg.gather [hbm4b:s4+s2], $0x80, v4, vm0, $0xb8;
	[tilespmem:$0x14080] =	vst v63  }
0x24: {  	s18 =	simm.s32 $0x1080  }
0x25: {  	[tilespmem:s18], [sflag:$0x1] =	stream.indirect_vreg.gather [hbm4b:s5+s2], $0x80, v4, vm0, $0xb8;
	[tilespmem:$0x14080] =	vst v63  }
0x26: {  	s19 =	simm.s32 $0x1880  }
0x27: {  	[tilespmem:s19], [sflag:$0x1] =	stream.indirect_vreg.gather [hbm4b:s6+s2], $0x80, v4, vm0, $0xb8;
	[tilespmem:$0x14080] =	vst v63  }
0x28: {  	s20 =	simm.s32 $0x2080  }
0x29: {  	[tilespmem:s20], [sflag:$0x1] =	stream.indirect_vreg.gather [hbm4b:s7+s2], $0x80, v4, vm0, $0xb8;
	[tilespmem:$0x14080] =	vst v63  }
0x2a: {  	s22 =	simm.s32 $0x2880;
	v3 =	vperm.xlane v3, v2  }
0x2b: {  	[tilespmem:s22], [sflag:$0x1] =	stream.indirect_vreg.gather [hbm4b:s9+s2], $0x80, v4, vm0, $0xb8;
	[tilespmem:$0x14080] =	vst v63  }
0x2c: {  	s23 =	simm.s32 $0x3080;
	v3 =	vadd.s32 v1, v3  }
0x2d: {  	[tilespmem:s23], [sflag:$0x1] =	stream.indirect_vreg.gather [hbm4b:s10+s2], $0x80, v4, vm0, $0xb8;
	[tilespmem:$0x14080] =	vst v63  }
0x2e: {  	s24 =	simm.s32 $0x3880  }
0x2f: {  	[tilespmem:s24], [sflag:$0x1] =	stream.indirect_vreg.gather [hbm4b:s11+s2], $0x80, v4, vm0, $0xb8;
	[tilespmem:$0x14080] =	vst v63  }
0x30: {  	s25 =	simm.s32 $0x4080  }
0x31: {  	[tilespmem:s25], [sflag:$0x1] =	stream.indirect_vreg.gather [hbm4b:s3+s2], $0x80, v3, vm0, $0xb8;
	[tilespmem:$0x14080] =	vst v63  }
0x32: {  	s16 =	simm.s32 $0x4880  }
0x33: {  	[tilespmem:s16], [sflag:$0x1] =	stream.indirect_vreg.gather [hbm4b:s4+s2], $0x80, v3, vm0, $0xb8;
	[tilespmem:$0x14080] =	vst v63  }
0x34: {  	s18 =	simm.s32 $0x5080  }
0x35: {  	[tilespmem:s18], [sflag:$0x1] =	stream.indirect_vreg.gather [hbm4b:s5+s2], $0x80, v3, vm0, $0xb8;
	[tilespmem:$0x14080] =	vst v63  }
0x36: {  	s19 =	simm.s32 $0x5880  }
0x37: {  	[tilespmem:s19], [sflag:$0x1] =	stream.indirect_vreg.gather [hbm4b:s6+s2], $0x80, v3, vm0, $0xb8;
	[tilespmem:$0x14080] =	vst v63  }
0x38: {  	s20 =	simm.s32 $0x6080  }
0x39: {  	[tilespmem:s20], [sflag:$0x1] =	stream.indirect_vreg.gather [hbm4b:s7+s2], $0x80, v3, vm0, $0xb8;
	[tilespmem:$0x14080] =	vst v63  }
0x3a: {  	s22 =	simm.s32 $0x6880  }
0x3b: {  	[tilespmem:s22], [sflag:$0x1] =	stream.indirect_vreg.gather [hbm4b:s9+s2], $0x80, v3, vm0, $0xb8;
	[tilespmem:$0x14080] =	vst v63  }
0x3c: {  	s23 =	simm.s32 $0x7080  }
0x3d: {  	[tilespmem:s23], [sflag:$0x1] =	stream.indirect_vreg.gather [hbm4b:s10+s2], $0x80, v3, vm0, $0xb8;
	[tilespmem:$0x14080] =	vst v63  }
0x3e: {  	s24 =	simm.s32 $0x7880  }
0x3f: {  	[tilespmem:s24], [sflag:$0x1] =	stream.indirect_vreg.gather [hbm4b:s11+s2], $0x80, v3, vm0, $0xb8;
	[tilespmem:$0x14080] =	vst v63  }
0x40: {  	_ =	swait.ge [sflag:s17], $0x8000  }
0x41: {  	[sflag:s17] =	ssyncset.done $0x0  }
0x42: {  	[sflag:s17] =	ssyncadd.s32 $0xFFFF8000  }
0x43: {  	v3 =	vld [tilespmem:$0x10];
	_ =	sdelay $0x4  }
0x44: {  	v4 =	vshll.u32 v3, $0x4  }
0x45: {  	v3 =	vand.u32 $0x7, v3;
	v4 =	vand.u32 $0xFFFFFF80, v4  }
0x46: {  	v3 =	vor.u32 v3, v4  }
0x47: {  	v4 =	vperm.xlane v3, v0;
	_ =	sdelay $0x1  }
0x48: {  	v4 =	vadd.s32 v1, v4;
	_ =	sdelay $0x3  }
0x49: {  	s25 =	simm.s32 $0x8080  }
0x4a: {  	[tilespmem:s25], [sflag:$0x2] =	stream.indirect_vreg.gather [hbm4b:s3+s2], $0x80, v4, vm0, $0xb8;
	[tilespmem:$0x14080] =	vst v63  }
0x4b: {  	s16 =	simm.s32 $0x8880  }
0x4c: {  	[tilespmem:s16], [sflag:$0x2] =	stream.indirect_vreg.gather [hbm4b:s4+s2], $0x80, v4, vm0, $0xb8;
	[tilespmem:$0x14080] =	vst v63  }
0x4d: {  	s18 =	simm.s32 $0x9080  }
0x4e: {  	[tilespmem:s18], [sflag:$0x2] =	stream.indirect_vreg.gather [hbm4b:s5+s2], $0x80, v4, vm0, $0xb8;
	[tilespmem:$0x14080] =	vst v63  }
0x4f: {  	s19 =	simm.s32 $0x9880  }
0x50: {  	[tilespmem:s19], [sflag:$0x2] =	stream.indirect_vreg.gather [hbm4b:s6+s2], $0x80, v4, vm0, $0xb8;
	[tilespmem:$0x14080] =	vst v63  }
0x51: {  	s20 =	simm.s32 $0xA080  }
0x52: {  	[tilespmem:s20], [sflag:$0x2] =	stream.indirect_vreg.gather [hbm4b:s7+s2], $0x80, v4, vm0, $0xb8;
	[tilespmem:$0x14080] =	vst v63  }
0x53: {  	s22 =	simm.s32 $0xA880;
	v3 =	vperm.xlane v3, v2  }
0x54: {  	[tilespmem:s22], [sflag:$0x2] =	stream.indirect_vreg.gather [hbm4b:s9+s2], $0x80, v4, vm0, $0xb8;
	[tilespmem:$0x14080] =	vst v63  }
0x55: {  	s23 =	simm.s32 $0xB080;
	v3 =	vadd.s32 v1, v3  }
0x56: {  	[tilespmem:s23], [sflag:$0x2] =	stream.indirect_vreg.gather [hbm4b:s10+s2], $0x80, v4, vm0, $0xb8;
	[tilespmem:$0x14080] =	vst v63  }
0x57: {  	s24 =	simm.s32 $0xB880  }
0x58: {  	[tilespmem:s24], [sflag:$0x2] =	stream.indirect_vreg.gather [hbm4b:s11+s2], $0x80, v4, vm0, $0xb8;
	[tilespmem:$0x14080] =	vst v63  }
0x59: {  	_ = 	snop  }
0x5a: {  	[tilespmem:s26], [sflag:$0x2] =	stream.indirect_vreg.gather [hbm4b:s3+s2], $0x80, v3, vm0, $0xb8;
	[tilespmem:$0x14080] =	vst v63  }
0x5b: {  	_ = 	snop  }
0x5c: {  	[tilespmem:s28], [sflag:$0x2] =	stream.indirect_vreg.gather [hbm4b:s4+s2], $0x80, v3, vm0, $0xb8;
	[tilespmem:$0x14080] =	vst v63  }
0x5d: {  	_ = 	snop  }
0x5e: {  	[tilespmem:s29], [sflag:$0x2] =	stream.indirect_vreg.gather [hbm4b:s5+s2], $0x80, v3, vm0, $0xb8;
	[tilespmem:$0x14080] =	vst v63  }
0x5f: {  	_ = 	snop  }
0x60: {  	[tilespmem:s30], [sflag:$0x2] =	stream.indirect_vreg.gather [hbm4b:s6+s2], $0x80, v3, vm0, $0xb8;
	[tilespmem:$0x14080] =	vst v63  }
0x61: {  	_ = 	snop  }
0x62: {  	[tilespmem:s31], [sflag:$0x2] =	stream.indirect_vreg.gather [hbm4b:s7+s2], $0x80, v3, vm0, $0xb8;
	[tilespmem:$0x14080] =	vst v63  }
0x63: {  	_ = 	snop  }
0x64: {  	[tilespmem:s0], [sflag:$0x2] =	stream.indirect_vreg.gather [hbm4b:s9+s2], $0x80, v3, vm0, $0xb8;
	[tilespmem:$0x14080] =	vst v63  }
0x65: {  	s25 =	sand.u32 $0x70, s2;
	s16 =	sand.u32 $0x3C00, s2  }
0x66: {  	[tilespmem:s1], [sflag:$0x2] =	stream.indirect_vreg.gather [hbm4b:s10+s2], $0x80, v3, vm0, $0xb8;
	[tilespmem:$0x14080] =	vst v63  }
0x67: {  	s12 =	sor.u32 s25, s16  }
0x68: {  	[tilespmem:s8], [sflag:$0x2] =	stream.indirect_vreg.gather [hbm4b:s11+s2], $0x80, v3, vm0, $0xb8;
	[tilespmem:$0x14080] =	vst v63  }
0x69: {  	v3 =	vld [tilespmem:s12+$0x80]  }
0x6a: {  	v4 =	vld [tilespmem:s12+$0x100];
	_ =	sdelay $0x1  }
0x6b: {  	s16 =	simm.s32 $0x10;
	s18 =	simm.s32 $0x80  }
.LBB2_2:
0x6c: {  	s19 =	sand.u32 $0x70, s16;
	s20 =	sand.u32 $0x3C00, s18;
	p0 =	sne.s32 s16, $0x7F0  }
.Ltmp0:
0x6d: {  	s16 =	sadd.s32 $0x10, s16;
	s19 =	sor.u32 s19, s20;
	(pc) =	sbr.rel @p0 .LBB2_2-.Ltmp0, $4  }
0x6e: {  	v5 =	vadd.f32 v4, v3;
	v3 =	vld [tilespmem:s19+$0x80]  }
0x6f: {  	v4 =	vld [tilespmem:s19+$0x100]  }
0x70: {  	[tilespmem:s12+$0x10080] =	vst v5;
	s12 =	smov.u32 s19  }
0x71: {  	s18 =	sadd.s32 $0x80, s18  }
0x72: {  	_ =	sdelay $0x1  }
0x73: {  	s16 =	simm.s32 $0x0;
	v3 =	vadd.f32 v4, v3  }
0x74: {  	s18 =	sand.u32 $0x70, s16;
	s16 =	sand.u32 $0x3C00, s16  }
0x75: {  	s16 =	sor.u32 s18, s16;
	[tilespmem:s12+$0x10080] =	vst v3  }
0x76: {  	v3 =	vld [tilespmem:s16+$0x180]  }
0x77: {  	v4 =	vld [tilespmem:s16+$0x200];
	_ =	sdelay $0x1  }
0x78: {  	s19 =	simm.s32 $0x80;
	s18 =	smov.u32 s16;
	s12 =	simm.s32 $0x10  }
.LBB2_4:
0x79: {  	s20 =	sand.u32 $0x70, s12;
	s22 =	sand.u32 $0x3C00, s19;
	p0 =	sne.s32 s12, $0x7F0  }
.Ltmp1:
0x7a: {  	s12 =	sadd.s32 $0x10, s12;
	s20 =	sor.u32 s20, s22;
	(pc) =	sbr.rel @p0 .LBB2_4-.Ltmp1, $4  }
0x7b: {  	v5 =	vadd.f32 v4, v3;
	v3 =	vld [tilespmem:s20+$0x180]  }
0x7c: {  	v4 =	vld [tilespmem:s20+$0x200]  }
0x7d: {  	[tilespmem:s18+$0x10100] =	vst v5;
	s18 =	smov.u32 s20  }
0x7e: {  	s19 =	sadd.s32 $0x80, s19  }
0x7f: {  	_ =	sdelay $0x1  }
0x80: {  	v3 =	vadd.f32 v4, v3;
	_ =	sdelay $0x1  }
0x81: {  	[tilespmem:s18+$0x10100] =	vst v3  }
0x82: {  	v3 =	vld [tilespmem:s16+$0x280]  }
0x83: {  	v4 =	vld [tilespmem:s16+$0x300];
	_ =	sdelay $0x1  }
0x84: {  	s12 =	simm.s32 $0x10;
	s18 =	simm.s32 $0x80  }
.LBB2_6:
0x85: {  	s19 =	sand.u32 $0x70, s12;
	s20 =	sand.u32 $0x3C00, s18;
	p0 =	sne.s32 s12, $0x7F0  }
.Ltmp2:
0x86: {  	s12 =	sadd.s32 $0x10, s12;
	s19 =	sor.u32 s19, s20;
	(pc) =	sbr.rel @p0 .LBB2_6-.Ltmp2, $4  }
0x87: {  	v5 =	vadd.f32 v4, v3;
	v3 =	vld [tilespmem:s19+$0x280]  }
0x88: {  	v4 =	vld [tilespmem:s19+$0x300]  }
0x89: {  	[tilespmem:s16+$0x10180] =	vst v5;
	s16 =	smov.u32 s19  }
0x8a: {  	s18 =	sadd.s32 $0x80, s18  }
0x8b: {  	_ = 	snop  }
0x8c: {  	s12 =	simm.s32 $0x0  }
0x8d: {  	s18 =	sand.u32 $0x7, s12;
	v3 =	vadd.f32 v4, v3  }
0x8e: {  	s19 =	sand.u32 $0x70, s12;
	s12 =	sand.u32 $0x3C00, s12;
	s20 =	sshll.u32 s18, $0x4  }
0x8f: {  	s25 =	sadd.s32 $0x0, s20;
	s20 =	sor.u32 s19, s12;
	[tilespmem:s16+$0x10180] =	vst v3  }
0x90: {  	s16 =	sor.u32 $0x380, s25;
	v3 =	vld [tilespmem:s20+$0x380]  }
0x91: {  	v4 =	vld [tilespmem:s16+$0x80];
	_ =	sdelay $0x1  }
0x92: {  	s22 =	simm.s32 $0x20  }
0x93: {  	s18 =	simm.s32 $0x10;
	s19 =	simm.s32 $0x80;
	s12 =	simm.s32 $0x1  }
0x94: {  	s23 =	sand.u32 $0x70, s18;
	s24 =	sand.u32 $0x7, s12;
	s16 =	smov.u32 s20  }
.LBB2_8:
0x95: {  	p0 =	sne.s32 s22, $0x7F0;
	s24 =	sshll.u32 s24, $0x4;
	s25 =	sand.u32 $0x3C00, s19;
	v4 =	vadd.f32 v4, v3  }
0x96: {  	s24 =	sadd.s32 s24, s19;
	s23 =	sor.u32 s23, s25  }
0x97: {  	v3 =	vld [tilespmem:s23+$0x380];
	s24 =	sor.u32 $0x380, s24;
	[tilespmem:s16+$0x10200] =	vst v4;
	s16 =	smov.u32 s23  }
.Ltmp3:
0x98: {  	v4 =	vld [tilespmem:s24+$0x80];
	(pc) =	sbr.rel @p0 .LBB2_8-.Ltmp3, $3  }
0x99: {  	_ =	sdelay $0x1  }
0x9a: {  	s12 =	sadd.s32 $0x1, s12;
	s19 =	sadd.s32 $0x80, s19  }
0x9b: {  	s23 =	sand.u32 $0x70, s22;
	s22 =	sadd.s32 $0x10, s22;
	s24 =	sand.u32 $0x7, s12  }
0x9c: {  	s12 =	sand.u32 $0x3C00, s19;
	s22 =	sshll.u32 s24, $0x4;
	v3 =	vadd.f32 v4, v3  }
0x9d: {  	s12 =	sor.u32 s23, s12;
	s25 =	sadd.s32 s22, s19  }
0x9e: {  	v4 =	vld [tilespmem:s12+$0x380];
	s19 =	sor.u32 $0x380, s25;
	[tilespmem:s16+$0x10200] =	vst v3  }
0x9f: {  	v3 =	vld [tilespmem:s19+$0x80];
	_ =	sdelay $0x4  }
0xa0: {  	v3 =	vadd.f32 v3, v4;
	_ =	sdelay $0x1  }
0xa1: {  	[tilespmem:s12+$0x10200] =	vst v3  }
0xa2: {  	v3 =	vld [tilespmem:s20+$0x4080]  }
0xa3: {  	v4 =	vld [tilespmem:s20+$0x4100];
	_ =	sdelay $0x1  }
0xa4: {  	s12 =	simm.s32 $0x80  }
.LBB2_10:
0xa5: {  	s16 =	sand.u32 $0x70, s18;
	s19 =	sand.u32 $0x3C00, s12;
	p0 =	sne.s32 s18, $0x7F0  }
.Ltmp4:
0xa6: {  	s18 =	sadd.s32 $0x10, s18;
	s16 =	sor.u32 s16, s19;
	(pc) =	sbr.rel @p0 .LBB2_10-.Ltmp4, $4  }
0xa7: {  	v5 =	vadd.f32 v4, v3;
	v3 =	vld [tilespmem:s16+$0x4080]  }
0xa8: {  	v4 =	vld [tilespmem:s16+$0x4100]  }
0xa9: {  	[tilespmem:s20+$0x10280] =	vst v5;
	s20 =	smov.u32 s16  }
0xaa: {  	s12 =	sadd.s32 $0x80, s12  }
0xab: {  	_ =	sdelay $0x1  }
0xac: {  	s12 =	simm.s32 $0x0;
	v3 =	vadd.f32 v4, v3  }
0xad: {  	s16 =	sand.u32 $0x70, s12;
	s12 =	sand.u32 $0x3C00, s12  }
0xae: {  	s16 =	sor.u32 s16, s12;
	[tilespmem:s20+$0x10280] =	vst v3  }
0xaf: {  	v3 =	vld [tilespmem:s16+$0x4180]  }
0xb0: {  	v4 =	vld [tilespmem:s16+$0x4200]  }
0xb1: {  	s19 =	simm.s32 $0x80;
	s24 =	simm.s32 $0x80  }
0xb2: {  	s25 =	simm.s32 $0x880;
	s12 =	simm.s32 $0x10;
	s18 =	smov.u32 s16  }
.LBB2_12:
0xb3: {  	s20 =	sand.u32 $0x70, s12;
	s22 =	sand.u32 $0x3C00, s19;
	p0 =	sne.s32 s12, $0x7F0  }
.Ltmp5:
0xb4: {  	s12 =	sadd.s32 $0x10, s12;
	s20 =	sor.u32 s20, s22;
	(pc) =	sbr.rel @p0 .LBB2_12-.Ltmp5, $4  }
0xb5: {  	v5 =	vadd.f32 v4, v3;
	v3 =	vld [tilespmem:s20+$0x4180]  }
0xb6: {  	v4 =	vld [tilespmem:s20+$0x4200]  }
0xb7: {  	[tilespmem:s18+$0x10300] =	vst v5;
	s18 =	smov.u32 s20  }
0xb8: {  	s19 =	sadd.s32 $0x80, s19  }
0xb9: {  	_ =	sdelay $0x1  }
0xba: {  	v3 =	vadd.f32 v4, v3;
	_ =	sdelay $0x1  }
0xbb: {  	[tilespmem:s18+$0x10300] =	vst v3  }
0xbc: {  	v3 =	vld [tilespmem:s16+$0x4280]  }
0xbd: {  	v4 =	vld [tilespmem:s16+$0x4300];
	_ =	sdelay $0x1  }
0xbe: {  	s12 =	simm.s32 $0x10;
	s18 =	simm.s32 $0x80  }
.LBB2_14:
0xbf: {  	s19 =	sand.u32 $0x70, s12;
	s20 =	sand.u32 $0x3C00, s18;
	p0 =	sne.s32 s12, $0x7F0  }
.Ltmp6:
0xc0: {  	s12 =	sadd.s32 $0x10, s12;
	s19 =	sor.u32 s19, s20;
	(pc) =	sbr.rel @p0 .LBB2_14-.Ltmp6, $4  }
0xc1: {  	v5 =	vadd.f32 v4, v3;
	v3 =	vld [tilespmem:s19+$0x4280]  }
0xc2: {  	v4 =	vld [tilespmem:s19+$0x4300]  }
0xc3: {  	[tilespmem:s16+$0x10380] =	vst v5;
	s16 =	smov.u32 s19  }
0xc4: {  	s18 =	sadd.s32 $0x80, s18  }
0xc5: {  	_ =	sdelay $0x1  }
0xc6: {  	s18 =	simm.s32 $0x0;
	v3 =	vadd.f32 v4, v3  }
0xc7: {  	s12 =	sand.u32 $0x70, s18;
	s19 =	sand.u32 $0x3C00, s18  }
0xc8: {  	s12 =	sor.u32 s12, s19;
	[tilespmem:s16+$0x10380] =	vst v3  }
0xc9: {  	v3 =	vld [tilespmem:s12+$0x4400]  }
0xca: {  	v63 =	vld [tilespmem:s12+$0x4380];
	_ =	sdelay $0x2  }
0xcb: {  	s22 =	sand.u32 $0x7, s18  }
0xcc: {  	s12 =	sshll.u32 s22, $0x4  }
0xcd: {  	s23 =	simm.s32 $0x10;
	s16 =	simm.s32 $0x80;
	s12 =	sadd.s32 $0x0, s12;
	v3 =	vadd.f32 v3, v63  }
0xce: {  	s19 =	sand.u32 $0x70, s23;
	s20 =	sand.u32 $0x3C00, s16;
	s22 =	sor.u32 $0x380, s12  }
0xcf: {  	s19 =	sor.u32 s19, s20;
	s12 =	simm.s32 $0x20;
	[tilespmem:s22+$0x10080] =	vst v3  }
.LBB2_16:
0xd0: {  	p0 =	sne.s32 s12, $0x7F0;
	v3 =	vld [tilespmem:s19+$0x4400]  }
0xd1: {  	v4 =	vld [tilespmem:s19+$0x4380];
	_ =	sdelay $0x1  }
0xd2: {  	s18 =	sadd.s32 $0x1, s18  }
.Ltmp7:
0xd3: {  	s19 =	sand.u32 $0x7, s18;
	(pc) =	sbr.rel @p0 .LBB2_16-.Ltmp7, $4  }
0xd4: {  	s19 =	sshll.u32 s19, $0x4  }
0xd5: {  	s19 =	sadd.s32 s19, s16;
	s16 =	sadd.s32 $0x80, s16;
	v3 =	vadd.f32 v3, v4  }
0xd6: {  	s20 =	sand.u32 $0x70, s12;
	s22 =	sand.u32 $0x3C00, s16;
	s23 =	sor.u32 $0x380, s19  }
0xd7: {  	s12 =	sadd.s32 $0x10, s12;
	s19 =	sor.u32 s20, s22;
	[tilespmem:s23+$0x10080] =	vst v3  }
0xd8: {  	v3 =	vld [tilespmem:s19+$0x4400]  }
0xd9: {  	v4 =	vld [tilespmem:s19+$0x4380];
	_ =	sdelay $0x1  }
0xda: {  	s12 =	sadd.s32 $0x1, s18  }
0xdb: {  	s12 =	sand.u32 $0x7, s12  }
0xdc: {  	s12 =	sshll.u32 s12, $0x4  }
0xdd: {  	s12 =	sadd.s32 s12, s16;
	v3 =	vadd.f32 v3, v4  }
0xde: {  	s12 =	sor.u32 $0x380, s12  }
0xdf: {  	s23 =	rddreg [dreg:$0x4];
	[tilespmem:s12+$0x10080] =	vst v3;
	s12 =	simm.s32 $0x0  }
0xe0: {  	[hbm4b:s23+s12] =	stream.linear.scatter [tilespmem:s13], [sflag:$0x3], $0x4000, $0x38;
	[tilespmem:$0x14080] =	vst v63  }
0xe1: {  	_ =	swait.ge [sflag:s21], $0x4000  }
0xe2: {  	[sflag:s21] =	ssyncset.done $0x0  }
0xe3: {  	[sflag:s21] =	ssyncadd.s32 $0xFFFFC000  }
0xe4: {  	_ =	swait.ge [sflag:s14], $0x8000  }
0xe5: {  	[sflag:s14] =	ssyncset.done $0x0  }
0xe6: {  	[sflag:s14] =	ssyncadd.s32 $0xFFFF8000  }
0xe7: {  	v3 =	vld [tilespmem:$0x20];
	_ =	sdelay $0x4  }
0xe8: {  	v4 =	vshll.u32 v3, $0x4  }
0xe9: {  	v3 =	vand.u32 $0x7, v3;
	v4 =	vand.u32 $0xFFFFFF80, v4  }
0xea: {  	v3 =	vor.u32 v3, v4  }
0xeb: {  	v4 =	vperm.xlane v3, v0;
	_ =	sdelay $0x1  }
0xec: {  	v4 =	vadd.s32 v1, v4;
	_ =	sdelay $0x4  }
0xed: {  	[tilespmem:s24], [sflag:$0x1] =	stream.indirect_vreg.gather [hbm4b:s3+s12], $0x80, v4, vm0, $0xb8;
	[tilespmem:$0x14080] =	vst v63  }
0xee: {  	_ = 	snop  }
0xef: {  	[tilespmem:s25], [sflag:$0x1] =	stream.indirect_vreg.gather [hbm4b:s4+s12], $0x80, v4, vm0, $0xb8;
	[tilespmem:$0x14080] =	vst v63  }
0xf0: {  	s18 =	simm.s32 $0x1080  }
0xf1: {  	[tilespmem:s18], [sflag:$0x1] =	stream.indirect_vreg.gather [hbm4b:s5+s12], $0x80, v4, vm0, $0xb8;
	[tilespmem:$0x14080] =	vst v63  }
0xf2: {  	s19 =	simm.s32 $0x1880  }
0xf3: {  	[tilespmem:s19], [sflag:$0x1] =	stream.indirect_vreg.gather [hbm4b:s6+s12], $0x80, v4, vm0, $0xb8;
	[tilespmem:$0x14080] =	vst v63  }
0xf4: {  	s20 =	simm.s32 $0x2080  }
0xf5: {  	[tilespmem:s20], [sflag:$0x1] =	stream.indirect_vreg.gather [hbm4b:s7+s12], $0x80, v4, vm0, $0xb8;
	[tilespmem:$0x14080] =	vst v63  }
0xf6: {  	s22 =	simm.s32 $0x2880;
	v3 =	vperm.xlane v3, v2  }
0xf7: {  	[tilespmem:s22], [sflag:$0x1] =	stream.indirect_vreg.gather [hbm4b:s9+s12], $0x80, v4, vm0, $0xb8;
	[tilespmem:$0x14080] =	vst v63  }
0xf8: {  	s23 =	simm.s32 $0x3080;
	v3 =	vadd.s32 v1, v3  }
0xf9: {  	[tilespmem:s23], [sflag:$0x1] =	stream.indirect_vreg.gather [hbm4b:s10+s12], $0x80, v4, vm0, $0xb8;
	[tilespmem:$0x14080] =	vst v63  }
0xfa: {  	s18 =	simm.s32 $0x3880  }
0xfb: {  	[tilespmem:s18], [sflag:$0x1] =	stream.indirect_vreg.gather [hbm4b:s11+s12], $0x80, v4, vm0, $0xb8;
	[tilespmem:$0x14080] =	vst v63  }
0xfc: {  	s19 =	simm.s32 $0x4080  }
0xfd: {  	[tilespmem:s19], [sflag:$0x1] =	stream.indirect_vreg.gather [hbm4b:s3+s12], $0x80, v3, vm0, $0xb8;
	[tilespmem:$0x14080] =	vst v63  }
0xfe: {  	s20 =	simm.s32 $0x4880  }
0xff: {  	[tilespmem:s20], [sflag:$0x1] =	stream.indirect_vreg.gather [hbm4b:s4+s12], $0x80, v3, vm0, $0xb8;
	[tilespmem:$0x14080] =	vst v63  }
0x100: {  	s22 =	simm.s32 $0x5080  }
0x101: {  	[tilespmem:s22], [sflag:$0x1] =	stream.indirect_vreg.gather [hbm4b:s5+s12], $0x80, v3, vm0, $0xb8;
	[tilespmem:$0x14080] =	vst v63  }
0x102: {  	s23 =	simm.s32 $0x5880  }
0x103: {  	[tilespmem:s23], [sflag:$0x1] =	stream.indirect_vreg.gather [hbm4b:s6+s12], $0x80, v3, vm0, $0xb8;
	[tilespmem:$0x14080] =	vst v63  }
0x104: {  	s18 =	simm.s32 $0x6080  }
0x105: {  	[tilespmem:s18], [sflag:$0x1] =	stream.indirect_vreg.gather [hbm4b:s7+s12], $0x80, v3, vm0, $0xb8;
	[tilespmem:$0x14080] =	vst v63  }
0x106: {  	s19 =	simm.s32 $0x6880  }
0x107: {  	[tilespmem:s19], [sflag:$0x1] =	stream.indirect_vreg.gather [hbm4b:s9+s12], $0x80, v3, vm0, $0xb8;
	[tilespmem:$0x14080] =	vst v63  }
0x108: {  	s20 =	simm.s32 $0x7080  }
0x109: {  	[tilespmem:s20], [sflag:$0x1] =	stream.indirect_vreg.gather [hbm4b:s10+s12], $0x80, v3, vm0, $0xb8;
	[tilespmem:$0x14080] =	vst v63  }
0x10a: {  	s22 =	simm.s32 $0x7880  }
0x10b: {  	[tilespmem:s22], [sflag:$0x1] =	stream.indirect_vreg.gather [hbm4b:s11+s12], $0x80, v3, vm0, $0xb8;
	[tilespmem:$0x14080] =	vst v63  }
0x10c: {  	s23 =	sand.u32 $0x70, s12;
	s12 =	sand.u32 $0x3C00, s12  }
0x10d: {  	s16 =	sor.u32 s23, s12  }
0x10e: {  	v3 =	vld [tilespmem:s16+$0x8080]  }
0x10f: {  	v4 =	vld [tilespmem:s16+$0x8100];
	_ =	sdelay $0x1  }
0x110: {  	s19 =	simm.s32 $0x80;
	s12 =	simm.s32 $0x10;
	s18 =	smov.u32 s16  }
.LBB2_18:
0x111: {  	s20 =	sand.u32 $0x70, s12;
	s22 =	sand.u32 $0x3C00, s19;
	p0 =	sne.s32 s12, $0x7F0  }
.Ltmp8:
0x112: {  	s12 =	sadd.s32 $0x10, s12;
	s20 =	sor.u32 s20, s22;
	(pc) =	sbr.rel @p0 .LBB2_18-.Ltmp8, $4  }
0x113: {  	v5 =	vadd.f32 v4, v3;
	v3 =	vld [tilespmem:s20+$0x8080]  }
0x114: {  	v4 =	vld [tilespmem:s20+$0x8100]  }
0x115: {  	[tilespmem:s18+$0x10080] =	vst v5;
	s18 =	smov.u32 s20  }
0x116: {  	s19 =	sadd.s32 $0x80, s19  }
0x117: {  	_ =	sdelay $0x1  }
0x118: {  	v3 =	vadd.f32 v4, v3;
	_ =	sdelay $0x1  }
0x119: {  	[tilespmem:s18+$0x10080] =	vst v3  }
0x11a: {  	v3 =	vld [tilespmem:s16+$0x8180]  }
0x11b: {  	v4 =	vld [tilespmem:s16+$0x8200];
	_ =	sdelay $0x1  }
0x11c: {  	s12 =	simm.s32 $0x10;
	s18 =	simm.s32 $0x80  }
.LBB2_20:
0x11d: {  	s19 =	sand.u32 $0x70, s12;
	s20 =	sand.u32 $0x3C00, s18;
	p0 =	sne.s32 s12, $0x7F0  }
.Ltmp9:
0x11e: {  	s12 =	sadd.s32 $0x10, s12;
	s19 =	sor.u32 s19, s20;
	(pc) =	sbr.rel @p0 .LBB2_20-.Ltmp9, $4  }
0x11f: {  	v5 =	vadd.f32 v4, v3;
	v3 =	vld [tilespmem:s19+$0x8180]  }
0x120: {  	v4 =	vld [tilespmem:s19+$0x8200]  }
0x121: {  	[tilespmem:s16+$0x10100] =	vst v5;
	s16 =	smov.u32 s19  }
0x122: {  	s18 =	sadd.s32 $0x80, s18  }
0x123: {  	_ =	sdelay $0x1  }
0x124: {  	s12 =	simm.s32 $0x0;
	v3 =	vadd.f32 v4, v3  }
0x125: {  	s18 =	sand.u32 $0x70, s12;
	s19 =	sand.u32 $0x3C00, s12  }
0x126: {  	[tilespmem:s16+$0x10100] =	vst v3;
	s16 =	sor.u32 s18, s19  }
0x127: {  	v3 =	vld [tilespmem:s16+$0x8280]  }
0x128: {  	v4 =	vld [tilespmem:s16+$0x8300];
	_ =	sdelay $0x1  }
0x129: {  	s20 =	simm.s32 $0x80;
	s19 =	simm.s32 $0x10;
	s18 =	smov.u32 s16  }
.LBB2_22:
0x12a: {  	s22 =	sand.u32 $0x70, s19;
	s23 =	sand.u32 $0x3C00, s20;
	p0 =	sne.s32 s19, $0x7F0  }
.Ltmp10:
0x12b: {  	s19 =	sadd.s32 $0x10, s19;
	s22 =	sor.u32 s22, s23;
	(pc) =	sbr.rel @p0 .LBB2_22-.Ltmp10, $4  }
0x12c: {  	v5 =	vadd.f32 v4, v3;
	v3 =	vld [tilespmem:s22+$0x8280]  }
0x12d: {  	v4 =	vld [tilespmem:s22+$0x8300]  }
0x12e: {  	[tilespmem:s18+$0x10180] =	vst v5;
	s18 =	smov.u32 s22  }
0x12f: {  	s20 =	sadd.s32 $0x80, s20  }
0x130: {  	_ =	sdelay $0x1  }
0x131: {  	s12 =	sand.u32 $0x7, s12;
	v3 =	vadd.f32 v4, v3  }
0x132: {  	s12 =	sshll.u32 s12, $0x4  }
0x133: {  	s12 =	sadd.s32 $0x0, s12;
	[tilespmem:s18+$0x10180] =	vst v3  }
0x134: {  	s20 =	sor.u32 $0x380, s12;
	v3 =	vld [tilespmem:s16+$0x8380]  }
0x135: {  	v4 =	vld [tilespmem:s20+$0x8080];
	_ =	sdelay $0x2  }
0x136: {  	s19 =	simm.s32 $0x10;
	s12 =	simm.s32 $0x1;
	s18 =	simm.s32 $0x80  }
0x137: {  	s22 =	sand.u32 $0x7, s12;
	s20 =	sand.u32 $0x70, s19;
	s19 =	simm.s32 $0x20  }
.LBB2_24:
0x138: {  	p0 =	sne.s32 s19, $0x7F0;
	s22 =	sshll.u32 s22, $0x4;
	s23 =	sand.u32 $0x3C00, s18;
	v4 =	vadd.f32 v4, v3  }
0x139: {  	s22 =	sadd.s32 s22, s18;
	s20 =	sor.u32 s20, s23  }
0x13a: {  	v3 =	vld [tilespmem:s20+$0x8380];
	s22 =	sor.u32 $0x380, s22;
	[tilespmem:s16+$0x10200] =	vst v4;
	s16 =	smov.u32 s20  }
.Ltmp11:
0x13b: {  	v4 =	vld [tilespmem:s22+$0x8080];
	(pc) =	sbr.rel @p0 .LBB2_24-.Ltmp11, $3  }
0x13c: {  	_ =	sdelay $0x1  }
0x13d: {  	s12 =	sadd.s32 $0x1, s12;
	s18 =	sadd.s32 $0x80, s18  }
0x13e: {  	s20 =	sand.u32 $0x70, s19;
	s19 =	sadd.s32 $0x10, s19;
	s22 =	sand.u32 $0x7, s12  }
0x13f: {  	s12 =	sand.u32 $0x3C00, s18;
	s19 =	sshll.u32 s22, $0x4;
	v3 =	vadd.f32 v4, v3  }
0x140: {  	s12 =	sor.u32 s20, s12;
	s20 =	sadd.s32 s19, s18  }
0x141: {  	v4 =	vld [tilespmem:s12+$0x8380];
	s18 =	sor.u32 $0x380, s20;
	[tilespmem:s16+$0x10200] =	vst v3  }
0x142: {  	v3 =	vld [tilespmem:s18+$0x8080];
	_ =	sdelay $0x4  }
0x143: {  	s22 =	simm.s32 $0x0;
	v3 =	vadd.f32 v3, v4  }
0x144: {  	s23 =	sand.u32 $0x70, s22;
	s16 =	sand.u32 $0x3C00, s22  }
0x145: {  	s18 =	sor.u32 s23, s16;
	[tilespmem:s12+$0x10200] =	vst v3  }
0x146: {  	v3 =	vld [tilespmem:s18+$0xC080]  }
0x147: {  	v4 =	vld [tilespmem:s18+$0xC100];
	_ =	sdelay $0x1  }
0x148: {  	s19 =	simm.s32 $0x80;
	s16 =	smov.u32 s18;
	s12 =	simm.s32 $0x10  }
.LBB2_26:
0x149: {  	s20 =	sand.u32 $0x70, s12;
	s22 =	sand.u32 $0x3C00, s19;
	p0 =	sne.s32 s12, $0x7F0  }
.Ltmp12:
0x14a: {  	s12 =	sadd.s32 $0x10, s12;
	s20 =	sor.u32 s20, s22;
	(pc) =	sbr.rel @p0 .LBB2_26-.Ltmp12, $4  }
0x14b: {  	v5 =	vadd.f32 v4, v3;
	v3 =	vld [tilespmem:s20+$0xC080]  }
0x14c: {  	v4 =	vld [tilespmem:s20+$0xC100]  }
0x14d: {  	[tilespmem:s16+$0x10280] =	vst v5;
	s16 =	smov.u32 s20  }
0x14e: {  	s19 =	sadd.s32 $0x80, s19  }
0x14f: {  	_ =	sdelay $0x1  }
0x150: {  	v3 =	vadd.f32 v4, v3;
	_ =	sdelay $0x1  }
0x151: {  	[tilespmem:s16+$0x10280] =	vst v3  }
0x152: {  	v3 =	vld [tilespmem:s18+$0xC180]  }
0x153: {  	v4 =	vld [tilespmem:s18+$0xC200];
	_ =	sdelay $0x1  }
0x154: {  	s12 =	simm.s32 $0x10;
	s16 =	simm.s32 $0x80  }
.LBB2_28:
0x155: {  	s19 =	sand.u32 $0x70, s12;
	s20 =	sand.u32 $0x3C00, s16;
	p0 =	sne.s32 s12, $0x7F0  }
.Ltmp13:
0x156: {  	s12 =	sadd.s32 $0x10, s12;
	s19 =	sor.u32 s19, s20;
	(pc) =	sbr.rel @p0 .LBB2_28-.Ltmp13, $4  }
0x157: {  	v5 =	vadd.f32 v4, v3;
	v3 =	vld [tilespmem:s19+$0xC180]  }
0x158: {  	v4 =	vld [tilespmem:s19+$0xC200]  }
0x159: {  	[tilespmem:s18+$0x10300] =	vst v5;
	s18 =	smov.u32 s19  }
0x15a: {  	s16 =	sadd.s32 $0x80, s16  }
0x15b: {  	_ =	sdelay $0x1  }
0x15c: {  	s16 =	simm.s32 $0x0;
	v3 =	vadd.f32 v4, v3  }
0x15d: {  	s12 =	sand.u32 $0x70, s16;
	s19 =	sand.u32 $0x3C00, s16  }
0x15e: {  	s12 =	sor.u32 s12, s19;
	[tilespmem:s18+$0x10300] =	vst v3  }
0x15f: {  	v3 =	vld [tilespmem:s12+$0xC280]  }
0x160: {  	v4 =	vld [tilespmem:s12+$0xC300];
	_ =	sdelay $0x1  }
0x161: {  	s20 =	simm.s32 $0x80;
	s19 =	smov.u32 s12;
	s18 =	simm.s32 $0x10  }
.LBB2_30:
0x162: {  	s22 =	sand.u32 $0x70, s18;
	s23 =	sand.u32 $0x3C00, s20;
	p0 =	sne.s32 s18, $0x7F0  }
.Ltmp14:
0x163: {  	s18 =	sadd.s32 $0x10, s18;
	s22 =	sor.u32 s22, s23;
	(pc) =	sbr.rel @p0 .LBB2_30-.Ltmp14, $4  }
0x164: {  	v5 =	vadd.f32 v4, v3;
	v3 =	vld [tilespmem:s22+$0xC280]  }
0x165: {  	v4 =	vld [tilespmem:s22+$0xC300]  }
0x166: {  	[tilespmem:s19+$0x10380] =	vst v5;
	s19 =	smov.u32 s22  }
0x167: {  	s20 =	sadd.s32 $0x80, s20  }
0x168: {  	_ =	sdelay $0x1  }
0x169: {  	v3 =	vadd.f32 v4, v3;
	_ =	sdelay $0x1  }
0x16a: {  	[tilespmem:s19+$0x10380] =	vst v3  }
0x16b: {  	v3 =	vld [tilespmem:s12+$0xC400]  }
0x16c: {  	v63 =	vld [tilespmem:s12+$0xC380];
	_ =	sdelay $0x2  }
0x16d: {  	s22 =	sand.u32 $0x7, s16  }
0x16e: {  	s12 =	sshll.u32 s22, $0x4  }
0x16f: {  	s23 =	simm.s32 $0x10;
	s18 =	simm.s32 $0x80;
	s12 =	sadd.s32 $0x0, s12;
	v3 =	vadd.f32 v3, v63  }
0x170: {  	s20 =	sand.u32 $0x3C00, s18;
	s19 =	sand.u32 $0x70, s23;
	s22 =	sor.u32 $0x380, s12  }
0x171: {  	s19 =	sor.u32 s19, s20;
	s12 =	simm.s32 $0x20;
	[tilespmem:s22+$0x10080] =	vst v3  }
.LBB2_32:
0x172: {  	p0 =	sne.s32 s12, $0x7F0;
	v3 =	vld [tilespmem:s19+$0xC400]  }
0x173: {  	v4 =	vld [tilespmem:s19+$0xC380];
	_ =	sdelay $0x1  }
0x174: {  	s16 =	sadd.s32 $0x1, s16  }
.Ltmp15:
0x175: {  	s19 =	sand.u32 $0x7, s16;
	(pc) =	sbr.rel @p0 .LBB2_32-.Ltmp15, $4  }
0x176: {  	s19 =	sshll.u32 s19, $0x4  }
0x177: {  	s19 =	sadd.s32 s19, s18;
	s18 =	sadd.s32 $0x80, s18;
	v3 =	vadd.f32 v3, v4  }
0x178: {  	s20 =	sand.u32 $0x70, s12;
	s22 =	sand.u32 $0x3C00, s18;
	s23 =	sor.u32 $0x380, s19  }
0x179: {  	s12 =	sadd.s32 $0x10, s12;
	s19 =	sor.u32 s20, s22;
	[tilespmem:s23+$0x10080] =	vst v3  }
0x17a: {  	v3 =	vld [tilespmem:s19+$0xC400]  }
0x17b: {  	v4 =	vld [tilespmem:s19+$0xC380];
	_ =	sdelay $0x1  }
0x17c: {  	s12 =	sadd.s32 $0x1, s16  }
0x17d: {  	s12 =	sand.u32 $0x7, s12  }
0x17e: {  	s12 =	sshll.u32 s12, $0x4  }
0x17f: {  	s12 =	sadd.s32 s12, s18;
	v3 =	vadd.f32 v3, v4  }
0x180: {  	s12 =	sor.u32 $0x380, s12  }
0x181: {  	s18 =	rddreg [dreg:$0x5];
	[tilespmem:s12+$0x10080] =	vst v3;
	s12 =	simm.s32 $0x0  }
0x182: {  	[hbm4b:s18+s12] =	stream.linear.scatter [tilespmem:s13], [sflag:$0x3], $0x4000, $0x38;
	[tilespmem:$0x14080] =	vst v63  }
0x183: {  	_ =	swait.ge [sflag:s21], $0x4000  }
0x184: {  	[sflag:s21] =	ssyncset.done $0x0  }
0x185: {  	[sflag:s21] =	ssyncadd.s32 $0xFFFFC000  }
0x186: {  	_ =	swait.ge [sflag:s17], $0x8000  }
0x187: {  	[sflag:s17] =	ssyncset.done $0x0  }
0x188: {  	[sflag:s17] =	ssyncadd.s32 $0xFFFF8000  }
0x189: {  	v3 =	vld [tilespmem:$0x30];
	_ =	sdelay $0x4  }
0x18a: {  	v4 =	vshll.u32 v3, $0x4  }
0x18b: {  	v3 =	vand.u32 $0x7, v3;
	v4 =	vand.u32 $0xFFFFFF80, v4  }
0x18c: {  	v3 =	vor.u32 v3, v4  }
0x18d: {  	v4 =	vperm.xlane v3, v0;
	_ =	sdelay $0x1  }
0x18e: {  	v4 =	vadd.s32 v1, v4;
	_ =	sdelay $0x3  }
0x18f: {  	s19 =	simm.s32 $0x8080  }
0x190: {  	[tilespmem:s19], [sflag:$0x2] =	stream.indirect_vreg.gather [hbm4b:s3+s12], $0x80, v4, vm0, $0xb8;
	[tilespmem:$0x14080] =	vst v63  }
0x191: {  	s20 =	simm.s32 $0x8880  }
0x192: {  	[tilespmem:s20], [sflag:$0x2] =	stream.indirect_vreg.gather [hbm4b:s4+s12], $0x80, v4, vm0, $0xb8;
	[tilespmem:$0x14080] =	vst v63  }
0x193: {  	s22 =	simm.s32 $0x9080  }
0x194: {  	[tilespmem:s22], [sflag:$0x2] =	stream.indirect_vreg.gather [hbm4b:s5+s12], $0x80, v4, vm0, $0xb8;
	[tilespmem:$0x14080] =	vst v63  }
0x195: {  	s23 =	simm.s32 $0x9880  }
0x196: {  	[tilespmem:s23], [sflag:$0x2] =	stream.indirect_vreg.gather [hbm4b:s6+s12], $0x80, v4, vm0, $0xb8;
	[tilespmem:$0x14080] =	vst v63  }
0x197: {  	s18 =	simm.s32 $0xA080  }
0x198: {  	[tilespmem:s18], [sflag:$0x2] =	stream.indirect_vreg.gather [hbm4b:s7+s12], $0x80, v4, vm0, $0xb8;
	[tilespmem:$0x14080] =	vst v63  }
0x199: {  	v3 =	vperm.xlane v3, v2;
	s19 =	simm.s32 $0xA880  }
0x19a: {  	[tilespmem:s19], [sflag:$0x2] =	stream.indirect_vreg.gather [hbm4b:s9+s12], $0x80, v4, vm0, $0xb8;
	[tilespmem:$0x14080] =	vst v63  }
0x19b: {  	v3 =	vadd.s32 v1, v3;
	s20 =	simm.s32 $0xB080  }
0x19c: {  	[tilespmem:s20], [sflag:$0x2] =	stream.indirect_vreg.gather [hbm4b:s10+s12], $0x80, v4, vm0, $0xb8;
	[tilespmem:$0x14080] =	vst v63  }
0x19d: {  	s22 =	simm.s32 $0xB880  }
0x19e: {  	[tilespmem:s22], [sflag:$0x2] =	stream.indirect_vreg.gather [hbm4b:s11+s12], $0x80, v4, vm0, $0xb8;
	[tilespmem:$0x14080] =	vst v63  }
0x19f: {  	_ = 	snop  }
0x1a0: {  	[tilespmem:s26], [sflag:$0x2] =	stream.indirect_vreg.gather [hbm4b:s3+s12], $0x80, v3, vm0, $0xb8;
	[tilespmem:$0x14080] =	vst v63  }
0x1a1: {  	_ = 	snop  }
0x1a2: {  	[tilespmem:s28], [sflag:$0x2] =	stream.indirect_vreg.gather [hbm4b:s4+s12], $0x80, v3, vm0, $0xb8;
	[tilespmem:$0x14080] =	vst v63  }
0x1a3: {  	_ = 	snop  }
0x1a4: {  	[tilespmem:s29], [sflag:$0x2] =	stream.indirect_vreg.gather [hbm4b:s5+s12], $0x80, v3, vm0, $0xb8;
	[tilespmem:$0x14080] =	vst v63  }
0x1a5: {  	_ = 	snop  }
0x1a6: {  	[tilespmem:s30], [sflag:$0x2] =	stream.indirect_vreg.gather [hbm4b:s6+s12], $0x80, v3, vm0, $0xb8;
	[tilespmem:$0x14080] =	vst v63  }
0x1a7: {  	_ = 	snop  }
0x1a8: {  	[tilespmem:s31], [sflag:$0x2] =	stream.indirect_vreg.gather [hbm4b:s7+s12], $0x80, v3, vm0, $0xb8;
	[tilespmem:$0x14080] =	vst v63  }
0x1a9: {  	_ = 	snop  }
0x1aa: {  	[tilespmem:s0], [sflag:$0x2] =	stream.indirect_vreg.gather [hbm4b:s9+s12], $0x80, v3, vm0, $0xb8;
	[tilespmem:$0x14080] =	vst v63  }
0x1ab: {  	_ = 	snop  }
0x1ac: {  	[tilespmem:s1], [sflag:$0x2] =	stream.indirect_vreg.gather [hbm4b:s10+s12], $0x80, v3, vm0, $0xb8;
	[tilespmem:$0x14080] =	vst v63  }
0x1ad: {  	_ = 	snop  }
0x1ae: {  	[tilespmem:s8], [sflag:$0x2] =	stream.indirect_vreg.gather [hbm4b:s11+s12], $0x80, v3, vm0, $0xb8;
	[tilespmem:$0x14080] =	vst v63  }
0x1af: {  	s23 =	sand.u32 $0x70, s12;
	s12 =	sand.u32 $0x3C00, s12  }
0x1b0: {  	s16 =	sor.u32 s23, s12  }
0x1b1: {  	v3 =	vld [tilespmem:s16+$0x80]  }
0x1b2: {  	v4 =	vld [tilespmem:s16+$0x100];
	_ =	sdelay $0x1  }
0x1b3: {  	s19 =	simm.s32 $0x80;
	s12 =	simm.s32 $0x10;
	s18 =	smov.u32 s16  }
.LBB2_34:
0x1b4: {  	s20 =	sand.u32 $0x70, s12;
	s22 =	sand.u32 $0x3C00, s19;
	p0 =	sne.s32 s12, $0x7F0  }
.Ltmp16:
0x1b5: {  	s12 =	sadd.s32 $0x10, s12;
	s20 =	sor.u32 s20, s22;
	(pc) =	sbr.rel @p0 .LBB2_34-.Ltmp16, $4  }
0x1b6: {  	v5 =	vadd.f32 v4, v3;
	v3 =	vld [tilespmem:s20+$0x80]  }
0x1b7: {  	v4 =	vld [tilespmem:s20+$0x100]  }
0x1b8: {  	[tilespmem:s18+$0x10080] =	vst v5;
	s18 =	smov.u32 s20  }
0x1b9: {  	s19 =	sadd.s32 $0x80, s19  }
0x1ba: {  	_ =	sdelay $0x1  }
0x1bb: {  	v3 =	vadd.f32 v4, v3;
	_ =	sdelay $0x1  }
0x1bc: {  	[tilespmem:s18+$0x10080] =	vst v3  }
0x1bd: {  	v3 =	vld [tilespmem:s16+$0x180]  }
0x1be: {  	v4 =	vld [tilespmem:s16+$0x200];
	_ =	sdelay $0x1  }
0x1bf: {  	s12 =	simm.s32 $0x10;
	s18 =	simm.s32 $0x80  }
.LBB2_36:
0x1c0: {  	s19 =	sand.u32 $0x70, s12;
	s20 =	sand.u32 $0x3C00, s18;
	p0 =	sne.s32 s12, $0x7F0  }
.Ltmp17:
0x1c1: {  	s12 =	sadd.s32 $0x10, s12;
	s19 =	sor.u32 s19, s20;
	(pc) =	sbr.rel @p0 .LBB2_36-.Ltmp17, $4  }
0x1c2: {  	v5 =	vadd.f32 v4, v3;
	v3 =	vld [tilespmem:s19+$0x180]  }
0x1c3: {  	v4 =	vld [tilespmem:s19+$0x200]  }
0x1c4: {  	[tilespmem:s16+$0x10100] =	vst v5;
	s16 =	smov.u32 s19  }
0x1c5: {  	s18 =	sadd.s32 $0x80, s18  }
0x1c6: {  	_ =	sdelay $0x1  }
0x1c7: {  	s12 =	simm.s32 $0x0;
	v3 =	vadd.f32 v4, v3  }
0x1c8: {  	s18 =	sand.u32 $0x70, s12;
	s19 =	sand.u32 $0x3C00, s12  }
0x1c9: {  	[tilespmem:s16+$0x10100] =	vst v3;
	s16 =	sor.u32 s18, s19  }
0x1ca: {  	v3 =	vld [tilespmem:s16+$0x280]  }
0x1cb: {  	v4 =	vld [tilespmem:s16+$0x300];
	_ =	sdelay $0x1  }
0x1cc: {  	s20 =	simm.s32 $0x80;
	s19 =	simm.s32 $0x10;
	s18 =	smov.u32 s16  }
.LBB2_38:
0x1cd: {  	s22 =	sand.u32 $0x70, s19;
	s23 =	sand.u32 $0x3C00, s20;
	p0 =	sne.s32 s19, $0x7F0  }
.Ltmp18:
0x1ce: {  	s19 =	sadd.s32 $0x10, s19;
	s22 =	sor.u32 s22, s23;
	(pc) =	sbr.rel @p0 .LBB2_38-.Ltmp18, $4  }
0x1cf: {  	v5 =	vadd.f32 v4, v3;
	v3 =	vld [tilespmem:s22+$0x280]  }
0x1d0: {  	v4 =	vld [tilespmem:s22+$0x300]  }
0x1d1: {  	[tilespmem:s18+$0x10180] =	vst v5;
	s18 =	smov.u32 s22  }
0x1d2: {  	s20 =	sadd.s32 $0x80, s20  }
0x1d3: {  	_ =	sdelay $0x1  }
0x1d4: {  	s12 =	sand.u32 $0x7, s12;
	v3 =	vadd.f32 v4, v3  }
0x1d5: {  	s12 =	sshll.u32 s12, $0x4  }
0x1d6: {  	s12 =	sadd.s32 $0x0, s12;
	[tilespmem:s18+$0x10180] =	vst v3  }
0x1d7: {  	s20 =	sor.u32 $0x380, s12;
	v3 =	vld [tilespmem:s16+$0x380]  }
0x1d8: {  	v4 =	vld [tilespmem:s20+$0x80];
	_ =	sdelay $0x2  }
0x1d9: {  	s19 =	simm.s32 $0x10;
	s12 =	simm.s32 $0x1;
	s18 =	simm.s32 $0x80  }
0x1da: {  	s22 =	sand.u32 $0x7, s12;
	s20 =	sand.u32 $0x70, s19;
	s19 =	simm.s32 $0x20  }
.LBB2_40:
0x1db: {  	p0 =	sne.s32 s19, $0x7F0;
	s22 =	sshll.u32 s22, $0x4;
	s23 =	sand.u32 $0x3C00, s18;
	v4 =	vadd.f32 v4, v3  }
0x1dc: {  	s22 =	sadd.s32 s22, s18;
	s20 =	sor.u32 s20, s23  }
0x1dd: {  	v3 =	vld [tilespmem:s20+$0x380];
	s22 =	sor.u32 $0x380, s22;
	[tilespmem:s16+$0x10200] =	vst v4;
	s16 =	smov.u32 s20  }
.Ltmp19:
0x1de: {  	v4 =	vld [tilespmem:s22+$0x80];
	(pc) =	sbr.rel @p0 .LBB2_40-.Ltmp19, $3  }
0x1df: {  	_ =	sdelay $0x1  }
0x1e0: {  	s12 =	sadd.s32 $0x1, s12;
	s18 =	sadd.s32 $0x80, s18  }
0x1e1: {  	s20 =	sand.u32 $0x70, s19;
	s19 =	sadd.s32 $0x10, s19;
	s22 =	sand.u32 $0x7, s12  }
0x1e2: {  	s12 =	sand.u32 $0x3C00, s18;
	s19 =	sshll.u32 s22, $0x4;
	v3 =	vadd.f32 v4, v3  }
0x1e3: {  	s12 =	sor.u32 s20, s12;
	s20 =	sadd.s32 s19, s18  }
0x1e4: {  	v4 =	vld [tilespmem:s12+$0x380];
	s18 =	sor.u32 $0x380, s20;
	[tilespmem:s16+$0x10200] =	vst v3  }
0x1e5: {  	v3 =	vld [tilespmem:s18+$0x80];
	_ =	sdelay $0x4  }
0x1e6: {  	s22 =	simm.s32 $0x0;
	v3 =	vadd.f32 v3, v4  }
0x1e7: {  	s23 =	sand.u32 $0x70, s22;
	s16 =	sand.u32 $0x3C00, s22  }
0x1e8: {  	s18 =	sor.u32 s23, s16;
	[tilespmem:s12+$0x10200] =	vst v3  }
0x1e9: {  	v3 =	vld [tilespmem:s18+$0x4080]  }
0x1ea: {  	v4 =	vld [tilespmem:s18+$0x4100];
	_ =	sdelay $0x1  }
0x1eb: {  	s19 =	simm.s32 $0x80;
	s16 =	smov.u32 s18;
	s12 =	simm.s32 $0x10  }
.LBB2_42:
0x1ec: {  	s20 =	sand.u32 $0x70, s12;
	s22 =	sand.u32 $0x3C00, s19;
	p0 =	sne.s32 s12, $0x7F0  }
.Ltmp20:
0x1ed: {  	s12 =	sadd.s32 $0x10, s12;
	s20 =	sor.u32 s20, s22;
	(pc) =	sbr.rel @p0 .LBB2_42-.Ltmp20, $4  }
0x1ee: {  	v5 =	vadd.f32 v4, v3;
	v3 =	vld [tilespmem:s20+$0x4080]  }
0x1ef: {  	v4 =	vld [tilespmem:s20+$0x4100]  }
0x1f0: {  	[tilespmem:s16+$0x10280] =	vst v5;
	s16 =	smov.u32 s20  }
0x1f1: {  	s19 =	sadd.s32 $0x80, s19  }
0x1f2: {  	_ =	sdelay $0x1  }
0x1f3: {  	v3 =	vadd.f32 v4, v3;
	_ =	sdelay $0x1  }
0x1f4: {  	[tilespmem:s16+$0x10280] =	vst v3  }
0x1f5: {  	v3 =	vld [tilespmem:s18+$0x4180]  }
0x1f6: {  	v4 =	vld [tilespmem:s18+$0x4200];
	_ =	sdelay $0x1  }
0x1f7: {  	s12 =	simm.s32 $0x10;
	s16 =	simm.s32 $0x80  }
.LBB2_44:
0x1f8: {  	s19 =	sand.u32 $0x70, s12;
	s20 =	sand.u32 $0x3C00, s16;
	p0 =	sne.s32 s12, $0x7F0  }
.Ltmp21:
0x1f9: {  	s12 =	sadd.s32 $0x10, s12;
	s19 =	sor.u32 s19, s20;
	(pc) =	sbr.rel @p0 .LBB2_44-.Ltmp21, $4  }
0x1fa: {  	v5 =	vadd.f32 v4, v3;
	v3 =	vld [tilespmem:s19+$0x4180]  }
0x1fb: {  	v4 =	vld [tilespmem:s19+$0x4200]  }
0x1fc: {  	[tilespmem:s18+$0x10300] =	vst v5;
	s18 =	smov.u32 s19  }
0x1fd: {  	s16 =	sadd.s32 $0x80, s16  }
0x1fe: {  	_ =	sdelay $0x1  }
0x1ff: {  	s16 =	simm.s32 $0x0;
	v3 =	vadd.f32 v4, v3  }
0x200: {  	s12 =	sand.u32 $0x70, s16;
	s19 =	sand.u32 $0x3C00, s16  }
0x201: {  	s12 =	sor.u32 s12, s19;
	[tilespmem:s18+$0x10300] =	vst v3  }
0x202: {  	v3 =	vld [tilespmem:s12+$0x4280]  }
0x203: {  	v4 =	vld [tilespmem:s12+$0x4300];
	_ =	sdelay $0x1  }
0x204: {  	s20 =	simm.s32 $0x80;
	s19 =	smov.u32 s12;
	s18 =	simm.s32 $0x10  }
.LBB2_46:
0x205: {  	s22 =	sand.u32 $0x70, s18;
	s23 =	sand.u32 $0x3C00, s20;
	p0 =	sne.s32 s18, $0x7F0  }
.Ltmp22:
0x206: {  	s18 =	sadd.s32 $0x10, s18;
	s22 =	sor.u32 s22, s23;
	(pc) =	sbr.rel @p0 .LBB2_46-.Ltmp22, $4  }
0x207: {  	v5 =	vadd.f32 v4, v3;
	v3 =	vld [tilespmem:s22+$0x4280]  }
0x208: {  	v4 =	vld [tilespmem:s22+$0x4300]  }
0x209: {  	[tilespmem:s19+$0x10380] =	vst v5;
	s19 =	smov.u32 s22  }
0x20a: {  	s20 =	sadd.s32 $0x80, s20  }
0x20b: {  	_ =	sdelay $0x1  }
0x20c: {  	v3 =	vadd.f32 v4, v3;
	_ =	sdelay $0x1  }
0x20d: {  	[tilespmem:s19+$0x10380] =	vst v3  }
0x20e: {  	v3 =	vld [tilespmem:s12+$0x4400]  }
0x20f: {  	v63 =	vld [tilespmem:s12+$0x4380];
	_ =	sdelay $0x2  }
0x210: {  	s22 =	sand.u32 $0x7, s16  }
0x211: {  	s12 =	sshll.u32 s22, $0x4  }
0x212: {  	s23 =	simm.s32 $0x10;
	s18 =	simm.s32 $0x80;
	s12 =	sadd.s32 $0x0, s12;
	v3 =	vadd.f32 v3, v63  }
0x213: {  	s20 =	sand.u32 $0x3C00, s18;
	s19 =	sand.u32 $0x70, s23;
	s22 =	sor.u32 $0x380, s12  }
0x214: {  	s19 =	sor.u32 s19, s20;
	s12 =	simm.s32 $0x20;
	[tilespmem:s22+$0x10080] =	vst v3  }
.LBB2_48:
0x215: {  	p0 =	sne.s32 s12, $0x7F0;
	v3 =	vld [tilespmem:s19+$0x4400]  }
0x216: {  	v4 =	vld [tilespmem:s19+$0x4380];
	_ =	sdelay $0x1  }
0x217: {  	s16 =	sadd.s32 $0x1, s16  }
.Ltmp23:
0x218: {  	s19 =	sand.u32 $0x7, s16;
	(pc) =	sbr.rel @p0 .LBB2_48-.Ltmp23, $4  }
0x219: {  	s19 =	sshll.u32 s19, $0x4  }
0x21a: {  	s19 =	sadd.s32 s19, s18;
	s18 =	sadd.s32 $0x80, s18;
	v3 =	vadd.f32 v3, v4  }
0x21b: {  	s20 =	sand.u32 $0x70, s12;
	s22 =	sand.u32 $0x3C00, s18;
	s23 =	sor.u32 $0x380, s19  }
0x21c: {  	s12 =	sadd.s32 $0x10, s12;
	s19 =	sor.u32 s20, s22;
	[tilespmem:s23+$0x10080] =	vst v3  }
0x21d: {  	v3 =	vld [tilespmem:s19+$0x4400]  }
0x21e: {  	v4 =	vld [tilespmem:s19+$0x4380];
	_ =	sdelay $0x1  }
0x21f: {  	s12 =	sadd.s32 $0x1, s16  }
0x220: {  	s12 =	sand.u32 $0x7, s12  }
0x221: {  	s12 =	sshll.u32 s12, $0x4  }
0x222: {  	s12 =	sadd.s32 s12, s18;
	v3 =	vadd.f32 v3, v4  }
0x223: {  	s12 =	sor.u32 $0x380, s12  }
0x224: {  	s23 =	rddreg [dreg:$0x6];
	[tilespmem:s12+$0x10080] =	vst v3;
	s12 =	simm.s32 $0x0  }
0x225: {  	[hbm4b:s23+s12] =	stream.linear.scatter [tilespmem:s13], [sflag:$0x3], $0x4000, $0x38;
	[tilespmem:$0x14080] =	vst v63  }
0x226: {  	_ =	swait.ge [sflag:s21], $0x4000  }
0x227: {  	[sflag:s21] =	ssyncset.done $0x0  }
0x228: {  	[sflag:s21] =	ssyncadd.s32 $0xFFFFC000  }
0x229: {  	_ =	swait.ge [sflag:s14], $0x8000  }
0x22a: {  	[sflag:s14] =	ssyncset.done $0x0  }
0x22b: {  	[sflag:s14] =	ssyncadd.s32 $0xFFFF8000  }
0x22c: {  	v3 =	vld [tilespmem:$0x40];
	_ =	sdelay $0x4  }
0x22d: {  	v4 =	vshll.u32 v3, $0x4  }
0x22e: {  	v3 =	vand.u32 $0x7, v3;
	v4 =	vand.u32 $0xFFFFFF80, v4  }
0x22f: {  	v3 =	vor.u32 v3, v4  }
0x230: {  	v4 =	vperm.xlane v3, v0;
	_ =	sdelay $0x1  }
0x231: {  	v4 =	vadd.s32 v1, v4;
	_ =	sdelay $0x4  }
0x232: {  	[tilespmem:s24], [sflag:$0x1] =	stream.indirect_vreg.gather [hbm4b:s3+s12], $0x80, v4, vm0, $0xb8;
	[tilespmem:$0x14080] =	vst v63  }
0x233: {  	_ = 	snop  }
0x234: {  	[tilespmem:s25], [sflag:$0x1] =	stream.indirect_vreg.gather [hbm4b:s4+s12], $0x80, v4, vm0, $0xb8;
	[tilespmem:$0x14080] =	vst v63  }
0x235: {  	s18 =	simm.s32 $0x1080  }
0x236: {  	[tilespmem:s18], [sflag:$0x1] =	stream.indirect_vreg.gather [hbm4b:s5+s12], $0x80, v4, vm0, $0xb8;
	[tilespmem:$0x14080] =	vst v63  }
0x237: {  	s19 =	simm.s32 $0x1880  }
0x238: {  	[tilespmem:s19], [sflag:$0x1] =	stream.indirect_vreg.gather [hbm4b:s6+s12], $0x80, v4, vm0, $0xb8;
	[tilespmem:$0x14080] =	vst v63  }
0x239: {  	s20 =	simm.s32 $0x2080  }
0x23a: {  	[tilespmem:s20], [sflag:$0x1] =	stream.indirect_vreg.gather [hbm4b:s7+s12], $0x80, v4, vm0, $0xb8;
	[tilespmem:$0x14080] =	vst v63  }
0x23b: {  	s22 =	simm.s32 $0x2880;
	v3 =	vperm.xlane v3, v2  }
0x23c: {  	[tilespmem:s22], [sflag:$0x1] =	stream.indirect_vreg.gather [hbm4b:s9+s12], $0x80, v4, vm0, $0xb8;
	[tilespmem:$0x14080] =	vst v63  }
0x23d: {  	s23 =	simm.s32 $0x3080;
	v3 =	vadd.s32 v1, v3  }
0x23e: {  	[tilespmem:s23], [sflag:$0x1] =	stream.indirect_vreg.gather [hbm4b:s10+s12], $0x80, v4, vm0, $0xb8;
	[tilespmem:$0x14080] =	vst v63  }
0x23f: {  	s18 =	simm.s32 $0x3880  }
0x240: {  	[tilespmem:s18], [sflag:$0x1] =	stream.indirect_vreg.gather [hbm4b:s11+s12], $0x80, v4, vm0, $0xb8;
	[tilespmem:$0x14080] =	vst v63  }
0x241: {  	s19 =	simm.s32 $0x4080  }
0x242: {  	[tilespmem:s19], [sflag:$0x1] =	stream.indirect_vreg.gather [hbm4b:s3+s12], $0x80, v3, vm0, $0xb8;
	[tilespmem:$0x14080] =	vst v63  }
0x243: {  	s20 =	simm.s32 $0x4880  }
0x244: {  	[tilespmem:s20], [sflag:$0x1] =	stream.indirect_vreg.gather [hbm4b:s4+s12], $0x80, v3, vm0, $0xb8;
	[tilespmem:$0x14080] =	vst v63  }
0x245: {  	s22 =	simm.s32 $0x5080  }
0x246: {  	[tilespmem:s22], [sflag:$0x1] =	stream.indirect_vreg.gather [hbm4b:s5+s12], $0x80, v3, vm0, $0xb8;
	[tilespmem:$0x14080] =	vst v63  }
0x247: {  	s23 =	simm.s32 $0x5880  }
0x248: {  	[tilespmem:s23], [sflag:$0x1] =	stream.indirect_vreg.gather [hbm4b:s6+s12], $0x80, v3, vm0, $0xb8;
	[tilespmem:$0x14080] =	vst v63  }
0x249: {  	s18 =	simm.s32 $0x6080  }
0x24a: {  	[tilespmem:s18], [sflag:$0x1] =	stream.indirect_vreg.gather [hbm4b:s7+s12], $0x80, v3, vm0, $0xb8;
	[tilespmem:$0x14080] =	vst v63  }
0x24b: {  	s19 =	simm.s32 $0x6880  }
0x24c: {  	[tilespmem:s19], [sflag:$0x1] =	stream.indirect_vreg.gather [hbm4b:s9+s12], $0x80, v3, vm0, $0xb8;
	[tilespmem:$0x14080] =	vst v63  }
0x24d: {  	s20 =	simm.s32 $0x7080  }
0x24e: {  	[tilespmem:s20], [sflag:$0x1] =	stream.indirect_vreg.gather [hbm4b:s10+s12], $0x80, v3, vm0, $0xb8;
	[tilespmem:$0x14080] =	vst v63  }
0x24f: {  	s22 =	simm.s32 $0x7880  }
0x250: {  	[tilespmem:s22], [sflag:$0x1] =	stream.indirect_vreg.gather [hbm4b:s11+s12], $0x80, v3, vm0, $0xb8;
	[tilespmem:$0x14080] =	vst v63  }
0x251: {  	s23 =	sand.u32 $0x70, s12;
	s12 =	sand.u32 $0x3C00, s12  }
0x252: {  	s16 =	sor.u32 s23, s12  }
0x253: {  	v3 =	vld [tilespmem:s16+$0x8080]  }
0x254: {  	v4 =	vld [tilespmem:s16+$0x8100];
	_ =	sdelay $0x1  }
0x255: {  	s19 =	simm.s32 $0x80;
	s12 =	simm.s32 $0x10;
	s18 =	smov.u32 s16  }
.LBB2_50:
0x256: {  	s20 =	sand.u32 $0x70, s12;
	s22 =	sand.u32 $0x3C00, s19;
	p0 =	sne.s32 s12, $0x7F0  }
.Ltmp24:
0x257: {  	s12 =	sadd.s32 $0x10, s12;
	s20 =	sor.u32 s20, s22;
	(pc) =	sbr.rel @p0 .LBB2_50-.Ltmp24, $4  }
0x258: {  	v5 =	vadd.f32 v4, v3;
	v3 =	vld [tilespmem:s20+$0x8080]  }
0x259: {  	v4 =	vld [tilespmem:s20+$0x8100]  }
0x25a: {  	[tilespmem:s18+$0x10080] =	vst v5;
	s18 =	smov.u32 s20  }
0x25b: {  	s19 =	sadd.s32 $0x80, s19  }
0x25c: {  	_ =	sdelay $0x1  }
0x25d: {  	v3 =	vadd.f32 v4, v3;
	_ =	sdelay $0x1  }
0x25e: {  	[tilespmem:s18+$0x10080] =	vst v3  }
0x25f: {  	v3 =	vld [tilespmem:s16+$0x8180]  }
0x260: {  	v4 =	vld [tilespmem:s16+$0x8200];
	_ =	sdelay $0x1  }
0x261: {  	s12 =	simm.s32 $0x10;
	s18 =	simm.s32 $0x80  }
.LBB2_52:
0x262: {  	s19 =	sand.u32 $0x70, s12;
	s20 =	sand.u32 $0x3C00, s18;
	p0 =	sne.s32 s12, $0x7F0  }
.Ltmp25:
0x263: {  	s12 =	sadd.s32 $0x10, s12;
	s19 =	sor.u32 s19, s20;
	(pc) =	sbr.rel @p0 .LBB2_52-.Ltmp25, $4  }
0x264: {  	v5 =	vadd.f32 v4, v3;
	v3 =	vld [tilespmem:s19+$0x8180]  }
0x265: {  	v4 =	vld [tilespmem:s19+$0x8200]  }
0x266: {  	[tilespmem:s16+$0x10100] =	vst v5;
	s16 =	smov.u32 s19  }
0x267: {  	s18 =	sadd.s32 $0x80, s18  }
0x268: {  	_ =	sdelay $0x1  }
0x269: {  	s12 =	simm.s32 $0x0;
	v3 =	vadd.f32 v4, v3  }
0x26a: {  	s18 =	sand.u32 $0x70, s12;
	s19 =	sand.u32 $0x3C00, s12  }
0x26b: {  	[tilespmem:s16+$0x10100] =	vst v3;
	s16 =	sor.u32 s18, s19  }
0x26c: {  	v3 =	vld [tilespmem:s16+$0x8280]  }
0x26d: {  	v4 =	vld [tilespmem:s16+$0x8300];
	_ =	sdelay $0x1  }
0x26e: {  	s20 =	simm.s32 $0x80;
	s19 =	simm.s32 $0x10;
	s18 =	smov.u32 s16  }
.LBB2_54:
0x26f: {  	s22 =	sand.u32 $0x70, s19;
	s23 =	sand.u32 $0x3C00, s20;
	p0 =	sne.s32 s19, $0x7F0  }
.Ltmp26:
0x270: {  	s19 =	sadd.s32 $0x10, s19;
	s22 =	sor.u32 s22, s23;
	(pc) =	sbr.rel @p0 .LBB2_54-.Ltmp26, $4  }
0x271: {  	v5 =	vadd.f32 v4, v3;
	v3 =	vld [tilespmem:s22+$0x8280]  }
0x272: {  	v4 =	vld [tilespmem:s22+$0x8300]  }
0x273: {  	[tilespmem:s18+$0x10180] =	vst v5;
	s18 =	smov.u32 s22  }
0x274: {  	s20 =	sadd.s32 $0x80, s20  }
0x275: {  	_ =	sdelay $0x1  }
0x276: {  	s12 =	sand.u32 $0x7, s12;
	v3 =	vadd.f32 v4, v3  }
0x277: {  	s12 =	sshll.u32 s12, $0x4  }
0x278: {  	s12 =	sadd.s32 $0x0, s12;
	[tilespmem:s18+$0x10180] =	vst v3  }
0x279: {  	s20 =	sor.u32 $0x380, s12;
	v3 =	vld [tilespmem:s16+$0x8380]  }
0x27a: {  	v4 =	vld [tilespmem:s20+$0x8080];
	_ =	sdelay $0x2  }
0x27b: {  	s19 =	simm.s32 $0x10;
	s12 =	simm.s32 $0x1;
	s18 =	simm.s32 $0x80  }
0x27c: {  	s22 =	sand.u32 $0x7, s12;
	s20 =	sand.u32 $0x70, s19;
	s19 =	simm.s32 $0x20  }
.LBB2_56:
0x27d: {  	p0 =	sne.s32 s19, $0x7F0;
	s22 =	sshll.u32 s22, $0x4;
	s23 =	sand.u32 $0x3C00, s18;
	v4 =	vadd.f32 v4, v3  }
0x27e: {  	s22 =	sadd.s32 s22, s18;
	s20 =	sor.u32 s20, s23  }
0x27f: {  	v3 =	vld [tilespmem:s20+$0x8380];
	s22 =	sor.u32 $0x380, s22;
	[tilespmem:s16+$0x10200] =	vst v4;
	s16 =	smov.u32 s20  }
.Ltmp27:
0x280: {  	v4 =	vld [tilespmem:s22+$0x8080];
	(pc) =	sbr.rel @p0 .LBB2_56-.Ltmp27, $3  }
0x281: {  	_ =	sdelay $0x1  }
0x282: {  	s12 =	sadd.s32 $0x1, s12;
	s18 =	sadd.s32 $0x80, s18  }
0x283: {  	s20 =	sand.u32 $0x70, s19;
	s19 =	sadd.s32 $0x10, s19;
	s22 =	sand.u32 $0x7, s12  }
0x284: {  	s12 =	sand.u32 $0x3C00, s18;
	s19 =	sshll.u32 s22, $0x4;
	v3 =	vadd.f32 v4, v3  }
0x285: {  	s12 =	sor.u32 s20, s12;
	s20 =	sadd.s32 s19, s18  }
0x286: {  	v4 =	vld [tilespmem:s12+$0x8380];
	s18 =	sor.u32 $0x380, s20;
	[tilespmem:s16+$0x10200] =	vst v3  }
0x287: {  	v3 =	vld [tilespmem:s18+$0x8080];
	_ =	sdelay $0x4  }
0x288: {  	s22 =	simm.s32 $0x0;
	v3 =	vadd.f32 v3, v4  }
0x289: {  	s23 =	sand.u32 $0x70, s22;
	s16 =	sand.u32 $0x3C00, s22  }
0x28a: {  	s18 =	sor.u32 s23, s16;
	[tilespmem:s12+$0x10200] =	vst v3  }
0x28b: {  	v3 =	vld [tilespmem:s18+$0xC080]  }
0x28c: {  	v4 =	vld [tilespmem:s18+$0xC100];
	_ =	sdelay $0x1  }
0x28d: {  	s19 =	simm.s32 $0x80;
	s16 =	smov.u32 s18;
	s12 =	simm.s32 $0x10  }
.LBB2_58:
0x28e: {  	s20 =	sand.u32 $0x70, s12;
	s22 =	sand.u32 $0x3C00, s19;
	p0 =	sne.s32 s12, $0x7F0  }
.Ltmp28:
0x28f: {  	s12 =	sadd.s32 $0x10, s12;
	s20 =	sor.u32 s20, s22;
	(pc) =	sbr.rel @p0 .LBB2_58-.Ltmp28, $4  }
0x290: {  	v5 =	vadd.f32 v4, v3;
	v3 =	vld [tilespmem:s20+$0xC080]  }
0x291: {  	v4 =	vld [tilespmem:s20+$0xC100]  }
0x292: {  	[tilespmem:s16+$0x10280] =	vst v5;
	s16 =	smov.u32 s20  }
0x293: {  	s19 =	sadd.s32 $0x80, s19  }
0x294: {  	_ =	sdelay $0x1  }
0x295: {  	v3 =	vadd.f32 v4, v3;
	_ =	sdelay $0x1  }
0x296: {  	[tilespmem:s16+$0x10280] =	vst v3  }
0x297: {  	v3 =	vld [tilespmem:s18+$0xC180]  }
0x298: {  	v4 =	vld [tilespmem:s18+$0xC200];
	_ =	sdelay $0x1  }
0x299: {  	s12 =	simm.s32 $0x10;
	s16 =	simm.s32 $0x80  }
.LBB2_60:
0x29a: {  	s19 =	sand.u32 $0x70, s12;
	s20 =	sand.u32 $0x3C00, s16;
	p0 =	sne.s32 s12, $0x7F0  }
.Ltmp29:
0x29b: {  	s12 =	sadd.s32 $0x10, s12;
	s19 =	sor.u32 s19, s20;
	(pc) =	sbr.rel @p0 .LBB2_60-.Ltmp29, $4  }
0x29c: {  	v5 =	vadd.f32 v4, v3;
	v3 =	vld [tilespmem:s19+$0xC180]  }
0x29d: {  	v4 =	vld [tilespmem:s19+$0xC200]  }
0x29e: {  	[tilespmem:s18+$0x10300] =	vst v5;
	s18 =	smov.u32 s19  }
0x29f: {  	s16 =	sadd.s32 $0x80, s16  }
0x2a0: {  	_ =	sdelay $0x1  }
0x2a1: {  	s16 =	simm.s32 $0x0;
	v3 =	vadd.f32 v4, v3  }
0x2a2: {  	s12 =	sand.u32 $0x70, s16;
	s19 =	sand.u32 $0x3C00, s16  }
0x2a3: {  	s12 =	sor.u32 s12, s19;
	[tilespmem:s18+$0x10300] =	vst v3  }
0x2a4: {  	v3 =	vld [tilespmem:s12+$0xC280]  }
0x2a5: {  	v4 =	vld [tilespmem:s12+$0xC300];
	_ =	sdelay $0x1  }
0x2a6: {  	s20 =	simm.s32 $0x80;
	s19 =	smov.u32 s12;
	s18 =	simm.s32 $0x10  }
.LBB2_62:
0x2a7: {  	s22 =	sand.u32 $0x70, s18;
	s23 =	sand.u32 $0x3C00, s20;
	p0 =	sne.s32 s18, $0x7F0  }
.Ltmp30:
0x2a8: {  	s18 =	sadd.s32 $0x10, s18;
	s22 =	sor.u32 s22, s23;
	(pc) =	sbr.rel @p0 .LBB2_62-.Ltmp30, $4  }
0x2a9: {  	v5 =	vadd.f32 v4, v3;
	v3 =	vld [tilespmem:s22+$0xC280]  }
0x2aa: {  	v4 =	vld [tilespmem:s22+$0xC300]  }
0x2ab: {  	[tilespmem:s19+$0x10380] =	vst v5;
	s19 =	smov.u32 s22  }
0x2ac: {  	s20 =	sadd.s32 $0x80, s20  }
0x2ad: {  	_ =	sdelay $0x1  }
0x2ae: {  	v3 =	vadd.f32 v4, v3;
	_ =	sdelay $0x1  }
0x2af: {  	[tilespmem:s19+$0x10380] =	vst v3  }
0x2b0: {  	v3 =	vld [tilespmem:s12+$0xC400]  }
0x2b1: {  	v63 =	vld [tilespmem:s12+$0xC380];
	_ =	sdelay $0x2  }
0x2b2: {  	s22 =	sand.u32 $0x7, s16  }
0x2b3: {  	s12 =	sshll.u32 s22, $0x4  }
0x2b4: {  	s23 =	simm.s32 $0x10;
	s18 =	simm.s32 $0x80;
	s12 =	sadd.s32 $0x0, s12;
	v3 =	vadd.f32 v3, v63  }
0x2b5: {  	s20 =	sand.u32 $0x3C00, s18;
	s19 =	sand.u32 $0x70, s23;
	s22 =	sor.u32 $0x380, s12  }
0x2b6: {  	s19 =	sor.u32 s19, s20;
	s12 =	simm.s32 $0x20;
	[tilespmem:s22+$0x10080] =	vst v3  }
.LBB2_64:
0x2b7: {  	p0 =	sne.s32 s12, $0x7F0;
	v3 =	vld [tilespmem:s19+$0xC400]  }
0x2b8: {  	v4 =	vld [tilespmem:s19+$0xC380];
	_ =	sdelay $0x1  }
0x2b9: {  	s16 =	sadd.s32 $0x1, s16  }
.Ltmp31:
0x2ba: {  	s19 =	sand.u32 $0x7, s16;
	(pc) =	sbr.rel @p0 .LBB2_64-.Ltmp31, $4  }
0x2bb: {  	s19 =	sshll.u32 s19, $0x4  }
0x2bc: {  	s19 =	sadd.s32 s19, s18;
	s18 =	sadd.s32 $0x80, s18;
	v3 =	vadd.f32 v3, v4  }
0x2bd: {  	s20 =	sand.u32 $0x70, s12;
	s22 =	sand.u32 $0x3C00, s18;
	s23 =	sor.u32 $0x380, s19  }
0x2be: {  	s12 =	sadd.s32 $0x10, s12;
	s19 =	sor.u32 s20, s22;
	[tilespmem:s23+$0x10080] =	vst v3  }
0x2bf: {  	v3 =	vld [tilespmem:s19+$0xC400]  }
0x2c0: {  	v4 =	vld [tilespmem:s19+$0xC380];
	_ =	sdelay $0x1  }
0x2c1: {  	s12 =	sadd.s32 $0x1, s16  }
0x2c2: {  	s12 =	sand.u32 $0x7, s12  }
0x2c3: {  	s12 =	sshll.u32 s12, $0x4  }
0x2c4: {  	s12 =	sadd.s32 s12, s18;
	v3 =	vadd.f32 v3, v4  }
0x2c5: {  	s12 =	sor.u32 $0x380, s12  }
0x2c6: {  	s18 =	rddreg [dreg:$0x7];
	[tilespmem:s12+$0x10080] =	vst v3;
	s12 =	simm.s32 $0x0  }
0x2c7: {  	[hbm4b:s18+s12] =	stream.linear.scatter [tilespmem:s13], [sflag:$0x3], $0x4000, $0x38;
	[tilespmem:$0x14080] =	vst v63  }
0x2c8: {  	_ =	swait.ge [sflag:s21], $0x4000  }
0x2c9: {  	[sflag:s21] =	ssyncset.done $0x0  }
0x2ca: {  	[sflag:s21] =	ssyncadd.s32 $0xFFFFC000  }
0x2cb: {  	_ =	swait.ge [sflag:s17], $0x8000  }
0x2cc: {  	[sflag:s17] =	ssyncset.done $0x0  }
0x2cd: {  	[sflag:s17] =	ssyncadd.s32 $0xFFFF8000  }
0x2ce: {  	v3 =	vld [tilespmem:$0x50];
	_ =	sdelay $0x4  }
0x2cf: {  	v4 =	vshll.u32 v3, $0x4  }
0x2d0: {  	v3 =	vand.u32 $0x7, v3;
	v4 =	vand.u32 $0xFFFFFF80, v4  }
0x2d1: {  	v3 =	vor.u32 v3, v4  }
0x2d2: {  	v4 =	vperm.xlane v3, v0;
	_ =	sdelay $0x1  }
0x2d3: {  	v4 =	vadd.s32 v1, v4;
	_ =	sdelay $0x3  }
0x2d4: {  	s19 =	simm.s32 $0x8080  }
0x2d5: {  	[tilespmem:s19], [sflag:$0x2] =	stream.indirect_vreg.gather [hbm4b:s3+s12], $0x80, v4, vm0, $0xb8;
	[tilespmem:$0x14080] =	vst v63  }
0x2d6: {  	s20 =	simm.s32 $0x8880  }
0x2d7: {  	[tilespmem:s20], [sflag:$0x2] =	stream.indirect_vreg.gather [hbm4b:s4+s12], $0x80, v4, vm0, $0xb8;
	[tilespmem:$0x14080] =	vst v63  }
0x2d8: {  	s22 =	simm.s32 $0x9080  }
0x2d9: {  	[tilespmem:s22], [sflag:$0x2] =	stream.indirect_vreg.gather [hbm4b:s5+s12], $0x80, v4, vm0, $0xb8;
	[tilespmem:$0x14080] =	vst v63  }
0x2da: {  	s23 =	simm.s32 $0x9880  }
0x2db: {  	[tilespmem:s23], [sflag:$0x2] =	stream.indirect_vreg.gather [hbm4b:s6+s12], $0x80, v4, vm0, $0xb8;
	[tilespmem:$0x14080] =	vst v63  }
0x2dc: {  	s18 =	simm.s32 $0xA080  }
0x2dd: {  	[tilespmem:s18], [sflag:$0x2] =	stream.indirect_vreg.gather [hbm4b:s7+s12], $0x80, v4, vm0, $0xb8;
	[tilespmem:$0x14080] =	vst v63  }
0x2de: {  	v3 =	vperm.xlane v3, v2;
	s19 =	simm.s32 $0xA880  }
0x2df: {  	[tilespmem:s19], [sflag:$0x2] =	stream.indirect_vreg.gather [hbm4b:s9+s12], $0x80, v4, vm0, $0xb8;
	[tilespmem:$0x14080] =	vst v63  }
0x2e0: {  	v3 =	vadd.s32 v1, v3;
	s20 =	simm.s32 $0xB080  }
0x2e1: {  	[tilespmem:s20], [sflag:$0x2] =	stream.indirect_vreg.gather [hbm4b:s10+s12], $0x80, v4, vm0, $0xb8;
	[tilespmem:$0x14080] =	vst v63  }
0x2e2: {  	s22 =	simm.s32 $0xB880  }
0x2e3: {  	[tilespmem:s22], [sflag:$0x2] =	stream.indirect_vreg.gather [hbm4b:s11+s12], $0x80, v4, vm0, $0xb8;
	[tilespmem:$0x14080] =	vst v63  }
0x2e4: {  	_ = 	snop  }
0x2e5: {  	[tilespmem:s26], [sflag:$0x2] =	stream.indirect_vreg.gather [hbm4b:s3+s12], $0x80, v3, vm0, $0xb8;
	[tilespmem:$0x14080] =	vst v63  }
0x2e6: {  	_ = 	snop  }
0x2e7: {  	[tilespmem:s28], [sflag:$0x2] =	stream.indirect_vreg.gather [hbm4b:s4+s12], $0x80, v3, vm0, $0xb8;
	[tilespmem:$0x14080] =	vst v63  }
0x2e8: {  	_ = 	snop  }
0x2e9: {  	[tilespmem:s29], [sflag:$0x2] =	stream.indirect_vreg.gather [hbm4b:s5+s12], $0x80, v3, vm0, $0xb8;
	[tilespmem:$0x14080] =	vst v63  }
0x2ea: {  	_ = 	snop  }
0x2eb: {  	[tilespmem:s30], [sflag:$0x2] =	stream.indirect_vreg.gather [hbm4b:s6+s12], $0x80, v3, vm0, $0xb8;
	[tilespmem:$0x14080] =	vst v63  }
0x2ec: {  	_ = 	snop  }
0x2ed: {  	[tilespmem:s31], [sflag:$0x2] =	stream.indirect_vreg.gather [hbm4b:s7+s12], $0x80, v3, vm0, $0xb8;
	[tilespmem:$0x14080] =	vst v63  }
0x2ee: {  	_ = 	snop  }
0x2ef: {  	[tilespmem:s0], [sflag:$0x2] =	stream.indirect_vreg.gather [hbm4b:s9+s12], $0x80, v3, vm0, $0xb8;
	[tilespmem:$0x14080] =	vst v63  }
0x2f0: {  	_ = 	snop  }
0x2f1: {  	[tilespmem:s1], [sflag:$0x2] =	stream.indirect_vreg.gather [hbm4b:s10+s12], $0x80, v3, vm0, $0xb8;
	[tilespmem:$0x14080] =	vst v63  }
0x2f2: {  	_ = 	snop  }
0x2f3: {  	[tilespmem:s8], [sflag:$0x2] =	stream.indirect_vreg.gather [hbm4b:s11+s12], $0x80, v3, vm0, $0xb8;
	[tilespmem:$0x14080] =	vst v63  }
0x2f4: {  	s23 =	sand.u32 $0x70, s12;
	s12 =	sand.u32 $0x3C00, s12  }
0x2f5: {  	s16 =	sor.u32 s23, s12  }
0x2f6: {  	v3 =	vld [tilespmem:s16+$0x80]  }
0x2f7: {  	v4 =	vld [tilespmem:s16+$0x100];
	_ =	sdelay $0x1  }
0x2f8: {  	s19 =	simm.s32 $0x80;
	s12 =	simm.s32 $0x10;
	s18 =	smov.u32 s16  }
.LBB2_66:
0x2f9: {  	s20 =	sand.u32 $0x70, s12;
	s22 =	sand.u32 $0x3C00, s19;
	p0 =	sne.s32 s12, $0x7F0  }
.Ltmp32:
0x2fa: {  	s12 =	sadd.s32 $0x10, s12;
	s20 =	sor.u32 s20, s22;
	(pc) =	sbr.rel @p0 .LBB2_66-.Ltmp32, $4  }
0x2fb: {  	v5 =	vadd.f32 v4, v3;
	v3 =	vld [tilespmem:s20+$0x80]  }
0x2fc: {  	v4 =	vld [tilespmem:s20+$0x100]  }
0x2fd: {  	[tilespmem:s18+$0x10080] =	vst v5;
	s18 =	smov.u32 s20  }
0x2fe: {  	s19 =	sadd.s32 $0x80, s19  }
0x2ff: {  	_ =	sdelay $0x1  }
0x300: {  	v3 =	vadd.f32 v4, v3;
	_ =	sdelay $0x1  }
0x301: {  	[tilespmem:s18+$0x10080] =	vst v3  }
0x302: {  	v3 =	vld [tilespmem:s16+$0x180]  }
0x303: {  	v4 =	vld [tilespmem:s16+$0x200];
	_ =	sdelay $0x1  }
0x304: {  	s12 =	simm.s32 $0x10;
	s18 =	simm.s32 $0x80  }
.LBB2_68:
0x305: {  	s19 =	sand.u32 $0x70, s12;
	s20 =	sand.u32 $0x3C00, s18;
	p0 =	sne.s32 s12, $0x7F0  }
.Ltmp33:
0x306: {  	s12 =	sadd.s32 $0x10, s12;
	s19 =	sor.u32 s19, s20;
	(pc) =	sbr.rel @p0 .LBB2_68-.Ltmp33, $4  }
0x307: {  	v5 =	vadd.f32 v4, v3;
	v3 =	vld [tilespmem:s19+$0x180]  }
0x308: {  	v4 =	vld [tilespmem:s19+$0x200]  }
0x309: {  	[tilespmem:s16+$0x10100] =	vst v5;
	s16 =	smov.u32 s19  }
0x30a: {  	s18 =	sadd.s32 $0x80, s18  }
0x30b: {  	_ =	sdelay $0x1  }
0x30c: {  	s12 =	simm.s32 $0x0;
	v3 =	vadd.f32 v4, v3  }
0x30d: {  	s18 =	sand.u32 $0x70, s12;
	s19 =	sand.u32 $0x3C00, s12  }
0x30e: {  	[tilespmem:s16+$0x10100] =	vst v3;
	s16 =	sor.u32 s18, s19  }
0x30f: {  	v3 =	vld [tilespmem:s16+$0x280]  }
0x310: {  	v4 =	vld [tilespmem:s16+$0x300];
	_ =	sdelay $0x1  }
0x311: {  	s20 =	simm.s32 $0x80;
	s19 =	simm.s32 $0x10;
	s18 =	smov.u32 s16  }
.LBB2_70:
0x312: {  	s22 =	sand.u32 $0x70, s19;
	s23 =	sand.u32 $0x3C00, s20;
	p0 =	sne.s32 s19, $0x7F0  }
.Ltmp34:
0x313: {  	s19 =	sadd.s32 $0x10, s19;
	s22 =	sor.u32 s22, s23;
	(pc) =	sbr.rel @p0 .LBB2_70-.Ltmp34, $4  }
0x314: {  	v5 =	vadd.f32 v4, v3;
	v3 =	vld [tilespmem:s22+$0x280]  }
0x315: {  	v4 =	vld [tilespmem:s22+$0x300]  }
0x316: {  	[tilespmem:s18+$0x10180] =	vst v5;
	s18 =	smov.u32 s22  }
0x317: {  	s20 =	sadd.s32 $0x80, s20  }
0x318: {  	_ =	sdelay $0x1  }
0x319: {  	s12 =	sand.u32 $0x7, s12;
	v3 =	vadd.f32 v4, v3  }
0x31a: {  	s12 =	sshll.u32 s12, $0x4  }
0x31b: {  	s12 =	sadd.s32 $0x0, s12;
	[tilespmem:s18+$0x10180] =	vst v3  }
0x31c: {  	s20 =	sor.u32 $0x380, s12;
	v3 =	vld [tilespmem:s16+$0x380]  }
0x31d: {  	v4 =	vld [tilespmem:s20+$0x80];
	_ =	sdelay $0x2  }
0x31e: {  	s19 =	simm.s32 $0x10;
	s12 =	simm.s32 $0x1;
	s18 =	simm.s32 $0x80  }
0x31f: {  	s22 =	sand.u32 $0x7, s12;
	s20 =	sand.u32 $0x70, s19;
	s19 =	simm.s32 $0x20  }
.LBB2_72:
0x320: {  	p0 =	sne.s32 s19, $0x7F0;
	s22 =	sshll.u32 s22, $0x4;
	s23 =	sand.u32 $0x3C00, s18;
	v4 =	vadd.f32 v4, v3  }
0x321: {  	s22 =	sadd.s32 s22, s18;
	s20 =	sor.u32 s20, s23  }
0x322: {  	v3 =	vld [tilespmem:s20+$0x380];
	s22 =	sor.u32 $0x380, s22;
	[tilespmem:s16+$0x10200] =	vst v4;
	s16 =	smov.u32 s20  }
.Ltmp35:
0x323: {  	v4 =	vld [tilespmem:s22+$0x80];
	(pc) =	sbr.rel @p0 .LBB2_72-.Ltmp35, $3  }
0x324: {  	_ =	sdelay $0x1  }
0x325: {  	s12 =	sadd.s32 $0x1, s12;
	s18 =	sadd.s32 $0x80, s18  }
0x326: {  	s20 =	sand.u32 $0x70, s19;
	s19 =	sadd.s32 $0x10, s19;
	s22 =	sand.u32 $0x7, s12  }
0x327: {  	s12 =	sand.u32 $0x3C00, s18;
	s19 =	sshll.u32 s22, $0x4;
	v3 =	vadd.f32 v4, v3  }
0x328: {  	s12 =	sor.u32 s20, s12;
	s20 =	sadd.s32 s19, s18  }
0x329: {  	v4 =	vld [tilespmem:s12+$0x380];
	s18 =	sor.u32 $0x380, s20;
	[tilespmem:s16+$0x10200] =	vst v3  }
0x32a: {  	v3 =	vld [tilespmem:s18+$0x80];
	_ =	sdelay $0x4  }
0x32b: {  	s22 =	simm.s32 $0x0;
	v3 =	vadd.f32 v3, v4  }
0x32c: {  	s23 =	sand.u32 $0x70, s22;
	s16 =	sand.u32 $0x3C00, s22  }
0x32d: {  	s18 =	sor.u32 s23, s16;
	[tilespmem:s12+$0x10200] =	vst v3  }
0x32e: {  	v3 =	vld [tilespmem:s18+$0x4080]  }
0x32f: {  	v4 =	vld [tilespmem:s18+$0x4100];
	_ =	sdelay $0x1  }
0x330: {  	s19 =	simm.s32 $0x80;
	s16 =	smov.u32 s18;
	s12 =	simm.s32 $0x10  }
.LBB2_74:
0x331: {  	s20 =	sand.u32 $0x70, s12;
	s22 =	sand.u32 $0x3C00, s19;
	p0 =	sne.s32 s12, $0x7F0  }
.Ltmp36:
0x332: {  	s12 =	sadd.s32 $0x10, s12;
	s20 =	sor.u32 s20, s22;
	(pc) =	sbr.rel @p0 .LBB2_74-.Ltmp36, $4  }
0x333: {  	v5 =	vadd.f32 v4, v3;
	v3 =	vld [tilespmem:s20+$0x4080]  }
0x334: {  	v4 =	vld [tilespmem:s20+$0x4100]  }
0x335: {  	[tilespmem:s16+$0x10280] =	vst v5;
	s16 =	smov.u32 s20  }
0x336: {  	s19 =	sadd.s32 $0x80, s19  }
0x337: {  	_ =	sdelay $0x1  }
0x338: {  	v3 =	vadd.f32 v4, v3;
	_ =	sdelay $0x1  }
0x339: {  	[tilespmem:s16+$0x10280] =	vst v3  }
0x33a: {  	v3 =	vld [tilespmem:s18+$0x4180]  }
0x33b: {  	v4 =	vld [tilespmem:s18+$0x4200];
	_ =	sdelay $0x1  }
0x33c: {  	s12 =	simm.s32 $0x10;
	s16 =	simm.s32 $0x80  }
.LBB2_76:
0x33d: {  	s19 =	sand.u32 $0x70, s12;
	s20 =	sand.u32 $0x3C00, s16;
	p0 =	sne.s32 s12, $0x7F0  }
.Ltmp37:
0x33e: {  	s12 =	sadd.s32 $0x10, s12;
	s19 =	sor.u32 s19, s20;
	(pc) =	sbr.rel @p0 .LBB2_76-.Ltmp37, $4  }
0x33f: {  	v5 =	vadd.f32 v4, v3;
	v3 =	vld [tilespmem:s19+$0x4180]  }
0x340: {  	v4 =	vld [tilespmem:s19+$0x4200]  }
0x341: {  	[tilespmem:s18+$0x10300] =	vst v5;
	s18 =	smov.u32 s19  }
0x342: {  	s16 =	sadd.s32 $0x80, s16  }
0x343: {  	_ =	sdelay $0x1  }
0x344: {  	s16 =	simm.s32 $0x0;
	v3 =	vadd.f32 v4, v3  }
0x345: {  	s12 =	sand.u32 $0x70, s16;
	s19 =	sand.u32 $0x3C00, s16  }
0x346: {  	s12 =	sor.u32 s12, s19;
	[tilespmem:s18+$0x10300] =	vst v3  }
0x347: {  	v3 =	vld [tilespmem:s12+$0x4280]  }
0x348: {  	v4 =	vld [tilespmem:s12+$0x4300];
	_ =	sdelay $0x1  }
0x349: {  	s20 =	simm.s32 $0x80;
	s19 =	smov.u32 s12;
	s18 =	simm.s32 $0x10  }
.LBB2_78:
0x34a: {  	s22 =	sand.u32 $0x70, s18;
	s23 =	sand.u32 $0x3C00, s20;
	p0 =	sne.s32 s18, $0x7F0  }
.Ltmp38:
0x34b: {  	s18 =	sadd.s32 $0x10, s18;
	s22 =	sor.u32 s22, s23;
	(pc) =	sbr.rel @p0 .LBB2_78-.Ltmp38, $4  }
0x34c: {  	v5 =	vadd.f32 v4, v3;
	v3 =	vld [tilespmem:s22+$0x4280]  }
0x34d: {  	v4 =	vld [tilespmem:s22+$0x4300]  }
0x34e: {  	[tilespmem:s19+$0x10380] =	vst v5;
	s19 =	smov.u32 s22  }
0x34f: {  	s20 =	sadd.s32 $0x80, s20  }
0x350: {  	_ =	sdelay $0x1  }
0x351: {  	v3 =	vadd.f32 v4, v3;
	_ =	sdelay $0x1  }
0x352: {  	[tilespmem:s19+$0x10380] =	vst v3  }
0x353: {  	v3 =	vld [tilespmem:s12+$0x4400]  }
0x354: {  	v63 =	vld [tilespmem:s12+$0x4380];
	_ =	sdelay $0x2  }
0x355: {  	s22 =	sand.u32 $0x7, s16  }
0x356: {  	s12 =	sshll.u32 s22, $0x4  }
0x357: {  	s23 =	simm.s32 $0x10;
	s18 =	simm.s32 $0x80;
	s12 =	sadd.s32 $0x0, s12;
	v3 =	vadd.f32 v3, v63  }
0x358: {  	s20 =	sand.u32 $0x3C00, s18;
	s19 =	sand.u32 $0x70, s23;
	s22 =	sor.u32 $0x380, s12  }
0x359: {  	s19 =	sor.u32 s19, s20;
	s12 =	simm.s32 $0x20;
	[tilespmem:s22+$0x10080] =	vst v3  }
.LBB2_80:
0x35a: {  	p0 =	sne.s32 s12, $0x7F0;
	v3 =	vld [tilespmem:s19+$0x4400]  }
0x35b: {  	v4 =	vld [tilespmem:s19+$0x4380];
	_ =	sdelay $0x1  }
0x35c: {  	s16 =	sadd.s32 $0x1, s16  }
.Ltmp39:
0x35d: {  	s19 =	sand.u32 $0x7, s16;
	(pc) =	sbr.rel @p0 .LBB2_80-.Ltmp39, $4  }
0x35e: {  	s19 =	sshll.u32 s19, $0x4  }
0x35f: {  	s19 =	sadd.s32 s19, s18;
	s18 =	sadd.s32 $0x80, s18;
	v3 =	vadd.f32 v3, v4  }
0x360: {  	s20 =	sand.u32 $0x70, s12;
	s22 =	sand.u32 $0x3C00, s18;
	s23 =	sor.u32 $0x380, s19  }
0x361: {  	s12 =	sadd.s32 $0x10, s12;
	s19 =	sor.u32 s20, s22;
	[tilespmem:s23+$0x10080] =	vst v3  }
0x362: {  	v3 =	vld [tilespmem:s19+$0x4400]  }
0x363: {  	v4 =	vld [tilespmem:s19+$0x4380];
	_ =	sdelay $0x1  }
0x364: {  	s12 =	sadd.s32 $0x1, s16  }
0x365: {  	s12 =	sand.u32 $0x7, s12  }
0x366: {  	s12 =	sshll.u32 s12, $0x4  }
0x367: {  	s12 =	sadd.s32 s12, s18;
	v3 =	vadd.f32 v3, v4  }
0x368: {  	s12 =	sor.u32 $0x380, s12  }
0x369: {  	s23 =	rddreg [dreg:$0x8];
	[tilespmem:s12+$0x10080] =	vst v3;
	s12 =	simm.s32 $0x0  }
0x36a: {  	[hbm4b:s23+s12] =	stream.linear.scatter [tilespmem:s13], [sflag:$0x3], $0x4000, $0x38;
	[tilespmem:$0x14080] =	vst v63  }
0x36b: {  	_ =	swait.ge [sflag:s21], $0x4000  }
0x36c: {  	[sflag:s21] =	ssyncset.done $0x0  }
0x36d: {  	[sflag:s21] =	ssyncadd.s32 $0xFFFFC000  }
0x36e: {  	_ =	swait.ge [sflag:s14], $0x8000  }
0x36f: {  	[sflag:s14] =	ssyncset.done $0x0  }
0x370: {  	[sflag:s14] =	ssyncadd.s32 $0xFFFF8000  }
0x371: {  	v3 =	vld [tilespmem:$0x60];
	_ =	sdelay $0x4  }
0x372: {  	v4 =	vshll.u32 v3, $0x4  }
0x373: {  	v3 =	vand.u32 $0x7, v3;
	v4 =	vand.u32 $0xFFFFFF80, v4  }
0x374: {  	v3 =	vor.u32 v3, v4  }
0x375: {  	v4 =	vperm.xlane v3, v0;
	_ =	sdelay $0x1  }
0x376: {  	v4 =	vadd.s32 v1, v4;
	_ =	sdelay $0x4  }
0x377: {  	[tilespmem:s24], [sflag:$0x1] =	stream.indirect_vreg.gather [hbm4b:s3+s12], $0x80, v4, vm0, $0xb8;
	[tilespmem:$0x14080] =	vst v63  }
0x378: {  	_ = 	snop  }
0x379: {  	[tilespmem:s25], [sflag:$0x1] =	stream.indirect_vreg.gather [hbm4b:s4+s12], $0x80, v4, vm0, $0xb8;
	[tilespmem:$0x14080] =	vst v63  }
0x37a: {  	s18 =	simm.s32 $0x1080  }
0x37b: {  	[tilespmem:s18], [sflag:$0x1] =	stream.indirect_vreg.gather [hbm4b:s5+s12], $0x80, v4, vm0, $0xb8;
	[tilespmem:$0x14080] =	vst v63  }
0x37c: {  	s19 =	simm.s32 $0x1880  }
0x37d: {  	[tilespmem:s19], [sflag:$0x1] =	stream.indirect_vreg.gather [hbm4b:s6+s12], $0x80, v4, vm0, $0xb8;
	[tilespmem:$0x14080] =	vst v63  }
0x37e: {  	s20 =	simm.s32 $0x2080  }
0x37f: {  	[tilespmem:s20], [sflag:$0x1] =	stream.indirect_vreg.gather [hbm4b:s7+s12], $0x80, v4, vm0, $0xb8;
	[tilespmem:$0x14080] =	vst v63  }
0x380: {  	s22 =	simm.s32 $0x2880;
	v3 =	vperm.xlane v3, v2  }
0x381: {  	[tilespmem:s22], [sflag:$0x1] =	stream.indirect_vreg.gather [hbm4b:s9+s12], $0x80, v4, vm0, $0xb8;
	[tilespmem:$0x14080] =	vst v63  }
0x382: {  	s23 =	simm.s32 $0x3080;
	v3 =	vadd.s32 v1, v3  }
0x383: {  	[tilespmem:s23], [sflag:$0x1] =	stream.indirect_vreg.gather [hbm4b:s10+s12], $0x80, v4, vm0, $0xb8;
	[tilespmem:$0x14080] =	vst v63  }
0x384: {  	s18 =	simm.s32 $0x3880  }
0x385: {  	[tilespmem:s18], [sflag:$0x1] =	stream.indirect_vreg.gather [hbm4b:s11+s12], $0x80, v4, vm0, $0xb8;
	[tilespmem:$0x14080] =	vst v63  }
0x386: {  	s19 =	simm.s32 $0x4080  }
0x387: {  	[tilespmem:s19], [sflag:$0x1] =	stream.indirect_vreg.gather [hbm4b:s3+s12], $0x80, v3, vm0, $0xb8;
	[tilespmem:$0x14080] =	vst v63  }
0x388: {  	s20 =	simm.s32 $0x4880  }
0x389: {  	[tilespmem:s20], [sflag:$0x1] =	stream.indirect_vreg.gather [hbm4b:s4+s12], $0x80, v3, vm0, $0xb8;
	[tilespmem:$0x14080] =	vst v63  }
0x38a: {  	s22 =	simm.s32 $0x5080  }
0x38b: {  	[tilespmem:s22], [sflag:$0x1] =	stream.indirect_vreg.gather [hbm4b:s5+s12], $0x80, v3, vm0, $0xb8;
	[tilespmem:$0x14080] =	vst v63  }
0x38c: {  	s23 =	simm.s32 $0x5880  }
0x38d: {  	[tilespmem:s23], [sflag:$0x1] =	stream.indirect_vreg.gather [hbm4b:s6+s12], $0x80, v3, vm0, $0xb8;
	[tilespmem:$0x14080] =	vst v63  }
0x38e: {  	s18 =	simm.s32 $0x6080  }
0x38f: {  	[tilespmem:s18], [sflag:$0x1] =	stream.indirect_vreg.gather [hbm4b:s7+s12], $0x80, v3, vm0, $0xb8;
	[tilespmem:$0x14080] =	vst v63  }
0x390: {  	s19 =	simm.s32 $0x6880  }
0x391: {  	[tilespmem:s19], [sflag:$0x1] =	stream.indirect_vreg.gather [hbm4b:s9+s12], $0x80, v3, vm0, $0xb8;
	[tilespmem:$0x14080] =	vst v63  }
0x392: {  	s20 =	simm.s32 $0x7080  }
0x393: {  	[tilespmem:s20], [sflag:$0x1] =	stream.indirect_vreg.gather [hbm4b:s10+s12], $0x80, v3, vm0, $0xb8;
	[tilespmem:$0x14080] =	vst v63  }
0x394: {  	s22 =	simm.s32 $0x7880  }
0x395: {  	[tilespmem:s22], [sflag:$0x1] =	stream.indirect_vreg.gather [hbm4b:s11+s12], $0x80, v3, vm0, $0xb8;
	[tilespmem:$0x14080] =	vst v63  }
0x396: {  	s23 =	sand.u32 $0x70, s12;
	s12 =	sand.u32 $0x3C00, s12  }
0x397: {  	s16 =	sor.u32 s23, s12  }
0x398: {  	v3 =	vld [tilespmem:s16+$0x8080]  }
0x399: {  	v4 =	vld [tilespmem:s16+$0x8100];
	_ =	sdelay $0x1  }
0x39a: {  	s19 =	simm.s32 $0x80;
	s12 =	simm.s32 $0x10;
	s18 =	smov.u32 s16  }
.LBB2_82:
0x39b: {  	s20 =	sand.u32 $0x70, s12;
	s22 =	sand.u32 $0x3C00, s19;
	p0 =	sne.s32 s12, $0x7F0  }
.Ltmp40:
0x39c: {  	s12 =	sadd.s32 $0x10, s12;
	s20 =	sor.u32 s20, s22;
	(pc) =	sbr.rel @p0 .LBB2_82-.Ltmp40, $4  }
0x39d: {  	v5 =	vadd.f32 v4, v3;
	v3 =	vld [tilespmem:s20+$0x8080]  }
0x39e: {  	v4 =	vld [tilespmem:s20+$0x8100]  }
0x39f: {  	[tilespmem:s18+$0x10080] =	vst v5;
	s18 =	smov.u32 s20  }
0x3a0: {  	s19 =	sadd.s32 $0x80, s19  }
0x3a1: {  	_ =	sdelay $0x1  }
0x3a2: {  	v3 =	vadd.f32 v4, v3;
	_ =	sdelay $0x1  }
0x3a3: {  	[tilespmem:s18+$0x10080] =	vst v3  }
0x3a4: {  	v3 =	vld [tilespmem:s16+$0x8180]  }
0x3a5: {  	v4 =	vld [tilespmem:s16+$0x8200];
	_ =	sdelay $0x1  }
0x3a6: {  	s12 =	simm.s32 $0x10;
	s18 =	simm.s32 $0x80  }
.LBB2_84:
0x3a7: {  	s19 =	sand.u32 $0x70, s12;
	s20 =	sand.u32 $0x3C00, s18;
	p0 =	sne.s32 s12, $0x7F0  }
.Ltmp41:
0x3a8: {  	s12 =	sadd.s32 $0x10, s12;
	s19 =	sor.u32 s19, s20;
	(pc) =	sbr.rel @p0 .LBB2_84-.Ltmp41, $4  }
0x3a9: {  	v5 =	vadd.f32 v4, v3;
	v3 =	vld [tilespmem:s19+$0x8180]  }
0x3aa: {  	v4 =	vld [tilespmem:s19+$0x8200]  }
0x3ab: {  	[tilespmem:s16+$0x10100] =	vst v5;
	s16 =	smov.u32 s19  }
0x3ac: {  	s18 =	sadd.s32 $0x80, s18  }
0x3ad: {  	_ =	sdelay $0x1  }
0x3ae: {  	s12 =	simm.s32 $0x0;
	v3 =	vadd.f32 v4, v3  }
0x3af: {  	s18 =	sand.u32 $0x70, s12;
	s19 =	sand.u32 $0x3C00, s12  }
0x3b0: {  	[tilespmem:s16+$0x10100] =	vst v3;
	s16 =	sor.u32 s18, s19  }
0x3b1: {  	v3 =	vld [tilespmem:s16+$0x8280]  }
0x3b2: {  	v4 =	vld [tilespmem:s16+$0x8300];
	_ =	sdelay $0x1  }
0x3b3: {  	s20 =	simm.s32 $0x80;
	s19 =	simm.s32 $0x10;
	s18 =	smov.u32 s16  }
.LBB2_86:
0x3b4: {  	s22 =	sand.u32 $0x70, s19;
	s23 =	sand.u32 $0x3C00, s20;
	p0 =	sne.s32 s19, $0x7F0  }
.Ltmp42:
0x3b5: {  	s19 =	sadd.s32 $0x10, s19;
	s22 =	sor.u32 s22, s23;
	(pc) =	sbr.rel @p0 .LBB2_86-.Ltmp42, $4  }
0x3b6: {  	v5 =	vadd.f32 v4, v3;
	v3 =	vld [tilespmem:s22+$0x8280]  }
0x3b7: {  	v4 =	vld [tilespmem:s22+$0x8300]  }
0x3b8: {  	[tilespmem:s18+$0x10180] =	vst v5;
	s18 =	smov.u32 s22  }
0x3b9: {  	s20 =	sadd.s32 $0x80, s20  }
0x3ba: {  	_ =	sdelay $0x1  }
0x3bb: {  	s12 =	sand.u32 $0x7, s12;
	v3 =	vadd.f32 v4, v3  }
0x3bc: {  	s12 =	sshll.u32 s12, $0x4  }
0x3bd: {  	s12 =	sadd.s32 $0x0, s12;
	[tilespmem:s18+$0x10180] =	vst v3  }
0x3be: {  	s20 =	sor.u32 $0x380, s12;
	v3 =	vld [tilespmem:s16+$0x8380]  }
0x3bf: {  	v4 =	vld [tilespmem:s20+$0x8080];
	_ =	sdelay $0x2  }
0x3c0: {  	s19 =	simm.s32 $0x10;
	s12 =	simm.s32 $0x1;
	s18 =	simm.s32 $0x80  }
0x3c1: {  	s22 =	sand.u32 $0x7, s12;
	s20 =	sand.u32 $0x70, s19;
	s19 =	simm.s32 $0x20  }
.LBB2_88:
0x3c2: {  	p0 =	sne.s32 s19, $0x7F0;
	s22 =	sshll.u32 s22, $0x4;
	s23 =	sand.u32 $0x3C00, s18;
	v4 =	vadd.f32 v4, v3  }
0x3c3: {  	s22 =	sadd.s32 s22, s18;
	s20 =	sor.u32 s20, s23  }
0x3c4: {  	v3 =	vld [tilespmem:s20+$0x8380];
	s22 =	sor.u32 $0x380, s22;
	[tilespmem:s16+$0x10200] =	vst v4;
	s16 =	smov.u32 s20  }
.Ltmp43:
0x3c5: {  	v4 =	vld [tilespmem:s22+$0x8080];
	(pc) =	sbr.rel @p0 .LBB2_88-.Ltmp43, $3  }
0x3c6: {  	_ =	sdelay $0x1  }
0x3c7: {  	s12 =	sadd.s32 $0x1, s12;
	s18 =	sadd.s32 $0x80, s18  }
0x3c8: {  	s20 =	sand.u32 $0x70, s19;
	s19 =	sadd.s32 $0x10, s19;
	s22 =	sand.u32 $0x7, s12  }
0x3c9: {  	s12 =	sand.u32 $0x3C00, s18;
	s19 =	sshll.u32 s22, $0x4;
	v3 =	vadd.f32 v4, v3  }
0x3ca: {  	s12 =	sor.u32 s20, s12;
	s20 =	sadd.s32 s19, s18  }
0x3cb: {  	v4 =	vld [tilespmem:s12+$0x8380];
	s18 =	sor.u32 $0x380, s20;
	[tilespmem:s16+$0x10200] =	vst v3  }
0x3cc: {  	v3 =	vld [tilespmem:s18+$0x8080];
	_ =	sdelay $0x4  }
0x3cd: {  	s22 =	simm.s32 $0x0;
	v3 =	vadd.f32 v3, v4  }
0x3ce: {  	s23 =	sand.u32 $0x70, s22;
	s16 =	sand.u32 $0x3C00, s22  }
0x3cf: {  	s18 =	sor.u32 s23, s16;
	[tilespmem:s12+$0x10200] =	vst v3  }
0x3d0: {  	v3 =	vld [tilespmem:s18+$0xC080]  }
0x3d1: {  	v4 =	vld [tilespmem:s18+$0xC100];
	_ =	sdelay $0x1  }
0x3d2: {  	s19 =	simm.s32 $0x80;
	s16 =	smov.u32 s18;
	s12 =	simm.s32 $0x10  }
.LBB2_90:
0x3d3: {  	s20 =	sand.u32 $0x70, s12;
	s22 =	sand.u32 $0x3C00, s19;
	p0 =	sne.s32 s12, $0x7F0  }
.Ltmp44:
0x3d4: {  	s12 =	sadd.s32 $0x10, s12;
	s20 =	sor.u32 s20, s22;
	(pc) =	sbr.rel @p0 .LBB2_90-.Ltmp44, $4  }
0x3d5: {  	v5 =	vadd.f32 v4, v3;
	v3 =	vld [tilespmem:s20+$0xC080]  }
0x3d6: {  	v4 =	vld [tilespmem:s20+$0xC100]  }
0x3d7: {  	[tilespmem:s16+$0x10280] =	vst v5;
	s16 =	smov.u32 s20  }
0x3d8: {  	s19 =	sadd.s32 $0x80, s19  }
0x3d9: {  	_ =	sdelay $0x1  }
0x3da: {  	v3 =	vadd.f32 v4, v3;
	_ =	sdelay $0x1  }
0x3db: {  	[tilespmem:s16+$0x10280] =	vst v3  }
0x3dc: {  	v3 =	vld [tilespmem:s18+$0xC180]  }
0x3dd: {  	v4 =	vld [tilespmem:s18+$0xC200];
	_ =	sdelay $0x1  }
0x3de: {  	s12 =	simm.s32 $0x10;
	s16 =	simm.s32 $0x80  }
.LBB2_92:
0x3df: {  	s19 =	sand.u32 $0x70, s12;
	s20 =	sand.u32 $0x3C00, s16;
	p0 =	sne.s32 s12, $0x7F0  }
.Ltmp45:
0x3e0: {  	s12 =	sadd.s32 $0x10, s12;
	s19 =	sor.u32 s19, s20;
	(pc) =	sbr.rel @p0 .LBB2_92-.Ltmp45, $4  }
0x3e1: {  	v5 =	vadd.f32 v4, v3;
	v3 =	vld [tilespmem:s19+$0xC180]  }
0x3e2: {  	v4 =	vld [tilespmem:s19+$0xC200]  }
0x3e3: {  	[tilespmem:s18+$0x10300] =	vst v5;
	s18 =	smov.u32 s19  }
0x3e4: {  	s16 =	sadd.s32 $0x80, s16  }
0x3e5: {  	_ =	sdelay $0x1  }
0x3e6: {  	s16 =	simm.s32 $0x0;
	v3 =	vadd.f32 v4, v3  }
0x3e7: {  	s12 =	sand.u32 $0x70, s16;
	s19 =	sand.u32 $0x3C00, s16  }
0x3e8: {  	s12 =	sor.u32 s12, s19;
	[tilespmem:s18+$0x10300] =	vst v3  }
0x3e9: {  	v3 =	vld [tilespmem:s12+$0xC280]  }
0x3ea: {  	v4 =	vld [tilespmem:s12+$0xC300];
	_ =	sdelay $0x1  }
0x3eb: {  	s20 =	simm.s32 $0x80;
	s19 =	smov.u32 s12;
	s18 =	simm.s32 $0x10  }
.LBB2_94:
0x3ec: {  	s22 =	sand.u32 $0x70, s18;
	s23 =	sand.u32 $0x3C00, s20;
	p0 =	sne.s32 s18, $0x7F0  }
.Ltmp46:
0x3ed: {  	s18 =	sadd.s32 $0x10, s18;
	s22 =	sor.u32 s22, s23;
	(pc) =	sbr.rel @p0 .LBB2_94-.Ltmp46, $4  }
0x3ee: {  	v5 =	vadd.f32 v4, v3;
	v3 =	vld [tilespmem:s22+$0xC280]  }
0x3ef: {  	v4 =	vld [tilespmem:s22+$0xC300]  }
0x3f0: {  	[tilespmem:s19+$0x10380] =	vst v5;
	s19 =	smov.u32 s22  }
0x3f1: {  	s20 =	sadd.s32 $0x80, s20  }
0x3f2: {  	_ =	sdelay $0x1  }
0x3f3: {  	v3 =	vadd.f32 v4, v3;
	_ =	sdelay $0x1  }
0x3f4: {  	[tilespmem:s19+$0x10380] =	vst v3  }
0x3f5: {  	v3 =	vld [tilespmem:s12+$0xC400]  }
0x3f6: {  	v63 =	vld [tilespmem:s12+$0xC380];
	_ =	sdelay $0x2  }
0x3f7: {  	s22 =	sand.u32 $0x7, s16  }
0x3f8: {  	s12 =	sshll.u32 s22, $0x4  }
0x3f9: {  	s23 =	simm.s32 $0x10;
	s18 =	simm.s32 $0x80;
	s12 =	sadd.s32 $0x0, s12;
	v3 =	vadd.f32 v3, v63  }
0x3fa: {  	s20 =	sand.u32 $0x3C00, s18;
	s19 =	sand.u32 $0x70, s23;
	s22 =	sor.u32 $0x380, s12  }
0x3fb: {  	s19 =	sor.u32 s19, s20;
	s12 =	simm.s32 $0x20;
	[tilespmem:s22+$0x10080] =	vst v3  }
.LBB2_96:
0x3fc: {  	p0 =	sne.s32 s12, $0x7F0;
	v3 =	vld [tilespmem:s19+$0xC400]  }
0x3fd: {  	v4 =	vld [tilespmem:s19+$0xC380];
	_ =	sdelay $0x1  }
0x3fe: {  	s16 =	sadd.s32 $0x1, s16  }
.Ltmp47:
0x3ff: {  	s19 =	sand.u32 $0x7, s16;
	(pc) =	sbr.rel @p0 .LBB2_96-.Ltmp47, $4  }
0x400: {  	s19 =	sshll.u32 s19, $0x4  }
0x401: {  	s19 =	sadd.s32 s19, s18;
	s18 =	sadd.s32 $0x80, s18;
	v3 =	vadd.f32 v3, v4  }
0x402: {  	s20 =	sand.u32 $0x70, s12;
	s22 =	sand.u32 $0x3C00, s18;
	s23 =	sor.u32 $0x380, s19  }
0x403: {  	s12 =	sadd.s32 $0x10, s12;
	s19 =	sor.u32 s20, s22;
	[tilespmem:s23+$0x10080] =	vst v3  }
0x404: {  	v3 =	vld [tilespmem:s19+$0xC400]  }
0x405: {  	v4 =	vld [tilespmem:s19+$0xC380];
	_ =	sdelay $0x1  }
0x406: {  	s12 =	sadd.s32 $0x1, s16  }
0x407: {  	s12 =	sand.u32 $0x7, s12  }
0x408: {  	s12 =	sshll.u32 s12, $0x4  }
0x409: {  	s12 =	sadd.s32 s12, s18;
	v3 =	vadd.f32 v3, v4  }
0x40a: {  	s12 =	sor.u32 $0x380, s12  }
0x40b: {  	s18 =	rddreg [dreg:$0x9];
	[tilespmem:s12+$0x10080] =	vst v3;
	s12 =	simm.s32 $0x0  }
0x40c: {  	[hbm4b:s18+s12] =	stream.linear.scatter [tilespmem:s13], [sflag:$0x3], $0x4000, $0x38;
	[tilespmem:$0x14080] =	vst v63  }
0x40d: {  	_ =	swait.ge [sflag:s21], $0x4000  }
0x40e: {  	[sflag:s21] =	ssyncset.done $0x0  }
0x40f: {  	[sflag:s21] =	ssyncadd.s32 $0xFFFFC000  }
0x410: {  	_ =	swait.ge [sflag:s17], $0x8000  }
0x411: {  	[sflag:s17] =	ssyncset.done $0x0  }
0x412: {  	[sflag:s17] =	ssyncadd.s32 $0xFFFF8000  }
0x413: {  	v3 =	vld [tilespmem:$0x70];
	_ =	sdelay $0x4  }
0x414: {  	v4 =	vshll.u32 v3, $0x4  }
0x415: {  	v3 =	vand.u32 $0x7, v3;
	v4 =	vand.u32 $0xFFFFFF80, v4  }
0x416: {  	v3 =	vor.u32 v3, v4  }
0x417: {  	v4 =	vperm.xlane v3, v0;
	_ =	sdelay $0x1  }
0x418: {  	v4 =	vadd.s32 v1, v4;
	_ =	sdelay $0x3  }
0x419: {  	s19 =	simm.s32 $0x8080  }
0x41a: {  	[tilespmem:s19], [sflag:$0x2] =	stream.indirect_vreg.gather [hbm4b:s3+s12], $0x80, v4, vm0, $0xb8;
	[tilespmem:$0x14080] =	vst v63  }
0x41b: {  	s20 =	simm.s32 $0x8880  }
0x41c: {  	[tilespmem:s20], [sflag:$0x2] =	stream.indirect_vreg.gather [hbm4b:s4+s12], $0x80, v4, vm0, $0xb8;
	[tilespmem:$0x14080] =	vst v63  }
0x41d: {  	s22 =	simm.s32 $0x9080  }
0x41e: {  	[tilespmem:s22], [sflag:$0x2] =	stream.indirect_vreg.gather [hbm4b:s5+s12], $0x80, v4, vm0, $0xb8;
	[tilespmem:$0x14080] =	vst v63  }
0x41f: {  	s23 =	simm.s32 $0x9880  }
0x420: {  	[tilespmem:s23], [sflag:$0x2] =	stream.indirect_vreg.gather [hbm4b:s6+s12], $0x80, v4, vm0, $0xb8;
	[tilespmem:$0x14080] =	vst v63  }
0x421: {  	s18 =	simm.s32 $0xA080  }
0x422: {  	[tilespmem:s18], [sflag:$0x2] =	stream.indirect_vreg.gather [hbm4b:s7+s12], $0x80, v4, vm0, $0xb8;
	[tilespmem:$0x14080] =	vst v63  }
0x423: {  	v3 =	vperm.xlane v3, v2;
	s19 =	simm.s32 $0xA880  }
0x424: {  	[tilespmem:s19], [sflag:$0x2] =	stream.indirect_vreg.gather [hbm4b:s9+s12], $0x80, v4, vm0, $0xb8;
	[tilespmem:$0x14080] =	vst v63  }
0x425: {  	v3 =	vadd.s32 v1, v3;
	s20 =	simm.s32 $0xB080  }
0x426: {  	[tilespmem:s20], [sflag:$0x2] =	stream.indirect_vreg.gather [hbm4b:s10+s12], $0x80, v4, vm0, $0xb8;
	[tilespmem:$0x14080] =	vst v63  }
0x427: {  	s22 =	simm.s32 $0xB880  }
0x428: {  	[tilespmem:s22], [sflag:$0x2] =	stream.indirect_vreg.gather [hbm4b:s11+s12], $0x80, v4, vm0, $0xb8;
	[tilespmem:$0x14080] =	vst v63  }
0x429: {  	_ = 	snop  }
0x42a: {  	[tilespmem:s26], [sflag:$0x2] =	stream.indirect_vreg.gather [hbm4b:s3+s12], $0x80, v3, vm0, $0xb8;
	[tilespmem:$0x14080] =	vst v63  }
0x42b: {  	_ = 	snop  }
0x42c: {  	[tilespmem:s28], [sflag:$0x2] =	stream.indirect_vreg.gather [hbm4b:s4+s12], $0x80, v3, vm0, $0xb8;
	[tilespmem:$0x14080] =	vst v63  }
0x42d: {  	_ = 	snop  }
0x42e: {  	[tilespmem:s29], [sflag:$0x2] =	stream.indirect_vreg.gather [hbm4b:s5+s12], $0x80, v3, vm0, $0xb8;
	[tilespmem:$0x14080] =	vst v63  }
0x42f: {  	_ = 	snop  }
0x430: {  	[tilespmem:s30], [sflag:$0x2] =	stream.indirect_vreg.gather [hbm4b:s6+s12], $0x80, v3, vm0, $0xb8;
	[tilespmem:$0x14080] =	vst v63  }
0x431: {  	_ = 	snop  }
0x432: {  	[tilespmem:s31], [sflag:$0x2] =	stream.indirect_vreg.gather [hbm4b:s7+s12], $0x80, v3, vm0, $0xb8;
	[tilespmem:$0x14080] =	vst v63  }
0x433: {  	_ = 	snop  }
0x434: {  	[tilespmem:s0], [sflag:$0x2] =	stream.indirect_vreg.gather [hbm4b:s9+s12], $0x80, v3, vm0, $0xb8;
	[tilespmem:$0x14080] =	vst v63  }
0x435: {  	_ = 	snop  }
0x436: {  	[tilespmem:s1], [sflag:$0x2] =	stream.indirect_vreg.gather [hbm4b:s10+s12], $0x80, v3, vm0, $0xb8;
	[tilespmem:$0x14080] =	vst v63  }
0x437: {  	_ = 	snop  }
0x438: {  	[tilespmem:s8], [sflag:$0x2] =	stream.indirect_vreg.gather [hbm4b:s11+s12], $0x80, v3, vm0, $0xb8;
	[tilespmem:$0x14080] =	vst v63  }
0x439: {  	s23 =	sand.u32 $0x70, s12;
	s12 =	sand.u32 $0x3C00, s12  }
0x43a: {  	s16 =	sor.u32 s23, s12  }
0x43b: {  	v3 =	vld [tilespmem:s16+$0x80]  }
0x43c: {  	v4 =	vld [tilespmem:s16+$0x100];
	_ =	sdelay $0x1  }
0x43d: {  	s19 =	simm.s32 $0x80;
	s12 =	simm.s32 $0x10;
	s18 =	smov.u32 s16  }
.LBB2_98:
0x43e: {  	s20 =	sand.u32 $0x70, s12;
	s22 =	sand.u32 $0x3C00, s19;
	p0 =	sne.s32 s12, $0x7F0  }
.Ltmp48:
0x43f: {  	s12 =	sadd.s32 $0x10, s12;
	s20 =	sor.u32 s20, s22;
	(pc) =	sbr.rel @p0 .LBB2_98-.Ltmp48, $4  }
0x440: {  	v5 =	vadd.f32 v4, v3;
	v3 =	vld [tilespmem:s20+$0x80]  }
0x441: {  	v4 =	vld [tilespmem:s20+$0x100]  }
0x442: {  	[tilespmem:s18+$0x10080] =	vst v5;
	s18 =	smov.u32 s20  }
0x443: {  	s19 =	sadd.s32 $0x80, s19  }
0x444: {  	_ =	sdelay $0x1  }
0x445: {  	v3 =	vadd.f32 v4, v3;
	_ =	sdelay $0x1  }
0x446: {  	[tilespmem:s18+$0x10080] =	vst v3  }
0x447: {  	v3 =	vld [tilespmem:s16+$0x180]  }
0x448: {  	v4 =	vld [tilespmem:s16+$0x200];
	_ =	sdelay $0x1  }
0x449: {  	s12 =	simm.s32 $0x10;
	s18 =	simm.s32 $0x80  }
.LBB2_100:
0x44a: {  	s19 =	sand.u32 $0x70, s12;
	s20 =	sand.u32 $0x3C00, s18;
	p0 =	sne.s32 s12, $0x7F0  }
.Ltmp49:
0x44b: {  	s12 =	sadd.s32 $0x10, s12;
	s19 =	sor.u32 s19, s20;
	(pc) =	sbr.rel @p0 .LBB2_100-.Ltmp49, $4  }
0x44c: {  	v5 =	vadd.f32 v4, v3;
	v3 =	vld [tilespmem:s19+$0x180]  }
0x44d: {  	v4 =	vld [tilespmem:s19+$0x200]  }
0x44e: {  	[tilespmem:s16+$0x10100] =	vst v5;
	s16 =	smov.u32 s19  }
0x44f: {  	s18 =	sadd.s32 $0x80, s18  }
0x450: {  	_ =	sdelay $0x1  }
0x451: {  	s12 =	simm.s32 $0x0;
	v3 =	vadd.f32 v4, v3  }
0x452: {  	s18 =	sand.u32 $0x70, s12;
	s19 =	sand.u32 $0x3C00, s12  }
0x453: {  	[tilespmem:s16+$0x10100] =	vst v3;
	s16 =	sor.u32 s18, s19  }
0x454: {  	v3 =	vld [tilespmem:s16+$0x280]  }
0x455: {  	v4 =	vld [tilespmem:s16+$0x300];
	_ =	sdelay $0x1  }
0x456: {  	s20 =	simm.s32 $0x80;
	s19 =	simm.s32 $0x10;
	s18 =	smov.u32 s16  }
.LBB2_102:
0x457: {  	s22 =	sand.u32 $0x70, s19;
	s23 =	sand.u32 $0x3C00, s20;
	p0 =	sne.s32 s19, $0x7F0  }
.Ltmp50:
0x458: {  	s19 =	sadd.s32 $0x10, s19;
	s22 =	sor.u32 s22, s23;
	(pc) =	sbr.rel @p0 .LBB2_102-.Ltmp50, $4  }
0x459: {  	v5 =	vadd.f32 v4, v3;
	v3 =	vld [tilespmem:s22+$0x280]  }
0x45a: {  	v4 =	vld [tilespmem:s22+$0x300]  }
0x45b: {  	[tilespmem:s18+$0x10180] =	vst v5;
	s18 =	smov.u32 s22  }
0x45c: {  	s20 =	sadd.s32 $0x80, s20  }
0x45d: {  	_ =	sdelay $0x1  }
0x45e: {  	s12 =	sand.u32 $0x7, s12;
	v3 =	vadd.f32 v4, v3  }
0x45f: {  	s12 =	sshll.u32 s12, $0x4  }
0x460: {  	s12 =	sadd.s32 $0x0, s12;
	[tilespmem:s18+$0x10180] =	vst v3  }
0x461: {  	s20 =	sor.u32 $0x380, s12;
	v3 =	vld [tilespmem:s16+$0x380]  }
0x462: {  	v4 =	vld [tilespmem:s20+$0x80];
	_ =	sdelay $0x2  }
0x463: {  	s19 =	simm.s32 $0x10;
	s12 =	simm.s32 $0x1;
	s18 =	simm.s32 $0x80  }
0x464: {  	s22 =	sand.u32 $0x7, s12;
	s20 =	sand.u32 $0x70, s19;
	s19 =	simm.s32 $0x20  }
.LBB2_104:
0x465: {  	p0 =	sne.s32 s19, $0x7F0;
	s22 =	sshll.u32 s22, $0x4;
	s23 =	sand.u32 $0x3C00, s18;
	v4 =	vadd.f32 v4, v3  }
0x466: {  	s22 =	sadd.s32 s22, s18;
	s20 =	sor.u32 s20, s23  }
0x467: {  	v3 =	vld [tilespmem:s20+$0x380];
	s22 =	sor.u32 $0x380, s22;
	[tilespmem:s16+$0x10200] =	vst v4;
	s16 =	smov.u32 s20  }
.Ltmp51:
0x468: {  	v4 =	vld [tilespmem:s22+$0x80];
	(pc) =	sbr.rel @p0 .LBB2_104-.Ltmp51, $3  }
0x469: {  	_ =	sdelay $0x1  }
0x46a: {  	s12 =	sadd.s32 $0x1, s12;
	s18 =	sadd.s32 $0x80, s18  }
0x46b: {  	s20 =	sand.u32 $0x70, s19;
	s19 =	sadd.s32 $0x10, s19;
	s22 =	sand.u32 $0x7, s12  }
0x46c: {  	s12 =	sand.u32 $0x3C00, s18;
	s19 =	sshll.u32 s22, $0x4;
	v3 =	vadd.f32 v4, v3  }
0x46d: {  	s12 =	sor.u32 s20, s12;
	s20 =	sadd.s32 s19, s18  }
0x46e: {  	v4 =	vld [tilespmem:s12+$0x380];
	s18 =	sor.u32 $0x380, s20;
	[tilespmem:s16+$0x10200] =	vst v3  }
0x46f: {  	v3 =	vld [tilespmem:s18+$0x80];
	_ =	sdelay $0x4  }
0x470: {  	s22 =	simm.s32 $0x0;
	v3 =	vadd.f32 v3, v4  }
0x471: {  	s23 =	sand.u32 $0x70, s22;
	s16 =	sand.u32 $0x3C00, s22  }
0x472: {  	s18 =	sor.u32 s23, s16;
	[tilespmem:s12+$0x10200] =	vst v3  }
0x473: {  	v3 =	vld [tilespmem:s18+$0x4080]  }
0x474: {  	v4 =	vld [tilespmem:s18+$0x4100];
	_ =	sdelay $0x1  }
0x475: {  	s19 =	simm.s32 $0x80;
	s16 =	smov.u32 s18;
	s12 =	simm.s32 $0x10  }
.LBB2_106:
0x476: {  	s20 =	sand.u32 $0x70, s12;
	s22 =	sand.u32 $0x3C00, s19;
	p0 =	sne.s32 s12, $0x7F0  }
.Ltmp52:
0x477: {  	s12 =	sadd.s32 $0x10, s12;
	s20 =	sor.u32 s20, s22;
	(pc) =	sbr.rel @p0 .LBB2_106-.Ltmp52, $4  }
0x478: {  	v5 =	vadd.f32 v4, v3;
	v3 =	vld [tilespmem:s20+$0x4080]  }
0x479: {  	v4 =	vld [tilespmem:s20+$0x4100]  }
0x47a: {  	[tilespmem:s16+$0x10280] =	vst v5;
	s16 =	smov.u32 s20  }
0x47b: {  	s19 =	sadd.s32 $0x80, s19  }
0x47c: {  	_ =	sdelay $0x1  }
0x47d: {  	v3 =	vadd.f32 v4, v3;
	_ =	sdelay $0x1  }
0x47e: {  	[tilespmem:s16+$0x10280] =	vst v3  }
0x47f: {  	v3 =	vld [tilespmem:s18+$0x4180]  }
0x480: {  	v4 =	vld [tilespmem:s18+$0x4200];
	_ =	sdelay $0x1  }
0x481: {  	s12 =	simm.s32 $0x10;
	s16 =	simm.s32 $0x80  }
.LBB2_108:
0x482: {  	s19 =	sand.u32 $0x70, s12;
	s20 =	sand.u32 $0x3C00, s16;
	p0 =	sne.s32 s12, $0x7F0  }
.Ltmp53:
0x483: {  	s12 =	sadd.s32 $0x10, s12;
	s19 =	sor.u32 s19, s20;
	(pc) =	sbr.rel @p0 .LBB2_108-.Ltmp53, $4  }
0x484: {  	v5 =	vadd.f32 v4, v3;
	v3 =	vld [tilespmem:s19+$0x4180]  }
0x485: {  	v4 =	vld [tilespmem:s19+$0x4200]  }
0x486: {  	[tilespmem:s18+$0x10300] =	vst v5;
	s18 =	smov.u32 s19  }
0x487: {  	s16 =	sadd.s32 $0x80, s16  }
0x488: {  	_ =	sdelay $0x1  }
0x489: {  	s16 =	simm.s32 $0x0;
	v3 =	vadd.f32 v4, v3  }
0x48a: {  	s12 =	sand.u32 $0x70, s16;
	s19 =	sand.u32 $0x3C00, s16  }
0x48b: {  	s12 =	sor.u32 s12, s19;
	[tilespmem:s18+$0x10300] =	vst v3  }
0x48c: {  	v3 =	vld [tilespmem:s12+$0x4280]  }
0x48d: {  	v4 =	vld [tilespmem:s12+$0x4300];
	_ =	sdelay $0x1  }
0x48e: {  	s20 =	simm.s32 $0x80;
	s19 =	smov.u32 s12;
	s18 =	simm.s32 $0x10  }
.LBB2_110:
0x48f: {  	s22 =	sand.u32 $0x70, s18;
	s23 =	sand.u32 $0x3C00, s20;
	p0 =	sne.s32 s18, $0x7F0  }
.Ltmp54:
0x490: {  	s18 =	sadd.s32 $0x10, s18;
	s22 =	sor.u32 s22, s23;
	(pc) =	sbr.rel @p0 .LBB2_110-.Ltmp54, $4  }
0x491: {  	v5 =	vadd.f32 v4, v3;
	v3 =	vld [tilespmem:s22+$0x4280]  }
0x492: {  	v4 =	vld [tilespmem:s22+$0x4300]  }
0x493: {  	[tilespmem:s19+$0x10380] =	vst v5;
	s19 =	smov.u32 s22  }
0x494: {  	s20 =	sadd.s32 $0x80, s20  }
0x495: {  	_ =	sdelay $0x1  }
0x496: {  	v3 =	vadd.f32 v4, v3;
	_ =	sdelay $0x1  }
0x497: {  	[tilespmem:s19+$0x10380] =	vst v3  }
0x498: {  	v3 =	vld [tilespmem:s12+$0x4400]  }
0x499: {  	v63 =	vld [tilespmem:s12+$0x4380];
	_ =	sdelay $0x2  }
0x49a: {  	s22 =	sand.u32 $0x7, s16  }
0x49b: {  	s12 =	sshll.u32 s22, $0x4  }
0x49c: {  	s23 =	simm.s32 $0x10;
	s18 =	simm.s32 $0x80;
	s12 =	sadd.s32 $0x0, s12;
	v3 =	vadd.f32 v3, v63  }
0x49d: {  	s20 =	sand.u32 $0x3C00, s18;
	s19 =	sand.u32 $0x70, s23;
	s22 =	sor.u32 $0x380, s12  }
0x49e: {  	s19 =	sor.u32 s19, s20;
	s12 =	simm.s32 $0x20;
	[tilespmem:s22+$0x10080] =	vst v3  }
.LBB2_112:
0x49f: {  	p0 =	sne.s32 s12, $0x7F0;
	v3 =	vld [tilespmem:s19+$0x4400]  }
0x4a0: {  	v4 =	vld [tilespmem:s19+$0x4380];
	_ =	sdelay $0x1  }
0x4a1: {  	s16 =	sadd.s32 $0x1, s16  }
.Ltmp55:
0x4a2: {  	s19 =	sand.u32 $0x7, s16;
	(pc) =	sbr.rel @p0 .LBB2_112-.Ltmp55, $4  }
0x4a3: {  	s19 =	sshll.u32 s19, $0x4  }
0x4a4: {  	s19 =	sadd.s32 s19, s18;
	s18 =	sadd.s32 $0x80, s18;
	v3 =	vadd.f32 v3, v4  }
0x4a5: {  	s20 =	sand.u32 $0x70, s12;
	s22 =	sand.u32 $0x3C00, s18;
	s23 =	sor.u32 $0x380, s19  }
0x4a6: {  	s12 =	sadd.s32 $0x10, s12;
	s19 =	sor.u32 s20, s22;
	[tilespmem:s23+$0x10080] =	vst v3  }
0x4a7: {  	v3 =	vld [tilespmem:s19+$0x4400]  }
0x4a8: {  	v4 =	vld [tilespmem:s19+$0x4380];
	_ =	sdelay $0x1  }
0x4a9: {  	s12 =	sadd.s32 $0x1, s16  }
0x4aa: {  	s12 =	sand.u32 $0x7, s12  }
0x4ab: {  	s12 =	sshll.u32 s12, $0x4  }
0x4ac: {  	s12 =	sadd.s32 s12, s18;
	v3 =	vadd.f32 v3, v4  }
0x4ad: {  	s12 =	sor.u32 $0x380, s12  }
0x4ae: {  	s20 =	simm.s32 $0x0;
	s22 =	rddreg [dreg:$0xa];
	[tilespmem:s12+$0x10080] =	vst v3  }
0x4af: {  	[hbm4b:s22+s20] =	stream.linear.scatter [tilespmem:s13], [sflag:$0x3], $0x4000, $0x38;
	[tilespmem:$0x14080] =	vst v63  }
0x4b0: {  	_ =	swait.ge [sflag:s21], $0x4000  }
0x4b1: {  	[sflag:s21] =	ssyncset.done $0x0  }
0x4b2: {  	[sflag:s21] =	ssyncadd.s32 $0xFFFFC000  }
0x4b3: {  	_ =	swait.ge [sflag:s14], $0x8000  }
0x4b4: {  	s23 =	sand.u32 $0x70, s20;
	s12 =	sand.u32 $0x3C00, s20;
	[sflag:s14] =	ssyncset.done $0x0  }
0x4b5: {  	s16 =	sor.u32 s23, s12;
	[sflag:s14] =	ssyncadd.s32 $0xFFFF8000  }
0x4b6: {  	v3 =	vld [tilespmem:s16+$0x8080]  }
0x4b7: {  	v4 =	vld [tilespmem:s16+$0x8100];
	_ =	sdelay $0x1  }
0x4b8: {  	s19 =	simm.s32 $0x80;
	s12 =	simm.s32 $0x10;
	s18 =	smov.u32 s16  }
.LBB2_114:
0x4b9: {  	s20 =	sand.u32 $0x70, s12;
	s22 =	sand.u32 $0x3C00, s19;
	p0 =	sne.s32 s12, $0x7F0  }
.Ltmp56:
0x4ba: {  	s12 =	sadd.s32 $0x10, s12;
	s20 =	sor.u32 s20, s22;
	(pc) =	sbr.rel @p0 .LBB2_114-.Ltmp56, $4  }
0x4bb: {  	v5 =	vadd.f32 v4, v3;
	v3 =	vld [tilespmem:s20+$0x8080]  }
0x4bc: {  	v4 =	vld [tilespmem:s20+$0x8100]  }
0x4bd: {  	[tilespmem:s18+$0x10080] =	vst v5;
	s18 =	smov.u32 s20  }
0x4be: {  	s19 =	sadd.s32 $0x80, s19  }
0x4bf: {  	_ =	sdelay $0x1  }
0x4c0: {  	v3 =	vadd.f32 v4, v3;
	_ =	sdelay $0x1  }
0x4c1: {  	[tilespmem:s18+$0x10080] =	vst v3  }
0x4c2: {  	v3 =	vld [tilespmem:s16+$0x8180]  }
0x4c3: {  	v4 =	vld [tilespmem:s16+$0x8200];
	_ =	sdelay $0x1  }
0x4c4: {  	s12 =	simm.s32 $0x10;
	s18 =	simm.s32 $0x80  }
.LBB2_116:
0x4c5: {  	s19 =	sand.u32 $0x70, s12;
	s20 =	sand.u32 $0x3C00, s18;
	p0 =	sne.s32 s12, $0x7F0  }
.Ltmp57:
0x4c6: {  	s12 =	sadd.s32 $0x10, s12;
	s19 =	sor.u32 s19, s20;
	(pc) =	sbr.rel @p0 .LBB2_116-.Ltmp57, $4  }
0x4c7: {  	v5 =	vadd.f32 v4, v3;
	v3 =	vld [tilespmem:s19+$0x8180]  }
0x4c8: {  	v4 =	vld [tilespmem:s19+$0x8200]  }
0x4c9: {  	[tilespmem:s16+$0x10100] =	vst v5;
	s16 =	smov.u32 s19  }
0x4ca: {  	s18 =	sadd.s32 $0x80, s18  }
0x4cb: {  	_ =	sdelay $0x1  }
0x4cc: {  	s12 =	simm.s32 $0x0;
	v3 =	vadd.f32 v4, v3  }
0x4cd: {  	s18 =	sand.u32 $0x70, s12;
	s19 =	sand.u32 $0x3C00, s12  }
0x4ce: {  	[tilespmem:s16+$0x10100] =	vst v3;
	s16 =	sor.u32 s18, s19  }
0x4cf: {  	v3 =	vld [tilespmem:s16+$0x8280]  }
0x4d0: {  	v4 =	vld [tilespmem:s16+$0x8300];
	_ =	sdelay $0x1  }
0x4d1: {  	s20 =	simm.s32 $0x80;
	s19 =	simm.s32 $0x10;
	s18 =	smov.u32 s16  }
.LBB2_118:
0x4d2: {  	s22 =	sand.u32 $0x70, s19;
	s23 =	sand.u32 $0x3C00, s20;
	p0 =	sne.s32 s19, $0x7F0  }
.Ltmp58:
0x4d3: {  	s19 =	sadd.s32 $0x10, s19;
	s22 =	sor.u32 s22, s23;
	(pc) =	sbr.rel @p0 .LBB2_118-.Ltmp58, $4  }
0x4d4: {  	v5 =	vadd.f32 v4, v3;
	v3 =	vld [tilespmem:s22+$0x8280]  }
0x4d5: {  	v4 =	vld [tilespmem:s22+$0x8300]  }
0x4d6: {  	[tilespmem:s18+$0x10180] =	vst v5;
	s18 =	smov.u32 s22  }
0x4d7: {  	s20 =	sadd.s32 $0x80, s20  }
0x4d8: {  	_ =	sdelay $0x1  }
0x4d9: {  	s12 =	sand.u32 $0x7, s12;
	v3 =	vadd.f32 v4, v3  }
0x4da: {  	s12 =	sshll.u32 s12, $0x4  }
0x4db: {  	s12 =	sadd.s32 $0x0, s12;
	[tilespmem:s18+$0x10180] =	vst v3  }
0x4dc: {  	s20 =	sor.u32 $0x380, s12;
	v3 =	vld [tilespmem:s16+$0x8380]  }
0x4dd: {  	v4 =	vld [tilespmem:s20+$0x8080];
	_ =	sdelay $0x2  }
0x4de: {  	s19 =	simm.s32 $0x10;
	s12 =	simm.s32 $0x1;
	s18 =	simm.s32 $0x80  }
0x4df: {  	s22 =	sand.u32 $0x7, s12;
	s20 =	sand.u32 $0x70, s19;
	s19 =	simm.s32 $0x20  }
.LBB2_120:
0x4e0: {  	p0 =	sne.s32 s19, $0x7F0;
	s22 =	sshll.u32 s22, $0x4;
	s23 =	sand.u32 $0x3C00, s18;
	v4 =	vadd.f32 v4, v3  }
0x4e1: {  	s22 =	sadd.s32 s22, s18;
	s20 =	sor.u32 s20, s23  }
0x4e2: {  	v3 =	vld [tilespmem:s20+$0x8380];
	s22 =	sor.u32 $0x380, s22;
	[tilespmem:s16+$0x10200] =	vst v4;
	s16 =	smov.u32 s20  }
.Ltmp59:
0x4e3: {  	v4 =	vld [tilespmem:s22+$0x8080];
	(pc) =	sbr.rel @p0 .LBB2_120-.Ltmp59, $3  }
0x4e4: {  	_ =	sdelay $0x1  }
0x4e5: {  	s12 =	sadd.s32 $0x1, s12;
	s18 =	sadd.s32 $0x80, s18  }
0x4e6: {  	s20 =	sand.u32 $0x70, s19;
	s19 =	sadd.s32 $0x10, s19;
	s22 =	sand.u32 $0x7, s12  }
0x4e7: {  	s12 =	sand.u32 $0x3C00, s18;
	s19 =	sshll.u32 s22, $0x4;
	v3 =	vadd.f32 v4, v3  }
0x4e8: {  	s12 =	sor.u32 s20, s12;
	s20 =	sadd.s32 s19, s18  }
0x4e9: {  	v4 =	vld [tilespmem:s12+$0x8380];
	s18 =	sor.u32 $0x380, s20;
	[tilespmem:s16+$0x10200] =	vst v3  }
0x4ea: {  	v3 =	vld [tilespmem:s18+$0x8080];
	_ =	sdelay $0x4  }
0x4eb: {  	s22 =	simm.s32 $0x0;
	v3 =	vadd.f32 v3, v4  }
0x4ec: {  	s23 =	sand.u32 $0x70, s22;
	s16 =	sand.u32 $0x3C00, s22  }
0x4ed: {  	s18 =	sor.u32 s23, s16;
	[tilespmem:s12+$0x10200] =	vst v3  }
0x4ee: {  	v3 =	vld [tilespmem:s18+$0xC080]  }
0x4ef: {  	v4 =	vld [tilespmem:s18+$0xC100];
	_ =	sdelay $0x1  }
0x4f0: {  	s19 =	simm.s32 $0x80;
	s16 =	smov.u32 s18;
	s12 =	simm.s32 $0x10  }
.LBB2_122:
0x4f1: {  	s20 =	sand.u32 $0x70, s12;
	s22 =	sand.u32 $0x3C00, s19;
	p0 =	sne.s32 s12, $0x7F0  }
.Ltmp60:
0x4f2: {  	s12 =	sadd.s32 $0x10, s12;
	s20 =	sor.u32 s20, s22;
	(pc) =	sbr.rel @p0 .LBB2_122-.Ltmp60, $4  }
0x4f3: {  	v5 =	vadd.f32 v4, v3;
	v3 =	vld [tilespmem:s20+$0xC080]  }
0x4f4: {  	v4 =	vld [tilespmem:s20+$0xC100]  }
0x4f5: {  	[tilespmem:s16+$0x10280] =	vst v5;
	s16 =	smov.u32 s20  }
0x4f6: {  	s19 =	sadd.s32 $0x80, s19  }
0x4f7: {  	_ =	sdelay $0x1  }
0x4f8: {  	v3 =	vadd.f32 v4, v3;
	_ =	sdelay $0x1  }
0x4f9: {  	[tilespmem:s16+$0x10280] =	vst v3  }
0x4fa: {  	v3 =	vld [tilespmem:s18+$0xC180]  }
0x4fb: {  	v4 =	vld [tilespmem:s18+$0xC200];
	_ =	sdelay $0x1  }
0x4fc: {  	s12 =	simm.s32 $0x10;
	s16 =	simm.s32 $0x80  }
.LBB2_124:
0x4fd: {  	s19 =	sand.u32 $0x70, s12;
	s20 =	sand.u32 $0x3C00, s16;
	p0 =	sne.s32 s12, $0x7F0  }
.Ltmp61:
0x4fe: {  	s12 =	sadd.s32 $0x10, s12;
	s19 =	sor.u32 s19, s20;
	(pc) =	sbr.rel @p0 .LBB2_124-.Ltmp61, $4  }
0x4ff: {  	v5 =	vadd.f32 v4, v3;
	v3 =	vld [tilespmem:s19+$0xC180]  }
0x500: {  	v4 =	vld [tilespmem:s19+$0xC200]  }
0x501: {  	[tilespmem:s18+$0x10300] =	vst v5;
	s18 =	smov.u32 s19  }
0x502: {  	s16 =	sadd.s32 $0x80, s16  }
0x503: {  	_ =	sdelay $0x1  }
0x504: {  	s16 =	simm.s32 $0x0;
	v3 =	vadd.f32 v4, v3  }
0x505: {  	s12 =	sand.u32 $0x70, s16;
	s19 =	sand.u32 $0x3C00, s16  }
0x506: {  	s12 =	sor.u32 s12, s19;
	[tilespmem:s18+$0x10300] =	vst v3  }
0x507: {  	v3 =	vld [tilespmem:s12+$0xC280]  }
0x508: {  	v4 =	vld [tilespmem:s12+$0xC300];
	_ =	sdelay $0x1  }
0x509: {  	s20 =	simm.s32 $0x80;
	s19 =	smov.u32 s12;
	s18 =	simm.s32 $0x10  }
.LBB2_126:
0x50a: {  	s22 =	sand.u32 $0x70, s18;
	s23 =	sand.u32 $0x3C00, s20;
	p0 =	sne.s32 s18, $0x7F0  }
.Ltmp62:
0x50b: {  	s18 =	sadd.s32 $0x10, s18;
	s22 =	sor.u32 s22, s23;
	(pc) =	sbr.rel @p0 .LBB2_126-.Ltmp62, $4  }
0x50c: {  	v5 =	vadd.f32 v4, v3;
	v3 =	vld [tilespmem:s22+$0xC280]  }
0x50d: {  	v4 =	vld [tilespmem:s22+$0xC300]  }
0x50e: {  	[tilespmem:s19+$0x10380] =	vst v5;
	s19 =	smov.u32 s22  }
0x50f: {  	s20 =	sadd.s32 $0x80, s20  }
0x510: {  	_ =	sdelay $0x1  }
0x511: {  	v3 =	vadd.f32 v4, v3;
	_ =	sdelay $0x1  }
0x512: {  	[tilespmem:s19+$0x10380] =	vst v3  }
0x513: {  	v3 =	vld [tilespmem:s12+$0xC400]  }
0x514: {  	v63 =	vld [tilespmem:s12+$0xC380];
	_ =	sdelay $0x2  }
0x515: {  	s22 =	sand.u32 $0x7, s16  }
0x516: {  	s12 =	sshll.u32 s22, $0x4  }
0x517: {  	s23 =	simm.s32 $0x10;
	s18 =	simm.s32 $0x80;
	s12 =	sadd.s32 $0x0, s12;
	v3 =	vadd.f32 v3, v63  }
0x518: {  	s20 =	sand.u32 $0x3C00, s18;
	s19 =	sand.u32 $0x70, s23;
	s22 =	sor.u32 $0x380, s12  }
0x519: {  	s19 =	sor.u32 s19, s20;
	s12 =	simm.s32 $0x20;
	[tilespmem:s22+$0x10080] =	vst v3  }
.LBB2_128:
0x51a: {  	p0 =	sne.s32 s12, $0x7F0;
	v3 =	vld [tilespmem:s19+$0xC400]  }
0x51b: {  	v4 =	vld [tilespmem:s19+$0xC380];
	_ =	sdelay $0x1  }
0x51c: {  	s16 =	sadd.s32 $0x1, s16  }
.Ltmp63:
0x51d: {  	s19 =	sand.u32 $0x7, s16;
	(pc) =	sbr.rel @p0 .LBB2_128-.Ltmp63, $4  }
0x51e: {  	s19 =	sshll.u32 s19, $0x4  }
0x51f: {  	s19 =	sadd.s32 s19, s18;
	s18 =	sadd.s32 $0x80, s18;
	v3 =	vadd.f32 v3, v4  }
0x520: {  	s20 =	sand.u32 $0x70, s12;
	s22 =	sand.u32 $0x3C00, s18;
	s23 =	sor.u32 $0x380, s19  }
0x521: {  	s12 =	sadd.s32 $0x10, s12;
	s19 =	sor.u32 s20, s22;
	[tilespmem:s23+$0x10080] =	vst v3  }
0x522: {  	v3 =	vld [tilespmem:s19+$0xC400]  }
0x523: {  	v4 =	vld [tilespmem:s19+$0xC380];
	_ =	sdelay $0x1  }
0x524: {  	s12 =	sadd.s32 $0x1, s16  }
0x525: {  	s12 =	sand.u32 $0x7, s12  }
0x526: {  	s12 =	sshll.u32 s12, $0x4  }
0x527: {  	s12 =	sadd.s32 s12, s18;
	v3 =	vadd.f32 v3, v4  }
0x528: {  	s12 =	sor.u32 $0x380, s12  }
0x529: {  	s22 =	rddreg [dreg:$0xb];
	[tilespmem:s12+$0x10080] =	vst v3  }
0x52a: {  	[hbm4b:s22+s2] =	stream.linear.scatter [tilespmem:s13], [sflag:$0x3], $0x4000, $0x38;
	[tilespmem:$0x14080] =	vst v63  }
0x52b: {  	_ =	swait.ge [sflag:s21], $0x4000  }
0x52c: {  	s15 =	sadd.s32 $0x1, s15;
	s23 =	rddreg [dreg:$0xc]  }
0x52d: {  	p0 =	sne.s32 s15, s23  }
.Ltmp64:
0x52e: {  	_ = 	snop;
	(pc) =	sbr.rel @p0 .LBB2_1-.Ltmp64, $3  }
0x52f: {  	_ =	sdelay $0x1  }
0x530: {  	[sflag:s21] =	ssyncset.done $0x0  }
0x531: {  	[sflag:s21] =	ssyncadd.s32 $0xFFFFC000  }
0x532: {  	_ =	sfence.sel $0x180000  }
0x533: {  	[bflag:$0x0] =	sbarrier.arrive $0xFFFF  }
0x534: {  	_ =	strace $0x90000050  }
0x535: {  	s0 =	stileid.u32;
	[bflag:$0x2] =	sbarrier.arrive $0xFFFF  }
0x536: {  	p0 =	sne.s32 s0, $0x0;
	s0 =	rddreg [dreg:$0x2]  }
0x537: {  	s0 =	sadd.s32 @!p0 $0x100000, s0  }
0x538: {  	[sflag:s0] =	ssyncadd.tile.s32 @!p0 $0x1;
	_ =	shalt  }
.Lfunc_end2:
_tile_overlayer_lowered:
.L_overlay_start_2:
0x539: {  	(tag) =	ssettag $0x2  }
0x53a: {  	s0 =	rddreg [dreg:$0x0];
	s2 =	stileid.u32  }
0x53b: {  	s1 =	rddreg [dreg:$0x1];
	p0 =	sne.s32 s2, $0x0  }
0x53c: {  	s3 =	rddreg [dreg:$0x2];
	[bflag:$0x3] =	sbarrier.arrive $0xFFFF;
	s2 =	simm.s32 @!p0 $0x1C03  }
0x53d: {  	[timem:s3], [sflag:s2] =	dma.local @!p0 [hbm:s0], s1  }
0x53e: {  	s0 =	simm.s32 @!p0 $0x3  }
0x53f: {  	_ =	swait.ge @!p0 [sflag:s0], s1  }
0x540: {  	s1 =	ssub.s32 @!p0 $0x0, s1;
	[sflag:s0] =	ssyncset.done @!p0 $0x0  }
0x541: {  	[sflag:s0] =	ssyncadd.s32 @!p0 s1  }
0x542: {  	[bflag:$0x3] =	sbarrier.arrive $0xFFFF  }
0x543: {  	_ =	shalt  }

// kernel: kernel.9.cloned.1.call-start
scs
__scs_entry_jumppad:
0x0: {  	(pc) =	sbr.rel $0x88, $3  }
0x1: {  	(tag) =	ssettag $0x0;
	lr =	simm.s32 $0x1  }
0x2: {  	[smem:$0x3F9C] =	sst lr;
	_ =	strace $0xD0000000  }
0x3: {  	_ = 	snop  }
0x4: {  	_ = 	snop  }
0x5: {  	_ = 	snop  }
0x6: {  	_ = 	snop  }
0x7: {  	_ = 	snop  }
__scs_overlays_trampoline_lowered:
0x8: {  	[smem:$0x3FAB] =	sst s0  }
0x9: {  	[smem:$0x3FAC] =	sst s1  }
0xa: {  	[smem:$0x3FAD] =	sst s2  }
0xb: {  	[smem:$0x3FAE] =	sst s3  }
0xc: {  	[smem:$0x3FAF] =	sst s4  }
0xd: {  	[smem:$0x3FB0] =	sst s5  }
0xe: {  	[smem:$0x3FB1] =	sst s6  }
0xf: {  	[smem:$0x3FB2] =	sst s7  }
0x10: {  	[smem:$0x3FB3] =	sst s8  }
0x11: {  	[smem:$0x3FB4] =	sst s9;
	s0 =	simm.s32 @!p0 $0x0  }
0x12: {  	s1 =	sld [smem:$0x3F9A];
	s0 =	simm.s32 @p0 $0x1  }
0x13: {  	[smem:$0x3FB5] =	sst s0;
	s0 =	simm.s32 @!p1 $0x0  }
0x14: {  	s2 =	sld [smem:$0x3F99];
	s0 =	simm.s32 @p1 $0x1  }
0x15: {  	[smem:$0x3FB6] =	sst s0;
	s0 =	simm.s32 @!p2 $0x0  }
0x16: {  	s3 =	sld [smem:$0x3FDB];
	s0 =	simm.s32 @p2 $0x1  }
0x17: {  	s4 =	simm.s32 $0x1BF5;
	[smem:$0x3FB8] =	sst s0  }
0x18: {  	s0 =	sld [smem:$0x3F9B];
	_ =	swait.ge [sflag:s4], $0x0  }
0x19: {  	s7 =	sld [smem:$0x3F9C]  }
0x1a: {  	s8 =	sadd.s32 $0xFFFFE003, lr  }
0x1b: {  	s9 =	sadd.s32 $0xFFFFFEF7, lr;
	s5 =	simm.s32 $0xFFFFFFFF;
	p2 =	slt.u32 s8, $0xFFFFF086  }
0x1c: {  	p1 =	slt.u32 s9, $0xF7A;
	s5 =	simm.s32 @!p2 $0x0  }
0x1d: {  	s5 =	simm.s32 @p1 $0x1;
	p0 =	seq.s32 s7, s2  }
0x1e: {  	s7 =	smul.u32 @!p0 $0xF7A, s2;
	p2 =	seq.s32 @!p0 s5, $0x0  }
0x1f: {  	s9 =	smul.u32 $0xF7A, s1;
	s8 =	simm.s32 @!p0 $0x1BF5;
	p2 =	por !p2, p0  }
0x20: {  	[sflag:s8] =	ssyncset.s32 @!p0 $0xFFFFF086;
	s6 =	sadd.s32 @!p0 s3, s7;
	s7 =	simm.s32 @!p0 $0x108  }
0x21: {  	s3 =	sadd.s32 s3, s9;
	s6 =	sadd.s32 @!p0 $0x88, s6;
	s7 =	simm.s32 @p2 $0x1082  }
0x22: {  	[simem:s7], [sflag:s8] =	dma.local @!p0 [hbm:s6], $0xF7A  }
0x23: {  	s9 =	sor.u32 $0xD0000000, s2;
	s6 =	simm.s32 $0x108;
	_ =	swait.ge @!p0 [sflag:s8], $0x0  }
0x24: {  	s3 =	sadd.s32 $0x88, s3;
	s6 =	simm.s32 @!p1 $0x1082;
	[sflag:s4] =	ssyncset.s32 $0xFFFFF086  }
0x25: {  	[simem:s6], [sflag:s4] =	dma.local [hbm:s3], $0xF7A  }
0x26: {  	[smem:$0x3F9C] =	sst s1;
	(tag) =	ssettag s2;
	_ =	strace s9  }
0x27: {  	s1 =	sld [smem:$0x3FAC]  }
0x28: {  	s2 =	sld [smem:$0x3FAD]  }
0x29: {  	s4 =	sld [smem:$0x3FAF]  }
0x2a: {  	p0 =	seq.s32 s5, $0x0;
	s5 =	sld [smem:$0x3FB0]  }
0x2b: {  	s6 =	sld [smem:$0x3FB1]  }
0x2c: {  	s7 =	sld [smem:$0x3FB2]  }
0x2d: {  	s3 =	simm.s32 $0x108;
	s8 =	sld [smem:$0x3FB3]  }
0x2e: {  	s3 =	simm.s32 @!p0 $0x1082;
	s9 =	sld [smem:$0x3FB4]  }
0x2f: {  	lr =	sadd.s32 s0, s3;
	s0 =	sld [smem:$0x3FAB]  }
0x30: {  	s3 =	sld [smem:$0x3FAE]  }
0x31: {  	[smem:$0x3FB7] =	sst s10  }
0x32: {  	s10 =	sld [smem:$0x3FB5];
	_ =	sdelay $0x3  }
0x33: {  	p0 =	seq.s32 s10, $0x1;
	s10 =	sld [smem:$0x3FB7];
	_ =	sdelay $0x3  }
0x34: {  	[smem:$0x3FB7] =	sst s10  }
0x35: {  	s10 =	sld [smem:$0x3FB6];
	_ =	sdelay $0x3  }
0x36: {  	p1 =	seq.s32 s10, $0x1;
	s10 =	sld [smem:$0x3FB7];
	_ =	sdelay $0x3  }
0x37: {  	[smem:$0x3FB7] =	sst s10  }
0x38: {  	s10 =	sld [smem:$0x3FB8]  }
0x39: {  	_ = 	snop;
	(pc) =	sbr.ind lr, $3  }
0x3a: {  	_ = 	snop  }
0x3b: {  	_ = 	snop  }
0x3c: {  	p2 =	seq.s32 s10, $0x1;
	s10 =	sld [smem:$0x3FB7]  }
0x3d: {  	_ =	shalt  }
0x3e: {  	_ =	shalt  }
0x3f: {  	_ =	shalt  }
0x40: {  	_ =	shalt  }
0x41: {  	_ =	shalt  }
0x42: {  	_ =	shalt  }
0x43: {  	_ =	shalt  }
0x44: {  	_ =	shalt  }
0x45: {  	_ =	shalt  }
0x46: {  	_ =	shalt  }
0x47: {  	_ =	shalt  }
0x48: {  	_ =	shalt  }
0x49: {  	_ =	shalt  }
0x4a: {  	_ =	shalt  }
0x4b: {  	_ =	shalt  }
0x4c: {  	_ =	shalt  }
0x4d: {  	_ =	shalt  }
0x4e: {  	_ =	shalt  }
0x4f: {  	_ =	shalt  }
0x50: {  	_ =	shalt  }
0x51: {  	_ =	shalt  }
0x52: {  	_ =	shalt  }
0x53: {  	_ =	shalt  }
0x54: {  	_ =	shalt  }
0x55: {  	_ =	shalt  }
0x56: {  	_ =	shalt  }
0x57: {  	_ =	shalt  }
0x58: {  	_ =	shalt  }
0x59: {  	_ =	shalt  }
0x5a: {  	_ =	shalt  }
0x5b: {  	_ =	shalt  }
0x5c: {  	_ =	shalt  }
0x5d: {  	_ =	shalt  }
0x5e: {  	_ =	shalt  }
0x5f: {  	_ =	shalt  }
0x60: {  	_ =	shalt  }
0x61: {  	_ =	shalt  }
0x62: {  	_ =	shalt  }
0x63: {  	_ =	shalt  }
0x64: {  	_ =	shalt  }
0x65: {  	_ =	shalt  }
0x66: {  	_ =	shalt  }
0x67: {  	_ =	shalt  }
0x68: {  	_ =	shalt  }
0x69: {  	_ =	shalt  }
0x6a: {  	_ =	shalt  }
0x6b: {  	_ =	shalt  }
0x6c: {  	_ =	shalt  }
0x6d: {  	_ =	shalt  }
0x6e: {  	_ =	shalt  }
0x6f: {  	_ =	shalt  }
0x70: {  	_ =	shalt  }
0x71: {  	_ =	shalt  }
0x72: {  	_ =	shalt  }
0x73: {  	_ =	shalt  }
0x74: {  	_ =	shalt  }
0x75: {  	_ =	shalt  }
0x76: {  	_ =	shalt  }
0x77: {  	_ =	shalt  }
0x78: {  	_ =	shalt  }
0x79: {  	_ =	shalt  }
0x7a: {  	_ =	shalt  }
0x7b: {  	_ =	shalt  }
0x7c: {  	_ =	shalt  }
0x7d: {  	_ =	shalt  }
0x7e: {  	_ =	shalt  }
0x7f: {  	_ =	shalt  }
0x80: {  	_ =	shalt  }
0x81: {  	_ =	shalt  }
0x82: {  	_ =	shalt  }
0x83: {  	_ =	shalt  }
0x84: {  	_ =	shalt  }
0x85: {  	_ =	shalt  }
0x86: {  	_ =	shalt  }
0x87: {  	_ =	shalt  }
.Lfunc_end0:
.L_simem_size_0:
called_computation_lowered:
.L_overlay_start_0:
0x88: {  	s2 =	sld [smem:$0x3FD9]  }
0x89: {  	s3 =	sld [smem:$0x3FFE];
	_ =	sdelay $0x1  }
0x8a: {  	s1 =	srdreg.scid  }
0x8b: {  	s0 =	sand.u32 $0x1, s1  }
0x8c: {  	s17 =	sshll.u32 s0, $0xA;
	s2 =	sadd.s32 s3, s2  }
0x8d: {  	s2 =	sadd.s32 s2, s17  }
0x8e: {  	[smem:$0x3FC3] =	sst s2  }
0x8f: {  	_ = 	snop  }
0x90: {  	s2 =	sld [smem:$0x3FD0];
	(tm) =	ssettm $0x1  }
0x91: {  	s18 =	sld [smem:$0x3FFB];
	_ =	sdelay $0x3  }
0x92: {  	_ =	strace s18  }
0x93: {  	s3 =	sld [smem:$0x3FFC];
	_ =	sdelay $0x3  }
0x94: {  	_ =	strace s3  }
0x95: {  	s3 =	sld [smem:$0x3FFD];
	_ =	sdelay $0x3  }
0x96: {  	_ =	strace s3  }
0x97: {  	_ =	strace $0x8FFFFFFF  }
0x98: {  	s19 =	sld [smem:$0x3FDB];
	_ =	sdelay $0x1  }
0x99: {  	s4 =	simm.s32 $_scs_section_size  }
0x9a: {  	s5 =	simm.s32 $_size__tile_overlayer_lowered;
	s6 =	simm.s32 $_tile_overlayer_lowered  }
0x9b: {  	s22 =	simm.s32 $0x1BFF;
	s21 =	sshll.u32 s6, $0x1;
	s3 =	sadd.s32 s4, s19  }
0x9c: {  	s7 =	simm.s32 $0x0;
	s20 =	sshll.u32 s5, $0x1;
	s5 =	sadd.s32 s21, s3  }
0x9d: {  	[timem:s7], [sflag:s22] =	dma.local [hbm:s5], s20  }
0x9e: {  	_ =	swait.ge [sflag:s22], s20  }
0x9f: {  	s4 =	ssub.s32 $0x0, s20;
	[sflag:s22] =	ssyncset.done $0x0  }
0xa0: {  	[sflag:s22] =	ssyncadd.s32 s4;
	_ =	sdelay $0x1  }
0xa1: {  	s23 =	simm.s32 $0x1B8B  }
0xa2: {  	_ =	swait.ge [sflag:s23], $0x1  }
0xa3: {  	[sflag:s23] =	ssyncset.done $0x0  }
0xa4: {  	s25 =	simm.s32 $0x1B8E;
	s24 =	sld [smem:$0x3FFE];
	[sflag:s23] =	ssyncadd.s32 $0xFFFFFFFF  }
0xa5: {  	s26 =	simm.s32 $execute0_lowered;
	[smem:$0x3FD2] =	sst s25  }
0xa6: {  	s5 =	sshll.u32 s26, $0x1;
	_ =	strace $0x80000046;
	[dreg:$0x1] =	wrdreg $0xFFFFFFFF  }
0xa7: {  	s28 =	simm.s32 $_size_execute0_lowered;
	s3 =	sadd.s32 s3, s5;
	[dreg:$0x0] =	wrdreg $0x0  }
0xa8: {  	s5 =	sshll.u32 s28, $0x1;
	[dreg:$0x2] =	wrdreg s3  }
0xa9: {  	[dreg:$0x3] =	wrdreg s5  }
0xaa: {  	[dreg:$0x4] =	wrdreg $0xC0  }
0xab: {  	_ =	task [dreg:s7], $0x5FFFF  }
0xac: {  	[dreg:$0x1] =	wrdreg $0xFFFFFFFF  }
0xad: {  	[dreg:$0x0] =	wrdreg $0x60  }
0xae: {  	[dreg:$0x2] =	wrdreg s24  }
0xaf: {  	[dreg:$0x3] =	wrdreg s2  }
0xb0: {  	[dreg:$0x4] =	wrdreg $0x9  }
0xb1: {  	_ =	task.clear_ibuf [dreg:s7], $0x5FFFF;
	_ =	strace $0x90000046  }
0xb2: {  	s29 =	simm.s32 $0x9;
	_ =	strace $0x80000048  }
0xb3: {  	_ =	swait.ge [sflag:s29], $0x1  }
0xb4: {  	[sflag:s29] =	ssyncadd.s32 $0xFFFFFFFF  }
0xb5: {  	_ =	strace $0x90000048  }
0xb6: {  	_ =	sfence  }
0xb7: {  	s30 =	sld [smem:$0x0];
	_ =	sdelay $0x2  }
0xb8: {  	s31 =	sshll.u32 s1, $0xD;
	s1 =	sshrl.u32 s1, $0x2  }
0xb9: {  	s3 =	sand.u32 $0x4000, s31;
	s1 =	sadd.s32 s1, s30  }
0xba: {  	s0 =	sor.u32 s3, s0;
	s1 =	sshll.u32 s1, $0x11  }
0xbb: {  	s0 =	sor.u32 s1, s0  }
0xbc: {  	s0 =	sadd.s32 $0x8F2B, s0  }
0xbd: {  	[sflag:s0] =	ssyncadd.remote.s32 $0x1  }
0xbe: {  	_ =	sfence.sel $0xFFFF  }
0xbf: {  	[dreg:$0x0] =	wrdreg $0xFFFFFFFF;
	(pc) =	sbr.abs _section_cstart, $3  }
0xc0: {  	[dreg:$0x1] =	wrdreg $0xFFFFFFFF  }
0xc1: {  	_ =	task.clear_ibuf [dreg:s7], $0x2FFFF;
	_ =	strace $0x9FFFFFFF  }
0xc2: {  	(tm) =	ssettm $0x7FFFFFFF  }
0xc3: {  	_ =	shalt  }
tec
execute0_lowered:
.L_overlay_start_1:
0x0: {  	(tag) =	ssettag $0x1  }
0x1: {  	s0 =	srdreg.scid  }
0x2: {  	s3 =	sand.u32 $0x1, s0;
	s0 =	stileid.u32  }
0x3: {  	s4 =	sshll.u32 s0, $0x1;
	s6 =	ssub.s32 $0x0, s3  }
0x4: {  	p0 =	sne.s32 s4, s6  }
.Ltmp0:
0x5: {  	_ = 	snop;
	(pc) =	sbr.rel @p0 .LBB2_7-.Ltmp0, $4  }
0x6: {  	_ = 	snop  }
0x7: {  	s5 =	rddreg [dreg:$0x0]  }
0x8: {  	s2 =	rddreg [dreg:$0x1]  }
0x9: {  	s1 =	rddreg [dreg:$0x2];
	_ =	strace $0x80000047  }
0xa: {  	s4 =	ssub.s32 $0x2, s3  }
0xb: {  	s3 =	sadd.s32 $0x1C00, s5;
	s7 =	simm.s32 $0x0;
	s8 =	simm.s32 $0x1  }
0xc: {  	s9 =	simm.s32 $0x1000;
	s10 =	simm.s32 $0x2000;
	s6 =	sshrl.u32 s4, $0x1  }
0xd: {  	s11 =	simm.s32 $0x3400;
	s12 =	simm.s32 $0x0;
	s6 =	ssub.s32 s4, s6  }
0xe: {  	v0 =	vimm.s32 $0x0;
	v1 =	vimm.f32 $0.0e+00;
	v2 =	vlaneseq.u32;
	s4 =	sadd.s32 $0x1E00, s5;
	s5 =	sadd.s32 $0x2000, s5;
	s6 =	smax.u32 s6, $0x1  }
.LBB2_2:
0xf: {  	[tilespmem:s7], [sflag:$0x1] =	stream.linear.gather [hbm4b:s3+s7], $0x1000, $0x38;
	[tilespmem:$0x4800] =	vst v63  }
0x10: {  	_ =	swait.ge [sflag:s8], $0x1000  }
0x11: {  	[sflag:s8] =	ssyncset.done $0x0  }
0x12: {  	[sflag:s8] =	ssyncadd.s32 $0xFFFFF000  }
0x13: {  	[tilespmem:s9], [sflag:$0x1] =	stream.linear.gather [hbm4b:s4+s7], $0x1000, $0x38;
	[tilespmem:$0x4800] =	vst v63  }
0x14: {  	_ =	swait.ge [sflag:s8], $0x1000  }
0x15: {  	[sflag:s8] =	ssyncset.done $0x0  }
0x16: {  	s13 =	simm.s32 $0x0;
	[sflag:s8] =	ssyncadd.s32 $0xFFFFF000  }
.LBB2_3:
0x17: {  	p0 =	sne.s32 s13, $0x4FC0  }
.Ltmp1:
0x18: {  	_ = 	snop;
	(pc) =	sbr.rel @p0 .LBB2_3-.Ltmp1, $4  }
0x19: {  	_ = 	snop  }
0x1a: {  	s14 =	sshra.s32 s13, $0x2  }
0x1b: {  	[tilespmem:s14+$0x2000] =	vst v0  }
0x1c: {  	s13 =	sadd.s32 $0x40, s13;
	[tilespmem:s14+$0x3400] =	vst v1  }
0x1d: {  	s14 =	simm.s32 $0x0  }
0x1e: {  	v3 =	vld [tilespmem:s14+$0x0];
	_ =	sdelay $0x2  }
0x1f: {  	s13 =	simm.s32 $0x1000  }
0x20: {  	v4 =	vld [tilespmem:s13+$0x0];
	_ =	sdelay $0x1  }
0x21: {  	v5 =	vor.u32 s14, v2  }
0x22: {  	v5 =	vshrl.u32 v5, $0x1  }
0x23: {  	[tilespmem:v3+s10+$0x0] =	vst.idx.msk $0xffff, v5  }
0x24: {  	s14 =	simm.s32 $0x10;
	[tilespmem:v3+s11+$0x0] =	vst.idx.msk $0xffff, v4  }
0x25: {  	v3 =	vld [tilespmem:s14+$0x0]  }
0x26: {  	s15 =	simm.s32 $0x20;
	s16 =	simm.s32 $0x10  }
.LBB2_5:
0x27: {  	p0 =	sne.s32 s15, $0xFF0  }
0x28: {  	s13 =	sadd.s32 $0x10, s13  }
0x29: {  	v4 =	vld [tilespmem:s13+$0x0];
	_ =	sdelay $0x1  }
0x2a: {  	v5 =	vor.u32 s14, v2;
	s14 =	smov.u32 s15  }
.Ltmp2:
0x2b: {  	v5 =	vshrl.u32 v5, $0x1;
	(pc) =	sbr.rel @p0 .LBB2_5-.Ltmp2, $4  }
0x2c: {  	[tilespmem:v3+s10+$0x0] =	vst.idx.msk $0xffff, v5  }
0x2d: {  	s16 =	sadd.s32 $0x10, s16;
	[tilespmem:v3+s11+$0x0] =	vst.idx.msk $0xffff, v4  }
0x2e: {  	v3 =	vld [tilespmem:s16+$0x0]  }
0x2f: {  	s15 =	sadd.s32 $0x10, s15  }
0x30: {  	_ =	sdelay $0x1  }
0x31: {  	s13 =	sadd.s32 $0x10, s13  }
0x32: {  	v4 =	vld [tilespmem:s13+$0x0];
	_ =	sdelay $0x1  }
0x33: {  	v5 =	vor.u32 s14, v2  }
0x34: {  	v5 =	vshrl.u32 v5, $0x1  }
0x35: {  	[tilespmem:v3+s10+$0x0] =	vst.idx.msk $0xffff, v5  }
0x36: {  	[tilespmem:v3+s11+$0x0] =	vst.idx.msk $0xffff, v4  }
0x37: {  	[hbm4b:s2+s7] =	stream.linear.scatter [tilespmem:s10], [sflag:$0x1], $0x1400, $0x38;
	[tilespmem:$0x4800] =	vst v63  }
0x38: {  	s12 =	sadd.s32 $0x1, s12;
	_ =	swait.ge [sflag:s8], $0x1400  }
0x39: {  	p0 =	sne.s32 s12, s6;
	[sflag:s8] =	ssyncset.done $0x0  }
.Ltmp3:
0x3a: {  	[sflag:s8] =	ssyncadd.s32 $0xFFFFEC00;
	(pc) =	sbr.rel @p0 .LBB2_2-.Ltmp3, $4  }
0x3b: {  	[hbm4b:s5+s7] =	stream.linear.scatter [tilespmem:s11], [sflag:$0x1], $0x1400, $0x38;
	[tilespmem:$0x4800] =	vst v63  }
0x3c: {  	_ =	swait.ge [sflag:s8], $0x1400  }
0x3d: {  	[sflag:s8] =	ssyncset.done $0x0  }
0x3e: {  	[sflag:s8] =	ssyncadd.s32 $0xFFFFEC00  }
.LBB2_7:
0x3f: {  	_ =	sfence.sel $0x180000  }
0x40: {  	[bflag:$0x0] =	sbarrier.arrive $0xFFFF  }
0x41: {  	p0 =	sne.s32 s0, $0x0;
	_ =	strace $0x90000047  }
0x42: {  	s0 =	sadd.s32 @!p0 $0x100000, s1;
	[bflag:$0x2] =	sbarrier.arrive $0xFFFF  }
0x43: {  	[sflag:s0] =	ssyncadd.tile.s32 @!p0 $0x1;
	_ =	shalt  }
.Lfunc_end2:
_tile_overlayer_lowered:
.L_overlay_start_2:
0x44: {  	(tag) =	ssettag $0x2  }
0x45: {  	s0 =	rddreg [dreg:$0x0];
	s2 =	stileid.u32  }
0x46: {  	s1 =	rddreg [dreg:$0x1];
	p0 =	sne.s32 s2, $0x0  }
0x47: {  	s3 =	rddreg [dreg:$0x2];
	[bflag:$0x3] =	sbarrier.arrive $0xFFFF;
	s2 =	simm.s32 @!p0 $0x1C01  }
0x48: {  	[timem:s3], [sflag:s2] =	dma.local @!p0 [hbm:s0], s1  }
0x49: {  	s0 =	simm.s32 @!p0 $0x1  }
0x4a: {  	_ =	swait.ge @!p0 [sflag:s0], s1  }
0x4b: {  	s1 =	ssub.s32 @!p0 $0x0, s1;
	[sflag:s0] =	ssyncset.done @!p0 $0x0  }
0x4c: {  	[sflag:s0] =	ssyncadd.s32 @!p0 s1  }
0x4d: {  	[bflag:$0x3] =	sbarrier.arrive $0xFFFF  }
0x4e: {  	_ =	shalt  }

</sc_bundles>
